<compile_context>
chip_gen: v7x
topology: tpu7x:2x2x1
jax: 0.10.2.dev20260603
libtpu: 0.0.44.dev20260713+nightly
codegen_flags: <defaults>
</compile_context>

<pallas_src>
import functools

import jax
import jax.numpy as jnp
from jax import lax
from jax.experimental import pallas as pl
from jax.experimental.pallas import tpu as pltpu
from jax.experimental.pallas import tpu_sc as plsc

NODES = 10000
PAD = 10240
EDGES = 320000
D = 128
NC = 2
NS = 16
NW = NC * NS
EPW = EDGES // NW
K = 80
NCHUNK = EPW // K
RPT = PAD // NS
BR = 1024
RING = 4


def _make_sc_agg():
    mesh = plsc.VectorSubcoreMesh(core_axis_name="c", subcore_axis_name="s")
    out_type = jax.ShapeDtypeStruct((NC, PAD, D), jnp.float32)
    scratch = (
        [pltpu.VMEM((RING * K,), jnp.int32) for _ in range(2)]
        + [pltpu.VMEM((RING * K,), jnp.int32) for _ in range(2)]
        + [pltpu.VMEM((K, D), jnp.float32) for _ in range(RING)]
        + [pltpu.VMEM_SHARED((PAD, D), jnp.float32)]
        + [pltpu.SemaphoreType.DMA] * (2 * RING + 1)
    )

    def body(x_hbm, ei_hbm, out_hbm, *rest):
        isrc = rest[0:2]
        idst = rest[2:4]
        rows = rest[4:4 + RING]
        acc = rest[4 + RING]
        gsem = rest[5 + RING:5 + 2 * RING]
        ssem = rest[5 + 2 * RING:5 + 3 * RING]
        isem = rest[5 + 3 * RING]
        c = lax.axis_index("c")
        s = lax.axis_index("s")
        wid = s * NC + c
        zero16 = jnp.zeros((16,), jnp.float32)

        def zero_rows0(i, carry):
            for j in range(D // 16):
                rows[0][i, pl.ds(j * 16, 16)] = zero16
            return carry

        lax.fori_loop(0, K, zero_rows0, 0)
        r0 = s * RPT
        for kk in range(RPT // K):
            pltpu.sync_copy(rows[0], acc.at[pl.ds(r0 + kk * K, K)])
        plsc.subcore_barrier()

        base_r = wid * NCHUNK

        def drain(sem, b):
            pltpu.make_async_copy(x_hbm.at[pl.ds(0, K)], rows[b], sem).wait()

        def step(b, bn, p, do_drain, pf_rows, gidx, pf_n=RING):
            if do_drain:
                drain(ssem[bn], bn)
            pf = None
            if pf_rows is not None:
                ne = pf_n * K
                pf = (pltpu.async_copy(ei_hbm.at[pl.ds(pf_rows * K, ne)],
                                       isrc[1 - p].at[pl.ds(0, ne)], isem),
                      pltpu.async_copy(
                          ei_hbm.at[pl.ds(EDGES + pf_rows * K, ne)],
                          idst[1 - p].at[pl.ds(0, ne)], isem))
            drain_g = pltpu.make_async_copy(x_hbm.at[pl.ds(0, K)], rows[b],
                                            gsem[b])
            drain_g.wait()
            pltpu.async_copy(rows[b], acc.at[idst[p].at[pl.ds(b * K, K)]],
                             ssem[b], add=True)
            if pf is not None:
                pf[0].wait()
                pf[1].wait()
            pltpu.async_copy(x_hbm.at[gidx], rows[bn], gsem[bn])

        pltpu.sync_copy(ei_hbm.at[pl.ds(base_r * K, RING * K)], isrc[0])
        pltpu.sync_copy(ei_hbm.at[pl.ds(EDGES + base_r * K, RING * K)],
                        idst[0])
        pltpu.async_copy(x_hbm.at[isrc[0].at[pl.ds(0, K)]], rows[0], gsem[0])
        step(0, 1, 0, False, None, isrc[0].at[pl.ds(1 * K, K)])
        step(1, 2, 0, False, None, isrc[0].at[pl.ds(2 * K, K)])
        step(2, 3, 0, False, None, isrc[0].at[pl.ds(3 * K, K)])
        step(3, 0, 0, True, base_r + 4, isrc[1].at[pl.ds(0 * K, K)])

        def gpair(i, carry):
            r1 = base_r + 4 * (1 + 2 * i)
            step(0, 1, 1, True, None, isrc[1].at[pl.ds(1 * K, K)])
            step(1, 2, 1, True, None, isrc[1].at[pl.ds(2 * K, K)])
            step(2, 3, 1, True, None, isrc[1].at[pl.ds(3 * K, K)])
            step(3, 0, 1, True, r1 + 4, isrc[0].at[pl.ds(0 * K, K)])
            step(0, 1, 0, True, None, isrc[0].at[pl.ds(1 * K, K)])
            step(1, 2, 0, True, None, isrc[0].at[pl.ds(2 * K, K)])
            step(2, 3, 0, True, None, isrc[0].at[pl.ds(3 * K, K)])
            step(3, 0, 0, True, r1 + 8, isrc[1].at[pl.ds(0 * K, K)])
            return carry

        lax.fori_loop(0, (NCHUNK // 4 - 3) // 2, gpair, 0)
        step(0, 1, 1, True, None, isrc[1].at[pl.ds(1 * K, K)])
        step(1, 2, 1, True, None, isrc[1].at[pl.ds(2 * K, K)])
        step(2, 3, 1, True, None, isrc[1].at[pl.ds(3 * K, K)])
        step(3, 0, 1, True, base_r + 4 * (NCHUNK // 4 - 1), isrc[0].at[pl.ds(0 * K, K)])
        step(0, 1, 0, True, None, isrc[0].at[pl.ds(1 * K, K)])
        step(1, 2, 0, True, None, isrc[0].at[pl.ds(2 * K, K)])
        step(2, 3, 0, True, None, isrc[0].at[pl.ds(3 * K, K)])
        step(3, 0, 0, True, NCHUNK - 1 + base_r, isrc[1].at[pl.ds(0 * K, K)], pf_n=1)
        step(0, 1, 1, True, None, isrc[1].at[pl.ds(0 * K, K)])
        drain(ssem[2], 2)
        drain(ssem[3], 3)
        drain(ssem[0], 0)
        drain(gsem[1], 1)
        plsc.subcore_barrier()
        pltpu.sync_copy(acc.at[pl.ds(s * RPT, RPT)],
                        out_hbm.at[c, pl.ds(s * RPT, RPT)])

    return functools.partial(
        pl.kernel, mesh=mesh, out_type=out_type,
        scratch_types=tuple(scratch),
        compiler_params=pltpu.CompilerParams(needs_layout_passes=False))(body)


def _make_sc_deg():
    mesh = plsc.VectorSubcoreMesh(core_axis_name="c", subcore_axis_name="s")
    out_type = jax.ShapeDtypeStruct((NW, PAD), jnp.float32)
    scratch = [
        pltpu.VMEM((EPW,), jnp.int32),
        pltpu.VMEM((PAD,), jnp.float32),
    ]

    def body(ei_hbm, degp_hbm, dsts, deg_v):
        c = lax.axis_index("c")
        s = lax.axis_index("s")
        wid = s * NC + c
        zero16 = jnp.zeros((16,), jnp.float32)
        ones16 = jnp.full((16,), 1.0, jnp.float32)

        def zero_deg(i, carry):
            deg_v[pl.ds(i * 16, 16)] = zero16
            return carry

        lax.fori_loop(0, PAD // 16, zero_deg, 0)
        pltpu.sync_copy(ei_hbm.at[pl.ds(EDGES + wid * EPW, EPW)], dsts)

        def grp(r, carry):
            idx = dsts[pl.ds(r * 16, 16)]
            plsc.addupdate_scatter(deg_v, [idx], ones16)
            return carry

        lax.fori_loop(0, EPW // 16, grp, 0)
        pltpu.sync_copy(deg_v, degp_hbm.at[wid])

    return functools.partial(
        pl.kernel, mesh=mesh, out_type=out_type,
        scratch_types=tuple(scratch),
        compiler_params=pltpu.CompilerParams(needs_layout_passes=False))(body)


def _mm_body(x_ref, w_ref, o_ref):
    o_ref[...] = jnp.dot(x_ref[...], w_ref[...],
                         preferred_element_type=jnp.float32)


def _mm(x, w):
    return pl.pallas_call(
        _mm_body,
        grid=(PAD // BR,),
        in_specs=[pl.BlockSpec((BR, D), lambda i: (i, 0)),
                  pl.BlockSpec((D, D), lambda i: (0, 0))],
        out_specs=pl.BlockSpec((BR, D), lambda i: (i, 0)),
        out_shape=jax.ShapeDtypeStruct((NODES, D), jnp.float32),
    )(x, w)


def _combine_body(h_ref, p_ref, degt_ref, ws_ref, b_ref, wn_ref,
                  o1_ref, o2_ref):
    deg = jnp.sum(degt_ref[...], axis=1, keepdims=True)
    inv = 1.0 / jnp.maximum(deg, 1.0)
    agg = (p_ref[0] + p_ref[1]) * inv
    t = jnp.dot(h_ref[...], ws_ref[...],
                preferred_element_type=jnp.float32) + b_ref[...] + agg
    hr = jnp.maximum(t, 0.0)
    o1_ref[...] = hr
    o2_ref[...] = jnp.dot(hr, wn_ref[...],
                          preferred_element_type=jnp.float32)


def _combine(h, p, degt, ws, b, wn):
    return pl.pallas_call(
        _combine_body,
        grid=(PAD // BR,),
        in_specs=[pl.BlockSpec((BR, D), lambda i: (i, 0)),
                  pl.BlockSpec((NC, BR, D), lambda i: (0, i, 0)),
                  pl.BlockSpec((BR, NW), lambda i: (i, 0)),
                  pl.BlockSpec((D, D), lambda i: (0, 0)),
                  pl.BlockSpec((1, D), lambda i: (0, 0)),
                  pl.BlockSpec((D, D), lambda i: (0, 0))],
        out_specs=[pl.BlockSpec((BR, D), lambda i: (i, 0)),
                   pl.BlockSpec((BR, D), lambda i: (i, 0))],
        out_shape=[jax.ShapeDtypeStruct((NODES, D), jnp.float32),
                   jax.ShapeDtypeStruct((NODES, D), jnp.float32)],
    )(h, p, degt, ws, b, wn)


def _final_body(h_ref, p_ref, degt_ref, ws_ref, b_ref, o_ref):
    deg = jnp.sum(degt_ref[...], axis=1, keepdims=True)
    inv = 1.0 / jnp.maximum(deg, 1.0)
    agg = (p_ref[0] + p_ref[1]) * inv
    o_ref[...] = jnp.dot(h_ref[...], ws_ref[...],
                         preferred_element_type=jnp.float32) + b_ref[...] + agg


def _final(h, p, degt, ws, b):
    return pl.pallas_call(
        _final_body,
        grid=(PAD // BR,),
        in_specs=[pl.BlockSpec((BR, D), lambda i: (i, 0)),
                  pl.BlockSpec((NC, BR, D), lambda i: (0, i, 0)),
                  pl.BlockSpec((BR, NW), lambda i: (i, 0)),
                  pl.BlockSpec((D, D), lambda i: (0, 0)),
                  pl.BlockSpec((1, D), lambda i: (0, 0))],
        out_specs=pl.BlockSpec((BR, D), lambda i: (i, 0)),
        out_shape=jax.ShapeDtypeStruct((NODES, D), jnp.float32),
    )(h, p, degt, ws, b)


def kernel(h, edge_index, W_self0, W_neigh0, b0, W_self1, W_neigh1, b1,
           W_self2, W_neigh2, b2):
    b0r = b0.reshape(1, D)
    b1r = b1.reshape(1, D)
    b2r = b2.reshape(1, D)

    sc_agg = _make_sc_agg()
    sc_deg = _make_sc_deg()

    ei = edge_index.reshape(2 * EDGES)
    degp = sc_deg(ei)
    hn0 = _mm(h, W_neigh0)
    p0 = sc_agg(hn0, ei)
    degt = degp.T
    h1, hn1 = _combine(h, p0, degt, W_self0, b0r, W_neigh1)
    p1 = sc_agg(hn1, ei)
    h2, hn2 = _combine(h1, p1, degt, W_self1, b1r, W_neigh2)
    p2 = sc_agg(hn2, ei)
    return _final(h2, p2, degt, W_self2, b2r)

# --- scband reference (transcript-rebuilt; emitter-appended) ---
"""Pipeline reference for scband-graph-sage-4947802325460 (READ-ONLY COPY).

The authoritative reference and input builder live on the scoring server;
editing this copy changes nothing except your own understanding.
"""

import jax, jax.numpy as jnp
import numpy as np

N = 10000
E = 320000
D = 128
H = 128


def setup_inputs(seed: int = 0) -> dict:
    key = jax.random.key(seed)
    ks = jax.random.split(key, 12)
    h = jax.random.normal(ks[0], (N, D), dtype=jnp.float32)
    edge_index = jax.random.randint(ks[1], (2, E), 0, N, dtype=jnp.int32)
    # 3 SAGEConv layers ('mean' aggregator): fc_self (no bias), fc_neigh (no bias), bias param
    scale = 0.05
    params = {}
    dims = [(D, H), (H, H), (H, H)]
    for i, (din, dout) in enumerate(dims):
        params[f"W_self{i}"] = jax.random.normal(ks[2 + 3 * i], (din, dout), dtype=jnp.float32) * scale
        params[f"W_neigh{i}"] = jax.random.normal(ks[3 + 3 * i], (din, dout), dtype=jnp.float32) * scale
        params[f"b{i}"] = jnp.zeros((dout,), dtype=jnp.float32)
    return {"h": h, "edge_index": edge_index, **params}


def _sage_conv(h, src, dst, W_self, W_neigh, b):
    # DGL SAGEConv with 'mean' aggregator:
    # h_neigh = mean over in-edges of h[src]; rst = fc_self(h) + fc_neigh(h_neigh) + bias
    msg = jnp.take(h, src, axis=0)                       # gather  [E, d]
    agg = jax.ops.segment_sum(msg, dst, num_segments=N)  # scatter-add [N, d]
    deg = jax.ops.segment_sum(jnp.ones((E,), jnp.float32), dst, num_segments=N)
    agg = agg / jnp.maximum(deg, 1.0)[:, None]
    return h @ W_self + agg @ W_neigh + b


def reference(h, edge_index, W_self0, W_neigh0, b0, W_self1, W_neigh1, b1, W_self2, W_neigh2, b2):
    src = edge_index[0]
    dst = edge_index[1]
    # layer 0 (first n_layers-1 convs get relu + dropout(p=0.0) == identity)
    h = jax.nn.relu(_sage_conv(h, src, dst, W_self0, W_neigh0, b0))
    # layer 1
    h = jax.nn.relu(_sage_conv(h, src, dst, W_self1, W_neigh1, b1))
    # last layer (no activation)
    h = _sage_conv(h, src, dst, W_self2, W_neigh2, b2)
    return h

if __name__ == "__main__":
    import jax
    _d = setup_inputs()
    print(jax.jit(kernel)(*tuple(_d.values())))

</pallas_src>

<mosaic_0001>
#map = affine_map<(d0, d1) -> (0)>
#map1 = affine_map<(d0, d1) -> (0, 0)>
module attributes {stable_mosaic.version = 14 : i64} {
  func.func @body(%arg0: i32, %arg1: i32, %arg2: memref<640000xi32, #tpu.memory_space<hbm>>, %arg3: memref<32x10240xf32, #tpu.memory_space<hbm>>, %arg4: memref<10000xi32, #tpu.memory_space<vmem>>, %arg5: memref<10240xf32, #tpu.memory_space<vmem>>) attributes {dimension_semantics = [#tpu.dimension_semantics<core_parallel>, #tpu.dimension_semantics<subcore_parallel>], iteration_bounds = array<i64: 2, 16>, scalar_prefetch = 0 : i64, scratch_operands = 2 : i64, tpu.core_type = #tpu.core_type<sc_vector_subcore>, window_params = [{transform_indices = #map}, {transform_indices = #map1}]} {
    %mul3A = arith.constant 2 : i32
    %mul3A_0 = arith.muli %arg1, %mul3A : i32
    %add3A = arith.addi %mul3A_0, %arg0 : i32
    %broadcast_in_dim3A = arith.constant 0.000000e+00 : f32
    %broadcast_in_dim3A_1 = vector.broadcast %broadcast_in_dim3A : f32 to vector<16xf32>
    %broadcast_in_dim3A_2 = arith.constant 1.000000e+00 : f32
    %broadcast_in_dim3A_3 = vector.broadcast %broadcast_in_dim3A_2 : f32 to vector<16xf32>
    %scan3A = arith.constant 0 : i32
    %scan3A_4 = arith.constant 0 : i32
    %scan3A_5 = arith.constant 640 : i32
    %scan3A_6 = arith.addi %scan3A_4, %scan3A_5 : i32
    %scan3A_7 = arith.constant 1 : i32
    scf.for %scan3A_19 = %scan3A_4 to %scan3A_6 step %scan3A_7  : i32 {
      %mul3A_20 = arith.constant 16 : i32
      %mul3A_21 = arith.muli %scan3A_19, %mul3A_20 : i32
      %swap3A = arith.index_cast %mul3A_21 : i32 to index
      %swap3A_22 = tpu.vector_load %arg5[%swap3A] {strides = array<i32>} : memref<10240xf32, #tpu.memory_space<vmem>>, vector<16xf32>,
      tpu.vector_store %arg5[%swap3A], %broadcast_in_dim3A_1 {strides = array<i32>} : memref<10240xf32, #tpu.memory_space<vmem>>, vector<16xf32>,
    }
    %scan3A_8 = arith.constant 640 : i32
    %mul3A_9 = arith.constant 10000 : i32
    %mul3A_10 = arith.muli %add3A, %mul3A_9 : i32
    %add3A_11 = arith.constant 320000 : i32
    %add3A_12 = arith.addi %add3A_11, %mul3A_10 : i32
    "tpu.region"() ({
      %run_scoped3A = tpu.sem_alloc : memref<!tpu.dma_semaphore, #tpu.memory_space<semaphore_mem>>
      %dma_start3A = tpu.memref_slice %arg2[%add3A_12] : memref<640000xi32, #tpu.memory_space<hbm>> -> memref<10000xi32, #tpu.memory_space<hbm>>
      %dma_start3A_19 = tpu.memref_slice %arg2[%add3A_12] : memref<640000xi32, #tpu.memory_space<hbm>> -> memref<10000xi32, #tpu.memory_space<hbm>>
      tpu.enqueue_dma source(%dma_start3A_19 : memref<10000xi32, #tpu.memory_space<hbm>>) target(%arg4 : memref<10000xi32, #tpu.memory_space<vmem>>) target_semaphore(%run_scoped3A : memref<!tpu.dma_semaphore, #tpu.memory_space<semaphore_mem>>)
      %dma_wait3A = tpu.memref_slice %arg2[%add3A_12] : memref<640000xi32, #tpu.memory_space<hbm>> -> memref<10000xi32, #tpu.memory_space<hbm>>
      %dma_wait3A_20 = tpu.memref_slice %arg2[%add3A_12] : memref<640000xi32, #tpu.memory_space<hbm>> -> memref<10000xi32, #tpu.memory_space<hbm>>
      tpu.wait_dma2 semaphore(%run_scoped3A : memref<!tpu.dma_semaphore, #tpu.memory_space<semaphore_mem>>) src(%dma_wait3A_20 : memref<10000xi32, #tpu.memory_space<hbm>>) dst(%arg4 : memref<10000xi32, #tpu.memory_space<vmem>>)
      tpu.yield
    }) : () -> ()
    %scan3A_13 = arith.constant 0 : i32
    %scan3A_14 = arith.constant 0 : i32
    %scan3A_15 = arith.constant 625 : i32
    %scan3A_16 = arith.addi %scan3A_14, %scan3A_15 : i32
    %scan3A_17 = arith.constant 1 : i32
    scf.for %scan3A_19 = %scan3A_14 to %scan3A_16 step %scan3A_17  : i32 {
      %mul3A_20 = arith.constant 16 : i32
      %mul3A_21 = arith.muli %scan3A_19, %mul3A_20 : i32
      %get3A = arith.index_cast %mul3A_21 : i32 to index
      %get3A_22 = tpu.vector_load %arg4[%get3A] {strides = array<i32>} : memref<10000xi32, #tpu.memory_space<vmem>>, vector<16xi32>,
      tpu.vector_store_idx %arg5[%get3A_22], %broadcast_in_dim3A_3 {add = true} : memref<10240xf32, #tpu.memory_space<vmem>>[vector<16xi32>], vector<16xf32>,
    }
    %scan3A_18 = arith.constant 625 : i32
    "tpu.region"() ({
      %run_scoped3A = tpu.sem_alloc : memref<!tpu.dma_semaphore, #tpu.memory_space<semaphore_mem>>
      %dma_start3A = arith.constant 0 : i32
      %dma_start3A_19 = tpu.memref_slice %arg3[%add3A, %dma_start3A] : memref<32x10240xf32, #tpu.memory_space<hbm>> -> memref<1x10240xf32, #tpu.memory_space<hbm>>
      %dma_start3A_20 = tpu.memref_squeeze %dma_start3A_19 : memref<1x10240xf32, #tpu.memory_space<hbm>> -> memref<10240xf32, #tpu.memory_space<hbm>>
      %dma_start3A_21 = arith.constant 0 : i32
      %dma_start3A_22 = tpu.memref_slice %arg3[%add3A, %dma_start3A_21] : memref<32x10240xf32, #tpu.memory_space<hbm>> -> memref<1x10240xf32, #tpu.memory_space<hbm>>
      %dma_start3A_23 = tpu.memref_squeeze %dma_start3A_22 : memref<1x10240xf32, #tpu.memory_space<hbm>> -> memref<10240xf32, #tpu.memory_space<hbm>>
      tpu.enqueue_dma source(%arg5 : memref<10240xf32, #tpu.memory_space<vmem>>) target(%dma_start3A_23 : memref<10240xf32, #tpu.memory_space<hbm>>) target_semaphore(%run_scoped3A : memref<!tpu.dma_semaphore, #tpu.memory_space<semaphore_mem>>)
      %dma_wait3A = arith.constant 0 : i32
      %dma_wait3A_24 = tpu.memref_slice %arg3[%add3A, %dma_wait3A] : memref<32x10240xf32, #tpu.memory_space<hbm>> -> memref<1x10240xf32, #tpu.memory_space<hbm>>
      %dma_wait3A_25 = tpu.memref_squeeze %dma_wait3A_24 : memref<1x10240xf32, #tpu.memory_space<hbm>> -> memref<10240xf32, #tpu.memory_space<hbm>>
      %dma_wait3A_26 = arith.constant 0 : i32
      %dma_wait3A_27 = tpu.memref_slice %arg3[%add3A, %dma_wait3A_26] : memref<32x10240xf32, #tpu.memory_space<hbm>> -> memref<1x10240xf32, #tpu.memory_space<hbm>>
      %dma_wait3A_28 = tpu.memref_squeeze %dma_wait3A_27 : memref<1x10240xf32, #tpu.memory_space<hbm>> -> memref<10240xf32, #tpu.memory_space<hbm>>
      tpu.wait_dma2 semaphore(%run_scoped3A : memref<!tpu.dma_semaphore, #tpu.memory_space<semaphore_mem>>) src(%arg5 : memref<10240xf32, #tpu.memory_space<vmem>>) dst(%dma_wait3A_28 : memref<10240xf32, #tpu.memory_space<hbm>>)
      tpu.yield
    }) : () -> ()
    return
  }
}

#map = affine_map<(d0, d1) -> (0, 0)>
#map1 = affine_map<(d0, d1) -> (0)>
#map2 = affine_map<(d0, d1) -> (0, 0, 0)>
module attributes {stable_mosaic.version = 14 : i64} {
  func.func @body(%arg0: i32, %arg1: i32, %arg2: memref<10000x128xf32, #tpu.memory_space<hbm>>, %arg3: memref<640000xi32, #tpu.memory_space<hbm>>, %arg4: memref<2x10240x128xf32, #tpu.memory_space<hbm>>, %arg5: memref<320xi32, #tpu.memory_space<vmem>>, %arg6: memref<320xi32, #tpu.memory_space<vmem>>, %arg7: memref<320xi32, #tpu.memory_space<vmem>>, %arg8: memref<320xi32, #tpu.memory_space<vmem>>, %arg9: memref<80x128xf32, #tpu.memory_space<vmem>>, %arg10: memref<80x128xf32, #tpu.memory_space<vmem>>, %arg11: memref<80x128xf32, #tpu.memory_space<vmem>>, %arg12: memref<80x128xf32, #tpu.memory_space<vmem>>, %arg13: memref<10240x128xf32, #tpu.memory_space<vmem_shared>>, %arg14: memref<!tpu.dma_semaphore, #tpu.memory_space<semaphore_mem>>, %arg15: memref<!tpu.dma_semaphore, #tpu.memory_space<semaphore_mem>>, %arg16: memref<!tpu.dma_semaphore, #tpu.memory_space<semaphore_mem>>, %arg17: memref<!tpu.dma_semaphore, #tpu.memory_space<semaphore_mem>>, %arg18: memref<!tpu.dma_semaphore, #tpu.memory_space<semaphore_mem>>, %arg19: memref<!tpu.dma_semaphore, #tpu.memory_space<semaphore_mem>>, %arg20: memref<!tpu.dma_semaphore, #tpu.memory_space<semaphore_mem>>, %arg21: memref<!tpu.dma_semaphore, #tpu.memory_space<semaphore_mem>>, %arg22: memref<!tpu.dma_semaphore, #tpu.memory_space<semaphore_mem>>) attributes {dimension_semantics = [#tpu.dimension_semantics<core_parallel>, #tpu.dimension_semantics<subcore_parallel>], iteration_bounds = array<i64: 2, 16>, scalar_prefetch = 0 : i64, scratch_operands = 18 : i64, tpu.core_type = #tpu.core_type<sc_vector_subcore>, window_params = [{transform_indices = #map}, {transform_indices = #map1}, {transform_indices = #map2}]} {
    %mul3A = arith.constant 2 : i32
    %mul3A_0 = arith.muli %arg1, %mul3A : i32
    %add3A = arith.addi %mul3A_0, %arg0 : i32
    %broadcast_in_dim3A = arith.constant 0.000000e+00 : f32
    %broadcast_in_dim3A_1 = vector.broadcast %broadcast_in_dim3A : f32 to vector<16xf32>
    %scan3A = arith.constant 0 : i32
    %scan3A_2 = arith.constant 0 : i32
    %scan3A_3 = arith.constant 80 : i32
    %scan3A_4 = arith.addi %scan3A_2, %scan3A_3 : i32
    %scan3A_5 = arith.constant 1 : i32
    scf.for %scan3A_435 = %scan3A_2 to %scan3A_4 step %scan3A_5  : i32 {
      %swap3A = arith.index_cast %scan3A_435 : i32 to index
      %swap3A_436 = arith.constant 0 : index
      %swap3A_437 = tpu.vector_load %arg9[%swap3A, %swap3A_436] {strides = array<i32>} : memref<80x128xf32, #tpu.memory_space<vmem>>, vector<16xf32>,
      tpu.vector_store %arg9[%swap3A, %swap3A_436], %broadcast_in_dim3A_1 {strides = array<i32>} : memref<80x128xf32, #tpu.memory_space<vmem>>, vector<16xf32>,
      %swap3A_438 = arith.index_cast %scan3A_435 : i32 to index
      %swap3A_439 = arith.constant 16 : index
      %swap3A_440 = tpu.vector_load %arg9[%swap3A_438, %swap3A_439] {strides = array<i32>} : memref<80x128xf32, #tpu.memory_space<vmem>>, vector<16xf32>,
      tpu.vector_store %arg9[%swap3A_438, %swap3A_439], %broadcast_in_dim3A_1 {strides = array<i32>} : memref<80x128xf32, #tpu.memory_space<vmem>>, vector<16xf32>,
      %swap3A_441 = arith.index_cast %scan3A_435 : i32 to index
      %swap3A_442 = arith.constant 32 : index
      %swap3A_443 = tpu.vector_load %arg9[%swap3A_441, %swap3A_442] {strides = array<i32>} : memref<80x128xf32, #tpu.memory_space<vmem>>, vector<16xf32>,
      tpu.vector_store %arg9[%swap3A_441, %swap3A_442], %broadcast_in_dim3A_1 {strides = array<i32>} : memref<80x128xf32, #tpu.memory_space<vmem>>, vector<16xf32>,
      %swap3A_444 = arith.index_cast %scan3A_435 : i32 to index
      %swap3A_445 = arith.constant 48 : index
      %swap3A_446 = tpu.vector_load %arg9[%swap3A_444, %swap3A_445] {strides = array<i32>} : memref<80x128xf32, #tpu.memory_space<vmem>>, vector<16xf32>,
      tpu.vector_store %arg9[%swap3A_444, %swap3A_445], %broadcast_in_dim3A_1 {strides = array<i32>} : memref<80x128xf32, #tpu.memory_space<vmem>>, vector<16xf32>,
      %swap3A_447 = arith.index_cast %scan3A_435 : i32 to index
      %swap3A_448 = arith.constant 64 : index
      %swap3A_449 = tpu.vector_load %arg9[%swap3A_447, %swap3A_448] {strides = array<i32>} : memref<80x128xf32, #tpu.memory_space<vmem>>, vector<16xf32>,
      tpu.vector_store %arg9[%swap3A_447, %swap3A_448], %broadcast_in_dim3A_1 {strides = array<i32>} : memref<80x128xf32, #tpu.memory_space<vmem>>, vector<16xf32>,
      %swap3A_450 = arith.index_cast %scan3A_435 : i32 to index
      %swap3A_451 = arith.constant 80 : index
      %swap3A_452 = tpu.vector_load %arg9[%swap3A_450, %swap3A_451] {strides = array<i32>} : memref<80x128xf32, #tpu.memory_space<vmem>>, vector<16xf32>,
      tpu.vector_store %arg9[%swap3A_450, %swap3A_451], %broadcast_in_dim3A_1 {strides = array<i32>} : memref<80x128xf32, #tpu.memory_space<vmem>>, vector<16xf32>,
      %swap3A_453 = arith.index_cast %scan3A_435 : i32 to index
      %swap3A_454 = arith.constant 96 : index
      %swap3A_455 = tpu.vector_load %arg9[%swap3A_453, %swap3A_454] {strides = array<i32>} : memref<80x128xf32, #tpu.memory_space<vmem>>, vector<16xf32>,
      tpu.vector_store %arg9[%swap3A_453, %swap3A_454], %broadcast_in_dim3A_1 {strides = array<i32>} : memref<80x128xf32, #tpu.memory_space<vmem>>, vector<16xf32>,
      %swap3A_456 = arith.index_cast %scan3A_435 : i32 to index
      %swap3A_457 = arith.constant 112 : index
      %swap3A_458 = tpu.vector_load %arg9[%swap3A_456, %swap3A_457] {strides = array<i32>} : memref<80x128xf32, #tpu.memory_space<vmem>>, vector<16xf32>,
      tpu.vector_store %arg9[%swap3A_456, %swap3A_457], %broadcast_in_dim3A_1 {strides = array<i32>} : memref<80x128xf32, #tpu.memory_space<vmem>>, vector<16xf32>,
    }
    %scan3A_6 = arith.constant 80 : i32
    %mul3A_7 = arith.constant 640 : i32
    %mul3A_8 = arith.muli %arg1, %mul3A_7 : i32
    %add3A_9 = arith.constant 0 : i32
    %add3A_10 = arith.addi %mul3A_8, %add3A_9 : i32
    "tpu.region"() ({
      %run_scoped3A = tpu.sem_alloc : memref<!tpu.dma_semaphore, #tpu.memory_space<semaphore_mem>>
      %dma_start3A_435 = arith.constant 0 : i32
      %dma_start3A_436 = tpu.memref_slice %arg13[%add3A_10, %dma_start3A_435] : memref<10240x128xf32, #tpu.memory_space<vmem_shared>> -> memref<80x128xf32, #tpu.memory_space<vmem_shared>>
      %dma_start3A_437 = arith.constant 0 : i32
      %dma_start3A_438 = tpu.memref_slice %arg13[%add3A_10, %dma_start3A_437] : memref<10240x128xf32, #tpu.memory_space<vmem_shared>> -> memref<80x128xf32, #tpu.memory_space<vmem_shared>>
      tpu.enqueue_dma source(%arg9 : memref<80x128xf32, #tpu.memory_space<vmem>>) target(%dma_start3A_438 : memref<80x128xf32, #tpu.memory_space<vmem_shared>>) target_semaphore(%run_scoped3A : memref<!tpu.dma_semaphore, #tpu.memory_space<semaphore_mem>>)
      %dma_wait3A_439 = arith.constant 0 : i32
      %dma_wait3A_440 = tpu.memref_slice %arg13[%add3A_10, %dma_wait3A_439] : memref<10240x128xf32, #tpu.memory_space<vmem_shared>> -> memref<80x128xf32, #tpu.memory_space<vmem_shared>>
      %dma_wait3A_441 = arith.constant 0 : i32
      %dma_wait3A_442 = tpu.memref_slice %arg13[%add3A_10, %dma_wait3A_441] : memref<10240x128xf32, #tpu.memory_space<vmem_shared>> -> memref<80x128xf32, #tpu.memory_space<vmem_shared>>
      tpu.wait_dma2 semaphore(%run_scoped3A : memref<!tpu.dma_semaphore, #tpu.memory_space<semaphore_mem>>) src(%arg9 : memref<80x128xf32, #tpu.memory_space<vmem>>) dst(%dma_wait3A_442 : memref<80x128xf32, #tpu.memory_space<vmem_shared>>)
      tpu.yield
    }) : () -> ()
    %add3A_11 = arith.constant 80 : i32
    %add3A_12 = arith.addi %mul3A_8, %add3A_11 : i32
    "tpu.region"() ({
      %run_scoped3A = tpu.sem_alloc : memref<!tpu.dma_semaphore, #tpu.memory_space<semaphore_mem>>
      %dma_start3A_435 = arith.constant 0 : i32
      %dma_start3A_436 = tpu.memref_slice %arg13[%add3A_12, %dma_start3A_435] : memref<10240x128xf32, #tpu.memory_space<vmem_shared>> -> memref<80x128xf32, #tpu.memory_space<vmem_shared>>
      %dma_start3A_437 = arith.constant 0 : i32
      %dma_start3A_438 = tpu.memref_slice %arg13[%add3A_12, %dma_start3A_437] : memref<10240x128xf32, #tpu.memory_space<vmem_shared>> -> memref<80x128xf32, #tpu.memory_space<vmem_shared>>
      tpu.enqueue_dma source(%arg9 : memref<80x128xf32, #tpu.memory_space<vmem>>) target(%dma_start3A_438 : memref<80x128xf32, #tpu.memory_space<vmem_shared>>) target_semaphore(%run_scoped3A : memref<!tpu.dma_semaphore, #tpu.memory_space<semaphore_mem>>)
      %dma_wait3A_439 = arith.constant 0 : i32
      %dma_wait3A_440 = tpu.memref_slice %arg13[%add3A_12, %dma_wait3A_439] : memref<10240x128xf32, #tpu.memory_space<vmem_shared>> -> memref<80x128xf32, #tpu.memory_space<vmem_shared>>
      %dma_wait3A_441 = arith.constant 0 : i32
      %dma_wait3A_442 = tpu.memref_slice %arg13[%add3A_12, %dma_wait3A_441] : memref<10240x128xf32, #tpu.memory_space<vmem_shared>> -> memref<80x128xf32, #tpu.memory_space<vmem_shared>>
      tpu.wait_dma2 semaphore(%run_scoped3A : memref<!tpu.dma_semaphore, #tpu.memory_space<semaphore_mem>>) src(%arg9 : memref<80x128xf32, #tpu.memory_space<vmem>>) dst(%dma_wait3A_442 : memref<80x128xf32, #tpu.memory_space<vmem_shared>>)
      tpu.yield
    }) : () -> ()
    %add3A_13 = arith.constant 160 : i32
    %add3A_14 = arith.addi %mul3A_8, %add3A_13 : i32
    "tpu.region"() ({
      %run_scoped3A = tpu.sem_alloc : memref<!tpu.dma_semaphore, #tpu.memory_space<semaphore_mem>>
      %dma_start3A_435 = arith.constant 0 : i32
      %dma_start3A_436 = tpu.memref_slice %arg13[%add3A_14, %dma_start3A_435] : memref<10240x128xf32, #tpu.memory_space<vmem_shared>> -> memref<80x128xf32, #tpu.memory_space<vmem_shared>>
      %dma_start3A_437 = arith.constant 0 : i32
      %dma_start3A_438 = tpu.memref_slice %arg13[%add3A_14, %dma_start3A_437] : memref<10240x128xf32, #tpu.memory_space<vmem_shared>> -> memref<80x128xf32, #tpu.memory_space<vmem_shared>>
      tpu.enqueue_dma source(%arg9 : memref<80x128xf32, #tpu.memory_space<vmem>>) target(%dma_start3A_438 : memref<80x128xf32, #tpu.memory_space<vmem_shared>>) target_semaphore(%run_scoped3A : memref<!tpu.dma_semaphore, #tpu.memory_space<semaphore_mem>>)
      %dma_wait3A_439 = arith.constant 0 : i32
      %dma_wait3A_440 = tpu.memref_slice %arg13[%add3A_14, %dma_wait3A_439] : memref<10240x128xf32, #tpu.memory_space<vmem_shared>> -> memref<80x128xf32, #tpu.memory_space<vmem_shared>>
      %dma_wait3A_441 = arith.constant 0 : i32
      %dma_wait3A_442 = tpu.memref_slice %arg13[%add3A_14, %dma_wait3A_441] : memref<10240x128xf32, #tpu.memory_space<vmem_shared>> -> memref<80x128xf32, #tpu.memory_space<vmem_shared>>
      tpu.wait_dma2 semaphore(%run_scoped3A : memref<!tpu.dma_semaphore, #tpu.memory_space<semaphore_mem>>) src(%arg9 : memref<80x128xf32, #tpu.memory_space<vmem>>) dst(%dma_wait3A_442 : memref<80x128xf32, #tpu.memory_space<vmem_shared>>)
      tpu.yield
    }) : () -> ()
    %add3A_15 = arith.constant 240 : i32
    %add3A_16 = arith.addi %mul3A_8, %add3A_15 : i32
    "tpu.region"() ({
      %run_scoped3A = tpu.sem_alloc : memref<!tpu.dma_semaphore, #tpu.memory_space<semaphore_mem>>
      %dma_start3A_435 = arith.constant 0 : i32
      %dma_start3A_436 = tpu.memref_slice %arg13[%add3A_16, %dma_start3A_435] : memref<10240x128xf32, #tpu.memory_space<vmem_shared>> -> memref<80x128xf32, #tpu.memory_space<vmem_shared>>
      %dma_start3A_437 = arith.constant 0 : i32
      %dma_start3A_438 = tpu.memref_slice %arg13[%add3A_16, %dma_start3A_437] : memref<10240x128xf32, #tpu.memory_space<vmem_shared>> -> memref<80x128xf32, #tpu.memory_space<vmem_shared>>
      tpu.enqueue_dma source(%arg9 : memref<80x128xf32, #tpu.memory_space<vmem>>) target(%dma_start3A_438 : memref<80x128xf32, #tpu.memory_space<vmem_shared>>) target_semaphore(%run_scoped3A : memref<!tpu.dma_semaphore, #tpu.memory_space<semaphore_mem>>)
      %dma_wait3A_439 = arith.constant 0 : i32
      %dma_wait3A_440 = tpu.memref_slice %arg13[%add3A_16, %dma_wait3A_439] : memref<10240x128xf32, #tpu.memory_space<vmem_shared>> -> memref<80x128xf32, #tpu.memory_space<vmem_shared>>
      %dma_wait3A_441 = arith.constant 0 : i32
      %dma_wait3A_442 = tpu.memref_slice %arg13[%add3A_16, %dma_wait3A_441] : memref<10240x128xf32, #tpu.memory_space<vmem_shared>> -> memref<80x128xf32, #tpu.memory_space<vmem_shared>>
      tpu.wait_dma2 semaphore(%run_scoped3A : memref<!tpu.dma_semaphore, #tpu.memory_space<semaphore_mem>>) src(%arg9 : memref<80x128xf32, #tpu.memory_space<vmem>>) dst(%dma_wait3A_442 : memref<80x128xf32, #tpu.memory_space<vmem_shared>>)
      tpu.yield
    }) : () -> ()
    %add3A_17 = arith.constant 320 : i32
    %add3A_18 = arith.addi %mul3A_8, %add3A_17 : i32
    "tpu.region"() ({
      %run_scoped3A = tpu.sem_alloc : memref<!tpu.dma_semaphore, #tpu.memory_space<semaphore_mem>>
      %dma_start3A_435 = arith.constant 0 : i32
      %dma_start3A_436 = tpu.memref_slice %arg13[%add3A_18, %dma_start3A_435] : memref<10240x128xf32, #tpu.memory_space<vmem_shared>> -> memref<80x128xf32, #tpu.memory_space<vmem_shared>>
      %dma_start3A_437 = arith.constant 0 : i32
      %dma_start3A_438 = tpu.memref_slice %arg13[%add3A_18, %dma_start3A_437] : memref<10240x128xf32, #tpu.memory_space<vmem_shared>> -> memref<80x128xf32, #tpu.memory_space<vmem_shared>>
      tpu.enqueue_dma source(%arg9 : memref<80x128xf32, #tpu.memory_space<vmem>>) target(%dma_start3A_438 : memref<80x128xf32, #tpu.memory_space<vmem_shared>>) target_semaphore(%run_scoped3A : memref<!tpu.dma_semaphore, #tpu.memory_space<semaphore_mem>>)
      %dma_wait3A_439 = arith.constant 0 : i32
      %dma_wait3A_440 = tpu.memref_slice %arg13[%add3A_18, %dma_wait3A_439] : memref<10240x128xf32, #tpu.memory_space<vmem_shared>> -> memref<80x128xf32, #tpu.memory_space<vmem_shared>>
      %dma_wait3A_441 = arith.constant 0 : i32
      %dma_wait3A_442 = tpu.memref_slice %arg13[%add3A_18, %dma_wait3A_441] : memref<10240x128xf32, #tpu.memory_space<vmem_shared>> -> memref<80x128xf32, #tpu.memory_space<vmem_shared>>
      tpu.wait_dma2 semaphore(%run_scoped3A : memref<!tpu.dma_semaphore, #tpu.memory_space<semaphore_mem>>) src(%arg9 : memref<80x128xf32, #tpu.memory_space<vmem>>) dst(%dma_wait3A_442 : memref<80x128xf32, #tpu.memory_space<vmem_shared>>)
      tpu.yield
    }) : () -> ()
    %add3A_19 = arith.constant 400 : i32
    %add3A_20 = arith.addi %mul3A_8, %add3A_19 : i32
    "tpu.region"() ({
      %run_scoped3A = tpu.sem_alloc : memref<!tpu.dma_semaphore, #tpu.memory_space<semaphore_mem>>
      %dma_start3A_435 = arith.constant 0 : i32
      %dma_start3A_436 = tpu.memref_slice %arg13[%add3A_20, %dma_start3A_435] : memref<10240x128xf32, #tpu.memory_space<vmem_shared>> -> memref<80x128xf32, #tpu.memory_space<vmem_shared>>
      %dma_start3A_437 = arith.constant 0 : i32
      %dma_start3A_438 = tpu.memref_slice %arg13[%add3A_20, %dma_start3A_437] : memref<10240x128xf32, #tpu.memory_space<vmem_shared>> -> memref<80x128xf32, #tpu.memory_space<vmem_shared>>
      tpu.enqueue_dma source(%arg9 : memref<80x128xf32, #tpu.memory_space<vmem>>) target(%dma_start3A_438 : memref<80x128xf32, #tpu.memory_space<vmem_shared>>) target_semaphore(%run_scoped3A : memref<!tpu.dma_semaphore, #tpu.memory_space<semaphore_mem>>)
      %dma_wait3A_439 = arith.constant 0 : i32
      %dma_wait3A_440 = tpu.memref_slice %arg13[%add3A_20, %dma_wait3A_439] : memref<10240x128xf32, #tpu.memory_space<vmem_shared>> -> memref<80x128xf32, #tpu.memory_space<vmem_shared>>
      %dma_wait3A_441 = arith.constant 0 : i32
      %dma_wait3A_442 = tpu.memref_slice %arg13[%add3A_20, %dma_wait3A_441] : memref<10240x128xf32, #tpu.memory_space<vmem_shared>> -> memref<80x128xf32, #tpu.memory_space<vmem_shared>>
      tpu.wait_dma2 semaphore(%run_scoped3A : memref<!tpu.dma_semaphore, #tpu.memory_space<semaphore_mem>>) src(%arg9 : memref<80x128xf32, #tpu.memory_space<vmem>>) dst(%dma_wait3A_442 : memref<80x128xf32, #tpu.memory_space<vmem_shared>>)
      tpu.yield
    }) : () -> ()
    %add3A_21 = arith.constant 480 : i32
    %add3A_22 = arith.addi %mul3A_8, %add3A_21 : i32
    "tpu.region"() ({
      %run_scoped3A = tpu.sem_alloc : memref<!tpu.dma_semaphore, #tpu.memory_space<semaphore_mem>>
      %dma_start3A_435 = arith.constant 0 : i32
      %dma_start3A_436 = tpu.memref_slice %arg13[%add3A_22, %dma_start3A_435] : memref<10240x128xf32, #tpu.memory_space<vmem_shared>> -> memref<80x128xf32, #tpu.memory_space<vmem_shared>>
      %dma_start3A_437 = arith.constant 0 : i32
      %dma_start3A_438 = tpu.memref_slice %arg13[%add3A_22, %dma_start3A_437] : memref<10240x128xf32, #tpu.memory_space<vmem_shared>> -> memref<80x128xf32, #tpu.memory_space<vmem_shared>>
      tpu.enqueue_dma source(%arg9 : memref<80x128xf32, #tpu.memory_space<vmem>>) target(%dma_start3A_438 : memref<80x128xf32, #tpu.memory_space<vmem_shared>>) target_semaphore(%run_scoped3A : memref<!tpu.dma_semaphore, #tpu.memory_space<semaphore_mem>>)
      %dma_wait3A_439 = arith.constant 0 : i32
      %dma_wait3A_440 = tpu.memref_slice %arg13[%add3A_22, %dma_wait3A_439] : memref<10240x128xf32, #tpu.memory_space<vmem_shared>> -> memref<80x128xf32, #tpu.memory_space<vmem_shared>>
      %dma_wait3A_441 = arith.constant 0 : i32
      %dma_wait3A_442 = tpu.memref_slice %arg13[%add3A_22, %dma_wait3A_441] : memref<10240x128xf32, #tpu.memory_space<vmem_shared>> -> memref<80x128xf32, #tpu.memory_space<vmem_shared>>
      tpu.wait_dma2 semaphore(%run_scoped3A : memref<!tpu.dma_semaphore, #tpu.memory_space<semaphore_mem>>) src(%arg9 : memref<80x128xf32, #tpu.memory_space<vmem>>) dst(%dma_wait3A_442 : memref<80x128xf32, #tpu.memory_space<vmem_shared>>)
      tpu.yield
    }) : () -> ()
    %add3A_23 = arith.constant 560 : i32
    %add3A_24 = arith.addi %mul3A_8, %add3A_23 : i32
    "tpu.region"() ({
      %run_scoped3A = tpu.sem_alloc : memref<!tpu.dma_semaphore, #tpu.memory_space<semaphore_mem>>
      %dma_start3A_435 = arith.constant 0 : i32
      %dma_start3A_436 = tpu.memref_slice %arg13[%add3A_24, %dma_start3A_435] : memref<10240x128xf32, #tpu.memory_space<vmem_shared>> -> memref<80x128xf32, #tpu.memory_space<vmem_shared>>
      %dma_start3A_437 = arith.constant 0 : i32
      %dma_start3A_438 = tpu.memref_slice %arg13[%add3A_24, %dma_start3A_437] : memref<10240x128xf32, #tpu.memory_space<vmem_shared>> -> memref<80x128xf32, #tpu.memory_space<vmem_shared>>
      tpu.enqueue_dma source(%arg9 : memref<80x128xf32, #tpu.memory_space<vmem>>) target(%dma_start3A_438 : memref<80x128xf32, #tpu.memory_space<vmem_shared>>) target_semaphore(%run_scoped3A : memref<!tpu.dma_semaphore, #tpu.memory_space<semaphore_mem>>)
      %dma_wait3A_439 = arith.constant 0 : i32
      %dma_wait3A_440 = tpu.memref_slice %arg13[%add3A_24, %dma_wait3A_439] : memref<10240x128xf32, #tpu.memory_space<vmem_shared>> -> memref<80x128xf32, #tpu.memory_space<vmem_shared>>
      %dma_wait3A_441 = arith.constant 0 : i32
      %dma_wait3A_442 = tpu.memref_slice %arg13[%add3A_24, %dma_wait3A_441] : memref<10240x128xf32, #tpu.memory_space<vmem_shared>> -> memref<80x128xf32, #tpu.memory_space<vmem_shared>>
      tpu.wait_dma2 semaphore(%run_scoped3A : memref<!tpu.dma_semaphore, #tpu.memory_space<semaphore_mem>>) src(%arg9 : memref<80x128xf32, #tpu.memory_space<vmem>>) dst(%dma_wait3A_442 : memref<80x128xf32, #tpu.memory_space<vmem_shared>>)
      tpu.yield
    }) : () -> ()
    %barrier3A = arith.constant 0 : index
    tpu.barrier barrier_id(%barrier3A)
    %mul3A_25 = arith.constant 125 : i32
    %mul3A_26 = arith.muli %add3A, %mul3A_25 : i32
    %mul3A_27 = arith.constant 80 : i32
    %mul3A_28 = arith.muli %mul3A_26, %mul3A_27 : i32
    "tpu.region"() ({
      %run_scoped3A = tpu.sem_alloc : memref<!tpu.dma_semaphore, #tpu.memory_space<semaphore_mem>>
      %dma_start3A_435 = tpu.memref_slice %arg3[%mul3A_28] : memref<640000xi32, #tpu.memory_space<hbm>> -> memref<320xi32, #tpu.memory_space<hbm>>
      %dma_start3A_436 = tpu.memref_slice %arg3[%mul3A_28] : memref<640000xi32, #tpu.memory_space<hbm>> -> memref<320xi32, #tpu.memory_space<hbm>>
      tpu.enqueue_dma source(%dma_start3A_436 : memref<320xi32, #tpu.memory_space<hbm>>) target(%arg5 : memref<320xi32, #tpu.memory_space<vmem>>) target_semaphore(%run_scoped3A : memref<!tpu.dma_semaphore, #tpu.memory_space<semaphore_mem>>)
      %dma_wait3A_437 = tpu.memref_slice %arg3[%mul3A_28] : memref<640000xi32, #tpu.memory_space<hbm>> -> memref<320xi32, #tpu.memory_space<hbm>>
      %dma_wait3A_438 = tpu.memref_slice %arg3[%mul3A_28] : memref<640000xi32, #tpu.memory_space<hbm>> -> memref<320xi32, #tpu.memory_space<hbm>>
      tpu.wait_dma2 semaphore(%run_scoped3A : memref<!tpu.dma_semaphore, #tpu.memory_space<semaphore_mem>>) src(%dma_wait3A_438 : memref<320xi32, #tpu.memory_space<hbm>>) dst(%arg5 : memref<320xi32, #tpu.memory_space<vmem>>)
      tpu.yield
    }) : () -> ()
    %mul3A_29 = arith.constant 80 : i32
    %mul3A_30 = arith.muli %mul3A_26, %mul3A_29 : i32
    %add3A_31 = arith.constant 320000 : i32
    %add3A_32 = arith.addi %add3A_31, %mul3A_30 : i32
    "tpu.region"() ({
      %run_scoped3A = tpu.sem_alloc : memref<!tpu.dma_semaphore, #tpu.memory_space<semaphore_mem>>
      %dma_start3A_435 = tpu.memref_slice %arg3[%add3A_32] : memref<640000xi32, #tpu.memory_space<hbm>> -> memref<320xi32, #tpu.memory_space<hbm>>
      %dma_start3A_436 = tpu.memref_slice %arg3[%add3A_32] : memref<640000xi32, #tpu.memory_space<hbm>> -> memref<320xi32, #tpu.memory_space<hbm>>
      tpu.enqueue_dma source(%dma_start3A_436 : memref<320xi32, #tpu.memory_space<hbm>>) target(%arg7 : memref<320xi32, #tpu.memory_space<vmem>>) target_semaphore(%run_scoped3A : memref<!tpu.dma_semaphore, #tpu.memory_space<semaphore_mem>>)
      %dma_wait3A_437 = tpu.memref_slice %arg3[%add3A_32] : memref<640000xi32, #tpu.memory_space<hbm>> -> memref<320xi32, #tpu.memory_space<hbm>>
      %dma_wait3A_438 = tpu.memref_slice %arg3[%add3A_32] : memref<640000xi32, #tpu.memory_space<hbm>> -> memref<320xi32, #tpu.memory_space<hbm>>
      tpu.wait_dma2 semaphore(%run_scoped3A : memref<!tpu.dma_semaphore, #tpu.memory_space<semaphore_mem>>) src(%dma_wait3A_438 : memref<320xi32, #tpu.memory_space<hbm>>) dst(%arg7 : memref<320xi32, #tpu.memory_space<vmem>>)
      tpu.yield
    }) : () -> ()
    %dma_start3A = arith.constant 0 : i32
    %dma_start3A_33 = tpu.memref_slice %arg5[%dma_start3A] : memref<320xi32, #tpu.memory_space<vmem>> -> memref<80xi32, #tpu.memory_space<vmem>>
    %dma_start3A_34 = arith.constant 0 : i32
    %dma_start3A_35 = arith.constant 0 : i32
    %dma_start3A_36 = tpu.memref_slice %arg2[%dma_start3A_34, %dma_start3A_35] : memref<10000x128xf32, #tpu.memory_space<hbm>> -> memref<10000x128xf32, #tpu.memory_space<hbm>>
    tpu.enqueue_indirect_dma source(%dma_start3A_36 : memref<10000x128xf32, #tpu.memory_space<hbm>>) target(%arg9 : memref<80x128xf32, #tpu.memory_space<vmem>>) offsets(%dma_start3A_33 : memref<80xi32, #tpu.memory_space<vmem>>) semaphore(%arg14 : memref<!tpu.dma_semaphore, #tpu.memory_space<semaphore_mem>>)
    %dma_wait3A = arith.constant 0 : i32
    %dma_wait3A_37 = arith.constant 0 : i32
    %dma_wait3A_38 = tpu.memref_slice %arg2[%dma_wait3A, %dma_wait3A_37] : memref<10000x128xf32, #tpu.memory_space<hbm>> -> memref<80x128xf32, #tpu.memory_space<hbm>>
    %dma_wait3A_39 = arith.constant 0 : i32
    %dma_wait3A_40 = arith.constant 0 : i32
    %dma_wait3A_41 = tpu.memref_slice %arg2[%dma_wait3A_39, %dma_wait3A_40] : memref<10000x128xf32, #tpu.memory_space<hbm>> -> memref<80x128xf32, #tpu.memory_space<hbm>>
    tpu.wait_dma2 semaphore(%arg14 : memref<!tpu.dma_semaphore, #tpu.memory_space<semaphore_mem>>) src(%dma_wait3A_41 : memref<80x128xf32, #tpu.memory_space<hbm>>) dst(%arg9 : memref<80x128xf32, #tpu.memory_space<vmem>>)
    %dma_start3A_42 = arith.constant 0 : i32
    %dma_start3A_43 = tpu.memref_slice %arg7[%dma_start3A_42] : memref<320xi32, #tpu.memory_space<vmem>> -> memref<80xi32, #tpu.memory_space<vmem>>
    %dma_start3A_44 = arith.constant 0 : i32
    %dma_start3A_45 = arith.constant 0 : i32
    %dma_start3A_46 = tpu.memref_slice %arg13[%dma_start3A_44, %dma_start3A_45] : memref<10240x128xf32, #tpu.memory_space<vmem_shared>> -> memref<10240x128xf32, #tpu.memory_space<vmem_shared>>
    tpu.enqueue_indirect_dma source(%arg9 : memref<80x128xf32, #tpu.memory_space<vmem>>) target(%dma_start3A_46 : memref<10240x128xf32, #tpu.memory_space<vmem_shared>>) offsets(%dma_start3A_43 : memref<80xi32, #tpu.memory_space<vmem>>) semaphore(%arg18 : memref<!tpu.dma_semaphore, #tpu.memory_space<semaphore_mem>>) {add = true}
    %dma_start3A_47 = arith.constant 80 : i32
    %dma_start3A_48 = tpu.memref_slice %arg5[%dma_start3A_47] : memref<320xi32, #tpu.memory_space<vmem>> -> memref<80xi32, #tpu.memory_space<vmem>>
    %dma_start3A_49 = arith.constant 0 : i32
    %dma_start3A_50 = arith.constant 0 : i32
    %dma_start3A_51 = tpu.memref_slice %arg2[%dma_start3A_49, %dma_start3A_50] : memref<10000x128xf32, #tpu.memory_space<hbm>> -> memref<10000x128xf32, #tpu.memory_space<hbm>>
    tpu.enqueue_indirect_dma source(%dma_start3A_51 : memref<10000x128xf32, #tpu.memory_space<hbm>>) target(%arg10 : memref<80x128xf32, #tpu.memory_space<vmem>>) offsets(%dma_start3A_48 : memref<80xi32, #tpu.memory_space<vmem>>) semaphore(%arg15 : memref<!tpu.dma_semaphore, #tpu.memory_space<semaphore_mem>>)
    %dma_wait3A_52 = arith.constant 0 : i32
    %dma_wait3A_53 = arith.constant 0 : i32
    %dma_wait3A_54 = tpu.memref_slice %arg2[%dma_wait3A_52, %dma_wait3A_53] : memref<10000x128xf32, #tpu.memory_space<hbm>> -> memref<80x128xf32, #tpu.memory_space<hbm>>
    %dma_wait3A_55 = arith.constant 0 : i32
    %dma_wait3A_56 = arith.constant 0 : i32
    %dma_wait3A_57 = tpu.memref_slice %arg2[%dma_wait3A_55, %dma_wait3A_56] : memref<10000x128xf32, #tpu.memory_space<hbm>> -> memref<80x128xf32, #tpu.memory_space<hbm>>
    tpu.wait_dma2 semaphore(%arg15 : memref<!tpu.dma_semaphore, #tpu.memory_space<semaphore_mem>>) src(%dma_wait3A_57 : memref<80x128xf32, #tpu.memory_space<hbm>>) dst(%arg10 : memref<80x128xf32, #tpu.memory_space<vmem>>)
    %dma_start3A_58 = arith.constant 80 : i32
    %dma_start3A_59 = tpu.memref_slice %arg7[%dma_start3A_58] : memref<320xi32, #tpu.memory_space<vmem>> -> memref<80xi32, #tpu.memory_space<vmem>>
    %dma_start3A_60 = arith.constant 0 : i32
    %dma_start3A_61 = arith.constant 0 : i32
    %dma_start3A_62 = tpu.memref_slice %arg13[%dma_start3A_60, %dma_start3A_61] : memref<10240x128xf32, #tpu.memory_space<vmem_shared>> -> memref<10240x128xf32, #tpu.memory_space<vmem_shared>>
    tpu.enqueue_indirect_dma source(%arg10 : memref<80x128xf32, #tpu.memory_space<vmem>>) target(%dma_start3A_62 : memref<10240x128xf32, #tpu.memory_space<vmem_shared>>) offsets(%dma_start3A_59 : memref<80xi32, #tpu.memory_space<vmem>>) semaphore(%arg19 : memref<!tpu.dma_semaphore, #tpu.memory_space<semaphore_mem>>) {add = true}
    %dma_start3A_63 = arith.constant 160 : i32
    %dma_start3A_64 = tpu.memref_slice %arg5[%dma_start3A_63] : memref<320xi32, #tpu.memory_space<vmem>> -> memref<80xi32, #tpu.memory_space<vmem>>
    %dma_start3A_65 = arith.constant 0 : i32
    %dma_start3A_66 = arith.constant 0 : i32
    %dma_start3A_67 = tpu.memref_slice %arg2[%dma_start3A_65, %dma_start3A_66] : memref<10000x128xf32, #tpu.memory_space<hbm>> -> memref<10000x128xf32, #tpu.memory_space<hbm>>
    tpu.enqueue_indirect_dma source(%dma_start3A_67 : memref<10000x128xf32, #tpu.memory_space<hbm>>) target(%arg11 : memref<80x128xf32, #tpu.memory_space<vmem>>) offsets(%dma_start3A_64 : memref<80xi32, #tpu.memory_space<vmem>>) semaphore(%arg16 : memref<!tpu.dma_semaphore, #tpu.memory_space<semaphore_mem>>)
    %dma_wait3A_68 = arith.constant 0 : i32
    %dma_wait3A_69 = arith.constant 0 : i32
    %dma_wait3A_70 = tpu.memref_slice %arg2[%dma_wait3A_68, %dma_wait3A_69] : memref<10000x128xf32, #tpu.memory_space<hbm>> -> memref<80x128xf32, #tpu.memory_space<hbm>>
    %dma_wait3A_71 = arith.constant 0 : i32
    %dma_wait3A_72 = arith.constant 0 : i32
    %dma_wait3A_73 = tpu.memref_slice %arg2[%dma_wait3A_71, %dma_wait3A_72] : memref<10000x128xf32, #tpu.memory_space<hbm>> -> memref<80x128xf32, #tpu.memory_space<hbm>>
    tpu.wait_dma2 semaphore(%arg16 : memref<!tpu.dma_semaphore, #tpu.memory_space<semaphore_mem>>) src(%dma_wait3A_73 : memref<80x128xf32, #tpu.memory_space<hbm>>) dst(%arg11 : memref<80x128xf32, #tpu.memory_space<vmem>>)
    %dma_start3A_74 = arith.constant 160 : i32
    %dma_start3A_75 = tpu.memref_slice %arg7[%dma_start3A_74] : memref<320xi32, #tpu.memory_space<vmem>> -> memref<80xi32, #tpu.memory_space<vmem>>
    %dma_start3A_76 = arith.constant 0 : i32
    %dma_start3A_77 = arith.constant 0 : i32
    %dma_start3A_78 = tpu.memref_slice %arg13[%dma_start3A_76, %dma_start3A_77] : memref<10240x128xf32, #tpu.memory_space<vmem_shared>> -> memref<10240x128xf32, #tpu.memory_space<vmem_shared>>
    tpu.enqueue_indirect_dma source(%arg11 : memref<80x128xf32, #tpu.memory_space<vmem>>) target(%dma_start3A_78 : memref<10240x128xf32, #tpu.memory_space<vmem_shared>>) offsets(%dma_start3A_75 : memref<80xi32, #tpu.memory_space<vmem>>) semaphore(%arg20 : memref<!tpu.dma_semaphore, #tpu.memory_space<semaphore_mem>>) {add = true}
    %dma_start3A_79 = arith.constant 240 : i32
    %dma_start3A_80 = tpu.memref_slice %arg5[%dma_start3A_79] : memref<320xi32, #tpu.memory_space<vmem>> -> memref<80xi32, #tpu.memory_space<vmem>>
    %dma_start3A_81 = arith.constant 0 : i32
    %dma_start3A_82 = arith.constant 0 : i32
    %dma_start3A_83 = tpu.memref_slice %arg2[%dma_start3A_81, %dma_start3A_82] : memref<10000x128xf32, #tpu.memory_space<hbm>> -> memref<10000x128xf32, #tpu.memory_space<hbm>>
    tpu.enqueue_indirect_dma source(%dma_start3A_83 : memref<10000x128xf32, #tpu.memory_space<hbm>>) target(%arg12 : memref<80x128xf32, #tpu.memory_space<vmem>>) offsets(%dma_start3A_80 : memref<80xi32, #tpu.memory_space<vmem>>) semaphore(%arg17 : memref<!tpu.dma_semaphore, #tpu.memory_space<semaphore_mem>>)
    %add3A_84 = arith.constant 4 : i32
    %add3A_85 = arith.addi %mul3A_26, %add3A_84 : i32
    %dma_wait3A_86 = arith.constant 0 : i32
    %dma_wait3A_87 = arith.constant 0 : i32
    %dma_wait3A_88 = tpu.memref_slice %arg2[%dma_wait3A_86, %dma_wait3A_87] : memref<10000x128xf32, #tpu.memory_space<hbm>> -> memref<80x128xf32, #tpu.memory_space<hbm>>
    %dma_wait3A_89 = arith.constant 0 : i32
    %dma_wait3A_90 = arith.constant 0 : i32
    %dma_wait3A_91 = tpu.memref_slice %arg2[%dma_wait3A_89, %dma_wait3A_90] : memref<10000x128xf32, #tpu.memory_space<hbm>> -> memref<80x128xf32, #tpu.memory_space<hbm>>
    tpu.wait_dma2 semaphore(%arg18 : memref<!tpu.dma_semaphore, #tpu.memory_space<semaphore_mem>>) src(%dma_wait3A_91 : memref<80x128xf32, #tpu.memory_space<hbm>>) dst(%arg9 : memref<80x128xf32, #tpu.memory_space<vmem>>)
    %mul3A_92 = arith.constant 80 : i32
    %mul3A_93 = arith.muli %add3A_85, %mul3A_92 : i32
    %dma_start3A_94 = arith.constant 0 : i32
    %dma_start3A_95 = tpu.memref_slice %arg6[%dma_start3A_94] : memref<320xi32, #tpu.memory_space<vmem>> -> memref<320xi32, #tpu.memory_space<vmem>>
    %dma_start3A_96 = tpu.memref_slice %arg3[%mul3A_93] : memref<640000xi32, #tpu.memory_space<hbm>> -> memref<320xi32, #tpu.memory_space<hbm>>
    %dma_start3A_97 = arith.constant 0 : i32
    %dma_start3A_98 = tpu.memref_slice %arg6[%dma_start3A_97] : memref<320xi32, #tpu.memory_space<vmem>> -> memref<320xi32, #tpu.memory_space<vmem>>
    %dma_start3A_99 = tpu.memref_slice %arg3[%mul3A_93] : memref<640000xi32, #tpu.memory_space<hbm>> -> memref<320xi32, #tpu.memory_space<hbm>>
    tpu.enqueue_dma source(%dma_start3A_99 : memref<320xi32, #tpu.memory_space<hbm>>) target(%dma_start3A_98 : memref<320xi32, #tpu.memory_space<vmem>>) target_semaphore(%arg22 : memref<!tpu.dma_semaphore, #tpu.memory_space<semaphore_mem>>)
    %mul3A_100 = arith.constant 80 : i32
    %mul3A_101 = arith.muli %add3A_85, %mul3A_100 : i32
    %add3A_102 = arith.constant 320000 : i32
    %add3A_103 = arith.addi %add3A_102, %mul3A_101 : i32
    %dma_start3A_104 = arith.constant 0 : i32
    %dma_start3A_105 = tpu.memref_slice %arg8[%dma_start3A_104] : memref<320xi32, #tpu.memory_space<vmem>> -> memref<320xi32, #tpu.memory_space<vmem>>
    %dma_start3A_106 = tpu.memref_slice %arg3[%add3A_103] : memref<640000xi32, #tpu.memory_space<hbm>> -> memref<320xi32, #tpu.memory_space<hbm>>
    %dma_start3A_107 = arith.constant 0 : i32
    %dma_start3A_108 = tpu.memref_slice %arg8[%dma_start3A_107] : memref<320xi32, #tpu.memory_space<vmem>> -> memref<320xi32, #tpu.memory_space<vmem>>
    %dma_start3A_109 = tpu.memref_slice %arg3[%add3A_103] : memref<640000xi32, #tpu.memory_space<hbm>> -> memref<320xi32, #tpu.memory_space<hbm>>
    tpu.enqueue_dma source(%dma_start3A_109 : memref<320xi32, #tpu.memory_space<hbm>>) target(%dma_start3A_108 : memref<320xi32, #tpu.memory_space<vmem>>) target_semaphore(%arg22 : memref<!tpu.dma_semaphore, #tpu.memory_space<semaphore_mem>>)
    %dma_wait3A_110 = arith.constant 0 : i32
    %dma_wait3A_111 = arith.constant 0 : i32
    %dma_wait3A_112 = tpu.memref_slice %arg2[%dma_wait3A_110, %dma_wait3A_111] : memref<10000x128xf32, #tpu.memory_space<hbm>> -> memref<80x128xf32, #tpu.memory_space<hbm>>
    %dma_wait3A_113 = arith.constant 0 : i32
    %dma_wait3A_114 = arith.constant 0 : i32
    %dma_wait3A_115 = tpu.memref_slice %arg2[%dma_wait3A_113, %dma_wait3A_114] : memref<10000x128xf32, #tpu.memory_space<hbm>> -> memref<80x128xf32, #tpu.memory_space<hbm>>
    tpu.wait_dma2 semaphore(%arg17 : memref<!tpu.dma_semaphore, #tpu.memory_space<semaphore_mem>>) src(%dma_wait3A_115 : memref<80x128xf32, #tpu.memory_space<hbm>>) dst(%arg12 : memref<80x128xf32, #tpu.memory_space<vmem>>)
    %dma_start3A_116 = arith.constant 240 : i32
    %dma_start3A_117 = tpu.memref_slice %arg7[%dma_start3A_116] : memref<320xi32, #tpu.memory_space<vmem>> -> memref<80xi32, #tpu.memory_space<vmem>>
    %dma_start3A_118 = arith.constant 0 : i32
    %dma_start3A_119 = arith.constant 0 : i32
    %dma_start3A_120 = tpu.memref_slice %arg13[%dma_start3A_118, %dma_start3A_119] : memref<10240x128xf32, #tpu.memory_space<vmem_shared>> -> memref<10240x128xf32, #tpu.memory_space<vmem_shared>>
    tpu.enqueue_indirect_dma source(%arg12 : memref<80x128xf32, #tpu.memory_space<vmem>>) target(%dma_start3A_120 : memref<10240x128xf32, #tpu.memory_space<vmem_shared>>) offsets(%dma_start3A_117 : memref<80xi32, #tpu.memory_space<vmem>>) semaphore(%arg21 : memref<!tpu.dma_semaphore, #tpu.memory_space<semaphore_mem>>) {add = true}
    %dma_wait3A_121 = arith.constant 0 : i32
    %dma_wait3A_122 = tpu.memref_slice %arg6[%dma_wait3A_121] : memref<320xi32, #tpu.memory_space<vmem>> -> memref<320xi32, #tpu.memory_space<vmem>>
    %dma_wait3A_123 = tpu.memref_slice %arg3[%mul3A_93] : memref<640000xi32, #tpu.memory_space<hbm>> -> memref<320xi32, #tpu.memory_space<hbm>>
    %dma_wait3A_124 = arith.constant 0 : i32
    %dma_wait3A_125 = tpu.memref_slice %arg6[%dma_wait3A_124] : memref<320xi32, #tpu.memory_space<vmem>> -> memref<320xi32, #tpu.memory_space<vmem>>
    %dma_wait3A_126 = tpu.memref_slice %arg3[%mul3A_93] : memref<640000xi32, #tpu.memory_space<hbm>> -> memref<320xi32, #tpu.memory_space<hbm>>
    tpu.wait_dma2 semaphore(%arg22 : memref<!tpu.dma_semaphore, #tpu.memory_space<semaphore_mem>>) src(%dma_wait3A_126 : memref<320xi32, #tpu.memory_space<hbm>>) dst(%dma_wait3A_125 : memref<320xi32, #tpu.memory_space<vmem>>)
    %dma_wait3A_127 = arith.constant 0 : i32
    %dma_wait3A_128 = tpu.memref_slice %arg8[%dma_wait3A_127] : memref<320xi32, #tpu.memory_space<vmem>> -> memref<320xi32, #tpu.memory_space<vmem>>
    %dma_wait3A_129 = tpu.memref_slice %arg3[%add3A_103] : memref<640000xi32, #tpu.memory_space<hbm>> -> memref<320xi32, #tpu.memory_space<hbm>>
    %dma_wait3A_130 = arith.constant 0 : i32
    %dma_wait3A_131 = tpu.memref_slice %arg8[%dma_wait3A_130] : memref<320xi32, #tpu.memory_space<vmem>> -> memref<320xi32, #tpu.memory_space<vmem>>
    %dma_wait3A_132 = tpu.memref_slice %arg3[%add3A_103] : memref<640000xi32, #tpu.memory_space<hbm>> -> memref<320xi32, #tpu.memory_space<hbm>>
    tpu.wait_dma2 semaphore(%arg22 : memref<!tpu.dma_semaphore, #tpu.memory_space<semaphore_mem>>) src(%dma_wait3A_132 : memref<320xi32, #tpu.memory_space<hbm>>) dst(%dma_wait3A_131 : memref<320xi32, #tpu.memory_space<vmem>>)
    %dma_start3A_133 = arith.constant 0 : i32
    %dma_start3A_134 = tpu.memref_slice %arg6[%dma_start3A_133] : memref<320xi32, #tpu.memory_space<vmem>> -> memref<80xi32, #tpu.memory_space<vmem>>
    %dma_start3A_135 = arith.constant 0 : i32
    %dma_start3A_136 = arith.constant 0 : i32
    %dma_start3A_137 = tpu.memref_slice %arg2[%dma_start3A_135, %dma_start3A_136] : memref<10000x128xf32, #tpu.memory_space<hbm>> -> memref<10000x128xf32, #tpu.memory_space<hbm>>
    tpu.enqueue_indirect_dma source(%dma_start3A_137 : memref<10000x128xf32, #tpu.memory_space<hbm>>) target(%arg9 : memref<80x128xf32, #tpu.memory_space<vmem>>) offsets(%dma_start3A_134 : memref<80xi32, #tpu.memory_space<vmem>>) semaphore(%arg14 : memref<!tpu.dma_semaphore, #tpu.memory_space<semaphore_mem>>)
    %scan3A_138 = arith.constant 0 : i32
    %scan3A_139 = arith.constant 0 : i32
    %scan3A_140 = arith.constant 14 : i32
    %scan3A_141 = arith.addi %scan3A_139, %scan3A_140 : i32
    %scan3A_142 = arith.constant 1 : i32
    scf.for %scan3A_435 = %scan3A_139 to %scan3A_141 step %scan3A_142  : i32 {
      %mul3A_436 = arith.constant 2 : i32
      %mul3A_437 = arith.muli %mul3A_436, %scan3A_435 : i32
      %add3A_438 = arith.constant 1 : i32
      %add3A_439 = arith.addi %add3A_438, %mul3A_437 : i32
      %mul3A_440 = arith.constant 4 : i32
      %mul3A_441 = arith.muli %mul3A_440, %add3A_439 : i32
      %add3A_442 = arith.addi %mul3A_26, %mul3A_441 : i32
      %dma_wait3A_443 = arith.constant 0 : i32
      %dma_wait3A_444 = arith.constant 0 : i32
      %dma_wait3A_445 = tpu.memref_slice %arg2[%dma_wait3A_443, %dma_wait3A_444] : memref<10000x128xf32, #tpu.memory_space<hbm>> -> memref<80x128xf32, #tpu.memory_space<hbm>>
      %dma_wait3A_446 = arith.constant 0 : i32
      %dma_wait3A_447 = arith.constant 0 : i32
      %dma_wait3A_448 = tpu.memref_slice %arg2[%dma_wait3A_446, %dma_wait3A_447] : memref<10000x128xf32, #tpu.memory_space<hbm>> -> memref<80x128xf32, #tpu.memory_space<hbm>>
      tpu.wait_dma2 semaphore(%arg19 : memref<!tpu.dma_semaphore, #tpu.memory_space<semaphore_mem>>) src(%dma_wait3A_448 : memref<80x128xf32, #tpu.memory_space<hbm>>) dst(%arg10 : memref<80x128xf32, #tpu.memory_space<vmem>>)
      %dma_wait3A_449 = arith.constant 0 : i32
      %dma_wait3A_450 = arith.constant 0 : i32
      %dma_wait3A_451 = tpu.memref_slice %arg2[%dma_wait3A_449, %dma_wait3A_450] : memref<10000x128xf32, #tpu.memory_space<hbm>> -> memref<80x128xf32, #tpu.memory_space<hbm>>
      %dma_wait3A_452 = arith.constant 0 : i32
      %dma_wait3A_453 = arith.constant 0 : i32
      %dma_wait3A_454 = tpu.memref_slice %arg2[%dma_wait3A_452, %dma_wait3A_453] : memref<10000x128xf32, #tpu.memory_space<hbm>> -> memref<80x128xf32, #tpu.memory_space<hbm>>
      tpu.wait_dma2 semaphore(%arg14 : memref<!tpu.dma_semaphore, #tpu.memory_space<semaphore_mem>>) src(%dma_wait3A_454 : memref<80x128xf32, #tpu.memory_space<hbm>>) dst(%arg9 : memref<80x128xf32, #tpu.memory_space<vmem>>)
      %dma_start3A_455 = arith.constant 0 : i32
      %dma_start3A_456 = tpu.memref_slice %arg8[%dma_start3A_455] : memref<320xi32, #tpu.memory_space<vmem>> -> memref<80xi32, #tpu.memory_space<vmem>>
      %dma_start3A_457 = arith.constant 0 : i32
      %dma_start3A_458 = arith.constant 0 : i32
      %dma_start3A_459 = tpu.memref_slice %arg13[%dma_start3A_457, %dma_start3A_458] : memref<10240x128xf32, #tpu.memory_space<vmem_shared>> -> memref<10240x128xf32, #tpu.memory_space<vmem_shared>>
      tpu.enqueue_indirect_dma source(%arg9 : memref<80x128xf32, #tpu.memory_space<vmem>>) target(%dma_start3A_459 : memref<10240x128xf32, #tpu.memory_space<vmem_shared>>) offsets(%dma_start3A_456 : memref<80xi32, #tpu.memory_space<vmem>>) semaphore(%arg18 : memref<!tpu.dma_semaphore, #tpu.memory_space<semaphore_mem>>) {add = true}
      %dma_start3A_460 = arith.constant 80 : i32
      %dma_start3A_461 = tpu.memref_slice %arg6[%dma_start3A_460] : memref<320xi32, #tpu.memory_space<vmem>> -> memref<80xi32, #tpu.memory_space<vmem>>
      %dma_start3A_462 = arith.constant 0 : i32
      %dma_start3A_463 = arith.constant 0 : i32
      %dma_start3A_464 = tpu.memref_slice %arg2[%dma_start3A_462, %dma_start3A_463] : memref<10000x128xf32, #tpu.memory_space<hbm>> -> memref<10000x128xf32, #tpu.memory_space<hbm>>
      tpu.enqueue_indirect_dma source(%dma_start3A_464 : memref<10000x128xf32, #tpu.memory_space<hbm>>) target(%arg10 : memref<80x128xf32, #tpu.memory_space<vmem>>) offsets(%dma_start3A_461 : memref<80xi32, #tpu.memory_space<vmem>>) semaphore(%arg15 : memref<!tpu.dma_semaphore, #tpu.memory_space<semaphore_mem>>)
      %dma_wait3A_465 = arith.constant 0 : i32
      %dma_wait3A_466 = arith.constant 0 : i32
      %dma_wait3A_467 = tpu.memref_slice %arg2[%dma_wait3A_465, %dma_wait3A_466] : memref<10000x128xf32, #tpu.memory_space<hbm>> -> memref<80x128xf32, #tpu.memory_space<hbm>>
      %dma_wait3A_468 = arith.constant 0 : i32
      %dma_wait3A_469 = arith.constant 0 : i32
      %dma_wait3A_470 = tpu.memref_slice %arg2[%dma_wait3A_468, %dma_wait3A_469] : memref<10000x128xf32, #tpu.memory_space<hbm>> -> memref<80x128xf32, #tpu.memory_space<hbm>>
      tpu.wait_dma2 semaphore(%arg20 : memref<!tpu.dma_semaphore, #tpu.memory_space<semaphore_mem>>) src(%dma_wait3A_470 : memref<80x128xf32, #tpu.memory_space<hbm>>) dst(%arg11 : memref<80x128xf32, #tpu.memory_space<vmem>>)
      %dma_wait3A_471 = arith.constant 0 : i32
      %dma_wait3A_472 = arith.constant 0 : i32
      %dma_wait3A_473 = tpu.memref_slice %arg2[%dma_wait3A_471, %dma_wait3A_472] : memref<10000x128xf32, #tpu.memory_space<hbm>> -> memref<80x128xf32, #tpu.memory_space<hbm>>
      %dma_wait3A_474 = arith.constant 0 : i32
      %dma_wait3A_475 = arith.constant 0 : i32
      %dma_wait3A_476 = tpu.memref_slice %arg2[%dma_wait3A_474, %dma_wait3A_475] : memref<10000x128xf32, #tpu.memory_space<hbm>> -> memref<80x128xf32, #tpu.memory_space<hbm>>
      tpu.wait_dma2 semaphore(%arg15 : memref<!tpu.dma_semaphore, #tpu.memory_space<semaphore_mem>>) src(%dma_wait3A_476 : memref<80x128xf32, #tpu.memory_space<hbm>>) dst(%arg10 : memref<80x128xf32, #tpu.memory_space<vmem>>)
      %dma_start3A_477 = arith.constant 80 : i32
      %dma_start3A_478 = tpu.memref_slice %arg8[%dma_start3A_477] : memref<320xi32, #tpu.memory_space<vmem>> -> memref<80xi32, #tpu.memory_space<vmem>>
      %dma_start3A_479 = arith.constant 0 : i32
      %dma_start3A_480 = arith.constant 0 : i32
      %dma_start3A_481 = tpu.memref_slice %arg13[%dma_start3A_479, %dma_start3A_480] : memref<10240x128xf32, #tpu.memory_space<vmem_shared>> -> memref<10240x128xf32, #tpu.memory_space<vmem_shared>>
      tpu.enqueue_indirect_dma source(%arg10 : memref<80x128xf32, #tpu.memory_space<vmem>>) target(%dma_start3A_481 : memref<10240x128xf32, #tpu.memory_space<vmem_shared>>) offsets(%dma_start3A_478 : memref<80xi32, #tpu.memory_space<vmem>>) semaphore(%arg19 : memref<!tpu.dma_semaphore, #tpu.memory_space<semaphore_mem>>) {add = true}
      %dma_start3A_482 = arith.constant 160 : i32
      %dma_start3A_483 = tpu.memref_slice %arg6[%dma_start3A_482] : memref<320xi32, #tpu.memory_space<vmem>> -> memref<80xi32, #tpu.memory_space<vmem>>
      %dma_start3A_484 = arith.constant 0 : i32
      %dma_start3A_485 = arith.constant 0 : i32
      %dma_start3A_486 = tpu.memref_slice %arg2[%dma_start3A_484, %dma_start3A_485] : memref<10000x128xf32, #tpu.memory_space<hbm>> -> memref<10000x128xf32, #tpu.memory_space<hbm>>
      tpu.enqueue_indirect_dma source(%dma_start3A_486 : memref<10000x128xf32, #tpu.memory_space<hbm>>) target(%arg11 : memref<80x128xf32, #tpu.memory_space<vmem>>) offsets(%dma_start3A_483 : memref<80xi32, #tpu.memory_space<vmem>>) semaphore(%arg16 : memref<!tpu.dma_semaphore, #tpu.memory_space<semaphore_mem>>)
      %dma_wait3A_487 = arith.constant 0 : i32
      %dma_wait3A_488 = arith.constant 0 : i32
      %dma_wait3A_489 = tpu.memref_slice %arg2[%dma_wait3A_487, %dma_wait3A_488] : memref<10000x128xf32, #tpu.memory_space<hbm>> -> memref<80x128xf32, #tpu.memory_space<hbm>>
      %dma_wait3A_490 = arith.constant 0 : i32
      %dma_wait3A_491 = arith.constant 0 : i32
      %dma_wait3A_492 = tpu.memref_slice %arg2[%dma_wait3A_490, %dma_wait3A_491] : memref<10000x128xf32, #tpu.memory_space<hbm>> -> memref<80x128xf32, #tpu.memory_space<hbm>>
      tpu.wait_dma2 semaphore(%arg21 : memref<!tpu.dma_semaphore, #tpu.memory_space<semaphore_mem>>) src(%dma_wait3A_492 : memref<80x128xf32, #tpu.memory_space<hbm>>) dst(%arg12 : memref<80x128xf32, #tpu.memory_space<vmem>>)
      %dma_wait3A_493 = arith.constant 0 : i32
      %dma_wait3A_494 = arith.constant 0 : i32
      %dma_wait3A_495 = tpu.memref_slice %arg2[%dma_wait3A_493, %dma_wait3A_494] : memref<10000x128xf32, #tpu.memory_space<hbm>> -> memref<80x128xf32, #tpu.memory_space<hbm>>
      %dma_wait3A_496 = arith.constant 0 : i32
      %dma_wait3A_497 = arith.constant 0 : i32
      %dma_wait3A_498 = tpu.memref_slice %arg2[%dma_wait3A_496, %dma_wait3A_497] : memref<10000x128xf32, #tpu.memory_space<hbm>> -> memref<80x128xf32, #tpu.memory_space<hbm>>
      tpu.wait_dma2 semaphore(%arg16 : memref<!tpu.dma_semaphore, #tpu.memory_space<semaphore_mem>>) src(%dma_wait3A_498 : memref<80x128xf32, #tpu.memory_space<hbm>>) dst(%arg11 : memref<80x128xf32, #tpu.memory_space<vmem>>)
      %dma_start3A_499 = arith.constant 160 : i32
      %dma_start3A_500 = tpu.memref_slice %arg8[%dma_start3A_499] : memref<320xi32, #tpu.memory_space<vmem>> -> memref<80xi32, #tpu.memory_space<vmem>>
      %dma_start3A_501 = arith.constant 0 : i32
      %dma_start3A_502 = arith.constant 0 : i32
      %dma_start3A_503 = tpu.memref_slice %arg13[%dma_start3A_501, %dma_start3A_502] : memref<10240x128xf32, #tpu.memory_space<vmem_shared>> -> memref<10240x128xf32, #tpu.memory_space<vmem_shared>>
      tpu.enqueue_indirect_dma source(%arg11 : memref<80x128xf32, #tpu.memory_space<vmem>>) target(%dma_start3A_503 : memref<10240x128xf32, #tpu.memory_space<vmem_shared>>) offsets(%dma_start3A_500 : memref<80xi32, #tpu.memory_space<vmem>>) semaphore(%arg20 : memref<!tpu.dma_semaphore, #tpu.memory_space<semaphore_mem>>) {add = true}
      %dma_start3A_504 = arith.constant 240 : i32
      %dma_start3A_505 = tpu.memref_slice %arg6[%dma_start3A_504] : memref<320xi32, #tpu.memory_space<vmem>> -> memref<80xi32, #tpu.memory_space<vmem>>
      %dma_start3A_506 = arith.constant 0 : i32
      %dma_start3A_507 = arith.constant 0 : i32
      %dma_start3A_508 = tpu.memref_slice %arg2[%dma_start3A_506, %dma_start3A_507] : memref<10000x128xf32, #tpu.memory_space<hbm>> -> memref<10000x128xf32, #tpu.memory_space<hbm>>
      tpu.enqueue_indirect_dma source(%dma_start3A_508 : memref<10000x128xf32, #tpu.memory_space<hbm>>) target(%arg12 : memref<80x128xf32, #tpu.memory_space<vmem>>) offsets(%dma_start3A_505 : memref<80xi32, #tpu.memory_space<vmem>>) semaphore(%arg17 : memref<!tpu.dma_semaphore, #tpu.memory_space<semaphore_mem>>)
      %add3A_509 = arith.constant 4 : i32
      %add3A_510 = arith.addi %add3A_442, %add3A_509 : i32
      %dma_wait3A_511 = arith.constant 0 : i32
      %dma_wait3A_512 = arith.constant 0 : i32
      %dma_wait3A_513 = tpu.memref_slice %arg2[%dma_wait3A_511, %dma_wait3A_512] : memref<10000x128xf32, #tpu.memory_space<hbm>> -> memref<80x128xf32, #tpu.memory_space<hbm>>
      %dma_wait3A_514 = arith.constant 0 : i32
      %dma_wait3A_515 = arith.constant 0 : i32
      %dma_wait3A_516 = tpu.memref_slice %arg2[%dma_wait3A_514, %dma_wait3A_515] : memref<10000x128xf32, #tpu.memory_space<hbm>> -> memref<80x128xf32, #tpu.memory_space<hbm>>
      tpu.wait_dma2 semaphore(%arg18 : memref<!tpu.dma_semaphore, #tpu.memory_space<semaphore_mem>>) src(%dma_wait3A_516 : memref<80x128xf32, #tpu.memory_space<hbm>>) dst(%arg9 : memref<80x128xf32, #tpu.memory_space<vmem>>)
      %mul3A_517 = arith.constant 80 : i32
      %mul3A_518 = arith.muli %add3A_510, %mul3A_517 : i32
      %dma_start3A_519 = arith.constant 0 : i32
      %dma_start3A_520 = tpu.memref_slice %arg5[%dma_start3A_519] : memref<320xi32, #tpu.memory_space<vmem>> -> memref<320xi32, #tpu.memory_space<vmem>>
      %dma_start3A_521 = tpu.memref_slice %arg3[%mul3A_518] : memref<640000xi32, #tpu.memory_space<hbm>> -> memref<320xi32, #tpu.memory_space<hbm>>
      %dma_start3A_522 = arith.constant 0 : i32
      %dma_start3A_523 = tpu.memref_slice %arg5[%dma_start3A_522] : memref<320xi32, #tpu.memory_space<vmem>> -> memref<320xi32, #tpu.memory_space<vmem>>
      %dma_start3A_524 = tpu.memref_slice %arg3[%mul3A_518] : memref<640000xi32, #tpu.memory_space<hbm>> -> memref<320xi32, #tpu.memory_space<hbm>>
      tpu.enqueue_dma source(%dma_start3A_524 : memref<320xi32, #tpu.memory_space<hbm>>) target(%dma_start3A_523 : memref<320xi32, #tpu.memory_space<vmem>>) target_semaphore(%arg22 : memref<!tpu.dma_semaphore, #tpu.memory_space<semaphore_mem>>)
      %mul3A_525 = arith.constant 80 : i32
      %mul3A_526 = arith.muli %add3A_510, %mul3A_525 : i32
      %add3A_527 = arith.constant 320000 : i32
      %add3A_528 = arith.addi %add3A_527, %mul3A_526 : i32
      %dma_start3A_529 = arith.constant 0 : i32
      %dma_start3A_530 = tpu.memref_slice %arg7[%dma_start3A_529] : memref<320xi32, #tpu.memory_space<vmem>> -> memref<320xi32, #tpu.memory_space<vmem>>
      %dma_start3A_531 = tpu.memref_slice %arg3[%add3A_528] : memref<640000xi32, #tpu.memory_space<hbm>> -> memref<320xi32, #tpu.memory_space<hbm>>
      %dma_start3A_532 = arith.constant 0 : i32
      %dma_start3A_533 = tpu.memref_slice %arg7[%dma_start3A_532] : memref<320xi32, #tpu.memory_space<vmem>> -> memref<320xi32, #tpu.memory_space<vmem>>
      %dma_start3A_534 = tpu.memref_slice %arg3[%add3A_528] : memref<640000xi32, #tpu.memory_space<hbm>> -> memref<320xi32, #tpu.memory_space<hbm>>
      tpu.enqueue_dma source(%dma_start3A_534 : memref<320xi32, #tpu.memory_space<hbm>>) target(%dma_start3A_533 : memref<320xi32, #tpu.memory_space<vmem>>) target_semaphore(%arg22 : memref<!tpu.dma_semaphore, #tpu.memory_space<semaphore_mem>>)
      %dma_wait3A_535 = arith.constant 0 : i32
      %dma_wait3A_536 = arith.constant 0 : i32
      %dma_wait3A_537 = tpu.memref_slice %arg2[%dma_wait3A_535, %dma_wait3A_536] : memref<10000x128xf32, #tpu.memory_space<hbm>> -> memref<80x128xf32, #tpu.memory_space<hbm>>
      %dma_wait3A_538 = arith.constant 0 : i32
      %dma_wait3A_539 = arith.constant 0 : i32
      %dma_wait3A_540 = tpu.memref_slice %arg2[%dma_wait3A_538, %dma_wait3A_539] : memref<10000x128xf32, #tpu.memory_space<hbm>> -> memref<80x128xf32, #tpu.memory_space<hbm>>
      tpu.wait_dma2 semaphore(%arg17 : memref<!tpu.dma_semaphore, #tpu.memory_space<semaphore_mem>>) src(%dma_wait3A_540 : memref<80x128xf32, #tpu.memory_space<hbm>>) dst(%arg12 : memref<80x128xf32, #tpu.memory_space<vmem>>)
      %dma_start3A_541 = arith.constant 240 : i32
      %dma_start3A_542 = tpu.memref_slice %arg8[%dma_start3A_541] : memref<320xi32, #tpu.memory_space<vmem>> -> memref<80xi32, #tpu.memory_space<vmem>>
      %dma_start3A_543 = arith.constant 0 : i32
      %dma_start3A_544 = arith.constant 0 : i32
      %dma_start3A_545 = tpu.memref_slice %arg13[%dma_start3A_543, %dma_start3A_544] : memref<10240x128xf32, #tpu.memory_space<vmem_shared>> -> memref<10240x128xf32, #tpu.memory_space<vmem_shared>>
      tpu.enqueue_indirect_dma source(%arg12 : memref<80x128xf32, #tpu.memory_space<vmem>>) target(%dma_start3A_545 : memref<10240x128xf32, #tpu.memory_space<vmem_shared>>) offsets(%dma_start3A_542 : memref<80xi32, #tpu.memory_space<vmem>>) semaphore(%arg21 : memref<!tpu.dma_semaphore, #tpu.memory_space<semaphore_mem>>) {add = true}
      %dma_wait3A_546 = arith.constant 0 : i32
      %dma_wait3A_547 = tpu.memref_slice %arg5[%dma_wait3A_546] : memref<320xi32, #tpu.memory_space<vmem>> -> memref<320xi32, #tpu.memory_space<vmem>>
      %dma_wait3A_548 = tpu.memref_slice %arg3[%mul3A_518] : memref<640000xi32, #tpu.memory_space<hbm>> -> memref<320xi32, #tpu.memory_space<hbm>>
      %dma_wait3A_549 = arith.constant 0 : i32
      %dma_wait3A_550 = tpu.memref_slice %arg5[%dma_wait3A_549] : memref<320xi32, #tpu.memory_space<vmem>> -> memref<320xi32, #tpu.memory_space<vmem>>
      %dma_wait3A_551 = tpu.memref_slice %arg3[%mul3A_518] : memref<640000xi32, #tpu.memory_space<hbm>> -> memref<320xi32, #tpu.memory_space<hbm>>
      tpu.wait_dma2 semaphore(%arg22 : memref<!tpu.dma_semaphore, #tpu.memory_space<semaphore_mem>>) src(%dma_wait3A_551 : memref<320xi32, #tpu.memory_space<hbm>>) dst(%dma_wait3A_550 : memref<320xi32, #tpu.memory_space<vmem>>)
      %dma_wait3A_552 = arith.constant 0 : i32
      %dma_wait3A_553 = tpu.memref_slice %arg7[%dma_wait3A_552] : memref<320xi32, #tpu.memory_space<vmem>> -> memref<320xi32, #tpu.memory_space<vmem>>
      %dma_wait3A_554 = tpu.memref_slice %arg3[%add3A_528] : memref<640000xi32, #tpu.memory_space<hbm>> -> memref<320xi32, #tpu.memory_space<hbm>>
      %dma_wait3A_555 = arith.constant 0 : i32
      %dma_wait3A_556 = tpu.memref_slice %arg7[%dma_wait3A_555] : memref<320xi32, #tpu.memory_space<vmem>> -> memref<320xi32, #tpu.memory_space<vmem>>
      %dma_wait3A_557 = tpu.memref_slice %arg3[%add3A_528] : memref<640000xi32, #tpu.memory_space<hbm>> -> memref<320xi32, #tpu.memory_space<hbm>>
      tpu.wait_dma2 semaphore(%arg22 : memref<!tpu.dma_semaphore, #tpu.memory_space<semaphore_mem>>) src(%dma_wait3A_557 : memref<320xi32, #tpu.memory_space<hbm>>) dst(%dma_wait3A_556 : memref<320xi32, #tpu.memory_space<vmem>>)
      %dma_start3A_558 = arith.constant 0 : i32
      %dma_start3A_559 = tpu.memref_slice %arg5[%dma_start3A_558] : memref<320xi32, #tpu.memory_space<vmem>> -> memref<80xi32, #tpu.memory_space<vmem>>
      %dma_start3A_560 = arith.constant 0 : i32
      %dma_start3A_561 = arith.constant 0 : i32
      %dma_start3A_562 = tpu.memref_slice %arg2[%dma_start3A_560, %dma_start3A_561] : memref<10000x128xf32, #tpu.memory_space<hbm>> -> memref<10000x128xf32, #tpu.memory_space<hbm>>
      tpu.enqueue_indirect_dma source(%dma_start3A_562 : memref<10000x128xf32, #tpu.memory_space<hbm>>) target(%arg9 : memref<80x128xf32, #tpu.memory_space<vmem>>) offsets(%dma_start3A_559 : memref<80xi32, #tpu.memory_space<vmem>>) semaphore(%arg14 : memref<!tpu.dma_semaphore, #tpu.memory_space<semaphore_mem>>)
      %dma_wait3A_563 = arith.constant 0 : i32
      %dma_wait3A_564 = arith.constant 0 : i32
      %dma_wait3A_565 = tpu.memref_slice %arg2[%dma_wait3A_563, %dma_wait3A_564] : memref<10000x128xf32, #tpu.memory_space<hbm>> -> memref<80x128xf32, #tpu.memory_space<hbm>>
      %dma_wait3A_566 = arith.constant 0 : i32
      %dma_wait3A_567 = arith.constant 0 : i32
      %dma_wait3A_568 = tpu.memref_slice %arg2[%dma_wait3A_566, %dma_wait3A_567] : memref<10000x128xf32, #tpu.memory_space<hbm>> -> memref<80x128xf32, #tpu.memory_space<hbm>>
      tpu.wait_dma2 semaphore(%arg19 : memref<!tpu.dma_semaphore, #tpu.memory_space<semaphore_mem>>) src(%dma_wait3A_568 : memref<80x128xf32, #tpu.memory_space<hbm>>) dst(%arg10 : memref<80x128xf32, #tpu.memory_space<vmem>>)
      %dma_wait3A_569 = arith.constant 0 : i32
      %dma_wait3A_570 = arith.constant 0 : i32
      %dma_wait3A_571 = tpu.memref_slice %arg2[%dma_wait3A_569, %dma_wait3A_570] : memref<10000x128xf32, #tpu.memory_space<hbm>> -> memref<80x128xf32, #tpu.memory_space<hbm>>
      %dma_wait3A_572 = arith.constant 0 : i32
      %dma_wait3A_573 = arith.constant 0 : i32
      %dma_wait3A_574 = tpu.memref_slice %arg2[%dma_wait3A_572, %dma_wait3A_573] : memref<10000x128xf32, #tpu.memory_space<hbm>> -> memref<80x128xf32, #tpu.memory_space<hbm>>
      tpu.wait_dma2 semaphore(%arg14 : memref<!tpu.dma_semaphore, #tpu.memory_space<semaphore_mem>>) src(%dma_wait3A_574 : memref<80x128xf32, #tpu.memory_space<hbm>>) dst(%arg9 : memref<80x128xf32, #tpu.memory_space<vmem>>)
      %dma_start3A_575 = arith.constant 0 : i32
      %dma_start3A_576 = tpu.memref_slice %arg7[%dma_start3A_575] : memref<320xi32, #tpu.memory_space<vmem>> -> memref<80xi32, #tpu.memory_space<vmem>>
      %dma_start3A_577 = arith.constant 0 : i32
      %dma_start3A_578 = arith.constant 0 : i32
      %dma_start3A_579 = tpu.memref_slice %arg13[%dma_start3A_577, %dma_start3A_578] : memref<10240x128xf32, #tpu.memory_space<vmem_shared>> -> memref<10240x128xf32, #tpu.memory_space<vmem_shared>>
      tpu.enqueue_indirect_dma source(%arg9 : memref<80x128xf32, #tpu.memory_space<vmem>>) target(%dma_start3A_579 : memref<10240x128xf32, #tpu.memory_space<vmem_shared>>) offsets(%dma_start3A_576 : memref<80xi32, #tpu.memory_space<vmem>>) semaphore(%arg18 : memref<!tpu.dma_semaphore, #tpu.memory_space<semaphore_mem>>) {add = true}
      %dma_start3A_580 = arith.constant 80 : i32
      %dma_start3A_581 = tpu.memref_slice %arg5[%dma_start3A_580] : memref<320xi32, #tpu.memory_space<vmem>> -> memref<80xi32, #tpu.memory_space<vmem>>
      %dma_start3A_582 = arith.constant 0 : i32
      %dma_start3A_583 = arith.constant 0 : i32
      %dma_start3A_584 = tpu.memref_slice %arg2[%dma_start3A_582, %dma_start3A_583] : memref<10000x128xf32, #tpu.memory_space<hbm>> -> memref<10000x128xf32, #tpu.memory_space<hbm>>
      tpu.enqueue_indirect_dma source(%dma_start3A_584 : memref<10000x128xf32, #tpu.memory_space<hbm>>) target(%arg10 : memref<80x128xf32, #tpu.memory_space<vmem>>) offsets(%dma_start3A_581 : memref<80xi32, #tpu.memory_space<vmem>>) semaphore(%arg15 : memref<!tpu.dma_semaphore, #tpu.memory_space<semaphore_mem>>)
      %dma_wait3A_585 = arith.constant 0 : i32
      %dma_wait3A_586 = arith.constant 0 : i32
      %dma_wait3A_587 = tpu.memref_slice %arg2[%dma_wait3A_585, %dma_wait3A_586] : memref<10000x128xf32, #tpu.memory_space<hbm>> -> memref<80x128xf32, #tpu.memory_space<hbm>>
      %dma_wait3A_588 = arith.constant 0 : i32
      %dma_wait3A_589 = arith.constant 0 : i32
      %dma_wait3A_590 = tpu.memref_slice %arg2[%dma_wait3A_588, %dma_wait3A_589] : memref<10000x128xf32, #tpu.memory_space<hbm>> -> memref<80x128xf32, #tpu.memory_space<hbm>>
      tpu.wait_dma2 semaphore(%arg20 : memref<!tpu.dma_semaphore, #tpu.memory_space<semaphore_mem>>) src(%dma_wait3A_590 : memref<80x128xf32, #tpu.memory_space<hbm>>) dst(%arg11 : memref<80x128xf32, #tpu.memory_space<vmem>>)
      %dma_wait3A_591 = arith.constant 0 : i32
      %dma_wait3A_592 = arith.constant 0 : i32
      %dma_wait3A_593 = tpu.memref_slice %arg2[%dma_wait3A_591, %dma_wait3A_592] : memref<10000x128xf32, #tpu.memory_space<hbm>> -> memref<80x128xf32, #tpu.memory_space<hbm>>
      %dma_wait3A_594 = arith.constant 0 : i32
      %dma_wait3A_595 = arith.constant 0 : i32
      %dma_wait3A_596 = tpu.memref_slice %arg2[%dma_wait3A_594, %dma_wait3A_595] : memref<10000x128xf32, #tpu.memory_space<hbm>> -> memref<80x128xf32, #tpu.memory_space<hbm>>
      tpu.wait_dma2 semaphore(%arg15 : memref<!tpu.dma_semaphore, #tpu.memory_space<semaphore_mem>>) src(%dma_wait3A_596 : memref<80x128xf32, #tpu.memory_space<hbm>>) dst(%arg10 : memref<80x128xf32, #tpu.memory_space<vmem>>)
      %dma_start3A_597 = arith.constant 80 : i32
      %dma_start3A_598 = tpu.memref_slice %arg7[%dma_start3A_597] : memref<320xi32, #tpu.memory_space<vmem>> -> memref<80xi32, #tpu.memory_space<vmem>>
      %dma_start3A_599 = arith.constant 0 : i32
      %dma_start3A_600 = arith.constant 0 : i32
      %dma_start3A_601 = tpu.memref_slice %arg13[%dma_start3A_599, %dma_start3A_600] : memref<10240x128xf32, #tpu.memory_space<vmem_shared>> -> memref<10240x128xf32, #tpu.memory_space<vmem_shared>>
      tpu.enqueue_indirect_dma source(%arg10 : memref<80x128xf32, #tpu.memory_space<vmem>>) target(%dma_start3A_601 : memref<10240x128xf32, #tpu.memory_space<vmem_shared>>) offsets(%dma_start3A_598 : memref<80xi32, #tpu.memory_space<vmem>>) semaphore(%arg19 : memref<!tpu.dma_semaphore, #tpu.memory_space<semaphore_mem>>) {add = true}
      %dma_start3A_602 = arith.constant 160 : i32
      %dma_start3A_603 = tpu.memref_slice %arg5[%dma_start3A_602] : memref<320xi32, #tpu.memory_space<vmem>> -> memref<80xi32, #tpu.memory_space<vmem>>
      %dma_start3A_604 = arith.constant 0 : i32
      %dma_start3A_605 = arith.constant 0 : i32
      %dma_start3A_606 = tpu.memref_slice %arg2[%dma_start3A_604, %dma_start3A_605] : memref<10000x128xf32, #tpu.memory_space<hbm>> -> memref<10000x128xf32, #tpu.memory_space<hbm>>
      tpu.enqueue_indirect_dma source(%dma_start3A_606 : memref<10000x128xf32, #tpu.memory_space<hbm>>) target(%arg11 : memref<80x128xf32, #tpu.memory_space<vmem>>) offsets(%dma_start3A_603 : memref<80xi32, #tpu.memory_space<vmem>>) semaphore(%arg16 : memref<!tpu.dma_semaphore, #tpu.memory_space<semaphore_mem>>)
      %dma_wait3A_607 = arith.constant 0 : i32
      %dma_wait3A_608 = arith.constant 0 : i32
      %dma_wait3A_609 = tpu.memref_slice %arg2[%dma_wait3A_607, %dma_wait3A_608] : memref<10000x128xf32, #tpu.memory_space<hbm>> -> memref<80x128xf32, #tpu.memory_space<hbm>>
      %dma_wait3A_610 = arith.constant 0 : i32
      %dma_wait3A_611 = arith.constant 0 : i32
      %dma_wait3A_612 = tpu.memref_slice %arg2[%dma_wait3A_610, %dma_wait3A_611] : memref<10000x128xf32, #tpu.memory_space<hbm>> -> memref<80x128xf32, #tpu.memory_space<hbm>>
      tpu.wait_dma2 semaphore(%arg21 : memref<!tpu.dma_semaphore, #tpu.memory_space<semaphore_mem>>) src(%dma_wait3A_612 : memref<80x128xf32, #tpu.memory_space<hbm>>) dst(%arg12 : memref<80x128xf32, #tpu.memory_space<vmem>>)
      %dma_wait3A_613 = arith.constant 0 : i32
      %dma_wait3A_614 = arith.constant 0 : i32
      %dma_wait3A_615 = tpu.memref_slice %arg2[%dma_wait3A_613, %dma_wait3A_614] : memref<10000x128xf32, #tpu.memory_space<hbm>> -> memref<80x128xf32, #tpu.memory_space<hbm>>
      %dma_wait3A_616 = arith.constant 0 : i32
      %dma_wait3A_617 = arith.constant 0 : i32
      %dma_wait3A_618 = tpu.memref_slice %arg2[%dma_wait3A_616, %dma_wait3A_617] : memref<10000x128xf32, #tpu.memory_space<hbm>> -> memref<80x128xf32, #tpu.memory_space<hbm>>
      tpu.wait_dma2 semaphore(%arg16 : memref<!tpu.dma_semaphore, #tpu.memory_space<semaphore_mem>>) src(%dma_wait3A_618 : memref<80x128xf32, #tpu.memory_space<hbm>>) dst(%arg11 : memref<80x128xf32, #tpu.memory_space<vmem>>)
      %dma_start3A_619 = arith.constant 160 : i32
      %dma_start3A_620 = tpu.memref_slice %arg7[%dma_start3A_619] : memref<320xi32, #tpu.memory_space<vmem>> -> memref<80xi32, #tpu.memory_space<vmem>>
      %dma_start3A_621 = arith.constant 0 : i32
      %dma_start3A_622 = arith.constant 0 : i32
      %dma_start3A_623 = tpu.memref_slice %arg13[%dma_start3A_621, %dma_start3A_622] : memref<10240x128xf32, #tpu.memory_space<vmem_shared>> -> memref<10240x128xf32, #tpu.memory_space<vmem_shared>>
      tpu.enqueue_indirect_dma source(%arg11 : memref<80x128xf32, #tpu.memory_space<vmem>>) target(%dma_start3A_623 : memref<10240x128xf32, #tpu.memory_space<vmem_shared>>) offsets(%dma_start3A_620 : memref<80xi32, #tpu.memory_space<vmem>>) semaphore(%arg20 : memref<!tpu.dma_semaphore, #tpu.memory_space<semaphore_mem>>) {add = true}
      %dma_start3A_624 = arith.constant 240 : i32
      %dma_start3A_625 = tpu.memref_slice %arg5[%dma_start3A_624] : memref<320xi32, #tpu.memory_space<vmem>> -> memref<80xi32, #tpu.memory_space<vmem>>
      %dma_start3A_626 = arith.constant 0 : i32
      %dma_start3A_627 = arith.constant 0 : i32
      %dma_start3A_628 = tpu.memref_slice %arg2[%dma_start3A_626, %dma_start3A_627] : memref<10000x128xf32, #tpu.memory_space<hbm>> -> memref<10000x128xf32, #tpu.memory_space<hbm>>
      tpu.enqueue_indirect_dma source(%dma_start3A_628 : memref<10000x128xf32, #tpu.memory_space<hbm>>) target(%arg12 : memref<80x128xf32, #tpu.memory_space<vmem>>) offsets(%dma_start3A_625 : memref<80xi32, #tpu.memory_space<vmem>>) semaphore(%arg17 : memref<!tpu.dma_semaphore, #tpu.memory_space<semaphore_mem>>)
      %add3A_629 = arith.constant 8 : i32
      %add3A_630 = arith.addi %add3A_442, %add3A_629 : i32
      %dma_wait3A_631 = arith.constant 0 : i32
      %dma_wait3A_632 = arith.constant 0 : i32
      %dma_wait3A_633 = tpu.memref_slice %arg2[%dma_wait3A_631, %dma_wait3A_632] : memref<10000x128xf32, #tpu.memory_space<hbm>> -> memref<80x128xf32, #tpu.memory_space<hbm>>
      %dma_wait3A_634 = arith.constant 0 : i32
      %dma_wait3A_635 = arith.constant 0 : i32
      %dma_wait3A_636 = tpu.memref_slice %arg2[%dma_wait3A_634, %dma_wait3A_635] : memref<10000x128xf32, #tpu.memory_space<hbm>> -> memref<80x128xf32, #tpu.memory_space<hbm>>
      tpu.wait_dma2 semaphore(%arg18 : memref<!tpu.dma_semaphore, #tpu.memory_space<semaphore_mem>>) src(%dma_wait3A_636 : memref<80x128xf32, #tpu.memory_space<hbm>>) dst(%arg9 : memref<80x128xf32, #tpu.memory_space<vmem>>)
      %mul3A_637 = arith.constant 80 : i32
      %mul3A_638 = arith.muli %add3A_630, %mul3A_637 : i32
      %dma_start3A_639 = arith.constant 0 : i32
      %dma_start3A_640 = tpu.memref_slice %arg6[%dma_start3A_639] : memref<320xi32, #tpu.memory_space<vmem>> -> memref<320xi32, #tpu.memory_space<vmem>>
      %dma_start3A_641 = tpu.memref_slice %arg3[%mul3A_638] : memref<640000xi32, #tpu.memory_space<hbm>> -> memref<320xi32, #tpu.memory_space<hbm>>
      %dma_start3A_642 = arith.constant 0 : i32
      %dma_start3A_643 = tpu.memref_slice %arg6[%dma_start3A_642] : memref<320xi32, #tpu.memory_space<vmem>> -> memref<320xi32, #tpu.memory_space<vmem>>
      %dma_start3A_644 = tpu.memref_slice %arg3[%mul3A_638] : memref<640000xi32, #tpu.memory_space<hbm>> -> memref<320xi32, #tpu.memory_space<hbm>>
      tpu.enqueue_dma source(%dma_start3A_644 : memref<320xi32, #tpu.memory_space<hbm>>) target(%dma_start3A_643 : memref<320xi32, #tpu.memory_space<vmem>>) target_semaphore(%arg22 : memref<!tpu.dma_semaphore, #tpu.memory_space<semaphore_mem>>)
      %mul3A_645 = arith.constant 80 : i32
      %mul3A_646 = arith.muli %add3A_630, %mul3A_645 : i32
      %add3A_647 = arith.constant 320000 : i32
      %add3A_648 = arith.addi %add3A_647, %mul3A_646 : i32
      %dma_start3A_649 = arith.constant 0 : i32
      %dma_start3A_650 = tpu.memref_slice %arg8[%dma_start3A_649] : memref<320xi32, #tpu.memory_space<vmem>> -> memref<320xi32, #tpu.memory_space<vmem>>
      %dma_start3A_651 = tpu.memref_slice %arg3[%add3A_648] : memref<640000xi32, #tpu.memory_space<hbm>> -> memref<320xi32, #tpu.memory_space<hbm>>
      %dma_start3A_652 = arith.constant 0 : i32
      %dma_start3A_653 = tpu.memref_slice %arg8[%dma_start3A_652] : memref<320xi32, #tpu.memory_space<vmem>> -> memref<320xi32, #tpu.memory_space<vmem>>
      %dma_start3A_654 = tpu.memref_slice %arg3[%add3A_648] : memref<640000xi32, #tpu.memory_space<hbm>> -> memref<320xi32, #tpu.memory_space<hbm>>
      tpu.enqueue_dma source(%dma_start3A_654 : memref<320xi32, #tpu.memory_space<hbm>>) target(%dma_start3A_653 : memref<320xi32, #tpu.memory_space<vmem>>) target_semaphore(%arg22 : memref<!tpu.dma_semaphore, #tpu.memory_space<semaphore_mem>>)
      %dma_wait3A_655 = arith.constant 0 : i32
      %dma_wait3A_656 = arith.constant 0 : i32
      %dma_wait3A_657 = tpu.memref_slice %arg2[%dma_wait3A_655, %dma_wait3A_656] : memref<10000x128xf32, #tpu.memory_space<hbm>> -> memref<80x128xf32, #tpu.memory_space<hbm>>
      %dma_wait3A_658 = arith.constant 0 : i32
      %dma_wait3A_659 = arith.constant 0 : i32
      %dma_wait3A_660 = tpu.memref_slice %arg2[%dma_wait3A_658, %dma_wait3A_659] : memref<10000x128xf32, #tpu.memory_space<hbm>> -> memref<80x128xf32, #tpu.memory_space<hbm>>
      tpu.wait_dma2 semaphore(%arg17 : memref<!tpu.dma_semaphore, #tpu.memory_space<semaphore_mem>>) src(%dma_wait3A_660 : memref<80x128xf32, #tpu.memory_space<hbm>>) dst(%arg12 : memref<80x128xf32, #tpu.memory_space<vmem>>)
      %dma_start3A_661 = arith.constant 240 : i32
      %dma_start3A_662 = tpu.memref_slice %arg7[%dma_start3A_661] : memref<320xi32, #tpu.memory_space<vmem>> -> memref<80xi32, #tpu.memory_space<vmem>>
      %dma_start3A_663 = arith.constant 0 : i32
      %dma_start3A_664 = arith.constant 0 : i32
      %dma_start3A_665 = tpu.memref_slice %arg13[%dma_start3A_663, %dma_start3A_664] : memref<10240x128xf32, #tpu.memory_space<vmem_shared>> -> memref<10240x128xf32, #tpu.memory_space<vmem_shared>>
      tpu.enqueue_indirect_dma source(%arg12 : memref<80x128xf32, #tpu.memory_space<vmem>>) target(%dma_start3A_665 : memref<10240x128xf32, #tpu.memory_space<vmem_shared>>) offsets(%dma_start3A_662 : memref<80xi32, #tpu.memory_space<vmem>>) semaphore(%arg21 : memref<!tpu.dma_semaphore, #tpu.memory_space<semaphore_mem>>) {add = true}
      %dma_wait3A_666 = arith.constant 0 : i32
      %dma_wait3A_667 = tpu.memref_slice %arg6[%dma_wait3A_666] : memref<320xi32, #tpu.memory_space<vmem>> -> memref<320xi32, #tpu.memory_space<vmem>>
      %dma_wait3A_668 = tpu.memref_slice %arg3[%mul3A_638] : memref<640000xi32, #tpu.memory_space<hbm>> -> memref<320xi32, #tpu.memory_space<hbm>>
      %dma_wait3A_669 = arith.constant 0 : i32
      %dma_wait3A_670 = tpu.memref_slice %arg6[%dma_wait3A_669] : memref<320xi32, #tpu.memory_space<vmem>> -> memref<320xi32, #tpu.memory_space<vmem>>
      %dma_wait3A_671 = tpu.memref_slice %arg3[%mul3A_638] : memref<640000xi32, #tpu.memory_space<hbm>> -> memref<320xi32, #tpu.memory_space<hbm>>
      tpu.wait_dma2 semaphore(%arg22 : memref<!tpu.dma_semaphore, #tpu.memory_space<semaphore_mem>>) src(%dma_wait3A_671 : memref<320xi32, #tpu.memory_space<hbm>>) dst(%dma_wait3A_670 : memref<320xi32, #tpu.memory_space<vmem>>)
      %dma_wait3A_672 = arith.constant 0 : i32
      %dma_wait3A_673 = tpu.memref_slice %arg8[%dma_wait3A_672] : memref<320xi32, #tpu.memory_space<vmem>> -> memref<320xi32, #tpu.memory_space<vmem>>
      %dma_wait3A_674 = tpu.memref_slice %arg3[%add3A_648] : memref<640000xi32, #tpu.memory_space<hbm>> -> memref<320xi32, #tpu.memory_space<hbm>>
      %dma_wait3A_675 = arith.constant 0 : i32
      %dma_wait3A_676 = tpu.memref_slice %arg8[%dma_wait3A_675] : memref<320xi32, #tpu.memory_space<vmem>> -> memref<320xi32, #tpu.memory_space<vmem>>
      %dma_wait3A_677 = tpu.memref_slice %arg3[%add3A_648] : memref<640000xi32, #tpu.memory_space<hbm>> -> memref<320xi32, #tpu.memory_space<hbm>>
      tpu.wait_dma2 semaphore(%arg22 : memref<!tpu.dma_semaphore, #tpu.memory_space<semaphore_mem>>) src(%dma_wait3A_677 : memref<320xi32, #tpu.memory_space<hbm>>) dst(%dma_wait3A_676 : memref<320xi32, #tpu.memory_space<vmem>>)
      %dma_start3A_678 = arith.constant 0 : i32
      %dma_start3A_679 = tpu.memref_slice %arg6[%dma_start3A_678] : memref<320xi32, #tpu.memory_space<vmem>> -> memref<80xi32, #tpu.memory_space<vmem>>
      %dma_start3A_680 = arith.constant 0 : i32
      %dma_start3A_681 = arith.constant 0 : i32
      %dma_start3A_682 = tpu.memref_slice %arg2[%dma_start3A_680, %dma_start3A_681] : memref<10000x128xf32, #tpu.memory_space<hbm>> -> memref<10000x128xf32, #tpu.memory_space<hbm>>
      tpu.enqueue_indirect_dma source(%dma_start3A_682 : memref<10000x128xf32, #tpu.memory_space<hbm>>) target(%arg9 : memref<80x128xf32, #tpu.memory_space<vmem>>) offsets(%dma_start3A_679 : memref<80xi32, #tpu.memory_space<vmem>>) semaphore(%arg14 : memref<!tpu.dma_semaphore, #tpu.memory_space<semaphore_mem>>)
    }
    %scan3A_143 = arith.constant 14 : i32
    %dma_wait3A_144 = arith.constant 0 : i32
    %dma_wait3A_145 = arith.constant 0 : i32
    %dma_wait3A_146 = tpu.memref_slice %arg2[%dma_wait3A_144, %dma_wait3A_145] : memref<10000x128xf32, #tpu.memory_space<hbm>> -> memref<80x128xf32, #tpu.memory_space<hbm>>
    %dma_wait3A_147 = arith.constant 0 : i32
    %dma_wait3A_148 = arith.constant 0 : i32
    %dma_wait3A_149 = tpu.memref_slice %arg2[%dma_wait3A_147, %dma_wait3A_148] : memref<10000x128xf32, #tpu.memory_space<hbm>> -> memref<80x128xf32, #tpu.memory_space<hbm>>
    tpu.wait_dma2 semaphore(%arg19 : memref<!tpu.dma_semaphore, #tpu.memory_space<semaphore_mem>>) src(%dma_wait3A_149 : memref<80x128xf32, #tpu.memory_space<hbm>>) dst(%arg10 : memref<80x128xf32, #tpu.memory_space<vmem>>)
    %dma_wait3A_150 = arith.constant 0 : i32
    %dma_wait3A_151 = arith.constant 0 : i32
    %dma_wait3A_152 = tpu.memref_slice %arg2[%dma_wait3A_150, %dma_wait3A_151] : memref<10000x128xf32, #tpu.memory_space<hbm>> -> memref<80x128xf32, #tpu.memory_space<hbm>>
    %dma_wait3A_153 = arith.constant 0 : i32
    %dma_wait3A_154 = arith.constant 0 : i32
    %dma_wait3A_155 = tpu.memref_slice %arg2[%dma_wait3A_153, %dma_wait3A_154] : memref<10000x128xf32, #tpu.memory_space<hbm>> -> memref<80x128xf32, #tpu.memory_space<hbm>>
    tpu.wait_dma2 semaphore(%arg14 : memref<!tpu.dma_semaphore, #tpu.memory_space<semaphore_mem>>) src(%dma_wait3A_155 : memref<80x128xf32, #tpu.memory_space<hbm>>) dst(%arg9 : memref<80x128xf32, #tpu.memory_space<vmem>>)
    %dma_start3A_156 = arith.constant 0 : i32
    %dma_start3A_157 = tpu.memref_slice %arg8[%dma_start3A_156] : memref<320xi32, #tpu.memory_space<vmem>> -> memref<80xi32, #tpu.memory_space<vmem>>
    %dma_start3A_158 = arith.constant 0 : i32
    %dma_start3A_159 = arith.constant 0 : i32
    %dma_start3A_160 = tpu.memref_slice %arg13[%dma_start3A_158, %dma_start3A_159] : memref<10240x128xf32, #tpu.memory_space<vmem_shared>> -> memref<10240x128xf32, #tpu.memory_space<vmem_shared>>
    tpu.enqueue_indirect_dma source(%arg9 : memref<80x128xf32, #tpu.memory_space<vmem>>) target(%dma_start3A_160 : memref<10240x128xf32, #tpu.memory_space<vmem_shared>>) offsets(%dma_start3A_157 : memref<80xi32, #tpu.memory_space<vmem>>) semaphore(%arg18 : memref<!tpu.dma_semaphore, #tpu.memory_space<semaphore_mem>>) {add = true}
    %dma_start3A_161 = arith.constant 80 : i32
    %dma_start3A_162 = tpu.memref_slice %arg6[%dma_start3A_161] : memref<320xi32, #tpu.memory_space<vmem>> -> memref<80xi32, #tpu.memory_space<vmem>>
    %dma_start3A_163 = arith.constant 0 : i32
    %dma_start3A_164 = arith.constant 0 : i32
    %dma_start3A_165 = tpu.memref_slice %arg2[%dma_start3A_163, %dma_start3A_164] : memref<10000x128xf32, #tpu.memory_space<hbm>> -> memref<10000x128xf32, #tpu.memory_space<hbm>>
    tpu.enqueue_indirect_dma source(%dma_start3A_165 : memref<10000x128xf32, #tpu.memory_space<hbm>>) target(%arg10 : memref<80x128xf32, #tpu.memory_space<vmem>>) offsets(%dma_start3A_162 : memref<80xi32, #tpu.memory_space<vmem>>) semaphore(%arg15 : memref<!tpu.dma_semaphore, #tpu.memory_space<semaphore_mem>>)
    %dma_wait3A_166 = arith.constant 0 : i32
    %dma_wait3A_167 = arith.constant 0 : i32
    %dma_wait3A_168 = tpu.memref_slice %arg2[%dma_wait3A_166, %dma_wait3A_167] : memref<10000x128xf32, #tpu.memory_space<hbm>> -> memref<80x128xf32, #tpu.memory_space<hbm>>
    %dma_wait3A_169 = arith.constant 0 : i32
    %dma_wait3A_170 = arith.constant 0 : i32
    %dma_wait3A_171 = tpu.memref_slice %arg2[%dma_wait3A_169, %dma_wait3A_170] : memref<10000x128xf32, #tpu.memory_space<hbm>> -> memref<80x128xf32, #tpu.memory_space<hbm>>
    tpu.wait_dma2 semaphore(%arg20 : memref<!tpu.dma_semaphore, #tpu.memory_space<semaphore_mem>>) src(%dma_wait3A_171 : memref<80x128xf32, #tpu.memory_space<hbm>>) dst(%arg11 : memref<80x128xf32, #tpu.memory_space<vmem>>)
    %dma_wait3A_172 = arith.constant 0 : i32
    %dma_wait3A_173 = arith.constant 0 : i32
    %dma_wait3A_174 = tpu.memref_slice %arg2[%dma_wait3A_172, %dma_wait3A_173] : memref<10000x128xf32, #tpu.memory_space<hbm>> -> memref<80x128xf32, #tpu.memory_space<hbm>>
    %dma_wait3A_175 = arith.constant 0 : i32
    %dma_wait3A_176 = arith.constant 0 : i32
    %dma_wait3A_177 = tpu.memref_slice %arg2[%dma_wait3A_175, %dma_wait3A_176] : memref<10000x128xf32, #tpu.memory_space<hbm>> -> memref<80x128xf32, #tpu.memory_space<hbm>>
    tpu.wait_dma2 semaphore(%arg15 : memref<!tpu.dma_semaphore, #tpu.memory_space<semaphore_mem>>) src(%dma_wait3A_177 : memref<80x128xf32, #tpu.memory_space<hbm>>) dst(%arg10 : memref<80x128xf32, #tpu.memory_space<vmem>>)
    %dma_start3A_178 = arith.constant 80 : i32
    %dma_start3A_179 = tpu.memref_slice %arg8[%dma_start3A_178] : memref<320xi32, #tpu.memory_space<vmem>> -> memref<80xi32, #tpu.memory_space<vmem>>
    %dma_start3A_180 = arith.constant 0 : i32
    %dma_start3A_181 = arith.constant 0 : i32
    %dma_start3A_182 = tpu.memref_slice %arg13[%dma_start3A_180, %dma_start3A_181] : memref<10240x128xf32, #tpu.memory_space<vmem_shared>> -> memref<10240x128xf32, #tpu.memory_space<vmem_shared>>
    tpu.enqueue_indirect_dma source(%arg10 : memref<80x128xf32, #tpu.memory_space<vmem>>) target(%dma_start3A_182 : memref<10240x128xf32, #tpu.memory_space<vmem_shared>>) offsets(%dma_start3A_179 : memref<80xi32, #tpu.memory_space<vmem>>) semaphore(%arg19 : memref<!tpu.dma_semaphore, #tpu.memory_space<semaphore_mem>>) {add = true}
    %dma_start3A_183 = arith.constant 160 : i32
    %dma_start3A_184 = tpu.memref_slice %arg6[%dma_start3A_183] : memref<320xi32, #tpu.memory_space<vmem>> -> memref<80xi32, #tpu.memory_space<vmem>>
    %dma_start3A_185 = arith.constant 0 : i32
    %dma_start3A_186 = arith.constant 0 : i32
    %dma_start3A_187 = tpu.memref_slice %arg2[%dma_start3A_185, %dma_start3A_186] : memref<10000x128xf32, #tpu.memory_space<hbm>> -> memref<10000x128xf32, #tpu.memory_space<hbm>>
    tpu.enqueue_indirect_dma source(%dma_start3A_187 : memref<10000x128xf32, #tpu.memory_space<hbm>>) target(%arg11 : memref<80x128xf32, #tpu.memory_space<vmem>>) offsets(%dma_start3A_184 : memref<80xi32, #tpu.memory_space<vmem>>) semaphore(%arg16 : memref<!tpu.dma_semaphore, #tpu.memory_space<semaphore_mem>>)
    %dma_wait3A_188 = arith.constant 0 : i32
    %dma_wait3A_189 = arith.constant 0 : i32
    %dma_wait3A_190 = tpu.memref_slice %arg2[%dma_wait3A_188, %dma_wait3A_189] : memref<10000x128xf32, #tpu.memory_space<hbm>> -> memref<80x128xf32, #tpu.memory_space<hbm>>
    %dma_wait3A_191 = arith.constant 0 : i32
    %dma_wait3A_192 = arith.constant 0 : i32
    %dma_wait3A_193 = tpu.memref_slice %arg2[%dma_wait3A_191, %dma_wait3A_192] : memref<10000x128xf32, #tpu.memory_space<hbm>> -> memref<80x128xf32, #tpu.memory_space<hbm>>
    tpu.wait_dma2 semaphore(%arg21 : memref<!tpu.dma_semaphore, #tpu.memory_space<semaphore_mem>>) src(%dma_wait3A_193 : memref<80x128xf32, #tpu.memory_space<hbm>>) dst(%arg12 : memref<80x128xf32, #tpu.memory_space<vmem>>)
    %dma_wait3A_194 = arith.constant 0 : i32
    %dma_wait3A_195 = arith.constant 0 : i32
    %dma_wait3A_196 = tpu.memref_slice %arg2[%dma_wait3A_194, %dma_wait3A_195] : memref<10000x128xf32, #tpu.memory_space<hbm>> -> memref<80x128xf32, #tpu.memory_space<hbm>>
    %dma_wait3A_197 = arith.constant 0 : i32
    %dma_wait3A_198 = arith.constant 0 : i32
    %dma_wait3A_199 = tpu.memref_slice %arg2[%dma_wait3A_197, %dma_wait3A_198] : memref<10000x128xf32, #tpu.memory_space<hbm>> -> memref<80x128xf32, #tpu.memory_space<hbm>>
    tpu.wait_dma2 semaphore(%arg16 : memref<!tpu.dma_semaphore, #tpu.memory_space<semaphore_mem>>) src(%dma_wait3A_199 : memref<80x128xf32, #tpu.memory_space<hbm>>) dst(%arg11 : memref<80x128xf32, #tpu.memory_space<vmem>>)
    %dma_start3A_200 = arith.constant 160 : i32
    %dma_start3A_201 = tpu.memref_slice %arg8[%dma_start3A_200] : memref<320xi32, #tpu.memory_space<vmem>> -> memref<80xi32, #tpu.memory_space<vmem>>
    %dma_start3A_202 = arith.constant 0 : i32
    %dma_start3A_203 = arith.constant 0 : i32
    %dma_start3A_204 = tpu.memref_slice %arg13[%dma_start3A_202, %dma_start3A_203] : memref<10240x128xf32, #tpu.memory_space<vmem_shared>> -> memref<10240x128xf32, #tpu.memory_space<vmem_shared>>
    tpu.enqueue_indirect_dma source(%arg11 : memref<80x128xf32, #tpu.memory_space<vmem>>) target(%dma_start3A_204 : memref<10240x128xf32, #tpu.memory_space<vmem_shared>>) offsets(%dma_start3A_201 : memref<80xi32, #tpu.memory_space<vmem>>) semaphore(%arg20 : memref<!tpu.dma_semaphore, #tpu.memory_space<semaphore_mem>>) {add = true}
    %dma_start3A_205 = arith.constant 240 : i32
    %dma_start3A_206 = tpu.memref_slice %arg6[%dma_start3A_205] : memref<320xi32, #tpu.memory_space<vmem>> -> memref<80xi32, #tpu.memory_space<vmem>>
    %dma_start3A_207 = arith.constant 0 : i32
    %dma_start3A_208 = arith.constant 0 : i32
    %dma_start3A_209 = tpu.memref_slice %arg2[%dma_start3A_207, %dma_start3A_208] : memref<10000x128xf32, #tpu.memory_space<hbm>> -> memref<10000x128xf32, #tpu.memory_space<hbm>>
    tpu.enqueue_indirect_dma source(%dma_start3A_209 : memref<10000x128xf32, #tpu.memory_space<hbm>>) target(%arg12 : memref<80x128xf32, #tpu.memory_space<vmem>>) offsets(%dma_start3A_206 : memref<80xi32, #tpu.memory_space<vmem>>) semaphore(%arg17 : memref<!tpu.dma_semaphore, #tpu.memory_space<semaphore_mem>>)
    %add3A_210 = arith.constant 120 : i32
    %add3A_211 = arith.addi %mul3A_26, %add3A_210 : i32
    %dma_wait3A_212 = arith.constant 0 : i32
    %dma_wait3A_213 = arith.constant 0 : i32
    %dma_wait3A_214 = tpu.memref_slice %arg2[%dma_wait3A_212, %dma_wait3A_213] : memref<10000x128xf32, #tpu.memory_space<hbm>> -> memref<80x128xf32, #tpu.memory_space<hbm>>
    %dma_wait3A_215 = arith.constant 0 : i32
    %dma_wait3A_216 = arith.constant 0 : i32
    %dma_wait3A_217 = tpu.memref_slice %arg2[%dma_wait3A_215, %dma_wait3A_216] : memref<10000x128xf32, #tpu.memory_space<hbm>> -> memref<80x128xf32, #tpu.memory_space<hbm>>
    tpu.wait_dma2 semaphore(%arg18 : memref<!tpu.dma_semaphore, #tpu.memory_space<semaphore_mem>>) src(%dma_wait3A_217 : memref<80x128xf32, #tpu.memory_space<hbm>>) dst(%arg9 : memref<80x128xf32, #tpu.memory_space<vmem>>)
    %mul3A_218 = arith.constant 80 : i32
    %mul3A_219 = arith.muli %add3A_211, %mul3A_218 : i32
    %dma_start3A_220 = arith.constant 0 : i32
    %dma_start3A_221 = tpu.memref_slice %arg5[%dma_start3A_220] : memref<320xi32, #tpu.memory_space<vmem>> -> memref<320xi32, #tpu.memory_space<vmem>>
    %dma_start3A_222 = tpu.memref_slice %arg3[%mul3A_219] : memref<640000xi32, #tpu.memory_space<hbm>> -> memref<320xi32, #tpu.memory_space<hbm>>
    %dma_start3A_223 = arith.constant 0 : i32
    %dma_start3A_224 = tpu.memref_slice %arg5[%dma_start3A_223] : memref<320xi32, #tpu.memory_space<vmem>> -> memref<320xi32, #tpu.memory_space<vmem>>
    %dma_start3A_225 = tpu.memref_slice %arg3[%mul3A_219] : memref<640000xi32, #tpu.memory_space<hbm>> -> memref<320xi32, #tpu.memory_space<hbm>>
    tpu.enqueue_dma source(%dma_start3A_225 : memref<320xi32, #tpu.memory_space<hbm>>) target(%dma_start3A_224 : memref<320xi32, #tpu.memory_space<vmem>>) target_semaphore(%arg22 : memref<!tpu.dma_semaphore, #tpu.memory_space<semaphore_mem>>)
    %mul3A_226 = arith.constant 80 : i32
    %mul3A_227 = arith.muli %add3A_211, %mul3A_226 : i32
    %add3A_228 = arith.constant 320000 : i32
    %add3A_229 = arith.addi %add3A_228, %mul3A_227 : i32
    %dma_start3A_230 = arith.constant 0 : i32
    %dma_start3A_231 = tpu.memref_slice %arg7[%dma_start3A_230] : memref<320xi32, #tpu.memory_space<vmem>> -> memref<320xi32, #tpu.memory_space<vmem>>
    %dma_start3A_232 = tpu.memref_slice %arg3[%add3A_229] : memref<640000xi32, #tpu.memory_space<hbm>> -> memref<320xi32, #tpu.memory_space<hbm>>
    %dma_start3A_233 = arith.constant 0 : i32
    %dma_start3A_234 = tpu.memref_slice %arg7[%dma_start3A_233] : memref<320xi32, #tpu.memory_space<vmem>> -> memref<320xi32, #tpu.memory_space<vmem>>
    %dma_start3A_235 = tpu.memref_slice %arg3[%add3A_229] : memref<640000xi32, #tpu.memory_space<hbm>> -> memref<320xi32, #tpu.memory_space<hbm>>
    tpu.enqueue_dma source(%dma_start3A_235 : memref<320xi32, #tpu.memory_space<hbm>>) target(%dma_start3A_234 : memref<320xi32, #tpu.memory_space<vmem>>) target_semaphore(%arg22 : memref<!tpu.dma_semaphore, #tpu.memory_space<semaphore_mem>>)
    %dma_wait3A_236 = arith.constant 0 : i32
    %dma_wait3A_237 = arith.constant 0 : i32
    %dma_wait3A_238 = tpu.memref_slice %arg2[%dma_wait3A_236, %dma_wait3A_237] : memref<10000x128xf32, #tpu.memory_space<hbm>> -> memref<80x128xf32, #tpu.memory_space<hbm>>
    %dma_wait3A_239 = arith.constant 0 : i32
    %dma_wait3A_240 = arith.constant 0 : i32
    %dma_wait3A_241 = tpu.memref_slice %arg2[%dma_wait3A_239, %dma_wait3A_240] : memref<10000x128xf32, #tpu.memory_space<hbm>> -> memref<80x128xf32, #tpu.memory_space<hbm>>
    tpu.wait_dma2 semaphore(%arg17 : memref<!tpu.dma_semaphore, #tpu.memory_space<semaphore_mem>>) src(%dma_wait3A_241 : memref<80x128xf32, #tpu.memory_space<hbm>>) dst(%arg12 : memref<80x128xf32, #tpu.memory_space<vmem>>)
    %dma_start3A_242 = arith.constant 240 : i32
    %dma_start3A_243 = tpu.memref_slice %arg8[%dma_start3A_242] : memref<320xi32, #tpu.memory_space<vmem>> -> memref<80xi32, #tpu.memory_space<vmem>>
    %dma_start3A_244 = arith.constant 0 : i32
    %dma_start3A_245 = arith.constant 0 : i32
    %dma_start3A_246 = tpu.memref_slice %arg13[%dma_start3A_244, %dma_start3A_245] : memref<10240x128xf32, #tpu.memory_space<vmem_shared>> -> memref<10240x128xf32, #tpu.memory_space<vmem_shared>>
    tpu.enqueue_indirect_dma source(%arg12 : memref<80x128xf32, #tpu.memory_space<vmem>>) target(%dma_start3A_246 : memref<10240x128xf32, #tpu.memory_space<vmem_shared>>) offsets(%dma_start3A_243 : memref<80xi32, #tpu.memory_space<vmem>>) semaphore(%arg21 : memref<!tpu.dma_semaphore, #tpu.memory_space<semaphore_mem>>) {add = true}
    %dma_wait3A_247 = arith.constant 0 : i32
    %dma_wait3A_248 = tpu.memref_slice %arg5[%dma_wait3A_247] : memref<320xi32, #tpu.memory_space<vmem>> -> memref<320xi32, #tpu.memory_space<vmem>>
    %dma_wait3A_249 = tpu.memref_slice %arg3[%mul3A_219] : memref<640000xi32, #tpu.memory_space<hbm>> -> memref<320xi32, #tpu.memory_space<hbm>>
    %dma_wait3A_250 = arith.constant 0 : i32
    %dma_wait3A_251 = tpu.memref_slice %arg5[%dma_wait3A_250] : memref<320xi32, #tpu.memory_space<vmem>> -> memref<320xi32, #tpu.memory_space<vmem>>
    %dma_wait3A_252 = tpu.memref_slice %arg3[%mul3A_219] : memref<640000xi32, #tpu.memory_space<hbm>> -> memref<320xi32, #tpu.memory_space<hbm>>
    tpu.wait_dma2 semaphore(%arg22 : memref<!tpu.dma_semaphore, #tpu.memory_space<semaphore_mem>>) src(%dma_wait3A_252 : memref<320xi32, #tpu.memory_space<hbm>>) dst(%dma_wait3A_251 : memref<320xi32, #tpu.memory_space<vmem>>)
    %dma_wait3A_253 = arith.constant 0 : i32
    %dma_wait3A_254 = tpu.memref_slice %arg7[%dma_wait3A_253] : memref<320xi32, #tpu.memory_space<vmem>> -> memref<320xi32, #tpu.memory_space<vmem>>
    %dma_wait3A_255 = tpu.memref_slice %arg3[%add3A_229] : memref<640000xi32, #tpu.memory_space<hbm>> -> memref<320xi32, #tpu.memory_space<hbm>>
    %dma_wait3A_256 = arith.constant 0 : i32
    %dma_wait3A_257 = tpu.memref_slice %arg7[%dma_wait3A_256] : memref<320xi32, #tpu.memory_space<vmem>> -> memref<320xi32, #tpu.memory_space<vmem>>
    %dma_wait3A_258 = tpu.memref_slice %arg3[%add3A_229] : memref<640000xi32, #tpu.memory_space<hbm>> -> memref<320xi32, #tpu.memory_space<hbm>>
    tpu.wait_dma2 semaphore(%arg22 : memref<!tpu.dma_semaphore, #tpu.memory_space<semaphore_mem>>) src(%dma_wait3A_258 : memref<320xi32, #tpu.memory_space<hbm>>) dst(%dma_wait3A_257 : memref<320xi32, #tpu.memory_space<vmem>>)
    %dma_start3A_259 = arith.constant 0 : i32
    %dma_start3A_260 = tpu.memref_slice %arg5[%dma_start3A_259] : memref<320xi32, #tpu.memory_space<vmem>> -> memref<80xi32, #tpu.memory_space<vmem>>
    %dma_start3A_261 = arith.constant 0 : i32
    %dma_start3A_262 = arith.constant 0 : i32
    %dma_start3A_263 = tpu.memref_slice %arg2[%dma_start3A_261, %dma_start3A_262] : memref<10000x128xf32, #tpu.memory_space<hbm>> -> memref<10000x128xf32, #tpu.memory_space<hbm>>
    tpu.enqueue_indirect_dma source(%dma_start3A_263 : memref<10000x128xf32, #tpu.memory_space<hbm>>) target(%arg9 : memref<80x128xf32, #tpu.memory_space<vmem>>) offsets(%dma_start3A_260 : memref<80xi32, #tpu.memory_space<vmem>>) semaphore(%arg14 : memref<!tpu.dma_semaphore, #tpu.memory_space<semaphore_mem>>)
    %dma_wait3A_264 = arith.constant 0 : i32
    %dma_wait3A_265 = arith.constant 0 : i32
    %dma_wait3A_266 = tpu.memref_slice %arg2[%dma_wait3A_264, %dma_wait3A_265] : memref<10000x128xf32, #tpu.memory_space<hbm>> -> memref<80x128xf32, #tpu.memory_space<hbm>>
    %dma_wait3A_267 = arith.constant 0 : i32
    %dma_wait3A_268 = arith.constant 0 : i32
    %dma_wait3A_269 = tpu.memref_slice %arg2[%dma_wait3A_267, %dma_wait3A_268] : memref<10000x128xf32, #tpu.memory_space<hbm>> -> memref<80x128xf32, #tpu.memory_space<hbm>>
    tpu.wait_dma2 semaphore(%arg19 : memref<!tpu.dma_semaphore, #tpu.memory_space<semaphore_mem>>) src(%dma_wait3A_269 : memref<80x128xf32, #tpu.memory_space<hbm>>) dst(%arg10 : memref<80x128xf32, #tpu.memory_space<vmem>>)
    %dma_wait3A_270 = arith.constant 0 : i32
    %dma_wait3A_271 = arith.constant 0 : i32
    %dma_wait3A_272 = tpu.memref_slice %arg2[%dma_wait3A_270, %dma_wait3A_271] : memref<10000x128xf32, #tpu.memory_space<hbm>> -> memref<80x128xf32, #tpu.memory_space<hbm>>
    %dma_wait3A_273 = arith.constant 0 : i32
    %dma_wait3A_274 = arith.constant 0 : i32
    %dma_wait3A_275 = tpu.memref_slice %arg2[%dma_wait3A_273, %dma_wait3A_274] : memref<10000x128xf32, #tpu.memory_space<hbm>> -> memref<80x128xf32, #tpu.memory_space<hbm>>
    tpu.wait_dma2 semaphore(%arg14 : memref<!tpu.dma_semaphore, #tpu.memory_space<semaphore_mem>>) src(%dma_wait3A_275 : memref<80x128xf32, #tpu.memory_space<hbm>>) dst(%arg9 : memref<80x128xf32, #tpu.memory_space<vmem>>)
    %dma_start3A_276 = arith.constant 0 : i32
    %dma_start3A_277 = tpu.memref_slice %arg7[%dma_start3A_276] : memref<320xi32, #tpu.memory_space<vmem>> -> memref<80xi32, #tpu.memory_space<vmem>>
    %dma_start3A_278 = arith.constant 0 : i32
    %dma_start3A_279 = arith.constant 0 : i32
    %dma_start3A_280 = tpu.memref_slice %arg13[%dma_start3A_278, %dma_start3A_279] : memref<10240x128xf32, #tpu.memory_space<vmem_shared>> -> memref<10240x128xf32, #tpu.memory_space<vmem_shared>>
    tpu.enqueue_indirect_dma source(%arg9 : memref<80x128xf32, #tpu.memory_space<vmem>>) target(%dma_start3A_280 : memref<10240x128xf32, #tpu.memory_space<vmem_shared>>) offsets(%dma_start3A_277 : memref<80xi32, #tpu.memory_space<vmem>>) semaphore(%arg18 : memref<!tpu.dma_semaphore, #tpu.memory_space<semaphore_mem>>) {add = true}
    %dma_start3A_281 = arith.constant 80 : i32
    %dma_start3A_282 = tpu.memref_slice %arg5[%dma_start3A_281] : memref<320xi32, #tpu.memory_space<vmem>> -> memref<80xi32, #tpu.memory_space<vmem>>
    %dma_start3A_283 = arith.constant 0 : i32
    %dma_start3A_284 = arith.constant 0 : i32
    %dma_start3A_285 = tpu.memref_slice %arg2[%dma_start3A_283, %dma_start3A_284] : memref<10000x128xf32, #tpu.memory_space<hbm>> -> memref<10000x128xf32, #tpu.memory_space<hbm>>
    tpu.enqueue_indirect_dma source(%dma_start3A_285 : memref<10000x128xf32, #tpu.memory_space<hbm>>) target(%arg10 : memref<80x128xf32, #tpu.memory_space<vmem>>) offsets(%dma_start3A_282 : memref<80xi32, #tpu.memory_space<vmem>>) semaphore(%arg15 : memref<!tpu.dma_semaphore, #tpu.memory_space<semaphore_mem>>)
    %dma_wait3A_286 = arith.constant 0 : i32
    %dma_wait3A_287 = arith.constant 0 : i32
    %dma_wait3A_288 = tpu.memref_slice %arg2[%dma_wait3A_286, %dma_wait3A_287] : memref<10000x128xf32, #tpu.memory_space<hbm>> -> memref<80x128xf32, #tpu.memory_space<hbm>>
    %dma_wait3A_289 = arith.constant 0 : i32
    %dma_wait3A_290 = arith.constant 0 : i32
    %dma_wait3A_291 = tpu.memref_slice %arg2[%dma_wait3A_289, %dma_wait3A_290] : memref<10000x128xf32, #tpu.memory_space<hbm>> -> memref<80x128xf32, #tpu.memory_space<hbm>>
    tpu.wait_dma2 semaphore(%arg20 : memref<!tpu.dma_semaphore, #tpu.memory_space<semaphore_mem>>) src(%dma_wait3A_291 : memref<80x128xf32, #tpu.memory_space<hbm>>) dst(%arg11 : memref<80x128xf32, #tpu.memory_space<vmem>>)
    %dma_wait3A_292 = arith.constant 0 : i32
    %dma_wait3A_293 = arith.constant 0 : i32
    %dma_wait3A_294 = tpu.memref_slice %arg2[%dma_wait3A_292, %dma_wait3A_293] : memref<10000x128xf32, #tpu.memory_space<hbm>> -> memref<80x128xf32, #tpu.memory_space<hbm>>
    %dma_wait3A_295 = arith.constant 0 : i32
    %dma_wait3A_296 = arith.constant 0 : i32
    %dma_wait3A_297 = tpu.memref_slice %arg2[%dma_wait3A_295, %dma_wait3A_296] : memref<10000x128xf32, #tpu.memory_space<hbm>> -> memref<80x128xf32, #tpu.memory_space<hbm>>
    tpu.wait_dma2 semaphore(%arg15 : memref<!tpu.dma_semaphore, #tpu.memory_space<semaphore_mem>>) src(%dma_wait3A_297 : memref<80x128xf32, #tpu.memory_space<hbm>>) dst(%arg10 : memref<80x128xf32, #tpu.memory_space<vmem>>)
    %dma_start3A_298 = arith.constant 80 : i32
    %dma_start3A_299 = tpu.memref_slice %arg7[%dma_start3A_298] : memref<320xi32, #tpu.memory_space<vmem>> -> memref<80xi32, #tpu.memory_space<vmem>>
    %dma_start3A_300 = arith.constant 0 : i32
    %dma_start3A_301 = arith.constant 0 : i32
    %dma_start3A_302 = tpu.memref_slice %arg13[%dma_start3A_300, %dma_start3A_301] : memref<10240x128xf32, #tpu.memory_space<vmem_shared>> -> memref<10240x128xf32, #tpu.memory_space<vmem_shared>>
    tpu.enqueue_indirect_dma source(%arg10 : memref<80x128xf32, #tpu.memory_space<vmem>>) target(%dma_start3A_302 : memref<10240x128xf32, #tpu.memory_space<vmem_shared>>) offsets(%dma_start3A_299 : memref<80xi32, #tpu.memory_space<vmem>>) semaphore(%arg19 : memref<!tpu.dma_semaphore, #tpu.memory_space<semaphore_mem>>) {add = true}
    %dma_start3A_303 = arith.constant 160 : i32
    %dma_start3A_304 = tpu.memref_slice %arg5[%dma_start3A_303] : memref<320xi32, #tpu.memory_space<vmem>> -> memref<80xi32, #tpu.memory_space<vmem>>
    %dma_start3A_305 = arith.constant 0 : i32
    %dma_start3A_306 = arith.constant 0 : i32
    %dma_start3A_307 = tpu.memref_slice %arg2[%dma_start3A_305, %dma_start3A_306] : memref<10000x128xf32, #tpu.memory_space<hbm>> -> memref<10000x128xf32, #tpu.memory_space<hbm>>
    tpu.enqueue_indirect_dma source(%dma_start3A_307 : memref<10000x128xf32, #tpu.memory_space<hbm>>) target(%arg11 : memref<80x128xf32, #tpu.memory_space<vmem>>) offsets(%dma_start3A_304 : memref<80xi32, #tpu.memory_space<vmem>>) semaphore(%arg16 : memref<!tpu.dma_semaphore, #tpu.memory_space<semaphore_mem>>)
    %dma_wait3A_308 = arith.constant 0 : i32
    %dma_wait3A_309 = arith.constant 0 : i32
    %dma_wait3A_310 = tpu.memref_slice %arg2[%dma_wait3A_308, %dma_wait3A_309] : memref<10000x128xf32, #tpu.memory_space<hbm>> -> memref<80x128xf32, #tpu.memory_space<hbm>>
    %dma_wait3A_311 = arith.constant 0 : i32
    %dma_wait3A_312 = arith.constant 0 : i32
    %dma_wait3A_313 = tpu.memref_slice %arg2[%dma_wait3A_311, %dma_wait3A_312] : memref<10000x128xf32, #tpu.memory_space<hbm>> -> memref<80x128xf32, #tpu.memory_space<hbm>>
    tpu.wait_dma2 semaphore(%arg21 : memref<!tpu.dma_semaphore, #tpu.memory_space<semaphore_mem>>) src(%dma_wait3A_313 : memref<80x128xf32, #tpu.memory_space<hbm>>) dst(%arg12 : memref<80x128xf32, #tpu.memory_space<vmem>>)
    %dma_wait3A_314 = arith.constant 0 : i32
    %dma_wait3A_315 = arith.constant 0 : i32
    %dma_wait3A_316 = tpu.memref_slice %arg2[%dma_wait3A_314, %dma_wait3A_315] : memref<10000x128xf32, #tpu.memory_space<hbm>> -> memref<80x128xf32, #tpu.memory_space<hbm>>
    %dma_wait3A_317 = arith.constant 0 : i32
    %dma_wait3A_318 = arith.constant 0 : i32
    %dma_wait3A_319 = tpu.memref_slice %arg2[%dma_wait3A_317, %dma_wait3A_318] : memref<10000x128xf32, #tpu.memory_space<hbm>> -> memref<80x128xf32, #tpu.memory_space<hbm>>
    tpu.wait_dma2 semaphore(%arg16 : memref<!tpu.dma_semaphore, #tpu.memory_space<semaphore_mem>>) src(%dma_wait3A_319 : memref<80x128xf32, #tpu.memory_space<hbm>>) dst(%arg11 : memref<80x128xf32, #tpu.memory_space<vmem>>)
    %dma_start3A_320 = arith.constant 160 : i32
    %dma_start3A_321 = tpu.memref_slice %arg7[%dma_start3A_320] : memref<320xi32, #tpu.memory_space<vmem>> -> memref<80xi32, #tpu.memory_space<vmem>>
    %dma_start3A_322 = arith.constant 0 : i32
    %dma_start3A_323 = arith.constant 0 : i32
    %dma_start3A_324 = tpu.memref_slice %arg13[%dma_start3A_322, %dma_start3A_323] : memref<10240x128xf32, #tpu.memory_space<vmem_shared>> -> memref<10240x128xf32, #tpu.memory_space<vmem_shared>>
    tpu.enqueue_indirect_dma source(%arg11 : memref<80x128xf32, #tpu.memory_space<vmem>>) target(%dma_start3A_324 : memref<10240x128xf32, #tpu.memory_space<vmem_shared>>) offsets(%dma_start3A_321 : memref<80xi32, #tpu.memory_space<vmem>>) semaphore(%arg20 : memref<!tpu.dma_semaphore, #tpu.memory_space<semaphore_mem>>) {add = true}
    %dma_start3A_325 = arith.constant 240 : i32
    %dma_start3A_326 = tpu.memref_slice %arg5[%dma_start3A_325] : memref<320xi32, #tpu.memory_space<vmem>> -> memref<80xi32, #tpu.memory_space<vmem>>
    %dma_start3A_327 = arith.constant 0 : i32
    %dma_start3A_328 = arith.constant 0 : i32
    %dma_start3A_329 = tpu.memref_slice %arg2[%dma_start3A_327, %dma_start3A_328] : memref<10000x128xf32, #tpu.memory_space<hbm>> -> memref<10000x128xf32, #tpu.memory_space<hbm>>
    tpu.enqueue_indirect_dma source(%dma_start3A_329 : memref<10000x128xf32, #tpu.memory_space<hbm>>) target(%arg12 : memref<80x128xf32, #tpu.memory_space<vmem>>) offsets(%dma_start3A_326 : memref<80xi32, #tpu.memory_space<vmem>>) semaphore(%arg17 : memref<!tpu.dma_semaphore, #tpu.memory_space<semaphore_mem>>)
    %add3A_330 = arith.constant 124 : i32
    %add3A_331 = arith.addi %add3A_330, %mul3A_26 : i32
    %dma_wait3A_332 = arith.constant 0 : i32
    %dma_wait3A_333 = arith.constant 0 : i32
    %dma_wait3A_334 = tpu.memref_slice %arg2[%dma_wait3A_332, %dma_wait3A_333] : memref<10000x128xf32, #tpu.memory_space<hbm>> -> memref<80x128xf32, #tpu.memory_space<hbm>>
    %dma_wait3A_335 = arith.constant 0 : i32
    %dma_wait3A_336 = arith.constant 0 : i32
    %dma_wait3A_337 = tpu.memref_slice %arg2[%dma_wait3A_335, %dma_wait3A_336] : memref<10000x128xf32, #tpu.memory_space<hbm>> -> memref<80x128xf32, #tpu.memory_space<hbm>>
    tpu.wait_dma2 semaphore(%arg18 : memref<!tpu.dma_semaphore, #tpu.memory_space<semaphore_mem>>) src(%dma_wait3A_337 : memref<80x128xf32, #tpu.memory_space<hbm>>) dst(%arg9 : memref<80x128xf32, #tpu.memory_space<vmem>>)
    %mul3A_338 = arith.constant 80 : i32
    %mul3A_339 = arith.muli %add3A_331, %mul3A_338 : i32
    %dma_start3A_340 = arith.constant 0 : i32
    %dma_start3A_341 = tpu.memref_slice %arg6[%dma_start3A_340] : memref<320xi32, #tpu.memory_space<vmem>> -> memref<80xi32, #tpu.memory_space<vmem>>
    %dma_start3A_342 = tpu.memref_slice %arg3[%mul3A_339] : memref<640000xi32, #tpu.memory_space<hbm>> -> memref<80xi32, #tpu.memory_space<hbm>>
    %dma_start3A_343 = arith.constant 0 : i32
    %dma_start3A_344 = tpu.memref_slice %arg6[%dma_start3A_343] : memref<320xi32, #tpu.memory_space<vmem>> -> memref<80xi32, #tpu.memory_space<vmem>>
    %dma_start3A_345 = tpu.memref_slice %arg3[%mul3A_339] : memref<640000xi32, #tpu.memory_space<hbm>> -> memref<80xi32, #tpu.memory_space<hbm>>
    tpu.enqueue_dma source(%dma_start3A_345 : memref<80xi32, #tpu.memory_space<hbm>>) target(%dma_start3A_344 : memref<80xi32, #tpu.memory_space<vmem>>) target_semaphore(%arg22 : memref<!tpu.dma_semaphore, #tpu.memory_space<semaphore_mem>>)
    %mul3A_346 = arith.constant 80 : i32
    %mul3A_347 = arith.muli %add3A_331, %mul3A_346 : i32
    %add3A_348 = arith.constant 320000 : i32
    %add3A_349 = arith.addi %add3A_348, %mul3A_347 : i32
    %dma_start3A_350 = arith.constant 0 : i32
    %dma_start3A_351 = tpu.memref_slice %arg8[%dma_start3A_350] : memref<320xi32, #tpu.memory_space<vmem>> -> memref<80xi32, #tpu.memory_space<vmem>>
    %dma_start3A_352 = tpu.memref_slice %arg3[%add3A_349] : memref<640000xi32, #tpu.memory_space<hbm>> -> memref<80xi32, #tpu.memory_space<hbm>>
    %dma_start3A_353 = arith.constant 0 : i32
    %dma_start3A_354 = tpu.memref_slice %arg8[%dma_start3A_353] : memref<320xi32, #tpu.memory_space<vmem>> -> memref<80xi32, #tpu.memory_space<vmem>>
    %dma_start3A_355 = tpu.memref_slice %arg3[%add3A_349] : memref<640000xi32, #tpu.memory_space<hbm>> -> memref<80xi32, #tpu.memory_space<hbm>>
    tpu.enqueue_dma source(%dma_start3A_355 : memref<80xi32, #tpu.memory_space<hbm>>) target(%dma_start3A_354 : memref<80xi32, #tpu.memory_space<vmem>>) target_semaphore(%arg22 : memref<!tpu.dma_semaphore, #tpu.memory_space<semaphore_mem>>)
    %dma_wait3A_356 = arith.constant 0 : i32
    %dma_wait3A_357 = arith.constant 0 : i32
    %dma_wait3A_358 = tpu.memref_slice %arg2[%dma_wait3A_356, %dma_wait3A_357] : memref<10000x128xf32, #tpu.memory_space<hbm>> -> memref<80x128xf32, #tpu.memory_space<hbm>>
    %dma_wait3A_359 = arith.constant 0 : i32
    %dma_wait3A_360 = arith.constant 0 : i32
    %dma_wait3A_361 = tpu.memref_slice %arg2[%dma_wait3A_359, %dma_wait3A_360] : memref<10000x128xf32, #tpu.memory_space<hbm>> -> memref<80x128xf32, #tpu.memory_space<hbm>>
    tpu.wait_dma2 semaphore(%arg17 : memref<!tpu.dma_semaphore, #tpu.memory_space<semaphore_mem>>) src(%dma_wait3A_361 : memref<80x128xf32, #tpu.memory_space<hbm>>) dst(%arg12 : memref<80x128xf32, #tpu.memory_space<vmem>>)
    %dma_start3A_362 = arith.constant 240 : i32
    %dma_start3A_363 = tpu.memref_slice %arg7[%dma_start3A_362] : memref<320xi32, #tpu.memory_space<vmem>> -> memref<80xi32, #tpu.memory_space<vmem>>
    %dma_start3A_364 = arith.constant 0 : i32
    %dma_start3A_365 = arith.constant 0 : i32
    %dma_start3A_366 = tpu.memref_slice %arg13[%dma_start3A_364, %dma_start3A_365] : memref<10240x128xf32, #tpu.memory_space<vmem_shared>> -> memref<10240x128xf32, #tpu.memory_space<vmem_shared>>
    tpu.enqueue_indirect_dma source(%arg12 : memref<80x128xf32, #tpu.memory_space<vmem>>) target(%dma_start3A_366 : memref<10240x128xf32, #tpu.memory_space<vmem_shared>>) offsets(%dma_start3A_363 : memref<80xi32, #tpu.memory_space<vmem>>) semaphore(%arg21 : memref<!tpu.dma_semaphore, #tpu.memory_space<semaphore_mem>>) {add = true}
    %dma_wait3A_367 = arith.constant 0 : i32
    %dma_wait3A_368 = tpu.memref_slice %arg6[%dma_wait3A_367] : memref<320xi32, #tpu.memory_space<vmem>> -> memref<80xi32, #tpu.memory_space<vmem>>
    %dma_wait3A_369 = tpu.memref_slice %arg3[%mul3A_339] : memref<640000xi32, #tpu.memory_space<hbm>> -> memref<80xi32, #tpu.memory_space<hbm>>
    %dma_wait3A_370 = arith.constant 0 : i32
    %dma_wait3A_371 = tpu.memref_slice %arg6[%dma_wait3A_370] : memref<320xi32, #tpu.memory_space<vmem>> -> memref<80xi32, #tpu.memory_space<vmem>>
    %dma_wait3A_372 = tpu.memref_slice %arg3[%mul3A_339] : memref<640000xi32, #tpu.memory_space<hbm>> -> memref<80xi32, #tpu.memory_space<hbm>>
    tpu.wait_dma2 semaphore(%arg22 : memref<!tpu.dma_semaphore, #tpu.memory_space<semaphore_mem>>) src(%dma_wait3A_372 : memref<80xi32, #tpu.memory_space<hbm>>) dst(%dma_wait3A_371 : memref<80xi32, #tpu.memory_space<vmem>>)
    %dma_wait3A_373 = arith.constant 0 : i32
    %dma_wait3A_374 = tpu.memref_slice %arg8[%dma_wait3A_373] : memref<320xi32, #tpu.memory_space<vmem>> -> memref<80xi32, #tpu.memory_space<vmem>>
    %dma_wait3A_375 = tpu.memref_slice %arg3[%add3A_349] : memref<640000xi32, #tpu.memory_space<hbm>> -> memref<80xi32, #tpu.memory_space<hbm>>
    %dma_wait3A_376 = arith.constant 0 : i32
    %dma_wait3A_377 = tpu.memref_slice %arg8[%dma_wait3A_376] : memref<320xi32, #tpu.memory_space<vmem>> -> memref<80xi32, #tpu.memory_space<vmem>>
    %dma_wait3A_378 = tpu.memref_slice %arg3[%add3A_349] : memref<640000xi32, #tpu.memory_space<hbm>> -> memref<80xi32, #tpu.memory_space<hbm>>
    tpu.wait_dma2 semaphore(%arg22 : memref<!tpu.dma_semaphore, #tpu.memory_space<semaphore_mem>>) src(%dma_wait3A_378 : memref<80xi32, #tpu.memory_space<hbm>>) dst(%dma_wait3A_377 : memref<80xi32, #tpu.memory_space<vmem>>)
    %dma_start3A_379 = arith.constant 0 : i32
    %dma_start3A_380 = tpu.memref_slice %arg6[%dma_start3A_379] : memref<320xi32, #tpu.memory_space<vmem>> -> memref<80xi32, #tpu.memory_space<vmem>>
    %dma_start3A_381 = arith.constant 0 : i32
    %dma_start3A_382 = arith.constant 0 : i32
    %dma_start3A_383 = tpu.memref_slice %arg2[%dma_start3A_381, %dma_start3A_382] : memref<10000x128xf32, #tpu.memory_space<hbm>> -> memref<10000x128xf32, #tpu.memory_space<hbm>>
    tpu.enqueue_indirect_dma source(%dma_start3A_383 : memref<10000x128xf32, #tpu.memory_space<hbm>>) target(%arg9 : memref<80x128xf32, #tpu.memory_space<vmem>>) offsets(%dma_start3A_380 : memref<80xi32, #tpu.memory_space<vmem>>) semaphore(%arg14 : memref<!tpu.dma_semaphore, #tpu.memory_space<semaphore_mem>>)
    %dma_wait3A_384 = arith.constant 0 : i32
    %dma_wait3A_385 = arith.constant 0 : i32
    %dma_wait3A_386 = tpu.memref_slice %arg2[%dma_wait3A_384, %dma_wait3A_385] : memref<10000x128xf32, #tpu.memory_space<hbm>> -> memref<80x128xf32, #tpu.memory_space<hbm>>
    %dma_wait3A_387 = arith.constant 0 : i32
    %dma_wait3A_388 = arith.constant 0 : i32
    %dma_wait3A_389 = tpu.memref_slice %arg2[%dma_wait3A_387, %dma_wait3A_388] : memref<10000x128xf32, #tpu.memory_space<hbm>> -> memref<80x128xf32, #tpu.memory_space<hbm>>
    tpu.wait_dma2 semaphore(%arg19 : memref<!tpu.dma_semaphore, #tpu.memory_space<semaphore_mem>>) src(%dma_wait3A_389 : memref<80x128xf32, #tpu.memory_space<hbm>>) dst(%arg10 : memref<80x128xf32, #tpu.memory_space<vmem>>)
    %dma_wait3A_390 = arith.constant 0 : i32
    %dma_wait3A_391 = arith.constant 0 : i32
    %dma_wait3A_392 = tpu.memref_slice %arg2[%dma_wait3A_390, %dma_wait3A_391] : memref<10000x128xf32, #tpu.memory_space<hbm>> -> memref<80x128xf32, #tpu.memory_space<hbm>>
    %dma_wait3A_393 = arith.constant 0 : i32
    %dma_wait3A_394 = arith.constant 0 : i32
    %dma_wait3A_395 = tpu.memref_slice %arg2[%dma_wait3A_393, %dma_wait3A_394] : memref<10000x128xf32, #tpu.memory_space<hbm>> -> memref<80x128xf32, #tpu.memory_space<hbm>>
    tpu.wait_dma2 semaphore(%arg14 : memref<!tpu.dma_semaphore, #tpu.memory_space<semaphore_mem>>) src(%dma_wait3A_395 : memref<80x128xf32, #tpu.memory_space<hbm>>) dst(%arg9 : memref<80x128xf32, #tpu.memory_space<vmem>>)
    %dma_start3A_396 = arith.constant 0 : i32
    %dma_start3A_397 = tpu.memref_slice %arg8[%dma_start3A_396] : memref<320xi32, #tpu.memory_space<vmem>> -> memref<80xi32, #tpu.memory_space<vmem>>
    %dma_start3A_398 = arith.constant 0 : i32
    %dma_start3A_399 = arith.constant 0 : i32
    %dma_start3A_400 = tpu.memref_slice %arg13[%dma_start3A_398, %dma_start3A_399] : memref<10240x128xf32, #tpu.memory_space<vmem_shared>> -> memref<10240x128xf32, #tpu.memory_space<vmem_shared>>
    tpu.enqueue_indirect_dma source(%arg9 : memref<80x128xf32, #tpu.memory_space<vmem>>) target(%dma_start3A_400 : memref<10240x128xf32, #tpu.memory_space<vmem_shared>>) offsets(%dma_start3A_397 : memref<80xi32, #tpu.memory_space<vmem>>) semaphore(%arg18 : memref<!tpu.dma_semaphore, #tpu.memory_space<semaphore_mem>>) {add = true}
    %dma_start3A_401 = arith.constant 0 : i32
    %dma_start3A_402 = tpu.memref_slice %arg6[%dma_start3A_401] : memref<320xi32, #tpu.memory_space<vmem>> -> memref<80xi32, #tpu.memory_space<vmem>>
    %dma_start3A_403 = arith.constant 0 : i32
    %dma_start3A_404 = arith.constant 0 : i32
    %dma_start3A_405 = tpu.memref_slice %arg2[%dma_start3A_403, %dma_start3A_404] : memref<10000x128xf32, #tpu.memory_space<hbm>> -> memref<10000x128xf32, #tpu.memory_space<hbm>>
    tpu.enqueue_indirect_dma source(%dma_start3A_405 : memref<10000x128xf32, #tpu.memory_space<hbm>>) target(%arg10 : memref<80x128xf32, #tpu.memory_space<vmem>>) offsets(%dma_start3A_402 : memref<80xi32, #tpu.memory_space<vmem>>) semaphore(%arg15 : memref<!tpu.dma_semaphore, #tpu.memory_space<semaphore_mem>>)
    %dma_wait3A_406 = arith.constant 0 : i32
    %dma_wait3A_407 = arith.constant 0 : i32
    %dma_wait3A_408 = tpu.memref_slice %arg2[%dma_wait3A_406, %dma_wait3A_407] : memref<10000x128xf32, #tpu.memory_space<hbm>> -> memref<80x128xf32, #tpu.memory_space<hbm>>
    %dma_wait3A_409 = arith.constant 0 : i32
    %dma_wait3A_410 = arith.constant 0 : i32
    %dma_wait3A_411 = tpu.memref_slice %arg2[%dma_wait3A_409, %dma_wait3A_410] : memref<10000x128xf32, #tpu.memory_space<hbm>> -> memref<80x128xf32, #tpu.memory_space<hbm>>
    tpu.wait_dma2 semaphore(%arg20 : memref<!tpu.dma_semaphore, #tpu.memory_space<semaphore_mem>>) src(%dma_wait3A_411 : memref<80x128xf32, #tpu.memory_space<hbm>>) dst(%arg11 : memref<80x128xf32, #tpu.memory_space<vmem>>)
    %dma_wait3A_412 = arith.constant 0 : i32
    %dma_wait3A_413 = arith.constant 0 : i32
    %dma_wait3A_414 = tpu.memref_slice %arg2[%dma_wait3A_412, %dma_wait3A_413] : memref<10000x128xf32, #tpu.memory_space<hbm>> -> memref<80x128xf32, #tpu.memory_space<hbm>>
    %dma_wait3A_415 = arith.constant 0 : i32
    %dma_wait3A_416 = arith.constant 0 : i32
    %dma_wait3A_417 = tpu.memref_slice %arg2[%dma_wait3A_415, %dma_wait3A_416] : memref<10000x128xf32, #tpu.memory_space<hbm>> -> memref<80x128xf32, #tpu.memory_space<hbm>>
    tpu.wait_dma2 semaphore(%arg21 : memref<!tpu.dma_semaphore, #tpu.memory_space<semaphore_mem>>) src(%dma_wait3A_417 : memref<80x128xf32, #tpu.memory_space<hbm>>) dst(%arg12 : memref<80x128xf32, #tpu.memory_space<vmem>>)
    %dma_wait3A_418 = arith.constant 0 : i32
    %dma_wait3A_419 = arith.constant 0 : i32
    %dma_wait3A_420 = tpu.memref_slice %arg2[%dma_wait3A_418, %dma_wait3A_419] : memref<10000x128xf32, #tpu.memory_space<hbm>> -> memref<80x128xf32, #tpu.memory_space<hbm>>
    %dma_wait3A_421 = arith.constant 0 : i32
    %dma_wait3A_422 = arith.constant 0 : i32
    %dma_wait3A_423 = tpu.memref_slice %arg2[%dma_wait3A_421, %dma_wait3A_422] : memref<10000x128xf32, #tpu.memory_space<hbm>> -> memref<80x128xf32, #tpu.memory_space<hbm>>
    tpu.wait_dma2 semaphore(%arg18 : memref<!tpu.dma_semaphore, #tpu.memory_space<semaphore_mem>>) src(%dma_wait3A_423 : memref<80x128xf32, #tpu.memory_space<hbm>>) dst(%arg9 : memref<80x128xf32, #tpu.memory_space<vmem>>)
    %dma_wait3A_424 = arith.constant 0 : i32
    %dma_wait3A_425 = arith.constant 0 : i32
    %dma_wait3A_426 = tpu.memref_slice %arg2[%dma_wait3A_424, %dma_wait3A_425] : memref<10000x128xf32, #tpu.memory_space<hbm>> -> memref<80x128xf32, #tpu.memory_space<hbm>>
    %dma_wait3A_427 = arith.constant 0 : i32
    %dma_wait3A_428 = arith.constant 0 : i32
    %dma_wait3A_429 = tpu.memref_slice %arg2[%dma_wait3A_427, %dma_wait3A_428] : memref<10000x128xf32, #tpu.memory_space<hbm>> -> memref<80x128xf32, #tpu.memory_space<hbm>>
    tpu.wait_dma2 semaphore(%arg15 : memref<!tpu.dma_semaphore, #tpu.memory_space<semaphore_mem>>) src(%dma_wait3A_429 : memref<80x128xf32, #tpu.memory_space<hbm>>) dst(%arg10 : memref<80x128xf32, #tpu.memory_space<vmem>>)
    %barrier3A_430 = arith.constant 0 : index
    tpu.barrier barrier_id(%barrier3A_430)
    %mul3A_431 = arith.constant 640 : i32
    %mul3A_432 = arith.muli %arg1, %mul3A_431 : i32
    %mul3A_433 = arith.constant 640 : i32
    %mul3A_434 = arith.muli %arg1, %mul3A_433 : i32
    "tpu.region"() ({
      %run_scoped3A = tpu.sem_alloc : memref<!tpu.dma_semaphore, #tpu.memory_space<semaphore_mem>>
      %dma_start3A_435 = arith.constant 0 : i32
      %dma_start3A_436 = tpu.memref_slice %arg4[%arg0, %mul3A_434, %dma_start3A_435] : memref<2x10240x128xf32, #tpu.memory_space<hbm>> -> memref<1x640x128xf32, #tpu.memory_space<hbm>>
      %dma_start3A_437 = tpu.memref_squeeze %dma_start3A_436 : memref<1x640x128xf32, #tpu.memory_space<hbm>> -> memref<640x128xf32, #tpu.memory_space<hbm>>
      %dma_start3A_438 = arith.constant 0 : i32
      %dma_start3A_439 = tpu.memref_slice %arg13[%mul3A_432, %dma_start3A_438] : memref<10240x128xf32, #tpu.memory_space<vmem_shared>> -> memref<640x128xf32, #tpu.memory_space<vmem_shared>>
      tpu.enqueue_dma source(%dma_start3A_439 : memref<640x128xf32, #tpu.memory_space<vmem_shared>>) target(%dma_start3A_437 : memref<640x128xf32, #tpu.memory_space<hbm>>) target_semaphore(%run_scoped3A : memref<!tpu.dma_semaphore, #tpu.memory_space<semaphore_mem>>)
      %dma_wait3A_440 = arith.constant 0 : i32
      %dma_wait3A_441 = tpu.memref_slice %arg4[%arg0, %mul3A_434, %dma_wait3A_440] : memref<2x10240x128xf32, #tpu.memory_space<hbm>> -> memref<1x640x128xf32, #tpu.memory_space<hbm>>
      %dma_wait3A_442 = tpu.memref_squeeze %dma_wait3A_441 : memref<1x640x128xf32, #tpu.memory_space<hbm>> -> memref<640x128xf32, #tpu.memory_space<hbm>>
      %dma_wait3A_443 = arith.constant 0 : i32
      %dma_wait3A_444 = tpu.memref_slice %arg13[%mul3A_432, %dma_wait3A_443] : memref<10240x128xf32, #tpu.memory_space<vmem_shared>> -> memref<640x128xf32, #tpu.memory_space<vmem_shared>>
      tpu.wait_dma2 semaphore(%run_scoped3A : memref<!tpu.dma_semaphore, #tpu.memory_space<semaphore_mem>>) src(%dma_wait3A_444 : memref<640x128xf32, #tpu.memory_space<vmem_shared>>) dst(%dma_wait3A_442 : memref<640x128xf32, #tpu.memory_space<hbm>>)
      tpu.yield
    }) : () -> ()
    return
  }
}

#map = affine_map<(d0, d1) -> (0, 0)>
#map1 = affine_map<(d0, d1) -> (0)>
#map2 = affine_map<(d0, d1) -> (0, 0, 0)>
module attributes {stable_mosaic.version = 14 : i64} {
  func.func @body(%arg0: i32, %arg1: i32, %arg2: memref<10000x128xf32, #tpu.memory_space<hbm>>, %arg3: memref<640000xi32, #tpu.memory_space<hbm>>, %arg4: memref<2x10240x128xf32, #tpu.memory_space<hbm>>, %arg5: memref<320xi32, #tpu.memory_space<vmem>>, %arg6: memref<320xi32, #tpu.memory_space<vmem>>, %arg7: memref<320xi32, #tpu.memory_space<vmem>>, %arg8: memref<320xi32, #tpu.memory_space<vmem>>, %arg9: memref<80x128xf32, #tpu.memory_space<vmem>>, %arg10: memref<80x128xf32, #tpu.memory_space<vmem>>, %arg11: memref<80x128xf32, #tpu.memory_space<vmem>>, %arg12: memref<80x128xf32, #tpu.memory_space<vmem>>, %arg13: memref<10240x128xf32, #tpu.memory_space<vmem_shared>>, %arg14: memref<!tpu.dma_semaphore, #tpu.memory_space<semaphore_mem>>, %arg15: memref<!tpu.dma_semaphore, #tpu.memory_space<semaphore_mem>>, %arg16: memref<!tpu.dma_semaphore, #tpu.memory_space<semaphore_mem>>, %arg17: memref<!tpu.dma_semaphore, #tpu.memory_space<semaphore_mem>>, %arg18: memref<!tpu.dma_semaphore, #tpu.memory_space<semaphore_mem>>, %arg19: memref<!tpu.dma_semaphore, #tpu.memory_space<semaphore_mem>>, %arg20: memref<!tpu.dma_semaphore, #tpu.memory_space<semaphore_mem>>, %arg21: memref<!tpu.dma_semaphore, #tpu.memory_space<semaphore_mem>>, %arg22: memref<!tpu.dma_semaphore, #tpu.memory_space<semaphore_mem>>) attributes {dimension_semantics = [#tpu.dimension_semantics<core_parallel>, #tpu.dimension_semantics<subcore_parallel>], iteration_bounds = array<i64: 2, 16>, scalar_prefetch = 0 : i64, scratch_operands = 18 : i64, tpu.core_type = #tpu.core_type<sc_vector_subcore>, window_params = [{transform_indices = #map}, {transform_indices = #map1}, {transform_indices = #map2}]} {
    %mul3A = arith.constant 2 : i32
    %mul3A_0 = arith.muli %arg1, %mul3A : i32
    %add3A = arith.addi %mul3A_0, %arg0 : i32
    %broadcast_in_dim3A = arith.constant 0.000000e+00 : f32
    %broadcast_in_dim3A_1 = vector.broadcast %broadcast_in_dim3A : f32 to vector<16xf32>
    %scan3A = arith.constant 0 : i32
    %scan3A_2 = arith.constant 0 : i32
    %scan3A_3 = arith.constant 80 : i32
    %scan3A_4 = arith.addi %scan3A_2, %scan3A_3 : i32
    %scan3A_5 = arith.constant 1 : i32
    scf.for %scan3A_435 = %scan3A_2 to %scan3A_4 step %scan3A_5  : i32 {
      %swap3A = arith.index_cast %scan3A_435 : i32 to index
      %swap3A_436 = arith.constant 0 : index
      %swap3A_437 = tpu.vector_load %arg9[%swap3A, %swap3A_436] {strides = array<i32>} : memref<80x128xf32, #tpu.memory_space<vmem>>, vector<16xf32>,
      tpu.vector_store %arg9[%swap3A, %swap3A_436], %broadcast_in_dim3A_1 {strides = array<i32>} : memref<80x128xf32, #tpu.memory_space<vmem>>, vector<16xf32>,
      %swap3A_438 = arith.index_cast %scan3A_435 : i32 to index
      %swap3A_439 = arith.constant 16 : index
      %swap3A_440 = tpu.vector_load %arg9[%swap3A_438, %swap3A_439] {strides = array<i32>} : memref<80x128xf32, #tpu.memory_space<vmem>>, vector<16xf32>,
      tpu.vector_store %arg9[%swap3A_438, %swap3A_439], %broadcast_in_dim3A_1 {strides = array<i32>} : memref<80x128xf32, #tpu.memory_space<vmem>>, vector<16xf32>,
      %swap3A_441 = arith.index_cast %scan3A_435 : i32 to index
      %swap3A_442 = arith.constant 32 : index
      %swap3A_443 = tpu.vector_load %arg9[%swap3A_441, %swap3A_442] {strides = array<i32>} : memref<80x128xf32, #tpu.memory_space<vmem>>, vector<16xf32>,
      tpu.vector_store %arg9[%swap3A_441, %swap3A_442], %broadcast_in_dim3A_1 {strides = array<i32>} : memref<80x128xf32, #tpu.memory_space<vmem>>, vector<16xf32>,
      %swap3A_444 = arith.index_cast %scan3A_435 : i32 to index
      %swap3A_445 = arith.constant 48 : index
      %swap3A_446 = tpu.vector_load %arg9[%swap3A_444, %swap3A_445] {strides = array<i32>} : memref<80x128xf32, #tpu.memory_space<vmem>>, vector<16xf32>,
      tpu.vector_store %arg9[%swap3A_444, %swap3A_445], %broadcast_in_dim3A_1 {strides = array<i32>} : memref<80x128xf32, #tpu.memory_space<vmem>>, vector<16xf32>,
      %swap3A_447 = arith.index_cast %scan3A_435 : i32 to index
      %swap3A_448 = arith.constant 64 : index
      %swap3A_449 = tpu.vector_load %arg9[%swap3A_447, %swap3A_448] {strides = array<i32>} : memref<80x128xf32, #tpu.memory_space<vmem>>, vector<16xf32>,
      tpu.vector_store %arg9[%swap3A_447, %swap3A_448], %broadcast_in_dim3A_1 {strides = array<i32>} : memref<80x128xf32, #tpu.memory_space<vmem>>, vector<16xf32>,
      %swap3A_450 = arith.index_cast %scan3A_435 : i32 to index
      %swap3A_451 = arith.constant 80 : index
      %swap3A_452 = tpu.vector_load %arg9[%swap3A_450, %swap3A_451] {strides = array<i32>} : memref<80x128xf32, #tpu.memory_space<vmem>>, vector<16xf32>,
      tpu.vector_store %arg9[%swap3A_450, %swap3A_451], %broadcast_in_dim3A_1 {strides = array<i32>} : memref<80x128xf32, #tpu.memory_space<vmem>>, vector<16xf32>,
      %swap3A_453 = arith.index_cast %scan3A_435 : i32 to index
      %swap3A_454 = arith.constant 96 : index
      %swap3A_455 = tpu.vector_load %arg9[%swap3A_453, %swap3A_454] {strides = array<i32>} : memref<80x128xf32, #tpu.memory_space<vmem>>, vector<16xf32>,
      tpu.vector_store %arg9[%swap3A_453, %swap3A_454], %broadcast_in_dim3A_1 {strides = array<i32>} : memref<80x128xf32, #tpu.memory_space<vmem>>, vector<16xf32>,
      %swap3A_456 = arith.index_cast %scan3A_435 : i32 to index
      %swap3A_457 = arith.constant 112 : index
      %swap3A_458 = tpu.vector_load %arg9[%swap3A_456, %swap3A_457] {strides = array<i32>} : memref<80x128xf32, #tpu.memory_space<vmem>>, vector<16xf32>,
      tpu.vector_store %arg9[%swap3A_456, %swap3A_457], %broadcast_in_dim3A_1 {strides = array<i32>} : memref<80x128xf32, #tpu.memory_space<vmem>>, vector<16xf32>,
    }
    %scan3A_6 = arith.constant 80 : i32
    %mul3A_7 = arith.constant 640 : i32
    %mul3A_8 = arith.muli %arg1, %mul3A_7 : i32
    %add3A_9 = arith.constant 0 : i32
    %add3A_10 = arith.addi %mul3A_8, %add3A_9 : i32
    "tpu.region"() ({
      %run_scoped3A = tpu.sem_alloc : memref<!tpu.dma_semaphore, #tpu.memory_space<semaphore_mem>>
      %dma_start3A_435 = arith.constant 0 : i32
      %dma_start3A_436 = tpu.memref_slice %arg13[%add3A_10, %dma_start3A_435] : memref<10240x128xf32, #tpu.memory_space<vmem_shared>> -> memref<80x128xf32, #tpu.memory_space<vmem_shared>>
      %dma_start3A_437 = arith.constant 0 : i32
      %dma_start3A_438 = tpu.memref_slice %arg13[%add3A_10, %dma_start3A_437] : memref<10240x128xf32, #tpu.memory_space<vmem_shared>> -> memref<80x128xf32, #tpu.memory_space<vmem_shared>>
      tpu.enqueue_dma source(%arg9 : memref<80x128xf32, #tpu.memory_space<vmem>>) target(%dma_start3A_438 : memref<80x128xf32, #tpu.memory_space<vmem_shared>>) target_semaphore(%run_scoped3A : memref<!tpu.dma_semaphore, #tpu.memory_space<semaphore_mem>>)
      %dma_wait3A_439 = arith.constant 0 : i32
      %dma_wait3A_440 = tpu.memref_slice %arg13[%add3A_10, %dma_wait3A_439] : memref<10240x128xf32, #tpu.memory_space<vmem_shared>> -> memref<80x128xf32, #tpu.memory_space<vmem_shared>>
      %dma_wait3A_441 = arith.constant 0 : i32
      %dma_wait3A_442 = tpu.memref_slice %arg13[%add3A_10, %dma_wait3A_441] : memref<10240x128xf32, #tpu.memory_space<vmem_shared>> -> memref<80x128xf32, #tpu.memory_space<vmem_shared>>
      tpu.wait_dma2 semaphore(%run_scoped3A : memref<!tpu.dma_semaphore, #tpu.memory_space<semaphore_mem>>) src(%arg9 : memref<80x128xf32, #tpu.memory_space<vmem>>) dst(%dma_wait3A_442 : memref<80x128xf32, #tpu.memory_space<vmem_shared>>)
      tpu.yield
    }) : () -> ()
    %add3A_11 = arith.constant 80 : i32
    %add3A_12 = arith.addi %mul3A_8, %add3A_11 : i32
    "tpu.region"() ({
      %run_scoped3A = tpu.sem_alloc : memref<!tpu.dma_semaphore, #tpu.memory_space<semaphore_mem>>
      %dma_start3A_435 = arith.constant 0 : i32
      %dma_start3A_436 = tpu.memref_slice %arg13[%add3A_12, %dma_start3A_435] : memref<10240x128xf32, #tpu.memory_space<vmem_shared>> -> memref<80x128xf32, #tpu.memory_space<vmem_shared>>
      %dma_start3A_437 = arith.constant 0 : i32
      %dma_start3A_438 = tpu.memref_slice %arg13[%add3A_12, %dma_start3A_437] : memref<10240x128xf32, #tpu.memory_space<vmem_shared>> -> memref<80x128xf32, #tpu.memory_space<vmem_shared>>
      tpu.enqueue_dma source(%arg9 : memref<80x128xf32, #tpu.memory_space<vmem>>) target(%dma_start3A_438 : memref<80x128xf32, #tpu.memory_space<vmem_shared>>) target_semaphore(%run_scoped3A : memref<!tpu.dma_semaphore, #tpu.memory_space<semaphore_mem>>)
      %dma_wait3A_439 = arith.constant 0 : i32
      %dma_wait3A_440 = tpu.memref_slice %arg13[%add3A_12, %dma_wait3A_439] : memref<10240x128xf32, #tpu.memory_space<vmem_shared>> -> memref<80x128xf32, #tpu.memory_space<vmem_shared>>
      %dma_wait3A_441 = arith.constant 0 : i32
      %dma_wait3A_442 = tpu.memref_slice %arg13[%add3A_12, %dma_wait3A_441] : memref<10240x128xf32, #tpu.memory_space<vmem_shared>> -> memref<80x128xf32, #tpu.memory_space<vmem_shared>>
      tpu.wait_dma2 semaphore(%run_scoped3A : memref<!tpu.dma_semaphore, #tpu.memory_space<semaphore_mem>>) src(%arg9 : memref<80x128xf32, #tpu.memory_space<vmem>>) dst(%dma_wait3A_442 : memref<80x128xf32, #tpu.memory_space<vmem_shared>>)
      tpu.yield
    }) : () -> ()
    %add3A_13 = arith.constant 160 : i32
    %add3A_14 = arith.addi %mul3A_8, %add3A_13 : i32
    "tpu.region"() ({
      %run_scoped3A = tpu.sem_alloc : memref<!tpu.dma_semaphore, #tpu.memory_space<semaphore_mem>>
      %dma_start3A_435 = arith.constant 0 : i32
      %dma_start3A_436 = tpu.memref_slice %arg13[%add3A_14, %dma_start3A_435] : memref<10240x128xf32, #tpu.memory_space<vmem_shared>> -> memref<80x128xf32, #tpu.memory_space<vmem_shared>>
      %dma_start3A_437 = arith.constant 0 : i32
      %dma_start3A_438 = tpu.memref_slice %arg13[%add3A_14, %dma_start3A_437] : memref<10240x128xf32, #tpu.memory_space<vmem_shared>> -> memref<80x128xf32, #tpu.memory_space<vmem_shared>>
      tpu.enqueue_dma source(%arg9 : memref<80x128xf32, #tpu.memory_space<vmem>>) target(%dma_start3A_438 : memref<80x128xf32, #tpu.memory_space<vmem_shared>>) target_semaphore(%run_scoped3A : memref<!tpu.dma_semaphore, #tpu.memory_space<semaphore_mem>>)
      %dma_wait3A_439 = arith.constant 0 : i32
      %dma_wait3A_440 = tpu.memref_slice %arg13[%add3A_14, %dma_wait3A_439] : memref<10240x128xf32, #tpu.memory_space<vmem_shared>> -> memref<80x128xf32, #tpu.memory_space<vmem_shared>>
      %dma_wait3A_441 = arith.constant 0 : i32
      %dma_wait3A_442 = tpu.memref_slice %arg13[%add3A_14, %dma_wait3A_441] : memref<10240x128xf32, #tpu.memory_space<vmem_shared>> -> memref<80x128xf32, #tpu.memory_space<vmem_shared>>
      tpu.wait_dma2 semaphore(%run_scoped3A : memref<!tpu.dma_semaphore, #tpu.memory_space<semaphore_mem>>) src(%arg9 : memref<80x128xf32, #tpu.memory_space<vmem>>) dst(%dma_wait3A_442 : memref<80x128xf32, #tpu.memory_space<vmem_shared>>)
      tpu.yield
    }) : () -> ()
    %add3A_15 = arith.constant 240 : i32
    %add3A_16 = arith.addi %mul3A_8, %add3A_15 : i32
    "tpu.region"() ({
      %run_scoped3A = tpu.sem_alloc : memref<!tpu.dma_semaphore, #tpu.memory_space<semaphore_mem>>
      %dma_start3A_435 = arith.constant 0 : i32
      %dma_start3A_436 = tpu.memref_slice %arg13[%add3A_16, %dma_start3A_435] : memref<10240x128xf32, #tpu.memory_space<vmem_shared>> -> memref<80x128xf32, #tpu.memory_space<vmem_shared>>
      %dma_start3A_437 = arith.constant 0 : i32
      %dma_start3A_438 = tpu.memref_slice %arg13[%add3A_16, %dma_start3A_437] : memref<10240x128xf32, #tpu.memory_space<vmem_shared>> -> memref<80x128xf32, #tpu.memory_space<vmem_shared>>
      tpu.enqueue_dma source(%arg9 : memref<80x128xf32, #tpu.memory_space<vmem>>) target(%dma_start3A_438 : memref<80x128xf32, #tpu.memory_space<vmem_shared>>) target_semaphore(%run_scoped3A : memref<!tpu.dma_semaphore, #tpu.memory_space<semaphore_mem>>)
      %dma_wait3A_439 = arith.constant 0 : i32
      %dma_wait3A_440 = tpu.memref_slice %arg13[%add3A_16, %dma_wait3A_439] : memref<10240x128xf32, #tpu.memory_space<vmem_shared>> -> memref<80x128xf32, #tpu.memory_space<vmem_shared>>
      %dma_wait3A_441 = arith.constant 0 : i32
      %dma_wait3A_442 = tpu.memref_slice %arg13[%add3A_16, %dma_wait3A_441] : memref<10240x128xf32, #tpu.memory_space<vmem_shared>> -> memref<80x128xf32, #tpu.memory_space<vmem_shared>>
      tpu.wait_dma2 semaphore(%run_scoped3A : memref<!tpu.dma_semaphore, #tpu.memory_space<semaphore_mem>>) src(%arg9 : memref<80x128xf32, #tpu.memory_space<vmem>>) dst(%dma_wait3A_442 : memref<80x128xf32, #tpu.memory_space<vmem_shared>>)
      tpu.yield
    }) : () -> ()
    %add3A_17 = arith.constant 320 : i32
    %add3A_18 = arith.addi %mul3A_8, %add3A_17 : i32
    "tpu.region"() ({
      %run_scoped3A = tpu.sem_alloc : memref<!tpu.dma_semaphore, #tpu.memory_space<semaphore_mem>>
      %dma_start3A_435 = arith.constant 0 : i32
      %dma_start3A_436 = tpu.memref_slice %arg13[%add3A_18, %dma_start3A_435] : memref<10240x128xf32, #tpu.memory_space<vmem_shared>> -> memref<80x128xf32, #tpu.memory_space<vmem_shared>>
      %dma_start3A_437 = arith.constant 0 : i32
      %dma_start3A_438 = tpu.memref_slice %arg13[%add3A_18, %dma_start3A_437] : memref<10240x128xf32, #tpu.memory_space<vmem_shared>> -> memref<80x128xf32, #tpu.memory_space<vmem_shared>>
      tpu.enqueue_dma source(%arg9 : memref<80x128xf32, #tpu.memory_space<vmem>>) target(%dma_start3A_438 : memref<80x128xf32, #tpu.memory_space<vmem_shared>>) target_semaphore(%run_scoped3A : memref<!tpu.dma_semaphore, #tpu.memory_space<semaphore_mem>>)
      %dma_wait3A_439 = arith.constant 0 : i32
      %dma_wait3A_440 = tpu.memref_slice %arg13[%add3A_18, %dma_wait3A_439] : memref<10240x128xf32, #tpu.memory_space<vmem_shared>> -> memref<80x128xf32, #tpu.memory_space<vmem_shared>>
      %dma_wait3A_441 = arith.constant 0 : i32
      %dma_wait3A_442 = tpu.memref_slice %arg13[%add3A_18, %dma_wait3A_441] : memref<10240x128xf32, #tpu.memory_space<vmem_shared>> -> memref<80x128xf32, #tpu.memory_space<vmem_shared>>
      tpu.wait_dma2 semaphore(%run_scoped3A : memref<!tpu.dma_semaphore, #tpu.memory_space<semaphore_mem>>) src(%arg9 : memref<80x128xf32, #tpu.memory_space<vmem>>) dst(%dma_wait3A_442 : memref<80x128xf32, #tpu.memory_space<vmem_shared>>)
      tpu.yield
    }) : () -> ()
    %add3A_19 = arith.constant 400 : i32
    %add3A_20 = arith.addi %mul3A_8, %add3A_19 : i32
    "tpu.region"() ({
      %run_scoped3A = tpu.sem_alloc : memref<!tpu.dma_semaphore, #tpu.memory_space<semaphore_mem>>
      %dma_start3A_435 = arith.constant 0 : i32
      %dma_start3A_436 = tpu.memref_slice %arg13[%add3A_20, %dma_start3A_435] : memref<10240x128xf32, #tpu.memory_space<vmem_shared>> -> memref<80x128xf32, #tpu.memory_space<vmem_shared>>
      %dma_start3A_437 = arith.constant 0 : i32
      %dma_start3A_438 = tpu.memref_slice %arg13[%add3A_20, %dma_start3A_437] : memref<10240x128xf32, #tpu.memory_space<vmem_shared>> -> memref<80x128xf32, #tpu.memory_space<vmem_shared>>
      tpu.enqueue_dma source(%arg9 : memref<80x128xf32, #tpu.memory_space<vmem>>) target(%dma_start3A_438 : memref<80x128xf32, #tpu.memory_space<vmem_shared>>) target_semaphore(%run_scoped3A : memref<!tpu.dma_semaphore, #tpu.memory_space<semaphore_mem>>)
      %dma_wait3A_439 = arith.constant 0 : i32
      %dma_wait3A_440 = tpu.memref_slice %arg13[%add3A_20, %dma_wait3A_439] : memref<10240x128xf32, #tpu.memory_space<vmem_shared>> -> memref<80x128xf32, #tpu.memory_space<vmem_shared>>
      %dma_wait3A_441 = arith.constant 0 : i32
      %dma_wait3A_442 = tpu.memref_slice %arg13[%add3A_20, %dma_wait3A_441] : memref<10240x128xf32, #tpu.memory_space<vmem_shared>> -> memref<80x128xf32, #tpu.memory_space<vmem_shared>>
      tpu.wait_dma2 semaphore(%run_scoped3A : memref<!tpu.dma_semaphore, #tpu.memory_space<semaphore_mem>>) src(%arg9 : memref<80x128xf32, #tpu.memory_space<vmem>>) dst(%dma_wait3A_442 : memref<80x128xf32, #tpu.memory_space<vmem_shared>>)
      tpu.yield
    }) : () -> ()
    %add3A_21 = arith.constant 480 : i32
    %add3A_22 = arith.addi %mul3A_8, %add3A_21 : i32
    "tpu.region"() ({
      %run_scoped3A = tpu.sem_alloc : memref<!tpu.dma_semaphore, #tpu.memory_space<semaphore_mem>>
      %dma_start3A_435 = arith.constant 0 : i32
      %dma_start3A_436 = tpu.memref_slice %arg13[%add3A_22, %dma_start3A_435] : memref<10240x128xf32, #tpu.memory_space<vmem_shared>> -> memref<80x128xf32, #tpu.memory_space<vmem_shared>>
      %dma_start3A_437 = arith.constant 0 : i32
      %dma_start3A_438 = tpu.memref_slice %arg13[%add3A_22, %dma_start3A_437] : memref<10240x128xf32, #tpu.memory_space<vmem_shared>> -> memref<80x128xf32, #tpu.memory_space<vmem_shared>>
      tpu.enqueue_dma source(%arg9 : memref<80x128xf32, #tpu.memory_space<vmem>>) target(%dma_start3A_438 : memref<80x128xf32, #tpu.memory_space<vmem_shared>>) target_semaphore(%run_scoped3A : memref<!tpu.dma_semaphore, #tpu.memory_space<semaphore_mem>>)
      %dma_wait3A_439 = arith.constant 0 : i32
      %dma_wait3A_440 = tpu.memref_slice %arg13[%add3A_22, %dma_wait3A_439] : memref<10240x128xf32, #tpu.memory_space<vmem_shared>> -> memref<80x128xf32, #tpu.memory_space<vmem_shared>>
      %dma_wait3A_441 = arith.constant 0 : i32
      %dma_wait3A_442 = tpu.memref_slice %arg13[%add3A_22, %dma_wait3A_441] : memref<10240x128xf32, #tpu.memory_space<vmem_shared>> -> memref<80x128xf32, #tpu.memory_space<vmem_shared>>
      tpu.wait_dma2 semaphore(%run_scoped3A : memref<!tpu.dma_semaphore, #tpu.memory_space<semaphore_mem>>) src(%arg9 : memref<80x128xf32, #tpu.memory_space<vmem>>) dst(%dma_wait3A_442 : memref<80x128xf32, #tpu.memory_space<vmem_shared>>)
      tpu.yield
    }) : () -> ()
    %add3A_23 = arith.constant 560 : i32
    %add3A_24 = arith.addi %mul3A_8, %add3A_23 : i32
    "tpu.region"() ({
      %run_scoped3A = tpu.sem_alloc : memref<!tpu.dma_semaphore, #tpu.memory_space<semaphore_mem>>
      %dma_start3A_435 = arith.constant 0 : i32
      %dma_start3A_436 = tpu.memref_slice %arg13[%add3A_24, %dma_start3A_435] : memref<10240x128xf32, #tpu.memory_space<vmem_shared>> -> memref<80x128xf32, #tpu.memory_space<vmem_shared>>
      %dma_start3A_437 = arith.constant 0 : i32
      %dma_start3A_438 = tpu.memref_slice %arg13[%add3A_24, %dma_start3A_437] : memref<10240x128xf32, #tpu.memory_space<vmem_shared>> -> memref<80x128xf32, #tpu.memory_space<vmem_shared>>
      tpu.enqueue_dma source(%arg9 : memref<80x128xf32, #tpu.memory_space<vmem>>) target(%dma_start3A_438 : memref<80x128xf32, #tpu.memory_space<vmem_shared>>) target_semaphore(%run_scoped3A : memref<!tpu.dma_semaphore, #tpu.memory_space<semaphore_mem>>)
      %dma_wait3A_439 = arith.constant 0 : i32
      %dma_wait3A_440 = tpu.memref_slice %arg13[%add3A_24, %dma_wait3A_439] : memref<10240x128xf32, #tpu.memory_space<vmem_shared>> -> memref<80x128xf32, #tpu.memory_space<vmem_shared>>
      %dma_wait3A_441 = arith.constant 0 : i32
      %dma_wait3A_442 = tpu.memref_slice %arg13[%add3A_24, %dma_wait3A_441] : memref<10240x128xf32, #tpu.memory_space<vmem_shared>> -> memref<80x128xf32, #tpu.memory_space<vmem_shared>>
      tpu.wait_dma2 semaphore(%run_scoped3A : memref<!tpu.dma_semaphore, #tpu.memory_space<semaphore_mem>>) src(%arg9 : memref<80x128xf32, #tpu.memory_space<vmem>>) dst(%dma_wait3A_442 : memref<80x128xf32, #tpu.memory_space<vmem_shared>>)
      tpu.yield
    }) : () -> ()
    %barrier3A = arith.constant 0 : index
    tpu.barrier barrier_id(%barrier3A)
    %mul3A_25 = arith.constant 125 : i32
    %mul3A_26 = arith.muli %add3A, %mul3A_25 : i32
    %mul3A_27 = arith.constant 80 : i32
    %mul3A_28 = arith.muli %mul3A_26, %mul3A_27 : i32
    "tpu.region"() ({
      %run_scoped3A = tpu.sem_alloc : memref<!tpu.dma_semaphore, #tpu.memory_space<semaphore_mem>>
      %dma_start3A_435 = tpu.memref_slice %arg3[%mul3A_28] : memref<640000xi32, #tpu.memory_space<hbm>> -> memref<320xi32, #tpu.memory_space<hbm>>
      %dma_start3A_436 = tpu.memref_slice %arg3[%mul3A_28] : memref<640000xi32, #tpu.memory_space<hbm>> -> memref<320xi32, #tpu.memory_space<hbm>>
      tpu.enqueue_dma source(%dma_start3A_436 : memref<320xi32, #tpu.memory_space<hbm>>) target(%arg5 : memref<320xi32, #tpu.memory_space<vmem>>) target_semaphore(%run_scoped3A : memref<!tpu.dma_semaphore, #tpu.memory_space<semaphore_mem>>)
      %dma_wait3A_437 = tpu.memref_slice %arg3[%mul3A_28] : memref<640000xi32, #tpu.memory_space<hbm>> -> memref<320xi32, #tpu.memory_space<hbm>>
      %dma_wait3A_438 = tpu.memref_slice %arg3[%mul3A_28] : memref<640000xi32, #tpu.memory_space<hbm>> -> memref<320xi32, #tpu.memory_space<hbm>>
      tpu.wait_dma2 semaphore(%run_scoped3A : memref<!tpu.dma_semaphore, #tpu.memory_space<semaphore_mem>>) src(%dma_wait3A_438 : memref<320xi32, #tpu.memory_space<hbm>>) dst(%arg5 : memref<320xi32, #tpu.memory_space<vmem>>)
      tpu.yield
    }) : () -> ()
    %mul3A_29 = arith.constant 80 : i32
    %mul3A_30 = arith.muli %mul3A_26, %mul3A_29 : i32
    %add3A_31 = arith.constant 320000 : i32
    %add3A_32 = arith.addi %add3A_31, %mul3A_30 : i32
    "tpu.region"() ({
      %run_scoped3A = tpu.sem_alloc : memref<!tpu.dma_semaphore, #tpu.memory_space<semaphore_mem>>
      %dma_start3A_435 = tpu.memref_slice %arg3[%add3A_32] : memref<640000xi32, #tpu.memory_space<hbm>> -> memref<320xi32, #tpu.memory_space<hbm>>
      %dma_start3A_436 = tpu.memref_slice %arg3[%add3A_32] : memref<640000xi32, #tpu.memory_space<hbm>> -> memref<320xi32, #tpu.memory_space<hbm>>
      tpu.enqueue_dma source(%dma_start3A_436 : memref<320xi32, #tpu.memory_space<hbm>>) target(%arg7 : memref<320xi32, #tpu.memory_space<vmem>>) target_semaphore(%run_scoped3A : memref<!tpu.dma_semaphore, #tpu.memory_space<semaphore_mem>>)
      %dma_wait3A_437 = tpu.memref_slice %arg3[%add3A_32] : memref<640000xi32, #tpu.memory_space<hbm>> -> memref<320xi32, #tpu.memory_space<hbm>>
      %dma_wait3A_438 = tpu.memref_slice %arg3[%add3A_32] : memref<640000xi32, #tpu.memory_space<hbm>> -> memref<320xi32, #tpu.memory_space<hbm>>
      tpu.wait_dma2 semaphore(%run_scoped3A : memref<!tpu.dma_semaphore, #tpu.memory_space<semaphore_mem>>) src(%dma_wait3A_438 : memref<320xi32, #tpu.memory_space<hbm>>) dst(%arg7 : memref<320xi32, #tpu.memory_space<vmem>>)
      tpu.yield
    }) : () -> ()
    %dma_start3A = arith.constant 0 : i32
    %dma_start3A_33 = tpu.memref_slice %arg5[%dma_start3A] : memref<320xi32, #tpu.memory_space<vmem>> -> memref<80xi32, #tpu.memory_space<vmem>>
    %dma_start3A_34 = arith.constant 0 : i32
    %dma_start3A_35 = arith.constant 0 : i32
    %dma_start3A_36 = tpu.memref_slice %arg2[%dma_start3A_34, %dma_start3A_35] : memref<10000x128xf32, #tpu.memory_space<hbm>> -> memref<10000x128xf32, #tpu.memory_space<hbm>>
    tpu.enqueue_indirect_dma source(%dma_start3A_36 : memref<10000x128xf32, #tpu.memory_space<hbm>>) target(%arg9 : memref<80x128xf32, #tpu.memory_space<vmem>>) offsets(%dma_start3A_33 : memref<80xi32, #tpu.memory_space<vmem>>) semaphore(%arg14 : memref<!tpu.dma_semaphore, #tpu.memory_space<semaphore_mem>>)
    %dma_wait3A = arith.constant 0 : i32
    %dma_wait3A_37 = arith.constant 0 : i32
    %dma_wait3A_38 = tpu.memref_slice %arg2[%dma_wait3A, %dma_wait3A_37] : memref<10000x128xf32, #tpu.memory_space<hbm>> -> memref<80x128xf32, #tpu.memory_space<hbm>>
    %dma_wait3A_39 = arith.constant 0 : i32
    %dma_wait3A_40 = arith.constant 0 : i32
    %dma_wait3A_41 = tpu.memref_slice %arg2[%dma_wait3A_39, %dma_wait3A_40] : memref<10000x128xf32, #tpu.memory_space<hbm>> -> memref<80x128xf32, #tpu.memory_space<hbm>>
    tpu.wait_dma2 semaphore(%arg14 : memref<!tpu.dma_semaphore, #tpu.memory_space<semaphore_mem>>) src(%dma_wait3A_41 : memref<80x128xf32, #tpu.memory_space<hbm>>) dst(%arg9 : memref<80x128xf32, #tpu.memory_space<vmem>>)
    %dma_start3A_42 = arith.constant 0 : i32
    %dma_start3A_43 = tpu.memref_slice %arg7[%dma_start3A_42] : memref<320xi32, #tpu.memory_space<vmem>> -> memref<80xi32, #tpu.memory_space<vmem>>
    %dma_start3A_44 = arith.constant 0 : i32
    %dma_start3A_45 = arith.constant 0 : i32
    %dma_start3A_46 = tpu.memref_slice %arg13[%dma_start3A_44, %dma_start3A_45] : memref<10240x128xf32, #tpu.memory_space<vmem_shared>> -> memref<10240x128xf32, #tpu.memory_space<vmem_shared>>
    tpu.enqueue_indirect_dma source(%arg9 : memref<80x128xf32, #tpu.memory_space<vmem>>) target(%dma_start3A_46 : memref<10240x128xf32, #tpu.memory_space<vmem_shared>>) offsets(%dma_start3A_43 : memref<80xi32, #tpu.memory_space<vmem>>) semaphore(%arg18 : memref<!tpu.dma_semaphore, #tpu.memory_space<semaphore_mem>>) {add = true}
    %dma_start3A_47 = arith.constant 80 : i32
    %dma_start3A_48 = tpu.memref_slice %arg5[%dma_start3A_47] : memref<320xi32, #tpu.memory_space<vmem>> -> memref<80xi32, #tpu.memory_space<vmem>>
    %dma_start3A_49 = arith.constant 0 : i32
    %dma_start3A_50 = arith.constant 0 : i32
    %dma_start3A_51 = tpu.memref_slice %arg2[%dma_start3A_49, %dma_start3A_50] : memref<10000x128xf32, #tpu.memory_space<hbm>> -> memref<10000x128xf32, #tpu.memory_space<hbm>>
    tpu.enqueue_indirect_dma source(%dma_start3A_51 : memref<10000x128xf32, #tpu.memory_space<hbm>>) target(%arg10 : memref<80x128xf32, #tpu.memory_space<vmem>>) offsets(%dma_start3A_48 : memref<80xi32, #tpu.memory_space<vmem>>) semaphore(%arg15 : memref<!tpu.dma_semaphore, #tpu.memory_space<semaphore_mem>>)
    %dma_wait3A_52 = arith.constant 0 : i32
    %dma_wait3A_53 = arith.constant 0 : i32
    %dma_wait3A_54 = tpu.memref_slice %arg2[%dma_wait3A_52, %dma_wait3A_53] : memref<10000x128xf32, #tpu.memory_space<hbm>> -> memref<80x128xf32, #tpu.memory_space<hbm>>
    %dma_wait3A_55 = arith.constant 0 : i32
    %dma_wait3A_56 = arith.constant 0 : i32
    %dma_wait3A_57 = tpu.memref_slice %arg2[%dma_wait3A_55, %dma_wait3A_56] : memref<10000x128xf32, #tpu.memory_space<hbm>> -> memref<80x128xf32, #tpu.memory_space<hbm>>
    tpu.wait_dma2 semaphore(%arg15 : memref<!tpu.dma_semaphore, #tpu.memory_space<semaphore_mem>>) src(%dma_wait3A_57 : memref<80x128xf32, #tpu.memory_space<hbm>>) dst(%arg10 : memref<80x128xf32, #tpu.memory_space<vmem>>)
    %dma_start3A_58 = arith.constant 80 : i32
    %dma_start3A_59 = tpu.memref_slice %arg7[%dma_start3A_58] : memref<320xi32, #tpu.memory_space<vmem>> -> memref<80xi32, #tpu.memory_space<vmem>>
    %dma_start3A_60 = arith.constant 0 : i32
    %dma_start3A_61 = arith.constant 0 : i32
    %dma_start3A_62 = tpu.memref_slice %arg13[%dma_start3A_60, %dma_start3A_61] : memref<10240x128xf32, #tpu.memory_space<vmem_shared>> -> memref<10240x128xf32, #tpu.memory_space<vmem_shared>>
    tpu.enqueue_indirect_dma source(%arg10 : memref<80x128xf32, #tpu.memory_space<vmem>>) target(%dma_start3A_62 : memref<10240x128xf32, #tpu.memory_space<vmem_shared>>) offsets(%dma_start3A_59 : memref<80xi32, #tpu.memory_space<vmem>>) semaphore(%arg19 : memref<!tpu.dma_semaphore, #tpu.memory_space<semaphore_mem>>) {add = true}
    %dma_start3A_63 = arith.constant 160 : i32
    %dma_start3A_64 = tpu.memref_slice %arg5[%dma_start3A_63] : memref<320xi32, #tpu.memory_space<vmem>> -> memref<80xi32, #tpu.memory_space<vmem>>
    %dma_start3A_65 = arith.constant 0 : i32
    %dma_start3A_66 = arith.constant 0 : i32
    %dma_start3A_67 = tpu.memref_slice %arg2[%dma_start3A_65, %dma_start3A_66] : memref<10000x128xf32, #tpu.memory_space<hbm>> -> memref<10000x128xf32, #tpu.memory_space<hbm>>
    tpu.enqueue_indirect_dma source(%dma_start3A_67 : memref<10000x128xf32, #tpu.memory_space<hbm>>) target(%arg11 : memref<80x128xf32, #tpu.memory_space<vmem>>) offsets(%dma_start3A_64 : memref<80xi32, #tpu.memory_space<vmem>>) semaphore(%arg16 : memref<!tpu.dma_semaphore, #tpu.memory_space<semaphore_mem>>)
    %dma_wait3A_68 = arith.constant 0 : i32
    %dma_wait3A_69 = arith.constant 0 : i32
    %dma_wait3A_70 = tpu.memref_slice %arg2[%dma_wait3A_68, %dma_wait3A_69] : memref<10000x128xf32, #tpu.memory_space<hbm>> -> memref<80x128xf32, #tpu.memory_space<hbm>>
    %dma_wait3A_71 = arith.constant 0 : i32
    %dma_wait3A_72 = arith.constant 0 : i32
    %dma_wait3A_73 = tpu.memref_slice %arg2[%dma_wait3A_71, %dma_wait3A_72] : memref<10000x128xf32, #tpu.memory_space<hbm>> -> memref<80x128xf32, #tpu.memory_space<hbm>>
    tpu.wait_dma2 semaphore(%arg16 : memref<!tpu.dma_semaphore, #tpu.memory_space<semaphore_mem>>) src(%dma_wait3A_73 : memref<80x128xf32, #tpu.memory_space<hbm>>) dst(%arg11 : memref<80x128xf32, #tpu.memory_space<vmem>>)
    %dma_start3A_74 = arith.constant 160 : i32
    %dma_start3A_75 = tpu.memref_slice %arg7[%dma_start3A_74] : memref<320xi32, #tpu.memory_space<vmem>> -> memref<80xi32, #tpu.memory_space<vmem>>
    %dma_start3A_76 = arith.constant 0 : i32
    %dma_start3A_77 = arith.constant 0 : i32
    %dma_start3A_78 = tpu.memref_slice %arg13[%dma_start3A_76, %dma_start3A_77] : memref<10240x128xf32, #tpu.memory_space<vmem_shared>> -> memref<10240x128xf32, #tpu.memory_space<vmem_shared>>
    tpu.enqueue_indirect_dma source(%arg11 : memref<80x128xf32, #tpu.memory_space<vmem>>) target(%dma_start3A_78 : memref<10240x128xf32, #tpu.memory_space<vmem_shared>>) offsets(%dma_start3A_75 : memref<80xi32, #tpu.memory_space<vmem>>) semaphore(%arg20 : memref<!tpu.dma_semaphore, #tpu.memory_space<semaphore_mem>>) {add = true}
    %dma_start3A_79 = arith.constant 240 : i32
    %dma_start3A_80 = tpu.memref_slice %arg5[%dma_start3A_79] : memref<320xi32, #tpu.memory_space<vmem>> -> memref<80xi32, #tpu.memory_space<vmem>>
    %dma_start3A_81 = arith.constant 0 : i32
    %dma_start3A_82 = arith.constant 0 : i32
    %dma_start3A_83 = tpu.memref_slice %arg2[%dma_start3A_81, %dma_start3A_82] : memref<10000x128xf32, #tpu.memory_space<hbm>> -> memref<10000x128xf32, #tpu.memory_space<hbm>>
    tpu.enqueue_indirect_dma source(%dma_start3A_83 : memref<10000x128xf32, #tpu.memory_space<hbm>>) target(%arg12 : memref<80x128xf32, #tpu.memory_space<vmem>>) offsets(%dma_start3A_80 : memref<80xi32, #tpu.memory_space<vmem>>) semaphore(%arg17 : memref<!tpu.dma_semaphore, #tpu.memory_space<semaphore_mem>>)
    %add3A_84 = arith.constant 4 : i32
    %add3A_85 = arith.addi %mul3A_26, %add3A_84 : i32
    %dma_wait3A_86 = arith.constant 0 : i32
    %dma_wait3A_87 = arith.constant 0 : i32
    %dma_wait3A_88 = tpu.memref_slice %arg2[%dma_wait3A_86, %dma_wait3A_87] : memref<10000x128xf32, #tpu.memory_space<hbm>> -> memref<80x128xf32, #tpu.memory_space<hbm>>
    %dma_wait3A_89 = arith.constant 0 : i32
    %dma_wait3A_90 = arith.constant 0 : i32
    %dma_wait3A_91 = tpu.memref_slice %arg2[%dma_wait3A_89, %dma_wait3A_90] : memref<10000x128xf32, #tpu.memory_space<hbm>> -> memref<80x128xf32, #tpu.memory_space<hbm>>
    tpu.wait_dma2 semaphore(%arg18 : memref<!tpu.dma_semaphore, #tpu.memory_space<semaphore_mem>>) src(%dma_wait3A_91 : memref<80x128xf32, #tpu.memory_space<hbm>>) dst(%arg9 : memref<80x128xf32, #tpu.memory_space<vmem>>)
    %mul3A_92 = arith.constant 80 : i32
    %mul3A_93 = arith.muli %add3A_85, %mul3A_92 : i32
    %dma_start3A_94 = arith.constant 0 : i32
    %dma_start3A_95 = tpu.memref_slice %arg6[%dma_start3A_94] : memref<320xi32, #tpu.memory_space<vmem>> -> memref<320xi32, #tpu.memory_space<vmem>>
    %dma_start3A_96 = tpu.memref_slice %arg3[%mul3A_93] : memref<640000xi32, #tpu.memory_space<hbm>> -> memref<320xi32, #tpu.memory_space<hbm>>
    %dma_start3A_97 = arith.constant 0 : i32
    %dma_start3A_98 = tpu.memref_slice %arg6[%dma_start3A_97] : memref<320xi32, #tpu.memory_space<vmem>> -> memref<320xi32, #tpu.memory_space<vmem>>
    %dma_start3A_99 = tpu.memref_slice %arg3[%mul3A_93] : memref<640000xi32, #tpu.memory_space<hbm>> -> memref<320xi32, #tpu.memory_space<hbm>>
    tpu.enqueue_dma source(%dma_start3A_99 : memref<320xi32, #tpu.memory_space<hbm>>) target(%dma_start3A_98 : memref<320xi32, #tpu.memory_space<vmem>>) target_semaphore(%arg22 : memref<!tpu.dma_semaphore, #tpu.memory_space<semaphore_mem>>)
    %mul3A_100 = arith.constant 80 : i32
    %mul3A_101 = arith.muli %add3A_85, %mul3A_100 : i32
    %add3A_102 = arith.constant 320000 : i32
    %add3A_103 = arith.addi %add3A_102, %mul3A_101 : i32
    %dma_start3A_104 = arith.constant 0 : i32
    %dma_start3A_105 = tpu.memref_slice %arg8[%dma_start3A_104] : memref<320xi32, #tpu.memory_space<vmem>> -> memref<320xi32, #tpu.memory_space<vmem>>
    %dma_start3A_106 = tpu.memref_slice %arg3[%add3A_103] : memref<640000xi32, #tpu.memory_space<hbm>> -> memref<320xi32, #tpu.memory_space<hbm>>
    %dma_start3A_107 = arith.constant 0 : i32
    %dma_start3A_108 = tpu.memref_slice %arg8[%dma_start3A_107] : memref<320xi32, #tpu.memory_space<vmem>> -> memref<320xi32, #tpu.memory_space<vmem>>
    %dma_start3A_109 = tpu.memref_slice %arg3[%add3A_103] : memref<640000xi32, #tpu.memory_space<hbm>> -> memref<320xi32, #tpu.memory_space<hbm>>
    tpu.enqueue_dma source(%dma_start3A_109 : memref<320xi32, #tpu.memory_space<hbm>>) target(%dma_start3A_108 : memref<320xi32, #tpu.memory_space<vmem>>) target_semaphore(%arg22 : memref<!tpu.dma_semaphore, #tpu.memory_space<semaphore_mem>>)
    %dma_wait3A_110 = arith.constant 0 : i32
    %dma_wait3A_111 = arith.constant 0 : i32
    %dma_wait3A_112 = tpu.memref_slice %arg2[%dma_wait3A_110, %dma_wait3A_111] : memref<10000x128xf32, #tpu.memory_space<hbm>> -> memref<80x128xf32, #tpu.memory_space<hbm>>
    %dma_wait3A_113 = arith.constant 0 : i32
    %dma_wait3A_114 = arith.constant 0 : i32
    %dma_wait3A_115 = tpu.memref_slice %arg2[%dma_wait3A_113, %dma_wait3A_114] : memref<10000x128xf32, #tpu.memory_space<hbm>> -> memref<80x128xf32, #tpu.memory_space<hbm>>
    tpu.wait_dma2 semaphore(%arg17 : memref<!tpu.dma_semaphore, #tpu.memory_space<semaphore_mem>>) src(%dma_wait3A_115 : memref<80x128xf32, #tpu.memory_space<hbm>>) dst(%arg12 : memref<80x128xf32, #tpu.memory_space<vmem>>)
    %dma_start3A_116 = arith.constant 240 : i32
    %dma_start3A_117 = tpu.memref_slice %arg7[%dma_start3A_116] : memref<320xi32, #tpu.memory_space<vmem>> -> memref<80xi32, #tpu.memory_space<vmem>>
    %dma_start3A_118 = arith.constant 0 : i32
    %dma_start3A_119 = arith.constant 0 : i32
    %dma_start3A_120 = tpu.memref_slice %arg13[%dma_start3A_118, %dma_start3A_119] : memref<10240x128xf32, #tpu.memory_space<vmem_shared>> -> memref<10240x128xf32, #tpu.memory_space<vmem_shared>>
    tpu.enqueue_indirect_dma source(%arg12 : memref<80x128xf32, #tpu.memory_space<vmem>>) target(%dma_start3A_120 : memref<10240x128xf32, #tpu.memory_space<vmem_shared>>) offsets(%dma_start3A_117 : memref<80xi32, #tpu.memory_space<vmem>>) semaphore(%arg21 : memref<!tpu.dma_semaphore, #tpu.memory_space<semaphore_mem>>) {add = true}
    %dma_wait3A_121 = arith.constant 0 : i32
    %dma_wait3A_122 = tpu.memref_slice %arg6[%dma_wait3A_121] : memref<320xi32, #tpu.memory_space<vmem>> -> memref<320xi32, #tpu.memory_space<vmem>>
    %dma_wait3A_123 = tpu.memref_slice %arg3[%mul3A_93] : memref<640000xi32, #tpu.memory_space<hbm>> -> memref<320xi32, #tpu.memory_space<hbm>>
    %dma_wait3A_124 = arith.constant 0 : i32
    %dma_wait3A_125 = tpu.memref_slice %arg6[%dma_wait3A_124] : memref<320xi32, #tpu.memory_space<vmem>> -> memref<320xi32, #tpu.memory_space<vmem>>
    %dma_wait3A_126 = tpu.memref_slice %arg3[%mul3A_93] : memref<640000xi32, #tpu.memory_space<hbm>> -> memref<320xi32, #tpu.memory_space<hbm>>
    tpu.wait_dma2 semaphore(%arg22 : memref<!tpu.dma_semaphore, #tpu.memory_space<semaphore_mem>>) src(%dma_wait3A_126 : memref<320xi32, #tpu.memory_space<hbm>>) dst(%dma_wait3A_125 : memref<320xi32, #tpu.memory_space<vmem>>)
    %dma_wait3A_127 = arith.constant 0 : i32
    %dma_wait3A_128 = tpu.memref_slice %arg8[%dma_wait3A_127] : memref<320xi32, #tpu.memory_space<vmem>> -> memref<320xi32, #tpu.memory_space<vmem>>
    %dma_wait3A_129 = tpu.memref_slice %arg3[%add3A_103] : memref<640000xi32, #tpu.memory_space<hbm>> -> memref<320xi32, #tpu.memory_space<hbm>>
    %dma_wait3A_130 = arith.constant 0 : i32
    %dma_wait3A_131 = tpu.memref_slice %arg8[%dma_wait3A_130] : memref<320xi32, #tpu.memory_space<vmem>> -> memref<320xi32, #tpu.memory_space<vmem>>
    %dma_wait3A_132 = tpu.memref_slice %arg3[%add3A_103] : memref<640000xi32, #tpu.memory_space<hbm>> -> memref<320xi32, #tpu.memory_space<hbm>>
    tpu.wait_dma2 semaphore(%arg22 : memref<!tpu.dma_semaphore, #tpu.memory_space<semaphore_mem>>) src(%dma_wait3A_132 : memref<320xi32, #tpu.memory_space<hbm>>) dst(%dma_wait3A_131 : memref<320xi32, #tpu.memory_space<vmem>>)
    %dma_start3A_133 = arith.constant 0 : i32
    %dma_start3A_134 = tpu.memref_slice %arg6[%dma_start3A_133] : memref<320xi32, #tpu.memory_space<vmem>> -> memref<80xi32, #tpu.memory_space<vmem>>
    %dma_start3A_135 = arith.constant 0 : i32
    %dma_start3A_136 = arith.constant 0 : i32
    %dma_start3A_137 = tpu.memref_slice %arg2[%dma_start3A_135, %dma_start3A_136] : memref<10000x128xf32, #tpu.memory_space<hbm>> -> memref<10000x128xf32, #tpu.memory_space<hbm>>
    tpu.enqueue_indirect_dma source(%dma_start3A_137 : memref<10000x128xf32, #tpu.memory_space<hbm>>) target(%arg9 : memref<80x128xf32, #tpu.memory_space<vmem>>) offsets(%dma_start3A_134 : memref<80xi32, #tpu.memory_space<vmem>>) semaphore(%arg14 : memref<!tpu.dma_semaphore, #tpu.memory_space<semaphore_mem>>)
    %scan3A_138 = arith.constant 0 : i32
    %scan3A_139 = arith.constant 0 : i32
    %scan3A_140 = arith.constant 14 : i32
    %scan3A_141 = arith.addi %scan3A_139, %scan3A_140 : i32
    %scan3A_142 = arith.constant 1 : i32
    scf.for %scan3A_435 = %scan3A_139 to %scan3A_141 step %scan3A_142  : i32 {
      %mul3A_436 = arith.constant 2 : i32
      %mul3A_437 = arith.muli %mul3A_436, %scan3A_435 : i32
      %add3A_438 = arith.constant 1 : i32
      %add3A_439 = arith.addi %add3A_438, %mul3A_437 : i32
      %mul3A_440 = arith.constant 4 : i32
      %mul3A_441 = arith.muli %mul3A_440, %add3A_439 : i32
      %add3A_442 = arith.addi %mul3A_26, %mul3A_441 : i32
      %dma_wait3A_443 = arith.constant 0 : i32
      %dma_wait3A_444 = arith.constant 0 : i32
      %dma_wait3A_445 = tpu.memref_slice %arg2[%dma_wait3A_443, %dma_wait3A_444] : memref<10000x128xf32, #tpu.memory_space<hbm>> -> memref<80x128xf32, #tpu.memory_space<hbm>>
      %dma_wait3A_446 = arith.constant 0 : i32
      %dma_wait3A_447 = arith.constant 0 : i32
      %dma_wait3A_448 = tpu.memref_slice %arg2[%dma_wait3A_446, %dma_wait3A_447] : memref<10000x128xf32, #tpu.memory_space<hbm>> -> memref<80x128xf32, #tpu.memory_space<hbm>>
      tpu.wait_dma2 semaphore(%arg19 : memref<!tpu.dma_semaphore, #tpu.memory_space<semaphore_mem>>) src(%dma_wait3A_448 : memref<80x128xf32, #tpu.memory_space<hbm>>) dst(%arg10 : memref<80x128xf32, #tpu.memory_space<vmem>>)
      %dma_wait3A_449 = arith.constant 0 : i32
      %dma_wait3A_450 = arith.constant 0 : i32
      %dma_wait3A_451 = tpu.memref_slice %arg2[%dma_wait3A_449, %dma_wait3A_450] : memref<10000x128xf32, #tpu.memory_space<hbm>> -> memref<80x128xf32, #tpu.memory_space<hbm>>
      %dma_wait3A_452 = arith.constant 0 : i32
      %dma_wait3A_453 = arith.constant 0 : i32
      %dma_wait3A_454 = tpu.memref_slice %arg2[%dma_wait3A_452, %dma_wait3A_453] : memref<10000x128xf32, #tpu.memory_space<hbm>> -> memref<80x128xf32, #tpu.memory_space<hbm>>
      tpu.wait_dma2 semaphore(%arg14 : memref<!tpu.dma_semaphore, #tpu.memory_space<semaphore_mem>>) src(%dma_wait3A_454 : memref<80x128xf32, #tpu.memory_space<hbm>>) dst(%arg9 : memref<80x128xf32, #tpu.memory_space<vmem>>)
      %dma_start3A_455 = arith.constant 0 : i32
      %dma_start3A_456 = tpu.memref_slice %arg8[%dma_start3A_455] : memref<320xi32, #tpu.memory_space<vmem>> -> memref<80xi32, #tpu.memory_space<vmem>>
      %dma_start3A_457 = arith.constant 0 : i32
      %dma_start3A_458 = arith.constant 0 : i32
      %dma_start3A_459 = tpu.memref_slice %arg13[%dma_start3A_457, %dma_start3A_458] : memref<10240x128xf32, #tpu.memory_space<vmem_shared>> -> memref<10240x128xf32, #tpu.memory_space<vmem_shared>>
      tpu.enqueue_indirect_dma source(%arg9 : memref<80x128xf32, #tpu.memory_space<vmem>>) target(%dma_start3A_459 : memref<10240x128xf32, #tpu.memory_space<vmem_shared>>) offsets(%dma_start3A_456 : memref<80xi32, #tpu.memory_space<vmem>>) semaphore(%arg18 : memref<!tpu.dma_semaphore, #tpu.memory_space<semaphore_mem>>) {add = true}
      %dma_start3A_460 = arith.constant 80 : i32
      %dma_start3A_461 = tpu.memref_slice %arg6[%dma_start3A_460] : memref<320xi32, #tpu.memory_space<vmem>> -> memref<80xi32, #tpu.memory_space<vmem>>
      %dma_start3A_462 = arith.constant 0 : i32
      %dma_start3A_463 = arith.constant 0 : i32
      %dma_start3A_464 = tpu.memref_slice %arg2[%dma_start3A_462, %dma_start3A_463] : memref<10000x128xf32, #tpu.memory_space<hbm>> -> memref<10000x128xf32, #tpu.memory_space<hbm>>
      tpu.enqueue_indirect_dma source(%dma_start3A_464 : memref<10000x128xf32, #tpu.memory_space<hbm>>) target(%arg10 : memref<80x128xf32, #tpu.memory_space<vmem>>) offsets(%dma_start3A_461 : memref<80xi32, #tpu.memory_space<vmem>>) semaphore(%arg15 : memref<!tpu.dma_semaphore, #tpu.memory_space<semaphore_mem>>)
      %dma_wait3A_465 = arith.constant 0 : i32
      %dma_wait3A_466 = arith.constant 0 : i32
      %dma_wait3A_467 = tpu.memref_slice %arg2[%dma_wait3A_465, %dma_wait3A_466] : memref<10000x128xf32, #tpu.memory_space<hbm>> -> memref<80x128xf32, #tpu.memory_space<hbm>>
      %dma_wait3A_468 = arith.constant 0 : i32
      %dma_wait3A_469 = arith.constant 0 : i32
      %dma_wait3A_470 = tpu.memref_slice %arg2[%dma_wait3A_468, %dma_wait3A_469] : memref<10000x128xf32, #tpu.memory_space<hbm>> -> memref<80x128xf32, #tpu.memory_space<hbm>>
      tpu.wait_dma2 semaphore(%arg20 : memref<!tpu.dma_semaphore, #tpu.memory_space<semaphore_mem>>) src(%dma_wait3A_470 : memref<80x128xf32, #tpu.memory_space<hbm>>) dst(%arg11 : memref<80x128xf32, #tpu.memory_space<vmem>>)
      %dma_wait3A_471 = arith.constant 0 : i32
      %dma_wait3A_472 = arith.constant 0 : i32
      %dma_wait3A_473 = tpu.memref_slice %arg2[%dma_wait3A_471, %dma_wait3A_472] : memref<10000x128xf32, #tpu.memory_space<hbm>> -> memref<80x128xf32, #tpu.memory_space<hbm>>
      %dma_wait3A_474 = arith.constant 0 : i32
      %dma_wait3A_475 = arith.constant 0 : i32
      %dma_wait3A_476 = tpu.memref_slice %arg2[%dma_wait3A_474, %dma_wait3A_475] : memref<10000x128xf32, #tpu.memory_space<hbm>> -> memref<80x128xf32, #tpu.memory_space<hbm>>
      tpu.wait_dma2 semaphore(%arg15 : memref<!tpu.dma_semaphore, #tpu.memory_space<semaphore_mem>>) src(%dma_wait3A_476 : memref<80x128xf32, #tpu.memory_space<hbm>>) dst(%arg10 : memref<80x128xf32, #tpu.memory_space<vmem>>)
      %dma_start3A_477 = arith.constant 80 : i32
      %dma_start3A_478 = tpu.memref_slice %arg8[%dma_start3A_477] : memref<320xi32, #tpu.memory_space<vmem>> -> memref<80xi32, #tpu.memory_space<vmem>>
      %dma_start3A_479 = arith.constant 0 : i32
      %dma_start3A_480 = arith.constant 0 : i32
      %dma_start3A_481 = tpu.memref_slice %arg13[%dma_start3A_479, %dma_start3A_480] : memref<10240x128xf32, #tpu.memory_space<vmem_shared>> -> memref<10240x128xf32, #tpu.memory_space<vmem_shared>>
      tpu.enqueue_indirect_dma source(%arg10 : memref<80x128xf32, #tpu.memory_space<vmem>>) target(%dma_start3A_481 : memref<10240x128xf32, #tpu.memory_space<vmem_shared>>) offsets(%dma_start3A_478 : memref<80xi32, #tpu.memory_space<vmem>>) semaphore(%arg19 : memref<!tpu.dma_semaphore, #tpu.memory_space<semaphore_mem>>) {add = true}
      %dma_start3A_482 = arith.constant 160 : i32
      %dma_start3A_483 = tpu.memref_slice %arg6[%dma_start3A_482] : memref<320xi32, #tpu.memory_space<vmem>> -> memref<80xi32, #tpu.memory_space<vmem>>
      %dma_start3A_484 = arith.constant 0 : i32
      %dma_start3A_485 = arith.constant 0 : i32
      %dma_start3A_486 = tpu.memref_slice %arg2[%dma_start3A_484, %dma_start3A_485] : memref<10000x128xf32, #tpu.memory_space<hbm>> -> memref<10000x128xf32, #tpu.memory_space<hbm>>
      tpu.enqueue_indirect_dma source(%dma_start3A_486 : memref<10000x128xf32, #tpu.memory_space<hbm>>) target(%arg11 : memref<80x128xf32, #tpu.memory_space<vmem>>) offsets(%dma_start3A_483 : memref<80xi32, #tpu.memory_space<vmem>>) semaphore(%arg16 : memref<!tpu.dma_semaphore, #tpu.memory_space<semaphore_mem>>)
      %dma_wait3A_487 = arith.constant 0 : i32
      %dma_wait3A_488 = arith.constant 0 : i32
      %dma_wait3A_489 = tpu.memref_slice %arg2[%dma_wait3A_487, %dma_wait3A_488] : memref<10000x128xf32, #tpu.memory_space<hbm>> -> memref<80x128xf32, #tpu.memory_space<hbm>>
      %dma_wait3A_490 = arith.constant 0 : i32
      %dma_wait3A_491 = arith.constant 0 : i32
      %dma_wait3A_492 = tpu.memref_slice %arg2[%dma_wait3A_490, %dma_wait3A_491] : memref<10000x128xf32, #tpu.memory_space<hbm>> -> memref<80x128xf32, #tpu.memory_space<hbm>>
      tpu.wait_dma2 semaphore(%arg21 : memref<!tpu.dma_semaphore, #tpu.memory_space<semaphore_mem>>) src(%dma_wait3A_492 : memref<80x128xf32, #tpu.memory_space<hbm>>) dst(%arg12 : memref<80x128xf32, #tpu.memory_space<vmem>>)
      %dma_wait3A_493 = arith.constant 0 : i32
      %dma_wait3A_494 = arith.constant 0 : i32
      %dma_wait3A_495 = tpu.memref_slice %arg2[%dma_wait3A_493, %dma_wait3A_494] : memref<10000x128xf32, #tpu.memory_space<hbm>> -> memref<80x128xf32, #tpu.memory_space<hbm>>
      %dma_wait3A_496 = arith.constant 0 : i32
      %dma_wait3A_497 = arith.constant 0 : i32
      %dma_wait3A_498 = tpu.memref_slice %arg2[%dma_wait3A_496, %dma_wait3A_497] : memref<10000x128xf32, #tpu.memory_space<hbm>> -> memref<80x128xf32, #tpu.memory_space<hbm>>
      tpu.wait_dma2 semaphore(%arg16 : memref<!tpu.dma_semaphore, #tpu.memory_space<semaphore_mem>>) src(%dma_wait3A_498 : memref<80x128xf32, #tpu.memory_space<hbm>>) dst(%arg11 : memref<80x128xf32, #tpu.memory_space<vmem>>)
      %dma_start3A_499 = arith.constant 160 : i32
      %dma_start3A_500 = tpu.memref_slice %arg8[%dma_start3A_499] : memref<320xi32, #tpu.memory_space<vmem>> -> memref<80xi32, #tpu.memory_space<vmem>>
      %dma_start3A_501 = arith.constant 0 : i32
      %dma_start3A_502 = arith.constant 0 : i32
      %dma_start3A_503 = tpu.memref_slice %arg13[%dma_start3A_501, %dma_start3A_502] : memref<10240x128xf32, #tpu.memory_space<vmem_shared>> -> memref<10240x128xf32, #tpu.memory_space<vmem_shared>>
      tpu.enqueue_indirect_dma source(%arg11 : memref<80x128xf32, #tpu.memory_space<vmem>>) target(%dma_start3A_503 : memref<10240x128xf32, #tpu.memory_space<vmem_shared>>) offsets(%dma_start3A_500 : memref<80xi32, #tpu.memory_space<vmem>>) semaphore(%arg20 : memref<!tpu.dma_semaphore, #tpu.memory_space<semaphore_mem>>) {add = true}
      %dma_start3A_504 = arith.constant 240 : i32
      %dma_start3A_505 = tpu.memref_slice %arg6[%dma_start3A_504] : memref<320xi32, #tpu.memory_space<vmem>> -> memref<80xi32, #tpu.memory_space<vmem>>
      %dma_start3A_506 = arith.constant 0 : i32
      %dma_start3A_507 = arith.constant 0 : i32
      %dma_start3A_508 = tpu.memref_slice %arg2[%dma_start3A_506, %dma_start3A_507] : memref<10000x128xf32, #tpu.memory_space<hbm>> -> memref<10000x128xf32, #tpu.memory_space<hbm>>
      tpu.enqueue_indirect_dma source(%dma_start3A_508 : memref<10000x128xf32, #tpu.memory_space<hbm>>) target(%arg12 : memref<80x128xf32, #tpu.memory_space<vmem>>) offsets(%dma_start3A_505 : memref<80xi32, #tpu.memory_space<vmem>>) semaphore(%arg17 : memref<!tpu.dma_semaphore, #tpu.memory_space<semaphore_mem>>)
      %add3A_509 = arith.constant 4 : i32
      %add3A_510 = arith.addi %add3A_442, %add3A_509 : i32
      %dma_wait3A_511 = arith.constant 0 : i32
      %dma_wait3A_512 = arith.constant 0 : i32
      %dma_wait3A_513 = tpu.memref_slice %arg2[%dma_wait3A_511, %dma_wait3A_512] : memref<10000x128xf32, #tpu.memory_space<hbm>> -> memref<80x128xf32, #tpu.memory_space<hbm>>
      %dma_wait3A_514 = arith.constant 0 : i32
      %dma_wait3A_515 = arith.constant 0 : i32
      %dma_wait3A_516 = tpu.memref_slice %arg2[%dma_wait3A_514, %dma_wait3A_515] : memref<10000x128xf32, #tpu.memory_space<hbm>> -> memref<80x128xf32, #tpu.memory_space<hbm>>
      tpu.wait_dma2 semaphore(%arg18 : memref<!tpu.dma_semaphore, #tpu.memory_space<semaphore_mem>>) src(%dma_wait3A_516 : memref<80x128xf32, #tpu.memory_space<hbm>>) dst(%arg9 : memref<80x128xf32, #tpu.memory_space<vmem>>)
      %mul3A_517 = arith.constant 80 : i32
      %mul3A_518 = arith.muli %add3A_510, %mul3A_517 : i32
      %dma_start3A_519 = arith.constant 0 : i32
      %dma_start3A_520 = tpu.memref_slice %arg5[%dma_start3A_519] : memref<320xi32, #tpu.memory_space<vmem>> -> memref<320xi32, #tpu.memory_space<vmem>>
      %dma_start3A_521 = tpu.memref_slice %arg3[%mul3A_518] : memref<640000xi32, #tpu.memory_space<hbm>> -> memref<320xi32, #tpu.memory_space<hbm>>
      %dma_start3A_522 = arith.constant 0 : i32
      %dma_start3A_523 = tpu.memref_slice %arg5[%dma_start3A_522] : memref<320xi32, #tpu.memory_space<vmem>> -> memref<320xi32, #tpu.memory_space<vmem>>
      %dma_start3A_524 = tpu.memref_slice %arg3[%mul3A_518] : memref<640000xi32, #tpu.memory_space<hbm>> -> memref<320xi32, #tpu.memory_space<hbm>>
      tpu.enqueue_dma source(%dma_start3A_524 : memref<320xi32, #tpu.memory_space<hbm>>) target(%dma_start3A_523 : memref<320xi32, #tpu.memory_space<vmem>>) target_semaphore(%arg22 : memref<!tpu.dma_semaphore, #tpu.memory_space<semaphore_mem>>)
      %mul3A_525 = arith.constant 80 : i32
      %mul3A_526 = arith.muli %add3A_510, %mul3A_525 : i32
      %add3A_527 = arith.constant 320000 : i32
      %add3A_528 = arith.addi %add3A_527, %mul3A_526 : i32
      %dma_start3A_529 = arith.constant 0 : i32
      %dma_start3A_530 = tpu.memref_slice %arg7[%dma_start3A_529] : memref<320xi32, #tpu.memory_space<vmem>> -> memref<320xi32, #tpu.memory_space<vmem>>
      %dma_start3A_531 = tpu.memref_slice %arg3[%add3A_528] : memref<640000xi32, #tpu.memory_space<hbm>> -> memref<320xi32, #tpu.memory_space<hbm>>
      %dma_start3A_532 = arith.constant 0 : i32
      %dma_start3A_533 = tpu.memref_slice %arg7[%dma_start3A_532] : memref<320xi32, #tpu.memory_space<vmem>> -> memref<320xi32, #tpu.memory_space<vmem>>
      %dma_start3A_534 = tpu.memref_slice %arg3[%add3A_528] : memref<640000xi32, #tpu.memory_space<hbm>> -> memref<320xi32, #tpu.memory_space<hbm>>
      tpu.enqueue_dma source(%dma_start3A_534 : memref<320xi32, #tpu.memory_space<hbm>>) target(%dma_start3A_533 : memref<320xi32, #tpu.memory_space<vmem>>) target_semaphore(%arg22 : memref<!tpu.dma_semaphore, #tpu.memory_space<semaphore_mem>>)
      %dma_wait3A_535 = arith.constant 0 : i32
      %dma_wait3A_536 = arith.constant 0 : i32
      %dma_wait3A_537 = tpu.memref_slice %arg2[%dma_wait3A_535, %dma_wait3A_536] : memref<10000x128xf32, #tpu.memory_space<hbm>> -> memref<80x128xf32, #tpu.memory_space<hbm>>
      %dma_wait3A_538 = arith.constant 0 : i32
      %dma_wait3A_539 = arith.constant 0 : i32
      %dma_wait3A_540 = tpu.memref_slice %arg2[%dma_wait3A_538, %dma_wait3A_539] : memref<10000x128xf32, #tpu.memory_space<hbm>> -> memref<80x128xf32, #tpu.memory_space<hbm>>
      tpu.wait_dma2 semaphore(%arg17 : memref<!tpu.dma_semaphore, #tpu.memory_space<semaphore_mem>>) src(%dma_wait3A_540 : memref<80x128xf32, #tpu.memory_space<hbm>>) dst(%arg12 : memref<80x128xf32, #tpu.memory_space<vmem>>)
      %dma_start3A_541 = arith.constant 240 : i32
      %dma_start3A_542 = tpu.memref_slice %arg8[%dma_start3A_541] : memref<320xi32, #tpu.memory_space<vmem>> -> memref<80xi32, #tpu.memory_space<vmem>>
      %dma_start3A_543 = arith.constant 0 : i32
      %dma_start3A_544 = arith.constant 0 : i32
      %dma_start3A_545 = tpu.memref_slice %arg13[%dma_start3A_543, %dma_start3A_544] : memref<10240x128xf32, #tpu.memory_space<vmem_shared>> -> memref<10240x128xf32, #tpu.memory_space<vmem_shared>>
      tpu.enqueue_indirect_dma source(%arg12 : memref<80x128xf32, #tpu.memory_space<vmem>>) target(%dma_start3A_545 : memref<10240x128xf32, #tpu.memory_space<vmem_shared>>) offsets(%dma_start3A_542 : memref<80xi32, #tpu.memory_space<vmem>>) semaphore(%arg21 : memref<!tpu.dma_semaphore, #tpu.memory_space<semaphore_mem>>) {add = true}
      %dma_wait3A_546 = arith.constant 0 : i32
      %dma_wait3A_547 = tpu.memref_slice %arg5[%dma_wait3A_546] : memref<320xi32, #tpu.memory_space<vmem>> -> memref<320xi32, #tpu.memory_space<vmem>>
      %dma_wait3A_548 = tpu.memref_slice %arg3[%mul3A_518] : memref<640000xi32, #tpu.memory_space<hbm>> -> memref<320xi32, #tpu.memory_space<hbm>>
      %dma_wait3A_549 = arith.constant 0 : i32
      %dma_wait3A_550 = tpu.memref_slice %arg5[%dma_wait3A_549] : memref<320xi32, #tpu.memory_space<vmem>> -> memref<320xi32, #tpu.memory_space<vmem>>
      %dma_wait3A_551 = tpu.memref_slice %arg3[%mul3A_518] : memref<640000xi32, #tpu.memory_space<hbm>> -> memref<320xi32, #tpu.memory_space<hbm>>
      tpu.wait_dma2 semaphore(%arg22 : memref<!tpu.dma_semaphore, #tpu.memory_space<semaphore_mem>>) src(%dma_wait3A_551 : memref<320xi32, #tpu.memory_space<hbm>>) dst(%dma_wait3A_550 : memref<320xi32, #tpu.memory_space<vmem>>)
      %dma_wait3A_552 = arith.constant 0 : i32
      %dma_wait3A_553 = tpu.memref_slice %arg7[%dma_wait3A_552] : memref<320xi32, #tpu.memory_space<vmem>> -> memref<320xi32, #tpu.memory_space<vmem>>
      %dma_wait3A_554 = tpu.memref_slice %arg3[%add3A_528] : memref<640000xi32, #tpu.memory_space<hbm>> -> memref<320xi32, #tpu.memory_space<hbm>>
      %dma_wait3A_555 = arith.constant 0 : i32
      %dma_wait3A_556 = tpu.memref_slice %arg7[%dma_wait3A_555] : memref<320xi32, #tpu.memory_space<vmem>> -> memref<320xi32, #tpu.memory_space<vmem>>
      %dma_wait3A_557 = tpu.memref_slice %arg3[%add3A_528] : memref<640000xi32, #tpu.memory_space<hbm>> -> memref<320xi32, #tpu.memory_space<hbm>>
      tpu.wait_dma2 semaphore(%arg22 : memref<!tpu.dma_semaphore, #tpu.memory_space<semaphore_mem>>) src(%dma_wait3A_557 : memref<320xi32, #tpu.memory_space<hbm>>) dst(%dma_wait3A_556 : memref<320xi32, #tpu.memory_space<vmem>>)
      %dma_start3A_558 = arith.constant 0 : i32
      %dma_start3A_559 = tpu.memref_slice %arg5[%dma_start3A_558] : memref<320xi32, #tpu.memory_space<vmem>> -> memref<80xi32, #tpu.memory_space<vmem>>
      %dma_start3A_560 = arith.constant 0 : i32
      %dma_start3A_561 = arith.constant 0 : i32
      %dma_start3A_562 = tpu.memref_slice %arg2[%dma_start3A_560, %dma_start3A_561] : memref<10000x128xf32, #tpu.memory_space<hbm>> -> memref<10000x128xf32, #tpu.memory_space<hbm>>
      tpu.enqueue_indirect_dma source(%dma_start3A_562 : memref<10000x128xf32, #tpu.memory_space<hbm>>) target(%arg9 : memref<80x128xf32, #tpu.memory_space<vmem>>) offsets(%dma_start3A_559 : memref<80xi32, #tpu.memory_space<vmem>>) semaphore(%arg14 : memref<!tpu.dma_semaphore, #tpu.memory_space<semaphore_mem>>)
      %dma_wait3A_563 = arith.constant 0 : i32
      %dma_wait3A_564 = arith.constant 0 : i32
      %dma_wait3A_565 = tpu.memref_slice %arg2[%dma_wait3A_563, %dma_wait3A_564] : memref<10000x128xf32, #tpu.memory_space<hbm>> -> memref<80x128xf32, #tpu.memory_space<hbm>>
      %dma_wait3A_566 = arith.constant 0 : i32
      %dma_wait3A_567 = arith.constant 0 : i32
      %dma_wait3A_568 = tpu.memref_slice %arg2[%dma_wait3A_566, %dma_wait3A_567] : memref<10000x128xf32, #tpu.memory_space<hbm>> -> memref<80x128xf32, #tpu.memory_space<hbm>>
      tpu.wait_dma2 semaphore(%arg19 : memref<!tpu.dma_semaphore, #tpu.memory_space<semaphore_mem>>) src(%dma_wait3A_568 : memref<80x128xf32, #tpu.memory_space<hbm>>) dst(%arg10 : memref<80x128xf32, #tpu.memory_space<vmem>>)
      %dma_wait3A_569 = arith.constant 0 : i32
      %dma_wait3A_570 = arith.constant 0 : i32
      %dma_wait3A_571 = tpu.memref_slice %arg2[%dma_wait3A_569, %dma_wait3A_570] : memref<10000x128xf32, #tpu.memory_space<hbm>> -> memref<80x128xf32, #tpu.memory_space<hbm>>
      %dma_wait3A_572 = arith.constant 0 : i32
      %dma_wait3A_573 = arith.constant 0 : i32
      %dma_wait3A_574 = tpu.memref_slice %arg2[%dma_wait3A_572, %dma_wait3A_573] : memref<10000x128xf32, #tpu.memory_space<hbm>> -> memref<80x128xf32, #tpu.memory_space<hbm>>
      tpu.wait_dma2 semaphore(%arg14 : memref<!tpu.dma_semaphore, #tpu.memory_space<semaphore_mem>>) src(%dma_wait3A_574 : memref<80x128xf32, #tpu.memory_space<hbm>>) dst(%arg9 : memref<80x128xf32, #tpu.memory_space<vmem>>)
      %dma_start3A_575 = arith.constant 0 : i32
      %dma_start3A_576 = tpu.memref_slice %arg7[%dma_start3A_575] : memref<320xi32, #tpu.memory_space<vmem>> -> memref<80xi32, #tpu.memory_space<vmem>>
      %dma_start3A_577 = arith.constant 0 : i32
      %dma_start3A_578 = arith.constant 0 : i32
      %dma_start3A_579 = tpu.memref_slice %arg13[%dma_start3A_577, %dma_start3A_578] : memref<10240x128xf32, #tpu.memory_space<vmem_shared>> -> memref<10240x128xf32, #tpu.memory_space<vmem_shared>>
      tpu.enqueue_indirect_dma source(%arg9 : memref<80x128xf32, #tpu.memory_space<vmem>>) target(%dma_start3A_579 : memref<10240x128xf32, #tpu.memory_space<vmem_shared>>) offsets(%dma_start3A_576 : memref<80xi32, #tpu.memory_space<vmem>>) semaphore(%arg18 : memref<!tpu.dma_semaphore, #tpu.memory_space<semaphore_mem>>) {add = true}
      %dma_start3A_580 = arith.constant 80 : i32
      %dma_start3A_581 = tpu.memref_slice %arg5[%dma_start3A_580] : memref<320xi32, #tpu.memory_space<vmem>> -> memref<80xi32, #tpu.memory_space<vmem>>
      %dma_start3A_582 = arith.constant 0 : i32
      %dma_start3A_583 = arith.constant 0 : i32
      %dma_start3A_584 = tpu.memref_slice %arg2[%dma_start3A_582, %dma_start3A_583] : memref<10000x128xf32, #tpu.memory_space<hbm>> -> memref<10000x128xf32, #tpu.memory_space<hbm>>
      tpu.enqueue_indirect_dma source(%dma_start3A_584 : memref<10000x128xf32, #tpu.memory_space<hbm>>) target(%arg10 : memref<80x128xf32, #tpu.memory_space<vmem>>) offsets(%dma_start3A_581 : memref<80xi32, #tpu.memory_space<vmem>>) semaphore(%arg15 : memref<!tpu.dma_semaphore, #tpu.memory_space<semaphore_mem>>)
      %dma_wait3A_585 = arith.constant 0 : i32
      %dma_wait3A_586 = arith.constant 0 : i32
      %dma_wait3A_587 = tpu.memref_slice %arg2[%dma_wait3A_585, %dma_wait3A_586] : memref<10000x128xf32, #tpu.memory_space<hbm>> -> memref<80x128xf32, #tpu.memory_space<hbm>>
      %dma_wait3A_588 = arith.constant 0 : i32
      %dma_wait3A_589 = arith.constant 0 : i32
      %dma_wait3A_590 = tpu.memref_slice %arg2[%dma_wait3A_588, %dma_wait3A_589] : memref<10000x128xf32, #tpu.memory_space<hbm>> -> memref<80x128xf32, #tpu.memory_space<hbm>>
      tpu.wait_dma2 semaphore(%arg20 : memref<!tpu.dma_semaphore, #tpu.memory_space<semaphore_mem>>) src(%dma_wait3A_590 : memref<80x128xf32, #tpu.memory_space<hbm>>) dst(%arg11 : memref<80x128xf32, #tpu.memory_space<vmem>>)
      %dma_wait3A_591 = arith.constant 0 : i32
      %dma_wait3A_592 = arith.constant 0 : i32
      %dma_wait3A_593 = tpu.memref_slice %arg2[%dma_wait3A_591, %dma_wait3A_592] : memref<10000x128xf32, #tpu.memory_space<hbm>> -> memref<80x128xf32, #tpu.memory_space<hbm>>
      %dma_wait3A_594 = arith.constant 0 : i32
      %dma_wait3A_595 = arith.constant 0 : i32
      %dma_wait3A_596 = tpu.memref_slice %arg2[%dma_wait3A_594, %dma_wait3A_595] : memref<10000x128xf32, #tpu.memory_space<hbm>> -> memref<80x128xf32, #tpu.memory_space<hbm>>
      tpu.wait_dma2 semaphore(%arg15 : memref<!tpu.dma_semaphore, #tpu.memory_space<semaphore_mem>>) src(%dma_wait3A_596 : memref<80x128xf32, #tpu.memory_space<hbm>>) dst(%arg10 : memref<80x128xf32, #tpu.memory_space<vmem>>)
      %dma_start3A_597 = arith.constant 80 : i32
      %dma_start3A_598 = tpu.memref_slice %arg7[%dma_start3A_597] : memref<320xi32, #tpu.memory_space<vmem>> -> memref<80xi32, #tpu.memory_space<vmem>>
      %dma_start3A_599 = arith.constant 0 : i32
      %dma_start3A_600 = arith.constant 0 : i32
      %dma_start3A_601 = tpu.memref_slice %arg13[%dma_start3A_599, %dma_start3A_600] : memref<10240x128xf32, #tpu.memory_space<vmem_shared>> -> memref<10240x128xf32, #tpu.memory_space<vmem_shared>>
      tpu.enqueue_indirect_dma source(%arg10 : memref<80x128xf32, #tpu.memory_space<vmem>>) target(%dma_start3A_601 : memref<10240x128xf32, #tpu.memory_space<vmem_shared>>) offsets(%dma_start3A_598 : memref<80xi32, #tpu.memory_space<vmem>>) semaphore(%arg19 : memref<!tpu.dma_semaphore, #tpu.memory_space<semaphore_mem>>) {add = true}
      %dma_start3A_602 = arith.constant 160 : i32
      %dma_start3A_603 = tpu.memref_slice %arg5[%dma_start3A_602] : memref<320xi32, #tpu.memory_space<vmem>> -> memref<80xi32, #tpu.memory_space<vmem>>
      %dma_start3A_604 = arith.constant 0 : i32
      %dma_start3A_605 = arith.constant 0 : i32
      %dma_start3A_606 = tpu.memref_slice %arg2[%dma_start3A_604, %dma_start3A_605] : memref<10000x128xf32, #tpu.memory_space<hbm>> -> memref<10000x128xf32, #tpu.memory_space<hbm>>
      tpu.enqueue_indirect_dma source(%dma_start3A_606 : memref<10000x128xf32, #tpu.memory_space<hbm>>) target(%arg11 : memref<80x128xf32, #tpu.memory_space<vmem>>) offsets(%dma_start3A_603 : memref<80xi32, #tpu.memory_space<vmem>>) semaphore(%arg16 : memref<!tpu.dma_semaphore, #tpu.memory_space<semaphore_mem>>)
      %dma_wait3A_607 = arith.constant 0 : i32
      %dma_wait3A_608 = arith.constant 0 : i32
      %dma_wait3A_609 = tpu.memref_slice %arg2[%dma_wait3A_607, %dma_wait3A_608] : memref<10000x128xf32, #tpu.memory_space<hbm>> -> memref<80x128xf32, #tpu.memory_space<hbm>>
      %dma_wait3A_610 = arith.constant 0 : i32
      %dma_wait3A_611 = arith.constant 0 : i32
      %dma_wait3A_612 = tpu.memref_slice %arg2[%dma_wait3A_610, %dma_wait3A_611] : memref<10000x128xf32, #tpu.memory_space<hbm>> -> memref<80x128xf32, #tpu.memory_space<hbm>>
      tpu.wait_dma2 semaphore(%arg21 : memref<!tpu.dma_semaphore, #tpu.memory_space<semaphore_mem>>) src(%dma_wait3A_612 : memref<80x128xf32, #tpu.memory_space<hbm>>) dst(%arg12 : memref<80x128xf32, #tpu.memory_space<vmem>>)
      %dma_wait3A_613 = arith.constant 0 : i32
      %dma_wait3A_614 = arith.constant 0 : i32
      %dma_wait3A_615 = tpu.memref_slice %arg2[%dma_wait3A_613, %dma_wait3A_614] : memref<10000x128xf32, #tpu.memory_space<hbm>> -> memref<80x128xf32, #tpu.memory_space<hbm>>
      %dma_wait3A_616 = arith.constant 0 : i32
      %dma_wait3A_617 = arith.constant 0 : i32
      %dma_wait3A_618 = tpu.memref_slice %arg2[%dma_wait3A_616, %dma_wait3A_617] : memref<10000x128xf32, #tpu.memory_space<hbm>> -> memref<80x128xf32, #tpu.memory_space<hbm>>
      tpu.wait_dma2 semaphore(%arg16 : memref<!tpu.dma_semaphore, #tpu.memory_space<semaphore_mem>>) src(%dma_wait3A_618 : memref<80x128xf32, #tpu.memory_space<hbm>>) dst(%arg11 : memref<80x128xf32, #tpu.memory_space<vmem>>)
      %dma_start3A_619 = arith.constant 160 : i32
      %dma_start3A_620 = tpu.memref_slice %arg7[%dma_start3A_619] : memref<320xi32, #tpu.memory_space<vmem>> -> memref<80xi32, #tpu.memory_space<vmem>>
      %dma_start3A_621 = arith.constant 0 : i32
      %dma_start3A_622 = arith.constant 0 : i32
      %dma_start3A_623 = tpu.memref_slice %arg13[%dma_start3A_621, %dma_start3A_622] : memref<10240x128xf32, #tpu.memory_space<vmem_shared>> -> memref<10240x128xf32, #tpu.memory_space<vmem_shared>>
      tpu.enqueue_indirect_dma source(%arg11 : memref<80x128xf32, #tpu.memory_space<vmem>>) target(%dma_start3A_623 : memref<10240x128xf32, #tpu.memory_space<vmem_shared>>) offsets(%dma_start3A_620 : memref<80xi32, #tpu.memory_space<vmem>>) semaphore(%arg20 : memref<!tpu.dma_semaphore, #tpu.memory_space<semaphore_mem>>) {add = true}
      %dma_start3A_624 = arith.constant 240 : i32
      %dma_start3A_625 = tpu.memref_slice %arg5[%dma_start3A_624] : memref<320xi32, #tpu.memory_space<vmem>> -> memref<80xi32, #tpu.memory_space<vmem>>
      %dma_start3A_626 = arith.constant 0 : i32
      %dma_start3A_627 = arith.constant 0 : i32
      %dma_start3A_628 = tpu.memref_slice %arg2[%dma_start3A_626, %dma_start3A_627] : memref<10000x128xf32, #tpu.memory_space<hbm>> -> memref<10000x128xf32, #tpu.memory_space<hbm>>
      tpu.enqueue_indirect_dma source(%dma_start3A_628 : memref<10000x128xf32, #tpu.memory_space<hbm>>) target(%arg12 : memref<80x128xf32, #tpu.memory_space<vmem>>) offsets(%dma_start3A_625 : memref<80xi32, #tpu.memory_space<vmem>>) semaphore(%arg17 : memref<!tpu.dma_semaphore, #tpu.memory_space<semaphore_mem>>)
      %add3A_629 = arith.constant 8 : i32
      %add3A_630 = arith.addi %add3A_442, %add3A_629 : i32
      %dma_wait3A_631 = arith.constant 0 : i32
      %dma_wait3A_632 = arith.constant 0 : i32
      %dma_wait3A_633 = tpu.memref_slice %arg2[%dma_wait3A_631, %dma_wait3A_632] : memref<10000x128xf32, #tpu.memory_space<hbm>> -> memref<80x128xf32, #tpu.memory_space<hbm>>
      %dma_wait3A_634 = arith.constant 0 : i32
      %dma_wait3A_635 = arith.constant 0 : i32
      %dma_wait3A_636 = tpu.memref_slice %arg2[%dma_wait3A_634, %dma_wait3A_635] : memref<10000x128xf32, #tpu.memory_space<hbm>> -> memref<80x128xf32, #tpu.memory_space<hbm>>
      tpu.wait_dma2 semaphore(%arg18 : memref<!tpu.dma_semaphore, #tpu.memory_space<semaphore_mem>>) src(%dma_wait3A_636 : memref<80x128xf32, #tpu.memory_space<hbm>>) dst(%arg9 : memref<80x128xf32, #tpu.memory_space<vmem>>)
      %mul3A_637 = arith.constant 80 : i32
      %mul3A_638 = arith.muli %add3A_630, %mul3A_637 : i32
      %dma_start3A_639 = arith.constant 0 : i32
      %dma_start3A_640 = tpu.memref_slice %arg6[%dma_start3A_639] : memref<320xi32, #tpu.memory_space<vmem>> -> memref<320xi32, #tpu.memory_space<vmem>>
      %dma_start3A_641 = tpu.memref_slice %arg3[%mul3A_638] : memref<640000xi32, #tpu.memory_space<hbm>> -> memref<320xi32, #tpu.memory_space<hbm>>
      %dma_start3A_642 = arith.constant 0 : i32
      %dma_start3A_643 = tpu.memref_slice %arg6[%dma_start3A_642] : memref<320xi32, #tpu.memory_space<vmem>> -> memref<320xi32, #tpu.memory_space<vmem>>
      %dma_start3A_644 = tpu.memref_slice %arg3[%mul3A_638] : memref<640000xi32, #tpu.memory_space<hbm>> -> memref<320xi32, #tpu.memory_space<hbm>>
      tpu.enqueue_dma source(%dma_start3A_644 : memref<320xi32, #tpu.memory_space<hbm>>) target(%dma_start3A_643 : memref<320xi32, #tpu.memory_space<vmem>>) target_semaphore(%arg22 : memref<!tpu.dma_semaphore, #tpu.memory_space<semaphore_mem>>)
      %mul3A_645 = arith.constant 80 : i32
      %mul3A_646 = arith.muli %add3A_630, %mul3A_645 : i32
      %add3A_647 = arith.constant 320000 : i32
      %add3A_648 = arith.addi %add3A_647, %mul3A_646 : i32
      %dma_start3A_649 = arith.constant 0 : i32
      %dma_start3A_650 = tpu.memref_slice %arg8[%dma_start3A_649] : memref<320xi32, #tpu.memory_space<vmem>> -> memref<320xi32, #tpu.memory_space<vmem>>
      %dma_start3A_651 = tpu.memref_slice %arg3[%add3A_648] : memref<640000xi32, #tpu.memory_space<hbm>> -> memref<320xi32, #tpu.memory_space<hbm>>
      %dma_start3A_652 = arith.constant 0 : i32
      %dma_start3A_653 = tpu.memref_slice %arg8[%dma_start3A_652] : memref<320xi32, #tpu.memory_space<vmem>> -> memref<320xi32, #tpu.memory_space<vmem>>
      %dma_start3A_654 = tpu.memref_slice %arg3[%add3A_648] : memref<640000xi32, #tpu.memory_space<hbm>> -> memref<320xi32, #tpu.memory_space<hbm>>
      tpu.enqueue_dma source(%dma_start3A_654 : memref<320xi32, #tpu.memory_space<hbm>>) target(%dma_start3A_653 : memref<320xi32, #tpu.memory_space<vmem>>) target_semaphore(%arg22 : memref<!tpu.dma_semaphore, #tpu.memory_space<semaphore_mem>>)
      %dma_wait3A_655 = arith.constant 0 : i32
      %dma_wait3A_656 = arith.constant 0 : i32
      %dma_wait3A_657 = tpu.memref_slice %arg2[%dma_wait3A_655, %dma_wait3A_656] : memref<10000x128xf32, #tpu.memory_space<hbm>> -> memref<80x128xf32, #tpu.memory_space<hbm>>
      %dma_wait3A_658 = arith.constant 0 : i32
      %dma_wait3A_659 = arith.constant 0 : i32
      %dma_wait3A_660 = tpu.memref_slice %arg2[%dma_wait3A_658, %dma_wait3A_659] : memref<10000x128xf32, #tpu.memory_space<hbm>> -> memref<80x128xf32, #tpu.memory_space<hbm>>
      tpu.wait_dma2 semaphore(%arg17 : memref<!tpu.dma_semaphore, #tpu.memory_space<semaphore_mem>>) src(%dma_wait3A_660 : memref<80x128xf32, #tpu.memory_space<hbm>>) dst(%arg12 : memref<80x128xf32, #tpu.memory_space<vmem>>)
      %dma_start3A_661 = arith.constant 240 : i32
      %dma_start3A_662 = tpu.memref_slice %arg7[%dma_start3A_661] : memref<320xi32, #tpu.memory_space<vmem>> -> memref<80xi32, #tpu.memory_space<vmem>>
      %dma_start3A_663 = arith.constant 0 : i32
      %dma_start3A_664 = arith.constant 0 : i32
      %dma_start3A_665 = tpu.memref_slice %arg13[%dma_start3A_663, %dma_start3A_664] : memref<10240x128xf32, #tpu.memory_space<vmem_shared>> -> memref<10240x128xf32, #tpu.memory_space<vmem_shared>>
      tpu.enqueue_indirect_dma source(%arg12 : memref<80x128xf32, #tpu.memory_space<vmem>>) target(%dma_start3A_665 : memref<10240x128xf32, #tpu.memory_space<vmem_shared>>) offsets(%dma_start3A_662 : memref<80xi32, #tpu.memory_space<vmem>>) semaphore(%arg21 : memref<!tpu.dma_semaphore, #tpu.memory_space<semaphore_mem>>) {add = true}
      %dma_wait3A_666 = arith.constant 0 : i32
      %dma_wait3A_667 = tpu.memref_slice %arg6[%dma_wait3A_666] : memref<320xi32, #tpu.memory_space<vmem>> -> memref<320xi32, #tpu.memory_space<vmem>>
      %dma_wait3A_668 = tpu.memref_slice %arg3[%mul3A_638] : memref<640000xi32, #tpu.memory_space<hbm>> -> memref<320xi32, #tpu.memory_space<hbm>>
      %dma_wait3A_669 = arith.constant 0 : i32
      %dma_wait3A_670 = tpu.memref_slice %arg6[%dma_wait3A_669] : memref<320xi32, #tpu.memory_space<vmem>> -> memref<320xi32, #tpu.memory_space<vmem>>
      %dma_wait3A_671 = tpu.memref_slice %arg3[%mul3A_638] : memref<640000xi32, #tpu.memory_space<hbm>> -> memref<320xi32, #tpu.memory_space<hbm>>
      tpu.wait_dma2 semaphore(%arg22 : memref<!tpu.dma_semaphore, #tpu.memory_space<semaphore_mem>>) src(%dma_wait3A_671 : memref<320xi32, #tpu.memory_space<hbm>>) dst(%dma_wait3A_670 : memref<320xi32, #tpu.memory_space<vmem>>)
      %dma_wait3A_672 = arith.constant 0 : i32
      %dma_wait3A_673 = tpu.memref_slice %arg8[%dma_wait3A_672] : memref<320xi32, #tpu.memory_space<vmem>> -> memref<320xi32, #tpu.memory_space<vmem>>
      %dma_wait3A_674 = tpu.memref_slice %arg3[%add3A_648] : memref<640000xi32, #tpu.memory_space<hbm>> -> memref<320xi32, #tpu.memory_space<hbm>>
      %dma_wait3A_675 = arith.constant 0 : i32
      %dma_wait3A_676 = tpu.memref_slice %arg8[%dma_wait3A_675] : memref<320xi32, #tpu.memory_space<vmem>> -> memref<320xi32, #tpu.memory_space<vmem>>
      %dma_wait3A_677 = tpu.memref_slice %arg3[%add3A_648] : memref<640000xi32, #tpu.memory_space<hbm>> -> memref<320xi32, #tpu.memory_space<hbm>>
      tpu.wait_dma2 semaphore(%arg22 : memref<!tpu.dma_semaphore, #tpu.memory_space<semaphore_mem>>) src(%dma_wait3A_677 : memref<320xi32, #tpu.memory_space<hbm>>) dst(%dma_wait3A_676 : memref<320xi32, #tpu.memory_space<vmem>>)
      %dma_start3A_678 = arith.constant 0 : i32
      %dma_start3A_679 = tpu.memref_slice %arg6[%dma_start3A_678] : memref<320xi32, #tpu.memory_space<vmem>> -> memref<80xi32, #tpu.memory_space<vmem>>
      %dma_start3A_680 = arith.constant 0 : i32
      %dma_start3A_681 = arith.constant 0 : i32
      %dma_start3A_682 = tpu.memref_slice %arg2[%dma_start3A_680, %dma_start3A_681] : memref<10000x128xf32, #tpu.memory_space<hbm>> -> memref<10000x128xf32, #tpu.memory_space<hbm>>
      tpu.enqueue_indirect_dma source(%dma_start3A_682 : memref<10000x128xf32, #tpu.memory_space<hbm>>) target(%arg9 : memref<80x128xf32, #tpu.memory_space<vmem>>) offsets(%dma_start3A_679 : memref<80xi32, #tpu.memory_space<vmem>>) semaphore(%arg14 : memref<!tpu.dma_semaphore, #tpu.memory_space<semaphore_mem>>)
    }
    %scan3A_143 = arith.constant 14 : i32
    %dma_wait3A_144 = arith.constant 0 : i32
    %dma_wait3A_145 = arith.constant 0 : i32
    %dma_wait3A_146 = tpu.memref_slice %arg2[%dma_wait3A_144, %dma_wait3A_145] : memref<10000x128xf32, #tpu.memory_space<hbm>> -> memref<80x128xf32, #tpu.memory_space<hbm>>
    %dma_wait3A_147 = arith.constant 0 : i32
    %dma_wait3A_148 = arith.constant 0 : i32
    %dma_wait3A_149 = tpu.memref_slice %arg2[%dma_wait3A_147, %dma_wait3A_148] : memref<10000x128xf32, #tpu.memory_space<hbm>> -> memref<80x128xf32, #tpu.memory_space<hbm>>
    tpu.wait_dma2 semaphore(%arg19 : memref<!tpu.dma_semaphore, #tpu.memory_space<semaphore_mem>>) src(%dma_wait3A_149 : memref<80x128xf32, #tpu.memory_space<hbm>>) dst(%arg10 : memref<80x128xf32, #tpu.memory_space<vmem>>)
    %dma_wait3A_150 = arith.constant 0 : i32
    %dma_wait3A_151 = arith.constant 0 : i32
    %dma_wait3A_152 = tpu.memref_slice %arg2[%dma_wait3A_150, %dma_wait3A_151] : memref<10000x128xf32, #tpu.memory_space<hbm>> -> memref<80x128xf32, #tpu.memory_space<hbm>>
    %dma_wait3A_153 = arith.constant 0 : i32
    %dma_wait3A_154 = arith.constant 0 : i32
    %dma_wait3A_155 = tpu.memref_slice %arg2[%dma_wait3A_153, %dma_wait3A_154] : memref<10000x128xf32, #tpu.memory_space<hbm>> -> memref<80x128xf32, #tpu.memory_space<hbm>>
    tpu.wait_dma2 semaphore(%arg14 : memref<!tpu.dma_semaphore, #tpu.memory_space<semaphore_mem>>) src(%dma_wait3A_155 : memref<80x128xf32, #tpu.memory_space<hbm>>) dst(%arg9 : memref<80x128xf32, #tpu.memory_space<vmem>>)
    %dma_start3A_156 = arith.constant 0 : i32
    %dma_start3A_157 = tpu.memref_slice %arg8[%dma_start3A_156] : memref<320xi32, #tpu.memory_space<vmem>> -> memref<80xi32, #tpu.memory_space<vmem>>
    %dma_start3A_158 = arith.constant 0 : i32
    %dma_start3A_159 = arith.constant 0 : i32
    %dma_start3A_160 = tpu.memref_slice %arg13[%dma_start3A_158, %dma_start3A_159] : memref<10240x128xf32, #tpu.memory_space<vmem_shared>> -> memref<10240x128xf32, #tpu.memory_space<vmem_shared>>
    tpu.enqueue_indirect_dma source(%arg9 : memref<80x128xf32, #tpu.memory_space<vmem>>) target(%dma_start3A_160 : memref<10240x128xf32, #tpu.memory_space<vmem_shared>>) offsets(%dma_start3A_157 : memref<80xi32, #tpu.memory_space<vmem>>) semaphore(%arg18 : memref<!tpu.dma_semaphore, #tpu.memory_space<semaphore_mem>>) {add = true}
    %dma_start3A_161 = arith.constant 80 : i32
    %dma_start3A_162 = tpu.memref_slice %arg6[%dma_start3A_161] : memref<320xi32, #tpu.memory_space<vmem>> -> memref<80xi32, #tpu.memory_space<vmem>>
    %dma_start3A_163 = arith.constant 0 : i32
    %dma_start3A_164 = arith.constant 0 : i32
    %dma_start3A_165 = tpu.memref_slice %arg2[%dma_start3A_163, %dma_start3A_164] : memref<10000x128xf32, #tpu.memory_space<hbm>> -> memref<10000x128xf32, #tpu.memory_space<hbm>>
    tpu.enqueue_indirect_dma source(%dma_start3A_165 : memref<10000x128xf32, #tpu.memory_space<hbm>>) target(%arg10 : memref<80x128xf32, #tpu.memory_space<vmem>>) offsets(%dma_start3A_162 : memref<80xi32, #tpu.memory_space<vmem>>) semaphore(%arg15 : memref<!tpu.dma_semaphore, #tpu.memory_space<semaphore_mem>>)
    %dma_wait3A_166 = arith.constant 0 : i32
    %dma_wait3A_167 = arith.constant 0 : i32
    %dma_wait3A_168 = tpu.memref_slice %arg2[%dma_wait3A_166, %dma_wait3A_167] : memref<10000x128xf32, #tpu.memory_space<hbm>> -> memref<80x128xf32, #tpu.memory_space<hbm>>
    %dma_wait3A_169 = arith.constant 0 : i32
    %dma_wait3A_170 = arith.constant 0 : i32
    %dma_wait3A_171 = tpu.memref_slice %arg2[%dma_wait3A_169, %dma_wait3A_170] : memref<10000x128xf32, #tpu.memory_space<hbm>> -> memref<80x128xf32, #tpu.memory_space<hbm>>
    tpu.wait_dma2 semaphore(%arg20 : memref<!tpu.dma_semaphore, #tpu.memory_space<semaphore_mem>>) src(%dma_wait3A_171 : memref<80x128xf32, #tpu.memory_space<hbm>>) dst(%arg11 : memref<80x128xf32, #tpu.memory_space<vmem>>)
    %dma_wait3A_172 = arith.constant 0 : i32
    %dma_wait3A_173 = arith.constant 0 : i32
    %dma_wait3A_174 = tpu.memref_slice %arg2[%dma_wait3A_172, %dma_wait3A_173] : memref<10000x128xf32, #tpu.memory_space<hbm>> -> memref<80x128xf32, #tpu.memory_space<hbm>>
    %dma_wait3A_175 = arith.constant 0 : i32
    %dma_wait3A_176 = arith.constant 0 : i32
    %dma_wait3A_177 = tpu.memref_slice %arg2[%dma_wait3A_175, %dma_wait3A_176] : memref<10000x128xf32, #tpu.memory_space<hbm>> -> memref<80x128xf32, #tpu.memory_space<hbm>>
    tpu.wait_dma2 semaphore(%arg15 : memref<!tpu.dma_semaphore, #tpu.memory_space<semaphore_mem>>) src(%dma_wait3A_177 : memref<80x128xf32, #tpu.memory_space<hbm>>) dst(%arg10 : memref<80x128xf32, #tpu.memory_space<vmem>>)
    %dma_start3A_178 = arith.constant 80 : i32
    %dma_start3A_179 = tpu.memref_slice %arg8[%dma_start3A_178] : memref<320xi32, #tpu.memory_space<vmem>> -> memref<80xi32, #tpu.memory_space<vmem>>
    %dma_start3A_180 = arith.constant 0 : i32
    %dma_start3A_181 = arith.constant 0 : i32
    %dma_start3A_182 = tpu.memref_slice %arg13[%dma_start3A_180, %dma_start3A_181] : memref<10240x128xf32, #tpu.memory_space<vmem_shared>> -> memref<10240x128xf32, #tpu.memory_space<vmem_shared>>
    tpu.enqueue_indirect_dma source(%arg10 : memref<80x128xf32, #tpu.memory_space<vmem>>) target(%dma_start3A_182 : memref<10240x128xf32, #tpu.memory_space<vmem_shared>>) offsets(%dma_start3A_179 : memref<80xi32, #tpu.memory_space<vmem>>) semaphore(%arg19 : memref<!tpu.dma_semaphore, #tpu.memory_space<semaphore_mem>>) {add = true}
    %dma_start3A_183 = arith.constant 160 : i32
    %dma_start3A_184 = tpu.memref_slice %arg6[%dma_start3A_183] : memref<320xi32, #tpu.memory_space<vmem>> -> memref<80xi32, #tpu.memory_space<vmem>>
    %dma_start3A_185 = arith.constant 0 : i32
    %dma_start3A_186 = arith.constant 0 : i32
    %dma_start3A_187 = tpu.memref_slice %arg2[%dma_start3A_185, %dma_start3A_186] : memref<10000x128xf32, #tpu.memory_space<hbm>> -> memref<10000x128xf32, #tpu.memory_space<hbm>>
    tpu.enqueue_indirect_dma source(%dma_start3A_187 : memref<10000x128xf32, #tpu.memory_space<hbm>>) target(%arg11 : memref<80x128xf32, #tpu.memory_space<vmem>>) offsets(%dma_start3A_184 : memref<80xi32, #tpu.memory_space<vmem>>) semaphore(%arg16 : memref<!tpu.dma_semaphore, #tpu.memory_space<semaphore_mem>>)
    %dma_wait3A_188 = arith.constant 0 : i32
    %dma_wait3A_189 = arith.constant 0 : i32
    %dma_wait3A_190 = tpu.memref_slice %arg2[%dma_wait3A_188, %dma_wait3A_189] : memref<10000x128xf32, #tpu.memory_space<hbm>> -> memref<80x128xf32, #tpu.memory_space<hbm>>
    %dma_wait3A_191 = arith.constant 0 : i32
    %dma_wait3A_192 = arith.constant 0 : i32
    %dma_wait3A_193 = tpu.memref_slice %arg2[%dma_wait3A_191, %dma_wait3A_192] : memref<10000x128xf32, #tpu.memory_space<hbm>> -> memref<80x128xf32, #tpu.memory_space<hbm>>
    tpu.wait_dma2 semaphore(%arg21 : memref<!tpu.dma_semaphore, #tpu.memory_space<semaphore_mem>>) src(%dma_wait3A_193 : memref<80x128xf32, #tpu.memory_space<hbm>>) dst(%arg12 : memref<80x128xf32, #tpu.memory_space<vmem>>)
    %dma_wait3A_194 = arith.constant 0 : i32
    %dma_wait3A_195 = arith.constant 0 : i32
    %dma_wait3A_196 = tpu.memref_slice %arg2[%dma_wait3A_194, %dma_wait3A_195] : memref<10000x128xf32, #tpu.memory_space<hbm>> -> memref<80x128xf32, #tpu.memory_space<hbm>>
    %dma_wait3A_197 = arith.constant 0 : i32
    %dma_wait3A_198 = arith.constant 0 : i32
    %dma_wait3A_199 = tpu.memref_slice %arg2[%dma_wait3A_197, %dma_wait3A_198] : memref<10000x128xf32, #tpu.memory_space<hbm>> -> memref<80x128xf32, #tpu.memory_space<hbm>>
    tpu.wait_dma2 semaphore(%arg16 : memref<!tpu.dma_semaphore, #tpu.memory_space<semaphore_mem>>) src(%dma_wait3A_199 : memref<80x128xf32, #tpu.memory_space<hbm>>) dst(%arg11 : memref<80x128xf32, #tpu.memory_space<vmem>>)
    %dma_start3A_200 = arith.constant 160 : i32
    %dma_start3A_201 = tpu.memref_slice %arg8[%dma_start3A_200] : memref<320xi32, #tpu.memory_space<vmem>> -> memref<80xi32, #tpu.memory_space<vmem>>
    %dma_start3A_202 = arith.constant 0 : i32
    %dma_start3A_203 = arith.constant 0 : i32
    %dma_start3A_204 = tpu.memref_slice %arg13[%dma_start3A_202, %dma_start3A_203] : memref<10240x128xf32, #tpu.memory_space<vmem_shared>> -> memref<10240x128xf32, #tpu.memory_space<vmem_shared>>
    tpu.enqueue_indirect_dma source(%arg11 : memref<80x128xf32, #tpu.memory_space<vmem>>) target(%dma_start3A_204 : memref<10240x128xf32, #tpu.memory_space<vmem_shared>>) offsets(%dma_start3A_201 : memref<80xi32, #tpu.memory_space<vmem>>) semaphore(%arg20 : memref<!tpu.dma_semaphore, #tpu.memory_space<semaphore_mem>>) {add = true}
    %dma_start3A_205 = arith.constant 240 : i32
    %dma_start3A_206 = tpu.memref_slice %arg6[%dma_start3A_205] : memref<320xi32, #tpu.memory_space<vmem>> -> memref<80xi32, #tpu.memory_space<vmem>>
    %dma_start3A_207 = arith.constant 0 : i32
    %dma_start3A_208 = arith.constant 0 : i32
    %dma_start3A_209 = tpu.memref_slice %arg2[%dma_start3A_207, %dma_start3A_208] : memref<10000x128xf32, #tpu.memory_space<hbm>> -> memref<10000x128xf32, #tpu.memory_space<hbm>>
    tpu.enqueue_indirect_dma source(%dma_start3A_209 : memref<10000x128xf32, #tpu.memory_space<hbm>>) target(%arg12 : memref<80x128xf32, #tpu.memory_space<vmem>>) offsets(%dma_start3A_206 : memref<80xi32, #tpu.memory_space<vmem>>) semaphore(%arg17 : memref<!tpu.dma_semaphore, #tpu.memory_space<semaphore_mem>>)
    %add3A_210 = arith.constant 120 : i32
    %add3A_211 = arith.addi %mul3A_26, %add3A_210 : i32
    %dma_wait3A_212 = arith.constant 0 : i32
    %dma_wait3A_213 = arith.constant 0 : i32
    %dma_wait3A_214 = tpu.memref_slice %arg2[%dma_wait3A_212, %dma_wait3A_213] : memref<10000x128xf32, #tpu.memory_space<hbm>> -> memref<80x128xf32, #tpu.memory_space<hbm>>
    %dma_wait3A_215 = arith.constant 0 : i32
    %dma_wait3A_216 = arith.constant 0 : i32
    %dma_wait3A_217 = tpu.memref_slice %arg2[%dma_wait3A_215, %dma_wait3A_216] : memref<10000x128xf32, #tpu.memory_space<hbm>> -> memref<80x128xf32, #tpu.memory_space<hbm>>
    tpu.wait_dma2 semaphore(%arg18 : memref<!tpu.dma_semaphore, #tpu.memory_space<semaphore_mem>>) src(%dma_wait3A_217 : memref<80x128xf32, #tpu.memory_space<hbm>>) dst(%arg9 : memref<80x128xf32, #tpu.memory_space<vmem>>)
    %mul3A_218 = arith.constant 80 : i32
    %mul3A_219 = arith.muli %add3A_211, %mul3A_218 : i32
    %dma_start3A_220 = arith.constant 0 : i32
    %dma_start3A_221 = tpu.memref_slice %arg5[%dma_start3A_220] : memref<320xi32, #tpu.memory_space<vmem>> -> memref<320xi32, #tpu.memory_space<vmem>>
    %dma_start3A_222 = tpu.memref_slice %arg3[%mul3A_219] : memref<640000xi32, #tpu.memory_space<hbm>> -> memref<320xi32, #tpu.memory_space<hbm>>
    %dma_start3A_223 = arith.constant 0 : i32
    %dma_start3A_224 = tpu.memref_slice %arg5[%dma_start3A_223] : memref<320xi32, #tpu.memory_space<vmem>> -> memref<320xi32, #tpu.memory_space<vmem>>
    %dma_start3A_225 = tpu.memref_slice %arg3[%mul3A_219] : memref<640000xi32, #tpu.memory_space<hbm>> -> memref<320xi32, #tpu.memory_space<hbm>>
    tpu.enqueue_dma source(%dma_start3A_225 : memref<320xi32, #tpu.memory_space<hbm>>) target(%dma_start3A_224 : memref<320xi32, #tpu.memory_space<vmem>>) target_semaphore(%arg22 : memref<!tpu.dma_semaphore, #tpu.memory_space<semaphore_mem>>)
    %mul3A_226 = arith.constant 80 : i32
    %mul3A_227 = arith.muli %add3A_211, %mul3A_226 : i32
    %add3A_228 = arith.constant 320000 : i32
    %add3A_229 = arith.addi %add3A_228, %mul3A_227 : i32
    %dma_start3A_230 = arith.constant 0 : i32
    %dma_start3A_231 = tpu.memref_slice %arg7[%dma_start3A_230] : memref<320xi32, #tpu.memory_space<vmem>> -> memref<320xi32, #tpu.memory_space<vmem>>
    %dma_start3A_232 = tpu.memref_slice %arg3[%add3A_229] : memref<640000xi32, #tpu.memory_space<hbm>> -> memref<320xi32, #tpu.memory_space<hbm>>
    %dma_start3A_233 = arith.constant 0 : i32
    %dma_start3A_234 = tpu.memref_slice %arg7[%dma_start3A_233] : memref<320xi32, #tpu.memory_space<vmem>> -> memref<320xi32, #tpu.memory_space<vmem>>
    %dma_start3A_235 = tpu.memref_slice %arg3[%add3A_229] : memref<640000xi32, #tpu.memory_space<hbm>> -> memref<320xi32, #tpu.memory_space<hbm>>
    tpu.enqueue_dma source(%dma_start3A_235 : memref<320xi32, #tpu.memory_space<hbm>>) target(%dma_start3A_234 : memref<320xi32, #tpu.memory_space<vmem>>) target_semaphore(%arg22 : memref<!tpu.dma_semaphore, #tpu.memory_space<semaphore_mem>>)
    %dma_wait3A_236 = arith.constant 0 : i32
    %dma_wait3A_237 = arith.constant 0 : i32
    %dma_wait3A_238 = tpu.memref_slice %arg2[%dma_wait3A_236, %dma_wait3A_237] : memref<10000x128xf32, #tpu.memory_space<hbm>> -> memref<80x128xf32, #tpu.memory_space<hbm>>
    %dma_wait3A_239 = arith.constant 0 : i32
    %dma_wait3A_240 = arith.constant 0 : i32
    %dma_wait3A_241 = tpu.memref_slice %arg2[%dma_wait3A_239, %dma_wait3A_240] : memref<10000x128xf32, #tpu.memory_space<hbm>> -> memref<80x128xf32, #tpu.memory_space<hbm>>
    tpu.wait_dma2 semaphore(%arg17 : memref<!tpu.dma_semaphore, #tpu.memory_space<semaphore_mem>>) src(%dma_wait3A_241 : memref<80x128xf32, #tpu.memory_space<hbm>>) dst(%arg12 : memref<80x128xf32, #tpu.memory_space<vmem>>)
    %dma_start3A_242 = arith.constant 240 : i32
    %dma_start3A_243 = tpu.memref_slice %arg8[%dma_start3A_242] : memref<320xi32, #tpu.memory_space<vmem>> -> memref<80xi32, #tpu.memory_space<vmem>>
    %dma_start3A_244 = arith.constant 0 : i32
    %dma_start3A_245 = arith.constant 0 : i32
    %dma_start3A_246 = tpu.memref_slice %arg13[%dma_start3A_244, %dma_start3A_245] : memref<10240x128xf32, #tpu.memory_space<vmem_shared>> -> memref<10240x128xf32, #tpu.memory_space<vmem_shared>>
    tpu.enqueue_indirect_dma source(%arg12 : memref<80x128xf32, #tpu.memory_space<vmem>>) target(%dma_start3A_246 : memref<10240x128xf32, #tpu.memory_space<vmem_shared>>) offsets(%dma_start3A_243 : memref<80xi32, #tpu.memory_space<vmem>>) semaphore(%arg21 : memref<!tpu.dma_semaphore, #tpu.memory_space<semaphore_mem>>) {add = true}
    %dma_wait3A_247 = arith.constant 0 : i32
    %dma_wait3A_248 = tpu.memref_slice %arg5[%dma_wait3A_247] : memref<320xi32, #tpu.memory_space<vmem>> -> memref<320xi32, #tpu.memory_space<vmem>>
    %dma_wait3A_249 = tpu.memref_slice %arg3[%mul3A_219] : memref<640000xi32, #tpu.memory_space<hbm>> -> memref<320xi32, #tpu.memory_space<hbm>>
    %dma_wait3A_250 = arith.constant 0 : i32
    %dma_wait3A_251 = tpu.memref_slice %arg5[%dma_wait3A_250] : memref<320xi32, #tpu.memory_space<vmem>> -> memref<320xi32, #tpu.memory_space<vmem>>
    %dma_wait3A_252 = tpu.memref_slice %arg3[%mul3A_219] : memref<640000xi32, #tpu.memory_space<hbm>> -> memref<320xi32, #tpu.memory_space<hbm>>
    tpu.wait_dma2 semaphore(%arg22 : memref<!tpu.dma_semaphore, #tpu.memory_space<semaphore_mem>>) src(%dma_wait3A_252 : memref<320xi32, #tpu.memory_space<hbm>>) dst(%dma_wait3A_251 : memref<320xi32, #tpu.memory_space<vmem>>)
    %dma_wait3A_253 = arith.constant 0 : i32
    %dma_wait3A_254 = tpu.memref_slice %arg7[%dma_wait3A_253] : memref<320xi32, #tpu.memory_space<vmem>> -> memref<320xi32, #tpu.memory_space<vmem>>
    %dma_wait3A_255 = tpu.memref_slice %arg3[%add3A_229] : memref<640000xi32, #tpu.memory_space<hbm>> -> memref<320xi32, #tpu.memory_space<hbm>>
    %dma_wait3A_256 = arith.constant 0 : i32
    %dma_wait3A_257 = tpu.memref_slice %arg7[%dma_wait3A_256] : memref<320xi32, #tpu.memory_space<vmem>> -> memref<320xi32, #tpu.memory_space<vmem>>
    %dma_wait3A_258 = tpu.memref_slice %arg3[%add3A_229] : memref<640000xi32, #tpu.memory_space<hbm>> -> memref<320xi32, #tpu.memory_space<hbm>>
    tpu.wait_dma2 semaphore(%arg22 : memref<!tpu.dma_semaphore, #tpu.memory_space<semaphore_mem>>) src(%dma_wait3A_258 : memref<320xi32, #tpu.memory_space<hbm>>) dst(%dma_wait3A_257 : memref<320xi32, #tpu.memory_space<vmem>>)
    %dma_start3A_259 = arith.constant 0 : i32
    %dma_start3A_260 = tpu.memref_slice %arg5[%dma_start3A_259] : memref<320xi32, #tpu.memory_space<vmem>> -> memref<80xi32, #tpu.memory_space<vmem>>
    %dma_start3A_261 = arith.constant 0 : i32
    %dma_start3A_262 = arith.constant 0 : i32
    %dma_start3A_263 = tpu.memref_slice %arg2[%dma_start3A_261, %dma_start3A_262] : memref<10000x128xf32, #tpu.memory_space<hbm>> -> memref<10000x128xf32, #tpu.memory_space<hbm>>
    tpu.enqueue_indirect_dma source(%dma_start3A_263 : memref<10000x128xf32, #tpu.memory_space<hbm>>) target(%arg9 : memref<80x128xf32, #tpu.memory_space<vmem>>) offsets(%dma_start3A_260 : memref<80xi32, #tpu.memory_space<vmem>>) semaphore(%arg14 : memref<!tpu.dma_semaphore, #tpu.memory_space<semaphore_mem>>)
    %dma_wait3A_264 = arith.constant 0 : i32
    %dma_wait3A_265 = arith.constant 0 : i32
    %dma_wait3A_266 = tpu.memref_slice %arg2[%dma_wait3A_264, %dma_wait3A_265] : memref<10000x128xf32, #tpu.memory_space<hbm>> -> memref<80x128xf32, #tpu.memory_space<hbm>>
    %dma_wait3A_267 = arith.constant 0 : i32
    %dma_wait3A_268 = arith.constant 0 : i32
    %dma_wait3A_269 = tpu.memref_slice %arg2[%dma_wait3A_267, %dma_wait3A_268] : memref<10000x128xf32, #tpu.memory_space<hbm>> -> memref<80x128xf32, #tpu.memory_space<hbm>>
    tpu.wait_dma2 semaphore(%arg19 : memref<!tpu.dma_semaphore, #tpu.memory_space<semaphore_mem>>) src(%dma_wait3A_269 : memref<80x128xf32, #tpu.memory_space<hbm>>) dst(%arg10 : memref<80x128xf32, #tpu.memory_space<vmem>>)
    %dma_wait3A_270 = arith.constant 0 : i32
    %dma_wait3A_271 = arith.constant 0 : i32
    %dma_wait3A_272 = tpu.memref_slice %arg2[%dma_wait3A_270, %dma_wait3A_271] : memref<10000x128xf32, #tpu.memory_space<hbm>> -> memref<80x128xf32, #tpu.memory_space<hbm>>
    %dma_wait3A_273 = arith.constant 0 : i32
    %dma_wait3A_274 = arith.constant 0 : i32
    %dma_wait3A_275 = tpu.memref_slice %arg2[%dma_wait3A_273, %dma_wait3A_274] : memref<10000x128xf32, #tpu.memory_space<hbm>> -> memref<80x128xf32, #tpu.memory_space<hbm>>
    tpu.wait_dma2 semaphore(%arg14 : memref<!tpu.dma_semaphore, #tpu.memory_space<semaphore_mem>>) src(%dma_wait3A_275 : memref<80x128xf32, #tpu.memory_space<hbm>>) dst(%arg9 : memref<80x128xf32, #tpu.memory_space<vmem>>)
    %dma_start3A_276 = arith.constant 0 : i32
    %dma_start3A_277 = tpu.memref_slice %arg7[%dma_start3A_276] : memref<320xi32, #tpu.memory_space<vmem>> -> memref<80xi32, #tpu.memory_space<vmem>>
    %dma_start3A_278 = arith.constant 0 : i32
    %dma_start3A_279 = arith.constant 0 : i32
    %dma_start3A_280 = tpu.memref_slice %arg13[%dma_start3A_278, %dma_start3A_279] : memref<10240x128xf32, #tpu.memory_space<vmem_shared>> -> memref<10240x128xf32, #tpu.memory_space<vmem_shared>>
    tpu.enqueue_indirect_dma source(%arg9 : memref<80x128xf32, #tpu.memory_space<vmem>>) target(%dma_start3A_280 : memref<10240x128xf32, #tpu.memory_space<vmem_shared>>) offsets(%dma_start3A_277 : memref<80xi32, #tpu.memory_space<vmem>>) semaphore(%arg18 : memref<!tpu.dma_semaphore, #tpu.memory_space<semaphore_mem>>) {add = true}
    %dma_start3A_281 = arith.constant 80 : i32
    %dma_start3A_282 = tpu.memref_slice %arg5[%dma_start3A_281] : memref<320xi32, #tpu.memory_space<vmem>> -> memref<80xi32, #tpu.memory_space<vmem>>
    %dma_start3A_283 = arith.constant 0 : i32
    %dma_start3A_284 = arith.constant 0 : i32
    %dma_start3A_285 = tpu.memref_slice %arg2[%dma_start3A_283, %dma_start3A_284] : memref<10000x128xf32, #tpu.memory_space<hbm>> -> memref<10000x128xf32, #tpu.memory_space<hbm>>
    tpu.enqueue_indirect_dma source(%dma_start3A_285 : memref<10000x128xf32, #tpu.memory_space<hbm>>) target(%arg10 : memref<80x128xf32, #tpu.memory_space<vmem>>) offsets(%dma_start3A_282 : memref<80xi32, #tpu.memory_space<vmem>>) semaphore(%arg15 : memref<!tpu.dma_semaphore, #tpu.memory_space<semaphore_mem>>)
    %dma_wait3A_286 = arith.constant 0 : i32
    %dma_wait3A_287 = arith.constant 0 : i32
    %dma_wait3A_288 = tpu.memref_slice %arg2[%dma_wait3A_286, %dma_wait3A_287] : memref<10000x128xf32, #tpu.memory_space<hbm>> -> memref<80x128xf32, #tpu.memory_space<hbm>>
    %dma_wait3A_289 = arith.constant 0 : i32
    %dma_wait3A_290 = arith.constant 0 : i32
    %dma_wait3A_291 = tpu.memref_slice %arg2[%dma_wait3A_289, %dma_wait3A_290] : memref<10000x128xf32, #tpu.memory_space<hbm>> -> memref<80x128xf32, #tpu.memory_space<hbm>>
    tpu.wait_dma2 semaphore(%arg20 : memref<!tpu.dma_semaphore, #tpu.memory_space<semaphore_mem>>) src(%dma_wait3A_291 : memref<80x128xf32, #tpu.memory_space<hbm>>) dst(%arg11 : memref<80x128xf32, #tpu.memory_space<vmem>>)
    %dma_wait3A_292 = arith.constant 0 : i32
    %dma_wait3A_293 = arith.constant 0 : i32
    %dma_wait3A_294 = tpu.memref_slice %arg2[%dma_wait3A_292, %dma_wait3A_293] : memref<10000x128xf32, #tpu.memory_space<hbm>> -> memref<80x128xf32, #tpu.memory_space<hbm>>
    %dma_wait3A_295 = arith.constant 0 : i32
    %dma_wait3A_296 = arith.constant 0 : i32
    %dma_wait3A_297 = tpu.memref_slice %arg2[%dma_wait3A_295, %dma_wait3A_296] : memref<10000x128xf32, #tpu.memory_space<hbm>> -> memref<80x128xf32, #tpu.memory_space<hbm>>
    tpu.wait_dma2 semaphore(%arg15 : memref<!tpu.dma_semaphore, #tpu.memory_space<semaphore_mem>>) src(%dma_wait3A_297 : memref<80x128xf32, #tpu.memory_space<hbm>>) dst(%arg10 : memref<80x128xf32, #tpu.memory_space<vmem>>)
    %dma_start3A_298 = arith.constant 80 : i32
    %dma_start3A_299 = tpu.memref_slice %arg7[%dma_start3A_298] : memref<320xi32, #tpu.memory_space<vmem>> -> memref<80xi32, #tpu.memory_space<vmem>>
    %dma_start3A_300 = arith.constant 0 : i32
    %dma_start3A_301 = arith.constant 0 : i32
    %dma_start3A_302 = tpu.memref_slice %arg13[%dma_start3A_300, %dma_start3A_301] : memref<10240x128xf32, #tpu.memory_space<vmem_shared>> -> memref<10240x128xf32, #tpu.memory_space<vmem_shared>>
    tpu.enqueue_indirect_dma source(%arg10 : memref<80x128xf32, #tpu.memory_space<vmem>>) target(%dma_start3A_302 : memref<10240x128xf32, #tpu.memory_space<vmem_shared>>) offsets(%dma_start3A_299 : memref<80xi32, #tpu.memory_space<vmem>>) semaphore(%arg19 : memref<!tpu.dma_semaphore, #tpu.memory_space<semaphore_mem>>) {add = true}
    %dma_start3A_303 = arith.constant 160 : i32
    %dma_start3A_304 = tpu.memref_slice %arg5[%dma_start3A_303] : memref<320xi32, #tpu.memory_space<vmem>> -> memref<80xi32, #tpu.memory_space<vmem>>
    %dma_start3A_305 = arith.constant 0 : i32
    %dma_start3A_306 = arith.constant 0 : i32
    %dma_start3A_307 = tpu.memref_slice %arg2[%dma_start3A_305, %dma_start3A_306] : memref<10000x128xf32, #tpu.memory_space<hbm>> -> memref<10000x128xf32, #tpu.memory_space<hbm>>
    tpu.enqueue_indirect_dma source(%dma_start3A_307 : memref<10000x128xf32, #tpu.memory_space<hbm>>) target(%arg11 : memref<80x128xf32, #tpu.memory_space<vmem>>) offsets(%dma_start3A_304 : memref<80xi32, #tpu.memory_space<vmem>>) semaphore(%arg16 : memref<!tpu.dma_semaphore, #tpu.memory_space<semaphore_mem>>)
    %dma_wait3A_308 = arith.constant 0 : i32
    %dma_wait3A_309 = arith.constant 0 : i32
    %dma_wait3A_310 = tpu.memref_slice %arg2[%dma_wait3A_308, %dma_wait3A_309] : memref<10000x128xf32, #tpu.memory_space<hbm>> -> memref<80x128xf32, #tpu.memory_space<hbm>>
    %dma_wait3A_311 = arith.constant 0 : i32
    %dma_wait3A_312 = arith.constant 0 : i32
    %dma_wait3A_313 = tpu.memref_slice %arg2[%dma_wait3A_311, %dma_wait3A_312] : memref<10000x128xf32, #tpu.memory_space<hbm>> -> memref<80x128xf32, #tpu.memory_space<hbm>>
    tpu.wait_dma2 semaphore(%arg21 : memref<!tpu.dma_semaphore, #tpu.memory_space<semaphore_mem>>) src(%dma_wait3A_313 : memref<80x128xf32, #tpu.memory_space<hbm>>) dst(%arg12 : memref<80x128xf32, #tpu.memory_space<vmem>>)
    %dma_wait3A_314 = arith.constant 0 : i32
    %dma_wait3A_315 = arith.constant 0 : i32
    %dma_wait3A_316 = tpu.memref_slice %arg2[%dma_wait3A_314, %dma_wait3A_315] : memref<10000x128xf32, #tpu.memory_space<hbm>> -> memref<80x128xf32, #tpu.memory_space<hbm>>
    %dma_wait3A_317 = arith.constant 0 : i32
    %dma_wait3A_318 = arith.constant 0 : i32
    %dma_wait3A_319 = tpu.memref_slice %arg2[%dma_wait3A_317, %dma_wait3A_318] : memref<10000x128xf32, #tpu.memory_space<hbm>> -> memref<80x128xf32, #tpu.memory_space<hbm>>
    tpu.wait_dma2 semaphore(%arg16 : memref<!tpu.dma_semaphore, #tpu.memory_space<semaphore_mem>>) src(%dma_wait3A_319 : memref<80x128xf32, #tpu.memory_space<hbm>>) dst(%arg11 : memref<80x128xf32, #tpu.memory_space<vmem>>)
    %dma_start3A_320 = arith.constant 160 : i32
    %dma_start3A_321 = tpu.memref_slice %arg7[%dma_start3A_320] : memref<320xi32, #tpu.memory_space<vmem>> -> memref<80xi32, #tpu.memory_space<vmem>>
    %dma_start3A_322 = arith.constant 0 : i32
    %dma_start3A_323 = arith.constant 0 : i32
    %dma_start3A_324 = tpu.memref_slice %arg13[%dma_start3A_322, %dma_start3A_323] : memref<10240x128xf32, #tpu.memory_space<vmem_shared>> -> memref<10240x128xf32, #tpu.memory_space<vmem_shared>>
    tpu.enqueue_indirect_dma source(%arg11 : memref<80x128xf32, #tpu.memory_space<vmem>>) target(%dma_start3A_324 : memref<10240x128xf32, #tpu.memory_space<vmem_shared>>) offsets(%dma_start3A_321 : memref<80xi32, #tpu.memory_space<vmem>>) semaphore(%arg20 : memref<!tpu.dma_semaphore, #tpu.memory_space<semaphore_mem>>) {add = true}
    %dma_start3A_325 = arith.constant 240 : i32
    %dma_start3A_326 = tpu.memref_slice %arg5[%dma_start3A_325] : memref<320xi32, #tpu.memory_space<vmem>> -> memref<80xi32, #tpu.memory_space<vmem>>
    %dma_start3A_327 = arith.constant 0 : i32
    %dma_start3A_328 = arith.constant 0 : i32
    %dma_start3A_329 = tpu.memref_slice %arg2[%dma_start3A_327, %dma_start3A_328] : memref<10000x128xf32, #tpu.memory_space<hbm>> -> memref<10000x128xf32, #tpu.memory_space<hbm>>
    tpu.enqueue_indirect_dma source(%dma_start3A_329 : memref<10000x128xf32, #tpu.memory_space<hbm>>) target(%arg12 : memref<80x128xf32, #tpu.memory_space<vmem>>) offsets(%dma_start3A_326 : memref<80xi32, #tpu.memory_space<vmem>>) semaphore(%arg17 : memref<!tpu.dma_semaphore, #tpu.memory_space<semaphore_mem>>)
    %add3A_330 = arith.constant 124 : i32
    %add3A_331 = arith.addi %add3A_330, %mul3A_26 : i32
    %dma_wait3A_332 = arith.constant 0 : i32
    %dma_wait3A_333 = arith.constant 0 : i32
    %dma_wait3A_334 = tpu.memref_slice %arg2[%dma_wait3A_332, %dma_wait3A_333] : memref<10000x128xf32, #tpu.memory_space<hbm>> -> memref<80x128xf32, #tpu.memory_space<hbm>>
    %dma_wait3A_335 = arith.constant 0 : i32
    %dma_wait3A_336 = arith.constant 0 : i32
    %dma_wait3A_337 = tpu.memref_slice %arg2[%dma_wait3A_335, %dma_wait3A_336] : memref<10000x128xf32, #tpu.memory_space<hbm>> -> memref<80x128xf32, #tpu.memory_space<hbm>>
    tpu.wait_dma2 semaphore(%arg18 : memref<!tpu.dma_semaphore, #tpu.memory_space<semaphore_mem>>) src(%dma_wait3A_337 : memref<80x128xf32, #tpu.memory_space<hbm>>) dst(%arg9 : memref<80x128xf32, #tpu.memory_space<vmem>>)
    %mul3A_338 = arith.constant 80 : i32
    %mul3A_339 = arith.muli %add3A_331, %mul3A_338 : i32
    %dma_start3A_340 = arith.constant 0 : i32
    %dma_start3A_341 = tpu.memref_slice %arg6[%dma_start3A_340] : memref<320xi32, #tpu.memory_space<vmem>> -> memref<80xi32, #tpu.memory_space<vmem>>
    %dma_start3A_342 = tpu.memref_slice %arg3[%mul3A_339] : memref<640000xi32, #tpu.memory_space<hbm>> -> memref<80xi32, #tpu.memory_space<hbm>>
    %dma_start3A_343 = arith.constant 0 : i32
    %dma_start3A_344 = tpu.memref_slice %arg6[%dma_start3A_343] : memref<320xi32, #tpu.memory_space<vmem>> -> memref<80xi32, #tpu.memory_space<vmem>>
    %dma_start3A_345 = tpu.memref_slice %arg3[%mul3A_339] : memref<640000xi32, #tpu.memory_space<hbm>> -> memref<80xi32, #tpu.memory_space<hbm>>
    tpu.enqueue_dma source(%dma_start3A_345 : memref<80xi32, #tpu.memory_space<hbm>>) target(%dma_start3A_344 : memref<80xi32, #tpu.memory_space<vmem>>) target_semaphore(%arg22 : memref<!tpu.dma_semaphore, #tpu.memory_space<semaphore_mem>>)
    %mul3A_346 = arith.constant 80 : i32
    %mul3A_347 = arith.muli %add3A_331, %mul3A_346 : i32
    %add3A_348 = arith.constant 320000 : i32
    %add3A_349 = arith.addi %add3A_348, %mul3A_347 : i32
    %dma_start3A_350 = arith.constant 0 : i32
    %dma_start3A_351 = tpu.memref_slice %arg8[%dma_start3A_350] : memref<320xi32, #tpu.memory_space<vmem>> -> memref<80xi32, #tpu.memory_space<vmem>>
    %dma_start3A_352 = tpu.memref_slice %arg3[%add3A_349] : memref<640000xi32, #tpu.memory_space<hbm>> -> memref<80xi32, #tpu.memory_space<hbm>>
    %dma_start3A_353 = arith.constant 0 : i32
    %dma_start3A_354 = tpu.memref_slice %arg8[%dma_start3A_353] : memref<320xi32, #tpu.memory_space<vmem>> -> memref<80xi32, #tpu.memory_space<vmem>>
    %dma_start3A_355 = tpu.memref_slice %arg3[%add3A_349] : memref<640000xi32, #tpu.memory_space<hbm>> -> memref<80xi32, #tpu.memory_space<hbm>>
    tpu.enqueue_dma source(%dma_start3A_355 : memref<80xi32, #tpu.memory_space<hbm>>) target(%dma_start3A_354 : memref<80xi32, #tpu.memory_space<vmem>>) target_semaphore(%arg22 : memref<!tpu.dma_semaphore, #tpu.memory_space<semaphore_mem>>)
    %dma_wait3A_356 = arith.constant 0 : i32
    %dma_wait3A_357 = arith.constant 0 : i32
    %dma_wait3A_358 = tpu.memref_slice %arg2[%dma_wait3A_356, %dma_wait3A_357] : memref<10000x128xf32, #tpu.memory_space<hbm>> -> memref<80x128xf32, #tpu.memory_space<hbm>>
    %dma_wait3A_359 = arith.constant 0 : i32
    %dma_wait3A_360 = arith.constant 0 : i32
    %dma_wait3A_361 = tpu.memref_slice %arg2[%dma_wait3A_359, %dma_wait3A_360] : memref<10000x128xf32, #tpu.memory_space<hbm>> -> memref<80x128xf32, #tpu.memory_space<hbm>>
    tpu.wait_dma2 semaphore(%arg17 : memref<!tpu.dma_semaphore, #tpu.memory_space<semaphore_mem>>) src(%dma_wait3A_361 : memref<80x128xf32, #tpu.memory_space<hbm>>) dst(%arg12 : memref<80x128xf32, #tpu.memory_space<vmem>>)
    %dma_start3A_362 = arith.constant 240 : i32
    %dma_start3A_363 = tpu.memref_slice %arg7[%dma_start3A_362] : memref<320xi32, #tpu.memory_space<vmem>> -> memref<80xi32, #tpu.memory_space<vmem>>
    %dma_start3A_364 = arith.constant 0 : i32
    %dma_start3A_365 = arith.constant 0 : i32
    %dma_start3A_366 = tpu.memref_slice %arg13[%dma_start3A_364, %dma_start3A_365] : memref<10240x128xf32, #tpu.memory_space<vmem_shared>> -> memref<10240x128xf32, #tpu.memory_space<vmem_shared>>
    tpu.enqueue_indirect_dma source(%arg12 : memref<80x128xf32, #tpu.memory_space<vmem>>) target(%dma_start3A_366 : memref<10240x128xf32, #tpu.memory_space<vmem_shared>>) offsets(%dma_start3A_363 : memref<80xi32, #tpu.memory_space<vmem>>) semaphore(%arg21 : memref<!tpu.dma_semaphore, #tpu.memory_space<semaphore_mem>>) {add = true}
    %dma_wait3A_367 = arith.constant 0 : i32
    %dma_wait3A_368 = tpu.memref_slice %arg6[%dma_wait3A_367] : memref<320xi32, #tpu.memory_space<vmem>> -> memref<80xi32, #tpu.memory_space<vmem>>
    %dma_wait3A_369 = tpu.memref_slice %arg3[%mul3A_339] : memref<640000xi32, #tpu.memory_space<hbm>> -> memref<80xi32, #tpu.memory_space<hbm>>
    %dma_wait3A_370 = arith.constant 0 : i32
    %dma_wait3A_371 = tpu.memref_slice %arg6[%dma_wait3A_370] : memref<320xi32, #tpu.memory_space<vmem>> -> memref<80xi32, #tpu.memory_space<vmem>>
    %dma_wait3A_372 = tpu.memref_slice %arg3[%mul3A_339] : memref<640000xi32, #tpu.memory_space<hbm>> -> memref<80xi32, #tpu.memory_space<hbm>>
    tpu.wait_dma2 semaphore(%arg22 : memref<!tpu.dma_semaphore, #tpu.memory_space<semaphore_mem>>) src(%dma_wait3A_372 : memref<80xi32, #tpu.memory_space<hbm>>) dst(%dma_wait3A_371 : memref<80xi32, #tpu.memory_space<vmem>>)
    %dma_wait3A_373 = arith.constant 0 : i32
    %dma_wait3A_374 = tpu.memref_slice %arg8[%dma_wait3A_373] : memref<320xi32, #tpu.memory_space<vmem>> -> memref<80xi32, #tpu.memory_space<vmem>>
    %dma_wait3A_375 = tpu.memref_slice %arg3[%add3A_349] : memref<640000xi32, #tpu.memory_space<hbm>> -> memref<80xi32, #tpu.memory_space<hbm>>
    %dma_wait3A_376 = arith.constant 0 : i32
    %dma_wait3A_377 = tpu.memref_slice %arg8[%dma_wait3A_376] : memref<320xi32, #tpu.memory_space<vmem>> -> memref<80xi32, #tpu.memory_space<vmem>>
    %dma_wait3A_378 = tpu.memref_slice %arg3[%add3A_349] : memref<640000xi32, #tpu.memory_space<hbm>> -> memref<80xi32, #tpu.memory_space<hbm>>
    tpu.wait_dma2 semaphore(%arg22 : memref<!tpu.dma_semaphore, #tpu.memory_space<semaphore_mem>>) src(%dma_wait3A_378 : memref<80xi32, #tpu.memory_space<hbm>>) dst(%dma_wait3A_377 : memref<80xi32, #tpu.memory_space<vmem>>)
    %dma_start3A_379 = arith.constant 0 : i32
    %dma_start3A_380 = tpu.memref_slice %arg6[%dma_start3A_379] : memref<320xi32, #tpu.memory_space<vmem>> -> memref<80xi32, #tpu.memory_space<vmem>>
    %dma_start3A_381 = arith.constant 0 : i32
    %dma_start3A_382 = arith.constant 0 : i32
    %dma_start3A_383 = tpu.memref_slice %arg2[%dma_start3A_381, %dma_start3A_382] : memref<10000x128xf32, #tpu.memory_space<hbm>> -> memref<10000x128xf32, #tpu.memory_space<hbm>>
    tpu.enqueue_indirect_dma source(%dma_start3A_383 : memref<10000x128xf32, #tpu.memory_space<hbm>>) target(%arg9 : memref<80x128xf32, #tpu.memory_space<vmem>>) offsets(%dma_start3A_380 : memref<80xi32, #tpu.memory_space<vmem>>) semaphore(%arg14 : memref<!tpu.dma_semaphore, #tpu.memory_space<semaphore_mem>>)
    %dma_wait3A_384 = arith.constant 0 : i32
    %dma_wait3A_385 = arith.constant 0 : i32
    %dma_wait3A_386 = tpu.memref_slice %arg2[%dma_wait3A_384, %dma_wait3A_385] : memref<10000x128xf32, #tpu.memory_space<hbm>> -> memref<80x128xf32, #tpu.memory_space<hbm>>
    %dma_wait3A_387 = arith.constant 0 : i32
    %dma_wait3A_388 = arith.constant 0 : i32
    %dma_wait3A_389 = tpu.memref_slice %arg2[%dma_wait3A_387, %dma_wait3A_388] : memref<10000x128xf32, #tpu.memory_space<hbm>> -> memref<80x128xf32, #tpu.memory_space<hbm>>
    tpu.wait_dma2 semaphore(%arg19 : memref<!tpu.dma_semaphore, #tpu.memory_space<semaphore_mem>>) src(%dma_wait3A_389 : memref<80x128xf32, #tpu.memory_space<hbm>>) dst(%arg10 : memref<80x128xf32, #tpu.memory_space<vmem>>)
    %dma_wait3A_390 = arith.constant 0 : i32
    %dma_wait3A_391 = arith.constant 0 : i32
    %dma_wait3A_392 = tpu.memref_slice %arg2[%dma_wait3A_390, %dma_wait3A_391] : memref<10000x128xf32, #tpu.memory_space<hbm>> -> memref<80x128xf32, #tpu.memory_space<hbm>>
    %dma_wait3A_393 = arith.constant 0 : i32
    %dma_wait3A_394 = arith.constant 0 : i32
    %dma_wait3A_395 = tpu.memref_slice %arg2[%dma_wait3A_393, %dma_wait3A_394] : memref<10000x128xf32, #tpu.memory_space<hbm>> -> memref<80x128xf32, #tpu.memory_space<hbm>>
    tpu.wait_dma2 semaphore(%arg14 : memref<!tpu.dma_semaphore, #tpu.memory_space<semaphore_mem>>) src(%dma_wait3A_395 : memref<80x128xf32, #tpu.memory_space<hbm>>) dst(%arg9 : memref<80x128xf32, #tpu.memory_space<vmem>>)
    %dma_start3A_396 = arith.constant 0 : i32
    %dma_start3A_397 = tpu.memref_slice %arg8[%dma_start3A_396] : memref<320xi32, #tpu.memory_space<vmem>> -> memref<80xi32, #tpu.memory_space<vmem>>
    %dma_start3A_398 = arith.constant 0 : i32
    %dma_start3A_399 = arith.constant 0 : i32
    %dma_start3A_400 = tpu.memref_slice %arg13[%dma_start3A_398, %dma_start3A_399] : memref<10240x128xf32, #tpu.memory_space<vmem_shared>> -> memref<10240x128xf32, #tpu.memory_space<vmem_shared>>
    tpu.enqueue_indirect_dma source(%arg9 : memref<80x128xf32, #tpu.memory_space<vmem>>) target(%dma_start3A_400 : memref<10240x128xf32, #tpu.memory_space<vmem_shared>>) offsets(%dma_start3A_397 : memref<80xi32, #tpu.memory_space<vmem>>) semaphore(%arg18 : memref<!tpu.dma_semaphore, #tpu.memory_space<semaphore_mem>>) {add = true}
    %dma_start3A_401 = arith.constant 0 : i32
    %dma_start3A_402 = tpu.memref_slice %arg6[%dma_start3A_401] : memref<320xi32, #tpu.memory_space<vmem>> -> memref<80xi32, #tpu.memory_space<vmem>>
    %dma_start3A_403 = arith.constant 0 : i32
    %dma_start3A_404 = arith.constant 0 : i32
    %dma_start3A_405 = tpu.memref_slice %arg2[%dma_start3A_403, %dma_start3A_404] : memref<10000x128xf32, #tpu.memory_space<hbm>> -> memref<10000x128xf32, #tpu.memory_space<hbm>>
    tpu.enqueue_indirect_dma source(%dma_start3A_405 : memref<10000x128xf32, #tpu.memory_space<hbm>>) target(%arg10 : memref<80x128xf32, #tpu.memory_space<vmem>>) offsets(%dma_start3A_402 : memref<80xi32, #tpu.memory_space<vmem>>) semaphore(%arg15 : memref<!tpu.dma_semaphore, #tpu.memory_space<semaphore_mem>>)
    %dma_wait3A_406 = arith.constant 0 : i32
    %dma_wait3A_407 = arith.constant 0 : i32
    %dma_wait3A_408 = tpu.memref_slice %arg2[%dma_wait3A_406, %dma_wait3A_407] : memref<10000x128xf32, #tpu.memory_space<hbm>> -> memref<80x128xf32, #tpu.memory_space<hbm>>
    %dma_wait3A_409 = arith.constant 0 : i32
    %dma_wait3A_410 = arith.constant 0 : i32
    %dma_wait3A_411 = tpu.memref_slice %arg2[%dma_wait3A_409, %dma_wait3A_410] : memref<10000x128xf32, #tpu.memory_space<hbm>> -> memref<80x128xf32, #tpu.memory_space<hbm>>
    tpu.wait_dma2 semaphore(%arg20 : memref<!tpu.dma_semaphore, #tpu.memory_space<semaphore_mem>>) src(%dma_wait3A_411 : memref<80x128xf32, #tpu.memory_space<hbm>>) dst(%arg11 : memref<80x128xf32, #tpu.memory_space<vmem>>)
    %dma_wait3A_412 = arith.constant 0 : i32
    %dma_wait3A_413 = arith.constant 0 : i32
    %dma_wait3A_414 = tpu.memref_slice %arg2[%dma_wait3A_412, %dma_wait3A_413] : memref<10000x128xf32, #tpu.memory_space<hbm>> -> memref<80x128xf32, #tpu.memory_space<hbm>>
    %dma_wait3A_415 = arith.constant 0 : i32
    %dma_wait3A_416 = arith.constant 0 : i32
    %dma_wait3A_417 = tpu.memref_slice %arg2[%dma_wait3A_415, %dma_wait3A_416] : memref<10000x128xf32, #tpu.memory_space<hbm>> -> memref<80x128xf32, #tpu.memory_space<hbm>>
    tpu.wait_dma2 semaphore(%arg21 : memref<!tpu.dma_semaphore, #tpu.memory_space<semaphore_mem>>) src(%dma_wait3A_417 : memref<80x128xf32, #tpu.memory_space<hbm>>) dst(%arg12 : memref<80x128xf32, #tpu.memory_space<vmem>>)
    %dma_wait3A_418 = arith.constant 0 : i32
    %dma_wait3A_419 = arith.constant 0 : i32
    %dma_wait3A_420 = tpu.memref_slice %arg2[%dma_wait3A_418, %dma_wait3A_419] : memref<10000x128xf32, #tpu.memory_space<hbm>> -> memref<80x128xf32, #tpu.memory_space<hbm>>
    %dma_wait3A_421 = arith.constant 0 : i32
    %dma_wait3A_422 = arith.constant 0 : i32
    %dma_wait3A_423 = tpu.memref_slice %arg2[%dma_wait3A_421, %dma_wait3A_422] : memref<10000x128xf32, #tpu.memory_space<hbm>> -> memref<80x128xf32, #tpu.memory_space<hbm>>
    tpu.wait_dma2 semaphore(%arg18 : memref<!tpu.dma_semaphore, #tpu.memory_space<semaphore_mem>>) src(%dma_wait3A_423 : memref<80x128xf32, #tpu.memory_space<hbm>>) dst(%arg9 : memref<80x128xf32, #tpu.memory_space<vmem>>)
    %dma_wait3A_424 = arith.constant 0 : i32
    %dma_wait3A_425 = arith.constant 0 : i32
    %dma_wait3A_426 = tpu.memref_slice %arg2[%dma_wait3A_424, %dma_wait3A_425] : memref<10000x128xf32, #tpu.memory_space<hbm>> -> memref<80x128xf32, #tpu.memory_space<hbm>>
    %dma_wait3A_427 = arith.constant 0 : i32
    %dma_wait3A_428 = arith.constant 0 : i32
    %dma_wait3A_429 = tpu.memref_slice %arg2[%dma_wait3A_427, %dma_wait3A_428] : memref<10000x128xf32, #tpu.memory_space<hbm>> -> memref<80x128xf32, #tpu.memory_space<hbm>>
    tpu.wait_dma2 semaphore(%arg15 : memref<!tpu.dma_semaphore, #tpu.memory_space<semaphore_mem>>) src(%dma_wait3A_429 : memref<80x128xf32, #tpu.memory_space<hbm>>) dst(%arg10 : memref<80x128xf32, #tpu.memory_space<vmem>>)
    %barrier3A_430 = arith.constant 0 : index
    tpu.barrier barrier_id(%barrier3A_430)
    %mul3A_431 = arith.constant 640 : i32
    %mul3A_432 = arith.muli %arg1, %mul3A_431 : i32
    %mul3A_433 = arith.constant 640 : i32
    %mul3A_434 = arith.muli %arg1, %mul3A_433 : i32
    "tpu.region"() ({
      %run_scoped3A = tpu.sem_alloc : memref<!tpu.dma_semaphore, #tpu.memory_space<semaphore_mem>>
      %dma_start3A_435 = arith.constant 0 : i32
      %dma_start3A_436 = tpu.memref_slice %arg4[%arg0, %mul3A_434, %dma_start3A_435] : memref<2x10240x128xf32, #tpu.memory_space<hbm>> -> memref<1x640x128xf32, #tpu.memory_space<hbm>>
      %dma_start3A_437 = tpu.memref_squeeze %dma_start3A_436 : memref<1x640x128xf32, #tpu.memory_space<hbm>> -> memref<640x128xf32, #tpu.memory_space<hbm>>
      %dma_start3A_438 = arith.constant 0 : i32
      %dma_start3A_439 = tpu.memref_slice %arg13[%mul3A_432, %dma_start3A_438] : memref<10240x128xf32, #tpu.memory_space<vmem_shared>> -> memref<640x128xf32, #tpu.memory_space<vmem_shared>>
      tpu.enqueue_dma source(%dma_start3A_439 : memref<640x128xf32, #tpu.memory_space<vmem_shared>>) target(%dma_start3A_437 : memref<640x128xf32, #tpu.memory_space<hbm>>) target_semaphore(%run_scoped3A : memref<!tpu.dma_semaphore, #tpu.memory_space<semaphore_mem>>)
      %dma_wait3A_440 = arith.constant 0 : i32
      %dma_wait3A_441 = tpu.memref_slice %arg4[%arg0, %mul3A_434, %dma_wait3A_440] : memref<2x10240x128xf32, #tpu.memory_space<hbm>> -> memref<1x640x128xf32, #tpu.memory_space<hbm>>
      %dma_wait3A_442 = tpu.memref_squeeze %dma_wait3A_441 : memref<1x640x128xf32, #tpu.memory_space<hbm>> -> memref<640x128xf32, #tpu.memory_space<hbm>>
      %dma_wait3A_443 = arith.constant 0 : i32
      %dma_wait3A_444 = tpu.memref_slice %arg13[%mul3A_432, %dma_wait3A_443] : memref<10240x128xf32, #tpu.memory_space<vmem_shared>> -> memref<640x128xf32, #tpu.memory_space<vmem_shared>>
      tpu.wait_dma2 semaphore(%run_scoped3A : memref<!tpu.dma_semaphore, #tpu.memory_space<semaphore_mem>>) src(%dma_wait3A_444 : memref<640x128xf32, #tpu.memory_space<vmem_shared>>) dst(%dma_wait3A_442 : memref<640x128xf32, #tpu.memory_space<hbm>>)
      tpu.yield
    }) : () -> ()
    return
  }
}

#map = affine_map<(d0, d1) -> (0, 0)>
#map1 = affine_map<(d0, d1) -> (0)>
#map2 = affine_map<(d0, d1) -> (0, 0, 0)>
module attributes {stable_mosaic.version = 14 : i64} {
  func.func @body(%arg0: i32, %arg1: i32, %arg2: memref<10000x128xf32, #tpu.memory_space<hbm>>, %arg3: memref<640000xi32, #tpu.memory_space<hbm>>, %arg4: memref<2x10240x128xf32, #tpu.memory_space<hbm>>, %arg5: memref<320xi32, #tpu.memory_space<vmem>>, %arg6: memref<320xi32, #tpu.memory_space<vmem>>, %arg7: memref<320xi32, #tpu.memory_space<vmem>>, %arg8: memref<320xi32, #tpu.memory_space<vmem>>, %arg9: memref<80x128xf32, #tpu.memory_space<vmem>>, %arg10: memref<80x128xf32, #tpu.memory_space<vmem>>, %arg11: memref<80x128xf32, #tpu.memory_space<vmem>>, %arg12: memref<80x128xf32, #tpu.memory_space<vmem>>, %arg13: memref<10240x128xf32, #tpu.memory_space<vmem_shared>>, %arg14: memref<!tpu.dma_semaphore, #tpu.memory_space<semaphore_mem>>, %arg15: memref<!tpu.dma_semaphore, #tpu.memory_space<semaphore_mem>>, %arg16: memref<!tpu.dma_semaphore, #tpu.memory_space<semaphore_mem>>, %arg17: memref<!tpu.dma_semaphore, #tpu.memory_space<semaphore_mem>>, %arg18: memref<!tpu.dma_semaphore, #tpu.memory_space<semaphore_mem>>, %arg19: memref<!tpu.dma_semaphore, #tpu.memory_space<semaphore_mem>>, %arg20: memref<!tpu.dma_semaphore, #tpu.memory_space<semaphore_mem>>, %arg21: memref<!tpu.dma_semaphore, #tpu.memory_space<semaphore_mem>>, %arg22: memref<!tpu.dma_semaphore, #tpu.memory_space<semaphore_mem>>) attributes {dimension_semantics = [#tpu.dimension_semantics<core_parallel>, #tpu.dimension_semantics<subcore_parallel>], iteration_bounds = array<i64: 2, 16>, scalar_prefetch = 0 : i64, scratch_operands = 18 : i64, tpu.core_type = #tpu.core_type<sc_vector_subcore>, window_params = [{transform_indices = #map}, {transform_indices = #map1}, {transform_indices = #map2}]} {
    %mul3A = arith.constant 2 : i32
    %mul3A_0 = arith.muli %arg1, %mul3A : i32
    %add3A = arith.addi %mul3A_0, %arg0 : i32
    %broadcast_in_dim3A = arith.constant 0.000000e+00 : f32
    %broadcast_in_dim3A_1 = vector.broadcast %broadcast_in_dim3A : f32 to vector<16xf32>
    %scan3A = arith.constant 0 : i32
    %scan3A_2 = arith.constant 0 : i32
    %scan3A_3 = arith.constant 80 : i32
    %scan3A_4 = arith.addi %scan3A_2, %scan3A_3 : i32
    %scan3A_5 = arith.constant 1 : i32
    scf.for %scan3A_435 = %scan3A_2 to %scan3A_4 step %scan3A_5  : i32 {
      %swap3A = arith.index_cast %scan3A_435 : i32 to index
      %swap3A_436 = arith.constant 0 : index
      %swap3A_437 = tpu.vector_load %arg9[%swap3A, %swap3A_436] {strides = array<i32>} : memref<80x128xf32, #tpu.memory_space<vmem>>, vector<16xf32>,
      tpu.vector_store %arg9[%swap3A, %swap3A_436], %broadcast_in_dim3A_1 {strides = array<i32>} : memref<80x128xf32, #tpu.memory_space<vmem>>, vector<16xf32>,
      %swap3A_438 = arith.index_cast %scan3A_435 : i32 to index
      %swap3A_439 = arith.constant 16 : index
      %swap3A_440 = tpu.vector_load %arg9[%swap3A_438, %swap3A_439] {strides = array<i32>} : memref<80x128xf32, #tpu.memory_space<vmem>>, vector<16xf32>,
      tpu.vector_store %arg9[%swap3A_438, %swap3A_439], %broadcast_in_dim3A_1 {strides = array<i32>} : memref<80x128xf32, #tpu.memory_space<vmem>>, vector<16xf32>,
      %swap3A_441 = arith.index_cast %scan3A_435 : i32 to index
      %swap3A_442 = arith.constant 32 : index
      %swap3A_443 = tpu.vector_load %arg9[%swap3A_441, %swap3A_442] {strides = array<i32>} : memref<80x128xf32, #tpu.memory_space<vmem>>, vector<16xf32>,
      tpu.vector_store %arg9[%swap3A_441, %swap3A_442], %broadcast_in_dim3A_1 {strides = array<i32>} : memref<80x128xf32, #tpu.memory_space<vmem>>, vector<16xf32>,
      %swap3A_444 = arith.index_cast %scan3A_435 : i32 to index
      %swap3A_445 = arith.constant 48 : index
      %swap3A_446 = tpu.vector_load %arg9[%swap3A_444, %swap3A_445] {strides = array<i32>} : memref<80x128xf32, #tpu.memory_space<vmem>>, vector<16xf32>,
      tpu.vector_store %arg9[%swap3A_444, %swap3A_445], %broadcast_in_dim3A_1 {strides = array<i32>} : memref<80x128xf32, #tpu.memory_space<vmem>>, vector<16xf32>,
      %swap3A_447 = arith.index_cast %scan3A_435 : i32 to index
      %swap3A_448 = arith.constant 64 : index
      %swap3A_449 = tpu.vector_load %arg9[%swap3A_447, %swap3A_448] {strides = array<i32>} : memref<80x128xf32, #tpu.memory_space<vmem>>, vector<16xf32>,
      tpu.vector_store %arg9[%swap3A_447, %swap3A_448], %broadcast_in_dim3A_1 {strides = array<i32>} : memref<80x128xf32, #tpu.memory_space<vmem>>, vector<16xf32>,
      %swap3A_450 = arith.index_cast %scan3A_435 : i32 to index
      %swap3A_451 = arith.constant 80 : index
      %swap3A_452 = tpu.vector_load %arg9[%swap3A_450, %swap3A_451] {strides = array<i32>} : memref<80x128xf32, #tpu.memory_space<vmem>>, vector<16xf32>,
      tpu.vector_store %arg9[%swap3A_450, %swap3A_451], %broadcast_in_dim3A_1 {strides = array<i32>} : memref<80x128xf32, #tpu.memory_space<vmem>>, vector<16xf32>,
      %swap3A_453 = arith.index_cast %scan3A_435 : i32 to index
      %swap3A_454 = arith.constant 96 : index
      %swap3A_455 = tpu.vector_load %arg9[%swap3A_453, %swap3A_454] {strides = array<i32>} : memref<80x128xf32, #tpu.memory_space<vmem>>, vector<16xf32>,
      tpu.vector_store %arg9[%swap3A_453, %swap3A_454], %broadcast_in_dim3A_1 {strides = array<i32>} : memref<80x128xf32, #tpu.memory_space<vmem>>, vector<16xf32>,
      %swap3A_456 = arith.index_cast %scan3A_435 : i32 to index
      %swap3A_457 = arith.constant 112 : index
      %swap3A_458 = tpu.vector_load %arg9[%swap3A_456, %swap3A_457] {strides = array<i32>} : memref<80x128xf32, #tpu.memory_space<vmem>>, vector<16xf32>,
      tpu.vector_store %arg9[%swap3A_456, %swap3A_457], %broadcast_in_dim3A_1 {strides = array<i32>} : memref<80x128xf32, #tpu.memory_space<vmem>>, vector<16xf32>,
    }
    %scan3A_6 = arith.constant 80 : i32
    %mul3A_7 = arith.constant 640 : i32
    %mul3A_8 = arith.muli %arg1, %mul3A_7 : i32
    %add3A_9 = arith.constant 0 : i32
    %add3A_10 = arith.addi %mul3A_8, %add3A_9 : i32
    "tpu.region"() ({
      %run_scoped3A = tpu.sem_alloc : memref<!tpu.dma_semaphore, #tpu.memory_space<semaphore_mem>>
      %dma_start3A_435 = arith.constant 0 : i32
      %dma_start3A_436 = tpu.memref_slice %arg13[%add3A_10, %dma_start3A_435] : memref<10240x128xf32, #tpu.memory_space<vmem_shared>> -> memref<80x128xf32, #tpu.memory_space<vmem_shared>>
      %dma_start3A_437 = arith.constant 0 : i32
      %dma_start3A_438 = tpu.memref_slice %arg13[%add3A_10, %dma_start3A_437] : memref<10240x128xf32, #tpu.memory_space<vmem_shared>> -> memref<80x128xf32, #tpu.memory_space<vmem_shared>>
      tpu.enqueue_dma source(%arg9 : memref<80x128xf32, #tpu.memory_space<vmem>>) target(%dma_start3A_438 : memref<80x128xf32, #tpu.memory_space<vmem_shared>>) target_semaphore(%run_scoped3A : memref<!tpu.dma_semaphore, #tpu.memory_space<semaphore_mem>>)
      %dma_wait3A_439 = arith.constant 0 : i32
      %dma_wait3A_440 = tpu.memref_slice %arg13[%add3A_10, %dma_wait3A_439] : memref<10240x128xf32, #tpu.memory_space<vmem_shared>> -> memref<80x128xf32, #tpu.memory_space<vmem_shared>>
      %dma_wait3A_441 = arith.constant 0 : i32
      %dma_wait3A_442 = tpu.memref_slice %arg13[%add3A_10, %dma_wait3A_441] : memref<10240x128xf32, #tpu.memory_space<vmem_shared>> -> memref<80x128xf32, #tpu.memory_space<vmem_shared>>
      tpu.wait_dma2 semaphore(%run_scoped3A : memref<!tpu.dma_semaphore, #tpu.memory_space<semaphore_mem>>) src(%arg9 : memref<80x128xf32, #tpu.memory_space<vmem>>) dst(%dma_wait3A_442 : memref<80x128xf32, #tpu.memory_space<vmem_shared>>)
      tpu.yield
    }) : () -> ()
    %add3A_11 = arith.constant 80 : i32
    %add3A_12 = arith.addi %mul3A_8, %add3A_11 : i32
    "tpu.region"() ({
      %run_scoped3A = tpu.sem_alloc : memref<!tpu.dma_semaphore, #tpu.memory_space<semaphore_mem>>
      %dma_start3A_435 = arith.constant 0 : i32
      %dma_start3A_436 = tpu.memref_slice %arg13[%add3A_12, %dma_start3A_435] : memref<10240x128xf32, #tpu.memory_space<vmem_shared>> -> memref<80x128xf32, #tpu.memory_space<vmem_shared>>
      %dma_start3A_437 = arith.constant 0 : i32
      %dma_start3A_438 = tpu.memref_slice %arg13[%add3A_12, %dma_start3A_437] : memref<10240x128xf32, #tpu.memory_space<vmem_shared>> -> memref<80x128xf32, #tpu.memory_space<vmem_shared>>
      tpu.enqueue_dma source(%arg9 : memref<80x128xf32, #tpu.memory_space<vmem>>) target(%dma_start3A_438 : memref<80x128xf32, #tpu.memory_space<vmem_shared>>) target_semaphore(%run_scoped3A : memref<!tpu.dma_semaphore, #tpu.memory_space<semaphore_mem>>)
      %dma_wait3A_439 = arith.constant 0 : i32
      %dma_wait3A_440 = tpu.memref_slice %arg13[%add3A_12, %dma_wait3A_439] : memref<10240x128xf32, #tpu.memory_space<vmem_shared>> -> memref<80x128xf32, #tpu.memory_space<vmem_shared>>
      %dma_wait3A_441 = arith.constant 0 : i32
      %dma_wait3A_442 = tpu.memref_slice %arg13[%add3A_12, %dma_wait3A_441] : memref<10240x128xf32, #tpu.memory_space<vmem_shared>> -> memref<80x128xf32, #tpu.memory_space<vmem_shared>>
      tpu.wait_dma2 semaphore(%run_scoped3A : memref<!tpu.dma_semaphore, #tpu.memory_space<semaphore_mem>>) src(%arg9 : memref<80x128xf32, #tpu.memory_space<vmem>>) dst(%dma_wait3A_442 : memref<80x128xf32, #tpu.memory_space<vmem_shared>>)
      tpu.yield
    }) : () -> ()
    %add3A_13 = arith.constant 160 : i32
    %add3A_14 = arith.addi %mul3A_8, %add3A_13 : i32
    "tpu.region"() ({
      %run_scoped3A = tpu.sem_alloc : memref<!tpu.dma_semaphore, #tpu.memory_space<semaphore_mem>>
      %dma_start3A_435 = arith.constant 0 : i32
      %dma_start3A_436 = tpu.memref_slice %arg13[%add3A_14, %dma_start3A_435] : memref<10240x128xf32, #tpu.memory_space<vmem_shared>> -> memref<80x128xf32, #tpu.memory_space<vmem_shared>>
      %dma_start3A_437 = arith.constant 0 : i32
      %dma_start3A_438 = tpu.memref_slice %arg13[%add3A_14, %dma_start3A_437] : memref<10240x128xf32, #tpu.memory_space<vmem_shared>> -> memref<80x128xf32, #tpu.memory_space<vmem_shared>>
      tpu.enqueue_dma source(%arg9 : memref<80x128xf32, #tpu.memory_space<vmem>>) target(%dma_start3A_438 : memref<80x128xf32, #tpu.memory_space<vmem_shared>>) target_semaphore(%run_scoped3A : memref<!tpu.dma_semaphore, #tpu.memory_space<semaphore_mem>>)
      %dma_wait3A_439 = arith.constant 0 : i32
      %dma_wait3A_440 = tpu.memref_slice %arg13[%add3A_14, %dma_wait3A_439] : memref<10240x128xf32, #tpu.memory_space<vmem_shared>> -> memref<80x128xf32, #tpu.memory_space<vmem_shared>>
      %dma_wait3A_441 = arith.constant 0 : i32
      %dma_wait3A_442 = tpu.memref_slice %arg13[%add3A_14, %dma_wait3A_441] : memref<10240x128xf32, #tpu.memory_space<vmem_shared>> -> memref<80x128xf32, #tpu.memory_space<vmem_shared>>
      tpu.wait_dma2 semaphore(%run_scoped3A : memref<!tpu.dma_semaphore, #tpu.memory_space<semaphore_mem>>) src(%arg9 : memref<80x128xf32, #tpu.memory_space<vmem>>) dst(%dma_wait3A_442 : memref<80x128xf32, #tpu.memory_space<vmem_shared>>)
      tpu.yield
    }) : () -> ()
    %add3A_15 = arith.constant 240 : i32
    %add3A_16 = arith.addi %mul3A_8, %add3A_15 : i32
    "tpu.region"() ({
      %run_scoped3A = tpu.sem_alloc : memref<!tpu.dma_semaphore, #tpu.memory_space<semaphore_mem>>
      %dma_start3A_435 = arith.constant 0 : i32
      %dma_start3A_436 = tpu.memref_slice %arg13[%add3A_16, %dma_start3A_435] : memref<10240x128xf32, #tpu.memory_space<vmem_shared>> -> memref<80x128xf32, #tpu.memory_space<vmem_shared>>
      %dma_start3A_437 = arith.constant 0 : i32
      %dma_start3A_438 = tpu.memref_slice %arg13[%add3A_16, %dma_start3A_437] : memref<10240x128xf32, #tpu.memory_space<vmem_shared>> -> memref<80x128xf32, #tpu.memory_space<vmem_shared>>
      tpu.enqueue_dma source(%arg9 : memref<80x128xf32, #tpu.memory_space<vmem>>) target(%dma_start3A_438 : memref<80x128xf32, #tpu.memory_space<vmem_shared>>) target_semaphore(%run_scoped3A : memref<!tpu.dma_semaphore, #tpu.memory_space<semaphore_mem>>)
      %dma_wait3A_439 = arith.constant 0 : i32
      %dma_wait3A_440 = tpu.memref_slice %arg13[%add3A_16, %dma_wait3A_439] : memref<10240x128xf32, #tpu.memory_space<vmem_shared>> -> memref<80x128xf32, #tpu.memory_space<vmem_shared>>
      %dma_wait3A_441 = arith.constant 0 : i32
      %dma_wait3A_442 = tpu.memref_slice %arg13[%add3A_16, %dma_wait3A_441] : memref<10240x128xf32, #tpu.memory_space<vmem_shared>> -> memref<80x128xf32, #tpu.memory_space<vmem_shared>>
      tpu.wait_dma2 semaphore(%run_scoped3A : memref<!tpu.dma_semaphore, #tpu.memory_space<semaphore_mem>>) src(%arg9 : memref<80x128xf32, #tpu.memory_space<vmem>>) dst(%dma_wait3A_442 : memref<80x128xf32, #tpu.memory_space<vmem_shared>>)
      tpu.yield
    }) : () -> ()
    %add3A_17 = arith.constant 320 : i32
    %add3A_18 = arith.addi %mul3A_8, %add3A_17 : i32
    "tpu.region"() ({
      %run_scoped3A = tpu.sem_alloc : memref<!tpu.dma_semaphore, #tpu.memory_space<semaphore_mem>>
      %dma_start3A_435 = arith.constant 0 : i32
      %dma_start3A_436 = tpu.memref_slice %arg13[%add3A_18, %dma_start3A_435] : memref<10240x128xf32, #tpu.memory_space<vmem_shared>> -> memref<80x128xf32, #tpu.memory_space<vmem_shared>>
      %dma_start3A_437 = arith.constant 0 : i32
      %dma_start3A_438 = tpu.memref_slice %arg13[%add3A_18, %dma_start3A_437] : memref<10240x128xf32, #tpu.memory_space<vmem_shared>> -> memref<80x128xf32, #tpu.memory_space<vmem_shared>>
      tpu.enqueue_dma source(%arg9 : memref<80x128xf32, #tpu.memory_space<vmem>>) target(%dma_start3A_438 : memref<80x128xf32, #tpu.memory_space<vmem_shared>>) target_semaphore(%run_scoped3A : memref<!tpu.dma_semaphore, #tpu.memory_space<semaphore_mem>>)
      %dma_wait3A_439 = arith.constant 0 : i32
      %dma_wait3A_440 = tpu.memref_slice %arg13[%add3A_18, %dma_wait3A_439] : memref<10240x128xf32, #tpu.memory_space<vmem_shared>> -> memref<80x128xf32, #tpu.memory_space<vmem_shared>>
      %dma_wait3A_441 = arith.constant 0 : i32
      %dma_wait3A_442 = tpu.memref_slice %arg13[%add3A_18, %dma_wait3A_441] : memref<10240x128xf32, #tpu.memory_space<vmem_shared>> -> memref<80x128xf32, #tpu.memory_space<vmem_shared>>
      tpu.wait_dma2 semaphore(%run_scoped3A : memref<!tpu.dma_semaphore, #tpu.memory_space<semaphore_mem>>) src(%arg9 : memref<80x128xf32, #tpu.memory_space<vmem>>) dst(%dma_wait3A_442 : memref<80x128xf32, #tpu.memory_space<vmem_shared>>)
      tpu.yield
    }) : () -> ()
    %add3A_19 = arith.constant 400 : i32
    %add3A_20 = arith.addi %mul3A_8, %add3A_19 : i32
    "tpu.region"() ({
      %run_scoped3A = tpu.sem_alloc : memref<!tpu.dma_semaphore, #tpu.memory_space<semaphore_mem>>
      %dma_start3A_435 = arith.constant 0 : i32
      %dma_start3A_436 = tpu.memref_slice %arg13[%add3A_20, %dma_start3A_435] : memref<10240x128xf32, #tpu.memory_space<vmem_shared>> -> memref<80x128xf32, #tpu.memory_space<vmem_shared>>
      %dma_start3A_437 = arith.constant 0 : i32
      %dma_start3A_438 = tpu.memref_slice %arg13[%add3A_20, %dma_start3A_437] : memref<10240x128xf32, #tpu.memory_space<vmem_shared>> -> memref<80x128xf32, #tpu.memory_space<vmem_shared>>
      tpu.enqueue_dma source(%arg9 : memref<80x128xf32, #tpu.memory_space<vmem>>) target(%dma_start3A_438 : memref<80x128xf32, #tpu.memory_space<vmem_shared>>) target_semaphore(%run_scoped3A : memref<!tpu.dma_semaphore, #tpu.memory_space<semaphore_mem>>)
      %dma_wait3A_439 = arith.constant 0 : i32
      %dma_wait3A_440 = tpu.memref_slice %arg13[%add3A_20, %dma_wait3A_439] : memref<10240x128xf32, #tpu.memory_space<vmem_shared>> -> memref<80x128xf32, #tpu.memory_space<vmem_shared>>
      %dma_wait3A_441 = arith.constant 0 : i32
      %dma_wait3A_442 = tpu.memref_slice %arg13[%add3A_20, %dma_wait3A_441] : memref<10240x128xf32, #tpu.memory_space<vmem_shared>> -> memref<80x128xf32, #tpu.memory_space<vmem_shared>>
      tpu.wait_dma2 semaphore(%run_scoped3A : memref<!tpu.dma_semaphore, #tpu.memory_space<semaphore_mem>>) src(%arg9 : memref<80x128xf32, #tpu.memory_space<vmem>>) dst(%dma_wait3A_442 : memref<80x128xf32, #tpu.memory_space<vmem_shared>>)
      tpu.yield
    }) : () -> ()
    %add3A_21 = arith.constant 480 : i32
    %add3A_22 = arith.addi %mul3A_8, %add3A_21 : i32
    "tpu.region"() ({
      %run_scoped3A = tpu.sem_alloc : memref<!tpu.dma_semaphore, #tpu.memory_space<semaphore_mem>>
      %dma_start3A_435 = arith.constant 0 : i32
      %dma_start3A_436 = tpu.memref_slice %arg13[%add3A_22, %dma_start3A_435] : memref<10240x128xf32, #tpu.memory_space<vmem_shared>> -> memref<80x128xf32, #tpu.memory_space<vmem_shared>>
      %dma_start3A_437 = arith.constant 0 : i32
      %dma_start3A_438 = tpu.memref_slice %arg13[%add3A_22, %dma_start3A_437] : memref<10240x128xf32, #tpu.memory_space<vmem_shared>> -> memref<80x128xf32, #tpu.memory_space<vmem_shared>>
      tpu.enqueue_dma source(%arg9 : memref<80x128xf32, #tpu.memory_space<vmem>>) target(%dma_start3A_438 : memref<80x128xf32, #tpu.memory_space<vmem_shared>>) target_semaphore(%run_scoped3A : memref<!tpu.dma_semaphore, #tpu.memory_space<semaphore_mem>>)
      %dma_wait3A_439 = arith.constant 0 : i32
      %dma_wait3A_440 = tpu.memref_slice %arg13[%add3A_22, %dma_wait3A_439] : memref<10240x128xf32, #tpu.memory_space<vmem_shared>> -> memref<80x128xf32, #tpu.memory_space<vmem_shared>>
      %dma_wait3A_441 = arith.constant 0 : i32
      %dma_wait3A_442 = tpu.memref_slice %arg13[%add3A_22, %dma_wait3A_441] : memref<10240x128xf32, #tpu.memory_space<vmem_shared>> -> memref<80x128xf32, #tpu.memory_space<vmem_shared>>
      tpu.wait_dma2 semaphore(%run_scoped3A : memref<!tpu.dma_semaphore, #tpu.memory_space<semaphore_mem>>) src(%arg9 : memref<80x128xf32, #tpu.memory_space<vmem>>) dst(%dma_wait3A_442 : memref<80x128xf32, #tpu.memory_space<vmem_shared>>)
      tpu.yield
    }) : () -> ()
    %add3A_23 = arith.constant 560 : i32
    %add3A_24 = arith.addi %mul3A_8, %add3A_23 : i32
    "tpu.region"() ({
      %run_scoped3A = tpu.sem_alloc : memref<!tpu.dma_semaphore, #tpu.memory_space<semaphore_mem>>
      %dma_start3A_435 = arith.constant 0 : i32
      %dma_start3A_436 = tpu.memref_slice %arg13[%add3A_24, %dma_start3A_435] : memref<10240x128xf32, #tpu.memory_space<vmem_shared>> -> memref<80x128xf32, #tpu.memory_space<vmem_shared>>
      %dma_start3A_437 = arith.constant 0 : i32
      %dma_start3A_438 = tpu.memref_slice %arg13[%add3A_24, %dma_start3A_437] : memref<10240x128xf32, #tpu.memory_space<vmem_shared>> -> memref<80x128xf32, #tpu.memory_space<vmem_shared>>
      tpu.enqueue_dma source(%arg9 : memref<80x128xf32, #tpu.memory_space<vmem>>) target(%dma_start3A_438 : memref<80x128xf32, #tpu.memory_space<vmem_shared>>) target_semaphore(%run_scoped3A : memref<!tpu.dma_semaphore, #tpu.memory_space<semaphore_mem>>)
      %dma_wait3A_439 = arith.constant 0 : i32
      %dma_wait3A_440 = tpu.memref_slice %arg13[%add3A_24, %dma_wait3A_439] : memref<10240x128xf32, #tpu.memory_space<vmem_shared>> -> memref<80x128xf32, #tpu.memory_space<vmem_shared>>
      %dma_wait3A_441 = arith.constant 0 : i32
      %dma_wait3A_442 = tpu.memref_slice %arg13[%add3A_24, %dma_wait3A_441] : memref<10240x128xf32, #tpu.memory_space<vmem_shared>> -> memref<80x128xf32, #tpu.memory_space<vmem_shared>>
      tpu.wait_dma2 semaphore(%run_scoped3A : memref<!tpu.dma_semaphore, #tpu.memory_space<semaphore_mem>>) src(%arg9 : memref<80x128xf32, #tpu.memory_space<vmem>>) dst(%dma_wait3A_442 : memref<80x128xf32, #tpu.memory_space<vmem_shared>>)
      tpu.yield
    }) : () -> ()
    %barrier3A = arith.constant 0 : index
    tpu.barrier barrier_id(%barrier3A)
    %mul3A_25 = arith.constant 125 : i32
    %mul3A_26 = arith.muli %add3A, %mul3A_25 : i32
    %mul3A_27 = arith.constant 80 : i32
    %mul3A_28 = arith.muli %mul3A_26, %mul3A_27 : i32
    "tpu.region"() ({
      %run_scoped3A = tpu.sem_alloc : memref<!tpu.dma_semaphore, #tpu.memory_space<semaphore_mem>>
      %dma_start3A_435 = tpu.memref_slice %arg3[%mul3A_28] : memref<640000xi32, #tpu.memory_space<hbm>> -> memref<320xi32, #tpu.memory_space<hbm>>
      %dma_start3A_436 = tpu.memref_slice %arg3[%mul3A_28] : memref<640000xi32, #tpu.memory_space<hbm>> -> memref<320xi32, #tpu.memory_space<hbm>>
      tpu.enqueue_dma source(%dma_start3A_436 : memref<320xi32, #tpu.memory_space<hbm>>) target(%arg5 : memref<320xi32, #tpu.memory_space<vmem>>) target_semaphore(%run_scoped3A : memref<!tpu.dma_semaphore, #tpu.memory_space<semaphore_mem>>)
      %dma_wait3A_437 = tpu.memref_slice %arg3[%mul3A_28] : memref<640000xi32, #tpu.memory_space<hbm>> -> memref<320xi32, #tpu.memory_space<hbm>>
      %dma_wait3A_438 = tpu.memref_slice %arg3[%mul3A_28] : memref<640000xi32, #tpu.memory_space<hbm>> -> memref<320xi32, #tpu.memory_space<hbm>>
      tpu.wait_dma2 semaphore(%run_scoped3A : memref<!tpu.dma_semaphore, #tpu.memory_space<semaphore_mem>>) src(%dma_wait3A_438 : memref<320xi32, #tpu.memory_space<hbm>>) dst(%arg5 : memref<320xi32, #tpu.memory_space<vmem>>)
      tpu.yield
    }) : () -> ()
    %mul3A_29 = arith.constant 80 : i32
    %mul3A_30 = arith.muli %mul3A_26, %mul3A_29 : i32
    %add3A_31 = arith.constant 320000 : i32
    %add3A_32 = arith.addi %add3A_31, %mul3A_30 : i32
    "tpu.region"() ({
      %run_scoped3A = tpu.sem_alloc : memref<!tpu.dma_semaphore, #tpu.memory_space<semaphore_mem>>
      %dma_start3A_435 = tpu.memref_slice %arg3[%add3A_32] : memref<640000xi32, #tpu.memory_space<hbm>> -> memref<320xi32, #tpu.memory_space<hbm>>
      %dma_start3A_436 = tpu.memref_slice %arg3[%add3A_32] : memref<640000xi32, #tpu.memory_space<hbm>> -> memref<320xi32, #tpu.memory_space<hbm>>
      tpu.enqueue_dma source(%dma_start3A_436 : memref<320xi32, #tpu.memory_space<hbm>>) target(%arg7 : memref<320xi32, #tpu.memory_space<vmem>>) target_semaphore(%run_scoped3A : memref<!tpu.dma_semaphore, #tpu.memory_space<semaphore_mem>>)
      %dma_wait3A_437 = tpu.memref_slice %arg3[%add3A_32] : memref<640000xi32, #tpu.memory_space<hbm>> -> memref<320xi32, #tpu.memory_space<hbm>>
      %dma_wait3A_438 = tpu.memref_slice %arg3[%add3A_32] : memref<640000xi32, #tpu.memory_space<hbm>> -> memref<320xi32, #tpu.memory_space<hbm>>
      tpu.wait_dma2 semaphore(%run_scoped3A : memref<!tpu.dma_semaphore, #tpu.memory_space<semaphore_mem>>) src(%dma_wait3A_438 : memref<320xi32, #tpu.memory_space<hbm>>) dst(%arg7 : memref<320xi32, #tpu.memory_space<vmem>>)
      tpu.yield
    }) : () -> ()
    %dma_start3A = arith.constant 0 : i32
    %dma_start3A_33 = tpu.memref_slice %arg5[%dma_start3A] : memref<320xi32, #tpu.memory_space<vmem>> -> memref<80xi32, #tpu.memory_space<vmem>>
    %dma_start3A_34 = arith.constant 0 : i32
    %dma_start3A_35 = arith.constant 0 : i32
    %dma_start3A_36 = tpu.memref_slice %arg2[%dma_start3A_34, %dma_start3A_35] : memref<10000x128xf32, #tpu.memory_space<hbm>> -> memref<10000x128xf32, #tpu.memory_space<hbm>>
    tpu.enqueue_indirect_dma source(%dma_start3A_36 : memref<10000x128xf32, #tpu.memory_space<hbm>>) target(%arg9 : memref<80x128xf32, #tpu.memory_space<vmem>>) offsets(%dma_start3A_33 : memref<80xi32, #tpu.memory_space<vmem>>) semaphore(%arg14 : memref<!tpu.dma_semaphore, #tpu.memory_space<semaphore_mem>>)
    %dma_wait3A = arith.constant 0 : i32
    %dma_wait3A_37 = arith.constant 0 : i32
    %dma_wait3A_38 = tpu.memref_slice %arg2[%dma_wait3A, %dma_wait3A_37] : memref<10000x128xf32, #tpu.memory_space<hbm>> -> memref<80x128xf32, #tpu.memory_space<hbm>>
    %dma_wait3A_39 = arith.constant 0 : i32
    %dma_wait3A_40 = arith.constant 0 : i32
    %dma_wait3A_41 = tpu.memref_slice %arg2[%dma_wait3A_39, %dma_wait3A_40] : memref<10000x128xf32, #tpu.memory_space<hbm>> -> memref<80x128xf32, #tpu.memory_space<hbm>>
    tpu.wait_dma2 semaphore(%arg14 : memref<!tpu.dma_semaphore, #tpu.memory_space<semaphore_mem>>) src(%dma_wait3A_41 : memref<80x128xf32, #tpu.memory_space<hbm>>) dst(%arg9 : memref<80x128xf32, #tpu.memory_space<vmem>>)
    %dma_start3A_42 = arith.constant 0 : i32
    %dma_start3A_43 = tpu.memref_slice %arg7[%dma_start3A_42] : memref<320xi32, #tpu.memory_space<vmem>> -> memref<80xi32, #tpu.memory_space<vmem>>
    %dma_start3A_44 = arith.constant 0 : i32
    %dma_start3A_45 = arith.constant 0 : i32
    %dma_start3A_46 = tpu.memref_slice %arg13[%dma_start3A_44, %dma_start3A_45] : memref<10240x128xf32, #tpu.memory_space<vmem_shared>> -> memref<10240x128xf32, #tpu.memory_space<vmem_shared>>
    tpu.enqueue_indirect_dma source(%arg9 : memref<80x128xf32, #tpu.memory_space<vmem>>) target(%dma_start3A_46 : memref<10240x128xf32, #tpu.memory_space<vmem_shared>>) offsets(%dma_start3A_43 : memref<80xi32, #tpu.memory_space<vmem>>) semaphore(%arg18 : memref<!tpu.dma_semaphore, #tpu.memory_space<semaphore_mem>>) {add = true}
    %dma_start3A_47 = arith.constant 80 : i32
    %dma_start3A_48 = tpu.memref_slice %arg5[%dma_start3A_47] : memref<320xi32, #tpu.memory_space<vmem>> -> memref<80xi32, #tpu.memory_space<vmem>>
    %dma_start3A_49 = arith.constant 0 : i32
    %dma_start3A_50 = arith.constant 0 : i32
    %dma_start3A_51 = tpu.memref_slice %arg2[%dma_start3A_49, %dma_start3A_50] : memref<10000x128xf32, #tpu.memory_space<hbm>> -> memref<10000x128xf32, #tpu.memory_space<hbm>>
    tpu.enqueue_indirect_dma source(%dma_start3A_51 : memref<10000x128xf32, #tpu.memory_space<hbm>>) target(%arg10 : memref<80x128xf32, #tpu.memory_space<vmem>>) offsets(%dma_start3A_48 : memref<80xi32, #tpu.memory_space<vmem>>) semaphore(%arg15 : memref<!tpu.dma_semaphore, #tpu.memory_space<semaphore_mem>>)
    %dma_wait3A_52 = arith.constant 0 : i32
    %dma_wait3A_53 = arith.constant 0 : i32
    %dma_wait3A_54 = tpu.memref_slice %arg2[%dma_wait3A_52, %dma_wait3A_53] : memref<10000x128xf32, #tpu.memory_space<hbm>> -> memref<80x128xf32, #tpu.memory_space<hbm>>
    %dma_wait3A_55 = arith.constant 0 : i32
    %dma_wait3A_56 = arith.constant 0 : i32
    %dma_wait3A_57 = tpu.memref_slice %arg2[%dma_wait3A_55, %dma_wait3A_56] : memref<10000x128xf32, #tpu.memory_space<hbm>> -> memref<80x128xf32, #tpu.memory_space<hbm>>
    tpu.wait_dma2 semaphore(%arg15 : memref<!tpu.dma_semaphore, #tpu.memory_space<semaphore_mem>>) src(%dma_wait3A_57 : memref<80x128xf32, #tpu.memory_space<hbm>>) dst(%arg10 : memref<80x128xf32, #tpu.memory_space<vmem>>)
    %dma_start3A_58 = arith.constant 80 : i32
    %dma_start3A_59 = tpu.memref_slice %arg7[%dma_start3A_58] : memref<320xi32, #tpu.memory_space<vmem>> -> memref<80xi32, #tpu.memory_space<vmem>>
    %dma_start3A_60 = arith.constant 0 : i32
    %dma_start3A_61 = arith.constant 0 : i32
    %dma_start3A_62 = tpu.memref_slice %arg13[%dma_start3A_60, %dma_start3A_61] : memref<10240x128xf32, #tpu.memory_space<vmem_shared>> -> memref<10240x128xf32, #tpu.memory_space<vmem_shared>>
    tpu.enqueue_indirect_dma source(%arg10 : memref<80x128xf32, #tpu.memory_space<vmem>>) target(%dma_start3A_62 : memref<10240x128xf32, #tpu.memory_space<vmem_shared>>) offsets(%dma_start3A_59 : memref<80xi32, #tpu.memory_space<vmem>>) semaphore(%arg19 : memref<!tpu.dma_semaphore, #tpu.memory_space<semaphore_mem>>) {add = true}
    %dma_start3A_63 = arith.constant 160 : i32
    %dma_start3A_64 = tpu.memref_slice %arg5[%dma_start3A_63] : memref<320xi32, #tpu.memory_space<vmem>> -> memref<80xi32, #tpu.memory_space<vmem>>
    %dma_start3A_65 = arith.constant 0 : i32
    %dma_start3A_66 = arith.constant 0 : i32
    %dma_start3A_67 = tpu.memref_slice %arg2[%dma_start3A_65, %dma_start3A_66] : memref<10000x128xf32, #tpu.memory_space<hbm>> -> memref<10000x128xf32, #tpu.memory_space<hbm>>
    tpu.enqueue_indirect_dma source(%dma_start3A_67 : memref<10000x128xf32, #tpu.memory_space<hbm>>) target(%arg11 : memref<80x128xf32, #tpu.memory_space<vmem>>) offsets(%dma_start3A_64 : memref<80xi32, #tpu.memory_space<vmem>>) semaphore(%arg16 : memref<!tpu.dma_semaphore, #tpu.memory_space<semaphore_mem>>)
    %dma_wait3A_68 = arith.constant 0 : i32
    %dma_wait3A_69 = arith.constant 0 : i32
    %dma_wait3A_70 = tpu.memref_slice %arg2[%dma_wait3A_68, %dma_wait3A_69] : memref<10000x128xf32, #tpu.memory_space<hbm>> -> memref<80x128xf32, #tpu.memory_space<hbm>>
    %dma_wait3A_71 = arith.constant 0 : i32
    %dma_wait3A_72 = arith.constant 0 : i32
    %dma_wait3A_73 = tpu.memref_slice %arg2[%dma_wait3A_71, %dma_wait3A_72] : memref<10000x128xf32, #tpu.memory_space<hbm>> -> memref<80x128xf32, #tpu.memory_space<hbm>>
    tpu.wait_dma2 semaphore(%arg16 : memref<!tpu.dma_semaphore, #tpu.memory_space<semaphore_mem>>) src(%dma_wait3A_73 : memref<80x128xf32, #tpu.memory_space<hbm>>) dst(%arg11 : memref<80x128xf32, #tpu.memory_space<vmem>>)
    %dma_start3A_74 = arith.constant 160 : i32
    %dma_start3A_75 = tpu.memref_slice %arg7[%dma_start3A_74] : memref<320xi32, #tpu.memory_space<vmem>> -> memref<80xi32, #tpu.memory_space<vmem>>
    %dma_start3A_76 = arith.constant 0 : i32
    %dma_start3A_77 = arith.constant 0 : i32
    %dma_start3A_78 = tpu.memref_slice %arg13[%dma_start3A_76, %dma_start3A_77] : memref<10240x128xf32, #tpu.memory_space<vmem_shared>> -> memref<10240x128xf32, #tpu.memory_space<vmem_shared>>
    tpu.enqueue_indirect_dma source(%arg11 : memref<80x128xf32, #tpu.memory_space<vmem>>) target(%dma_start3A_78 : memref<10240x128xf32, #tpu.memory_space<vmem_shared>>) offsets(%dma_start3A_75 : memref<80xi32, #tpu.memory_space<vmem>>) semaphore(%arg20 : memref<!tpu.dma_semaphore, #tpu.memory_space<semaphore_mem>>) {add = true}
    %dma_start3A_79 = arith.constant 240 : i32
    %dma_start3A_80 = tpu.memref_slice %arg5[%dma_start3A_79] : memref<320xi32, #tpu.memory_space<vmem>> -> memref<80xi32, #tpu.memory_space<vmem>>
    %dma_start3A_81 = arith.constant 0 : i32
    %dma_start3A_82 = arith.constant 0 : i32
    %dma_start3A_83 = tpu.memref_slice %arg2[%dma_start3A_81, %dma_start3A_82] : memref<10000x128xf32, #tpu.memory_space<hbm>> -> memref<10000x128xf32, #tpu.memory_space<hbm>>
    tpu.enqueue_indirect_dma source(%dma_start3A_83 : memref<10000x128xf32, #tpu.memory_space<hbm>>) target(%arg12 : memref<80x128xf32, #tpu.memory_space<vmem>>) offsets(%dma_start3A_80 : memref<80xi32, #tpu.memory_space<vmem>>) semaphore(%arg17 : memref<!tpu.dma_semaphore, #tpu.memory_space<semaphore_mem>>)
    %add3A_84 = arith.constant 4 : i32
    %add3A_85 = arith.addi %mul3A_26, %add3A_84 : i32
    %dma_wait3A_86 = arith.constant 0 : i32
    %dma_wait3A_87 = arith.constant 0 : i32
    %dma_wait3A_88 = tpu.memref_slice %arg2[%dma_wait3A_86, %dma_wait3A_87] : memref<10000x128xf32, #tpu.memory_space<hbm>> -> memref<80x128xf32, #tpu.memory_space<hbm>>
    %dma_wait3A_89 = arith.constant 0 : i32
    %dma_wait3A_90 = arith.constant 0 : i32
    %dma_wait3A_91 = tpu.memref_slice %arg2[%dma_wait3A_89, %dma_wait3A_90] : memref<10000x128xf32, #tpu.memory_space<hbm>> -> memref<80x128xf32, #tpu.memory_space<hbm>>
    tpu.wait_dma2 semaphore(%arg18 : memref<!tpu.dma_semaphore, #tpu.memory_space<semaphore_mem>>) src(%dma_wait3A_91 : memref<80x128xf32, #tpu.memory_space<hbm>>) dst(%arg9 : memref<80x128xf32, #tpu.memory_space<vmem>>)
    %mul3A_92 = arith.constant 80 : i32
    %mul3A_93 = arith.muli %add3A_85, %mul3A_92 : i32
    %dma_start3A_94 = arith.constant 0 : i32
    %dma_start3A_95 = tpu.memref_slice %arg6[%dma_start3A_94] : memref<320xi32, #tpu.memory_space<vmem>> -> memref<320xi32, #tpu.memory_space<vmem>>
    %dma_start3A_96 = tpu.memref_slice %arg3[%mul3A_93] : memref<640000xi32, #tpu.memory_space<hbm>> -> memref<320xi32, #tpu.memory_space<hbm>>
    %dma_start3A_97 = arith.constant 0 : i32
    %dma_start3A_98 = tpu.memref_slice %arg6[%dma_start3A_97] : memref<320xi32, #tpu.memory_space<vmem>> -> memref<320xi32, #tpu.memory_space<vmem>>
    %dma_start3A_99 = tpu.memref_slice %arg3[%mul3A_93] : memref<640000xi32, #tpu.memory_space<hbm>> -> memref<320xi32, #tpu.memory_space<hbm>>
    tpu.enqueue_dma source(%dma_start3A_99 : memref<320xi32, #tpu.memory_space<hbm>>) target(%dma_start3A_98 : memref<320xi32, #tpu.memory_space<vmem>>) target_semaphore(%arg22 : memref<!tpu.dma_semaphore, #tpu.memory_space<semaphore_mem>>)
    %mul3A_100 = arith.constant 80 : i32
    %mul3A_101 = arith.muli %add3A_85, %mul3A_100 : i32
    %add3A_102 = arith.constant 320000 : i32
    %add3A_103 = arith.addi %add3A_102, %mul3A_101 : i32
    %dma_start3A_104 = arith.constant 0 : i32
    %dma_start3A_105 = tpu.memref_slice %arg8[%dma_start3A_104] : memref<320xi32, #tpu.memory_space<vmem>> -> memref<320xi32, #tpu.memory_space<vmem>>
    %dma_start3A_106 = tpu.memref_slice %arg3[%add3A_103] : memref<640000xi32, #tpu.memory_space<hbm>> -> memref<320xi32, #tpu.memory_space<hbm>>
    %dma_start3A_107 = arith.constant 0 : i32
    %dma_start3A_108 = tpu.memref_slice %arg8[%dma_start3A_107] : memref<320xi32, #tpu.memory_space<vmem>> -> memref<320xi32, #tpu.memory_space<vmem>>
    %dma_start3A_109 = tpu.memref_slice %arg3[%add3A_103] : memref<640000xi32, #tpu.memory_space<hbm>> -> memref<320xi32, #tpu.memory_space<hbm>>
    tpu.enqueue_dma source(%dma_start3A_109 : memref<320xi32, #tpu.memory_space<hbm>>) target(%dma_start3A_108 : memref<320xi32, #tpu.memory_space<vmem>>) target_semaphore(%arg22 : memref<!tpu.dma_semaphore, #tpu.memory_space<semaphore_mem>>)
    %dma_wait3A_110 = arith.constant 0 : i32
    %dma_wait3A_111 = arith.constant 0 : i32
    %dma_wait3A_112 = tpu.memref_slice %arg2[%dma_wait3A_110, %dma_wait3A_111] : memref<10000x128xf32, #tpu.memory_space<hbm>> -> memref<80x128xf32, #tpu.memory_space<hbm>>
    %dma_wait3A_113 = arith.constant 0 : i32
    %dma_wait3A_114 = arith.constant 0 : i32
    %dma_wait3A_115 = tpu.memref_slice %arg2[%dma_wait3A_113, %dma_wait3A_114] : memref<10000x128xf32, #tpu.memory_space<hbm>> -> memref<80x128xf32, #tpu.memory_space<hbm>>
    tpu.wait_dma2 semaphore(%arg17 : memref<!tpu.dma_semaphore, #tpu.memory_space<semaphore_mem>>) src(%dma_wait3A_115 : memref<80x128xf32, #tpu.memory_space<hbm>>) dst(%arg12 : memref<80x128xf32, #tpu.memory_space<vmem>>)
    %dma_start3A_116 = arith.constant 240 : i32
    %dma_start3A_117 = tpu.memref_slice %arg7[%dma_start3A_116] : memref<320xi32, #tpu.memory_space<vmem>> -> memref<80xi32, #tpu.memory_space<vmem>>
    %dma_start3A_118 = arith.constant 0 : i32
    %dma_start3A_119 = arith.constant 0 : i32
    %dma_start3A_120 = tpu.memref_slice %arg13[%dma_start3A_118, %dma_start3A_119] : memref<10240x128xf32, #tpu.memory_space<vmem_shared>> -> memref<10240x128xf32, #tpu.memory_space<vmem_shared>>
    tpu.enqueue_indirect_dma source(%arg12 : memref<80x128xf32, #tpu.memory_space<vmem>>) target(%dma_start3A_120 : memref<10240x128xf32, #tpu.memory_space<vmem_shared>>) offsets(%dma_start3A_117 : memref<80xi32, #tpu.memory_space<vmem>>) semaphore(%arg21 : memref<!tpu.dma_semaphore, #tpu.memory_space<semaphore_mem>>) {add = true}
    %dma_wait3A_121 = arith.constant 0 : i32
    %dma_wait3A_122 = tpu.memref_slice %arg6[%dma_wait3A_121] : memref<320xi32, #tpu.memory_space<vmem>> -> memref<320xi32, #tpu.memory_space<vmem>>
    %dma_wait3A_123 = tpu.memref_slice %arg3[%mul3A_93] : memref<640000xi32, #tpu.memory_space<hbm>> -> memref<320xi32, #tpu.memory_space<hbm>>
    %dma_wait3A_124 = arith.constant 0 : i32
    %dma_wait3A_125 = tpu.memref_slice %arg6[%dma_wait3A_124] : memref<320xi32, #tpu.memory_space<vmem>> -> memref<320xi32, #tpu.memory_space<vmem>>
    %dma_wait3A_126 = tpu.memref_slice %arg3[%mul3A_93] : memref<640000xi32, #tpu.memory_space<hbm>> -> memref<320xi32, #tpu.memory_space<hbm>>
    tpu.wait_dma2 semaphore(%arg22 : memref<!tpu.dma_semaphore, #tpu.memory_space<semaphore_mem>>) src(%dma_wait3A_126 : memref<320xi32, #tpu.memory_space<hbm>>) dst(%dma_wait3A_125 : memref<320xi32, #tpu.memory_space<vmem>>)
    %dma_wait3A_127 = arith.constant 0 : i32
    %dma_wait3A_128 = tpu.memref_slice %arg8[%dma_wait3A_127] : memref<320xi32, #tpu.memory_space<vmem>> -> memref<320xi32, #tpu.memory_space<vmem>>
    %dma_wait3A_129 = tpu.memref_slice %arg3[%add3A_103] : memref<640000xi32, #tpu.memory_space<hbm>> -> memref<320xi32, #tpu.memory_space<hbm>>
    %dma_wait3A_130 = arith.constant 0 : i32
    %dma_wait3A_131 = tpu.memref_slice %arg8[%dma_wait3A_130] : memref<320xi32, #tpu.memory_space<vmem>> -> memref<320xi32, #tpu.memory_space<vmem>>
    %dma_wait3A_132 = tpu.memref_slice %arg3[%add3A_103] : memref<640000xi32, #tpu.memory_space<hbm>> -> memref<320xi32, #tpu.memory_space<hbm>>
    tpu.wait_dma2 semaphore(%arg22 : memref<!tpu.dma_semaphore, #tpu.memory_space<semaphore_mem>>) src(%dma_wait3A_132 : memref<320xi32, #tpu.memory_space<hbm>>) dst(%dma_wait3A_131 : memref<320xi32, #tpu.memory_space<vmem>>)
    %dma_start3A_133 = arith.constant 0 : i32
    %dma_start3A_134 = tpu.memref_slice %arg6[%dma_start3A_133] : memref<320xi32, #tpu.memory_space<vmem>> -> memref<80xi32, #tpu.memory_space<vmem>>
    %dma_start3A_135 = arith.constant 0 : i32
    %dma_start3A_136 = arith.constant 0 : i32
    %dma_start3A_137 = tpu.memref_slice %arg2[%dma_start3A_135, %dma_start3A_136] : memref<10000x128xf32, #tpu.memory_space<hbm>> -> memref<10000x128xf32, #tpu.memory_space<hbm>>
    tpu.enqueue_indirect_dma source(%dma_start3A_137 : memref<10000x128xf32, #tpu.memory_space<hbm>>) target(%arg9 : memref<80x128xf32, #tpu.memory_space<vmem>>) offsets(%dma_start3A_134 : memref<80xi32, #tpu.memory_space<vmem>>) semaphore(%arg14 : memref<!tpu.dma_semaphore, #tpu.memory_space<semaphore_mem>>)
    %scan3A_138 = arith.constant 0 : i32
    %scan3A_139 = arith.constant 0 : i32
    %scan3A_140 = arith.constant 14 : i32
    %scan3A_141 = arith.addi %scan3A_139, %scan3A_140 : i32
    %scan3A_142 = arith.constant 1 : i32
    scf.for %scan3A_435 = %scan3A_139 to %scan3A_141 step %scan3A_142  : i32 {
      %mul3A_436 = arith.constant 2 : i32
      %mul3A_437 = arith.muli %mul3A_436, %scan3A_435 : i32
      %add3A_438 = arith.constant 1 : i32
      %add3A_439 = arith.addi %add3A_438, %mul3A_437 : i32
      %mul3A_440 = arith.constant 4 : i32
      %mul3A_441 = arith.muli %mul3A_440, %add3A_439 : i32
      %add3A_442 = arith.addi %mul3A_26, %mul3A_441 : i32
      %dma_wait3A_443 = arith.constant 0 : i32
      %dma_wait3A_444 = arith.constant 0 : i32
      %dma_wait3A_445 = tpu.memref_slice %arg2[%dma_wait3A_443, %dma_wait3A_444] : memref<10000x128xf32, #tpu.memory_space<hbm>> -> memref<80x128xf32, #tpu.memory_space<hbm>>
      %dma_wait3A_446 = arith.constant 0 : i32
      %dma_wait3A_447 = arith.constant 0 : i32
      %dma_wait3A_448 = tpu.memref_slice %arg2[%dma_wait3A_446, %dma_wait3A_447] : memref<10000x128xf32, #tpu.memory_space<hbm>> -> memref<80x128xf32, #tpu.memory_space<hbm>>
      tpu.wait_dma2 semaphore(%arg19 : memref<!tpu.dma_semaphore, #tpu.memory_space<semaphore_mem>>) src(%dma_wait3A_448 : memref<80x128xf32, #tpu.memory_space<hbm>>) dst(%arg10 : memref<80x128xf32, #tpu.memory_space<vmem>>)
      %dma_wait3A_449 = arith.constant 0 : i32
      %dma_wait3A_450 = arith.constant 0 : i32
      %dma_wait3A_451 = tpu.memref_slice %arg2[%dma_wait3A_449, %dma_wait3A_450] : memref<10000x128xf32, #tpu.memory_space<hbm>> -> memref<80x128xf32, #tpu.memory_space<hbm>>
      %dma_wait3A_452 = arith.constant 0 : i32
      %dma_wait3A_453 = arith.constant 0 : i32
      %dma_wait3A_454 = tpu.memref_slice %arg2[%dma_wait3A_452, %dma_wait3A_453] : memref<10000x128xf32, #tpu.memory_space<hbm>> -> memref<80x128xf32, #tpu.memory_space<hbm>>
      tpu.wait_dma2 semaphore(%arg14 : memref<!tpu.dma_semaphore, #tpu.memory_space<semaphore_mem>>) src(%dma_wait3A_454 : memref<80x128xf32, #tpu.memory_space<hbm>>) dst(%arg9 : memref<80x128xf32, #tpu.memory_space<vmem>>)
      %dma_start3A_455 = arith.constant 0 : i32
      %dma_start3A_456 = tpu.memref_slice %arg8[%dma_start3A_455] : memref<320xi32, #tpu.memory_space<vmem>> -> memref<80xi32, #tpu.memory_space<vmem>>
      %dma_start3A_457 = arith.constant 0 : i32
      %dma_start3A_458 = arith.constant 0 : i32
      %dma_start3A_459 = tpu.memref_slice %arg13[%dma_start3A_457, %dma_start3A_458] : memref<10240x128xf32, #tpu.memory_space<vmem_shared>> -> memref<10240x128xf32, #tpu.memory_space<vmem_shared>>
      tpu.enqueue_indirect_dma source(%arg9 : memref<80x128xf32, #tpu.memory_space<vmem>>) target(%dma_start3A_459 : memref<10240x128xf32, #tpu.memory_space<vmem_shared>>) offsets(%dma_start3A_456 : memref<80xi32, #tpu.memory_space<vmem>>) semaphore(%arg18 : memref<!tpu.dma_semaphore, #tpu.memory_space<semaphore_mem>>) {add = true}
      %dma_start3A_460 = arith.constant 80 : i32
      %dma_start3A_461 = tpu.memref_slice %arg6[%dma_start3A_460] : memref<320xi32, #tpu.memory_space<vmem>> -> memref<80xi32, #tpu.memory_space<vmem>>
      %dma_start3A_462 = arith.constant 0 : i32
      %dma_start3A_463 = arith.constant 0 : i32
      %dma_start3A_464 = tpu.memref_slice %arg2[%dma_start3A_462, %dma_start3A_463] : memref<10000x128xf32, #tpu.memory_space<hbm>> -> memref<10000x128xf32, #tpu.memory_space<hbm>>
      tpu.enqueue_indirect_dma source(%dma_start3A_464 : memref<10000x128xf32, #tpu.memory_space<hbm>>) target(%arg10 : memref<80x128xf32, #tpu.memory_space<vmem>>) offsets(%dma_start3A_461 : memref<80xi32, #tpu.memory_space<vmem>>) semaphore(%arg15 : memref<!tpu.dma_semaphore, #tpu.memory_space<semaphore_mem>>)
      %dma_wait3A_465 = arith.constant 0 : i32
      %dma_wait3A_466 = arith.constant 0 : i32
      %dma_wait3A_467 = tpu.memref_slice %arg2[%dma_wait3A_465, %dma_wait3A_466] : memref<10000x128xf32, #tpu.memory_space<hbm>> -> memref<80x128xf32, #tpu.memory_space<hbm>>
      %dma_wait3A_468 = arith.constant 0 : i32
      %dma_wait3A_469 = arith.constant 0 : i32
      %dma_wait3A_470 = tpu.memref_slice %arg2[%dma_wait3A_468, %dma_wait3A_469] : memref<10000x128xf32, #tpu.memory_space<hbm>> -> memref<80x128xf32, #tpu.memory_space<hbm>>
      tpu.wait_dma2 semaphore(%arg20 : memref<!tpu.dma_semaphore, #tpu.memory_space<semaphore_mem>>) src(%dma_wait3A_470 : memref<80x128xf32, #tpu.memory_space<hbm>>) dst(%arg11 : memref<80x128xf32, #tpu.memory_space<vmem>>)
      %dma_wait3A_471 = arith.constant 0 : i32
      %dma_wait3A_472 = arith.constant 0 : i32
      %dma_wait3A_473 = tpu.memref_slice %arg2[%dma_wait3A_471, %dma_wait3A_472] : memref<10000x128xf32, #tpu.memory_space<hbm>> -> memref<80x128xf32, #tpu.memory_space<hbm>>
      %dma_wait3A_474 = arith.constant 0 : i32
      %dma_wait3A_475 = arith.constant 0 : i32
      %dma_wait3A_476 = tpu.memref_slice %arg2[%dma_wait3A_474, %dma_wait3A_475] : memref<10000x128xf32, #tpu.memory_space<hbm>> -> memref<80x128xf32, #tpu.memory_space<hbm>>
      tpu.wait_dma2 semaphore(%arg15 : memref<!tpu.dma_semaphore, #tpu.memory_space<semaphore_mem>>) src(%dma_wait3A_476 : memref<80x128xf32, #tpu.memory_space<hbm>>) dst(%arg10 : memref<80x128xf32, #tpu.memory_space<vmem>>)
      %dma_start3A_477 = arith.constant 80 : i32
      %dma_start3A_478 = tpu.memref_slice %arg8[%dma_start3A_477] : memref<320xi32, #tpu.memory_space<vmem>> -> memref<80xi32, #tpu.memory_space<vmem>>
      %dma_start3A_479 = arith.constant 0 : i32
      %dma_start3A_480 = arith.constant 0 : i32
      %dma_start3A_481 = tpu.memref_slice %arg13[%dma_start3A_479, %dma_start3A_480] : memref<10240x128xf32, #tpu.memory_space<vmem_shared>> -> memref<10240x128xf32, #tpu.memory_space<vmem_shared>>
      tpu.enqueue_indirect_dma source(%arg10 : memref<80x128xf32, #tpu.memory_space<vmem>>) target(%dma_start3A_481 : memref<10240x128xf32, #tpu.memory_space<vmem_shared>>) offsets(%dma_start3A_478 : memref<80xi32, #tpu.memory_space<vmem>>) semaphore(%arg19 : memref<!tpu.dma_semaphore, #tpu.memory_space<semaphore_mem>>) {add = true}
      %dma_start3A_482 = arith.constant 160 : i32
      %dma_start3A_483 = tpu.memref_slice %arg6[%dma_start3A_482] : memref<320xi32, #tpu.memory_space<vmem>> -> memref<80xi32, #tpu.memory_space<vmem>>
      %dma_start3A_484 = arith.constant 0 : i32
      %dma_start3A_485 = arith.constant 0 : i32
      %dma_start3A_486 = tpu.memref_slice %arg2[%dma_start3A_484, %dma_start3A_485] : memref<10000x128xf32, #tpu.memory_space<hbm>> -> memref<10000x128xf32, #tpu.memory_space<hbm>>
      tpu.enqueue_indirect_dma source(%dma_start3A_486 : memref<10000x128xf32, #tpu.memory_space<hbm>>) target(%arg11 : memref<80x128xf32, #tpu.memory_space<vmem>>) offsets(%dma_start3A_483 : memref<80xi32, #tpu.memory_space<vmem>>) semaphore(%arg16 : memref<!tpu.dma_semaphore, #tpu.memory_space<semaphore_mem>>)
      %dma_wait3A_487 = arith.constant 0 : i32
      %dma_wait3A_488 = arith.constant 0 : i32
      %dma_wait3A_489 = tpu.memref_slice %arg2[%dma_wait3A_487, %dma_wait3A_488] : memref<10000x128xf32, #tpu.memory_space<hbm>> -> memref<80x128xf32, #tpu.memory_space<hbm>>
      %dma_wait3A_490 = arith.constant 0 : i32
      %dma_wait3A_491 = arith.constant 0 : i32
      %dma_wait3A_492 = tpu.memref_slice %arg2[%dma_wait3A_490, %dma_wait3A_491] : memref<10000x128xf32, #tpu.memory_space<hbm>> -> memref<80x128xf32, #tpu.memory_space<hbm>>
      tpu.wait_dma2 semaphore(%arg21 : memref<!tpu.dma_semaphore, #tpu.memory_space<semaphore_mem>>) src(%dma_wait3A_492 : memref<80x128xf32, #tpu.memory_space<hbm>>) dst(%arg12 : memref<80x128xf32, #tpu.memory_space<vmem>>)
      %dma_wait3A_493 = arith.constant 0 : i32
      %dma_wait3A_494 = arith.constant 0 : i32
      %dma_wait3A_495 = tpu.memref_slice %arg2[%dma_wait3A_493, %dma_wait3A_494] : memref<10000x128xf32, #tpu.memory_space<hbm>> -> memref<80x128xf32, #tpu.memory_space<hbm>>
      %dma_wait3A_496 = arith.constant 0 : i32
      %dma_wait3A_497 = arith.constant 0 : i32
      %dma_wait3A_498 = tpu.memref_slice %arg2[%dma_wait3A_496, %dma_wait3A_497] : memref<10000x128xf32, #tpu.memory_space<hbm>> -> memref<80x128xf32, #tpu.memory_space<hbm>>
      tpu.wait_dma2 semaphore(%arg16 : memref<!tpu.dma_semaphore, #tpu.memory_space<semaphore_mem>>) src(%dma_wait3A_498 : memref<80x128xf32, #tpu.memory_space<hbm>>) dst(%arg11 : memref<80x128xf32, #tpu.memory_space<vmem>>)
      %dma_start3A_499 = arith.constant 160 : i32
      %dma_start3A_500 = tpu.memref_slice %arg8[%dma_start3A_499] : memref<320xi32, #tpu.memory_space<vmem>> -> memref<80xi32, #tpu.memory_space<vmem>>
      %dma_start3A_501 = arith.constant 0 : i32
      %dma_start3A_502 = arith.constant 0 : i32
      %dma_start3A_503 = tpu.memref_slice %arg13[%dma_start3A_501, %dma_start3A_502] : memref<10240x128xf32, #tpu.memory_space<vmem_shared>> -> memref<10240x128xf32, #tpu.memory_space<vmem_shared>>
      tpu.enqueue_indirect_dma source(%arg11 : memref<80x128xf32, #tpu.memory_space<vmem>>) target(%dma_start3A_503 : memref<10240x128xf32, #tpu.memory_space<vmem_shared>>) offsets(%dma_start3A_500 : memref<80xi32, #tpu.memory_space<vmem>>) semaphore(%arg20 : memref<!tpu.dma_semaphore, #tpu.memory_space<semaphore_mem>>) {add = true}
      %dma_start3A_504 = arith.constant 240 : i32
      %dma_start3A_505 = tpu.memref_slice %arg6[%dma_start3A_504] : memref<320xi32, #tpu.memory_space<vmem>> -> memref<80xi32, #tpu.memory_space<vmem>>
      %dma_start3A_506 = arith.constant 0 : i32
      %dma_start3A_507 = arith.constant 0 : i32
      %dma_start3A_508 = tpu.memref_slice %arg2[%dma_start3A_506, %dma_start3A_507] : memref<10000x128xf32, #tpu.memory_space<hbm>> -> memref<10000x128xf32, #tpu.memory_space<hbm>>
      tpu.enqueue_indirect_dma source(%dma_start3A_508 : memref<10000x128xf32, #tpu.memory_space<hbm>>) target(%arg12 : memref<80x128xf32, #tpu.memory_space<vmem>>) offsets(%dma_start3A_505 : memref<80xi32, #tpu.memory_space<vmem>>) semaphore(%arg17 : memref<!tpu.dma_semaphore, #tpu.memory_space<semaphore_mem>>)
      %add3A_509 = arith.constant 4 : i32
      %add3A_510 = arith.addi %add3A_442, %add3A_509 : i32
      %dma_wait3A_511 = arith.constant 0 : i32
      %dma_wait3A_512 = arith.constant 0 : i32
      %dma_wait3A_513 = tpu.memref_slice %arg2[%dma_wait3A_511, %dma_wait3A_512] : memref<10000x128xf32, #tpu.memory_space<hbm>> -> memref<80x128xf32, #tpu.memory_space<hbm>>
      %dma_wait3A_514 = arith.constant 0 : i32
      %dma_wait3A_515 = arith.constant 0 : i32
      %dma_wait3A_516 = tpu.memref_slice %arg2[%dma_wait3A_514, %dma_wait3A_515] : memref<10000x128xf32, #tpu.memory_space<hbm>> -> memref<80x128xf32, #tpu.memory_space<hbm>>
      tpu.wait_dma2 semaphore(%arg18 : memref<!tpu.dma_semaphore, #tpu.memory_space<semaphore_mem>>) src(%dma_wait3A_516 : memref<80x128xf32, #tpu.memory_space<hbm>>) dst(%arg9 : memref<80x128xf32, #tpu.memory_space<vmem>>)
      %mul3A_517 = arith.constant 80 : i32
      %mul3A_518 = arith.muli %add3A_510, %mul3A_517 : i32
      %dma_start3A_519 = arith.constant 0 : i32
      %dma_start3A_520 = tpu.memref_slice %arg5[%dma_start3A_519] : memref<320xi32, #tpu.memory_space<vmem>> -> memref<320xi32, #tpu.memory_space<vmem>>
      %dma_start3A_521 = tpu.memref_slice %arg3[%mul3A_518] : memref<640000xi32, #tpu.memory_space<hbm>> -> memref<320xi32, #tpu.memory_space<hbm>>
      %dma_start3A_522 = arith.constant 0 : i32
      %dma_start3A_523 = tpu.memref_slice %arg5[%dma_start3A_522] : memref<320xi32, #tpu.memory_space<vmem>> -> memref<320xi32, #tpu.memory_space<vmem>>
      %dma_start3A_524 = tpu.memref_slice %arg3[%mul3A_518] : memref<640000xi32, #tpu.memory_space<hbm>> -> memref<320xi32, #tpu.memory_space<hbm>>
      tpu.enqueue_dma source(%dma_start3A_524 : memref<320xi32, #tpu.memory_space<hbm>>) target(%dma_start3A_523 : memref<320xi32, #tpu.memory_space<vmem>>) target_semaphore(%arg22 : memref<!tpu.dma_semaphore, #tpu.memory_space<semaphore_mem>>)
      %mul3A_525 = arith.constant 80 : i32
      %mul3A_526 = arith.muli %add3A_510, %mul3A_525 : i32
      %add3A_527 = arith.constant 320000 : i32
      %add3A_528 = arith.addi %add3A_527, %mul3A_526 : i32
      %dma_start3A_529 = arith.constant 0 : i32
      %dma_start3A_530 = tpu.memref_slice %arg7[%dma_start3A_529] : memref<320xi32, #tpu.memory_space<vmem>> -> memref<320xi32, #tpu.memory_space<vmem>>
      %dma_start3A_531 = tpu.memref_slice %arg3[%add3A_528] : memref<640000xi32, #tpu.memory_space<hbm>> -> memref<320xi32, #tpu.memory_space<hbm>>
      %dma_start3A_532 = arith.constant 0 : i32
      %dma_start3A_533 = tpu.memref_slice %arg7[%dma_start3A_532] : memref<320xi32, #tpu.memory_space<vmem>> -> memref<320xi32, #tpu.memory_space<vmem>>
      %dma_start3A_534 = tpu.memref_slice %arg3[%add3A_528] : memref<640000xi32, #tpu.memory_space<hbm>> -> memref<320xi32, #tpu.memory_space<hbm>>
      tpu.enqueue_dma source(%dma_start3A_534 : memref<320xi32, #tpu.memory_space<hbm>>) target(%dma_start3A_533 : memref<320xi32, #tpu.memory_space<vmem>>) target_semaphore(%arg22 : memref<!tpu.dma_semaphore, #tpu.memory_space<semaphore_mem>>)
      %dma_wait3A_535 = arith.constant 0 : i32
      %dma_wait3A_536 = arith.constant 0 : i32
      %dma_wait3A_537 = tpu.memref_slice %arg2[%dma_wait3A_535, %dma_wait3A_536] : memref<10000x128xf32, #tpu.memory_space<hbm>> -> memref<80x128xf32, #tpu.memory_space<hbm>>
      %dma_wait3A_538 = arith.constant 0 : i32
      %dma_wait3A_539 = arith.constant 0 : i32
      %dma_wait3A_540 = tpu.memref_slice %arg2[%dma_wait3A_538, %dma_wait3A_539] : memref<10000x128xf32, #tpu.memory_space<hbm>> -> memref<80x128xf32, #tpu.memory_space<hbm>>
      tpu.wait_dma2 semaphore(%arg17 : memref<!tpu.dma_semaphore, #tpu.memory_space<semaphore_mem>>) src(%dma_wait3A_540 : memref<80x128xf32, #tpu.memory_space<hbm>>) dst(%arg12 : memref<80x128xf32, #tpu.memory_space<vmem>>)
      %dma_start3A_541 = arith.constant 240 : i32
      %dma_start3A_542 = tpu.memref_slice %arg8[%dma_start3A_541] : memref<320xi32, #tpu.memory_space<vmem>> -> memref<80xi32, #tpu.memory_space<vmem>>
      %dma_start3A_543 = arith.constant 0 : i32
      %dma_start3A_544 = arith.constant 0 : i32
      %dma_start3A_545 = tpu.memref_slice %arg13[%dma_start3A_543, %dma_start3A_544] : memref<10240x128xf32, #tpu.memory_space<vmem_shared>> -> memref<10240x128xf32, #tpu.memory_space<vmem_shared>>
      tpu.enqueue_indirect_dma source(%arg12 : memref<80x128xf32, #tpu.memory_space<vmem>>) target(%dma_start3A_545 : memref<10240x128xf32, #tpu.memory_space<vmem_shared>>) offsets(%dma_start3A_542 : memref<80xi32, #tpu.memory_space<vmem>>) semaphore(%arg21 : memref<!tpu.dma_semaphore, #tpu.memory_space<semaphore_mem>>) {add = true}
      %dma_wait3A_546 = arith.constant 0 : i32
      %dma_wait3A_547 = tpu.memref_slice %arg5[%dma_wait3A_546] : memref<320xi32, #tpu.memory_space<vmem>> -> memref<320xi32, #tpu.memory_space<vmem>>
      %dma_wait3A_548 = tpu.memref_slice %arg3[%mul3A_518] : memref<640000xi32, #tpu.memory_space<hbm>> -> memref<320xi32, #tpu.memory_space<hbm>>
      %dma_wait3A_549 = arith.constant 0 : i32
      %dma_wait3A_550 = tpu.memref_slice %arg5[%dma_wait3A_549] : memref<320xi32, #tpu.memory_space<vmem>> -> memref<320xi32, #tpu.memory_space<vmem>>
      %dma_wait3A_551 = tpu.memref_slice %arg3[%mul3A_518] : memref<640000xi32, #tpu.memory_space<hbm>> -> memref<320xi32, #tpu.memory_space<hbm>>
      tpu.wait_dma2 semaphore(%arg22 : memref<!tpu.dma_semaphore, #tpu.memory_space<semaphore_mem>>) src(%dma_wait3A_551 : memref<320xi32, #tpu.memory_space<hbm>>) dst(%dma_wait3A_550 : memref<320xi32, #tpu.memory_space<vmem>>)
      %dma_wait3A_552 = arith.constant 0 : i32
      %dma_wait3A_553 = tpu.memref_slice %arg7[%dma_wait3A_552] : memref<320xi32, #tpu.memory_space<vmem>> -> memref<320xi32, #tpu.memory_space<vmem>>
      %dma_wait3A_554 = tpu.memref_slice %arg3[%add3A_528] : memref<640000xi32, #tpu.memory_space<hbm>> -> memref<320xi32, #tpu.memory_space<hbm>>
      %dma_wait3A_555 = arith.constant 0 : i32
      %dma_wait3A_556 = tpu.memref_slice %arg7[%dma_wait3A_555] : memref<320xi32, #tpu.memory_space<vmem>> -> memref<320xi32, #tpu.memory_space<vmem>>
      %dma_wait3A_557 = tpu.memref_slice %arg3[%add3A_528] : memref<640000xi32, #tpu.memory_space<hbm>> -> memref<320xi32, #tpu.memory_space<hbm>>
      tpu.wait_dma2 semaphore(%arg22 : memref<!tpu.dma_semaphore, #tpu.memory_space<semaphore_mem>>) src(%dma_wait3A_557 : memref<320xi32, #tpu.memory_space<hbm>>) dst(%dma_wait3A_556 : memref<320xi32, #tpu.memory_space<vmem>>)
      %dma_start3A_558 = arith.constant 0 : i32
      %dma_start3A_559 = tpu.memref_slice %arg5[%dma_start3A_558] : memref<320xi32, #tpu.memory_space<vmem>> -> memref<80xi32, #tpu.memory_space<vmem>>
      %dma_start3A_560 = arith.constant 0 : i32
      %dma_start3A_561 = arith.constant 0 : i32
      %dma_start3A_562 = tpu.memref_slice %arg2[%dma_start3A_560, %dma_start3A_561] : memref<10000x128xf32, #tpu.memory_space<hbm>> -> memref<10000x128xf32, #tpu.memory_space<hbm>>
      tpu.enqueue_indirect_dma source(%dma_start3A_562 : memref<10000x128xf32, #tpu.memory_space<hbm>>) target(%arg9 : memref<80x128xf32, #tpu.memory_space<vmem>>) offsets(%dma_start3A_559 : memref<80xi32, #tpu.memory_space<vmem>>) semaphore(%arg14 : memref<!tpu.dma_semaphore, #tpu.memory_space<semaphore_mem>>)
      %dma_wait3A_563 = arith.constant 0 : i32
      %dma_wait3A_564 = arith.constant 0 : i32
      %dma_wait3A_565 = tpu.memref_slice %arg2[%dma_wait3A_563, %dma_wait3A_564] : memref<10000x128xf32, #tpu.memory_space<hbm>> -> memref<80x128xf32, #tpu.memory_space<hbm>>
      %dma_wait3A_566 = arith.constant 0 : i32
      %dma_wait3A_567 = arith.constant 0 : i32
      %dma_wait3A_568 = tpu.memref_slice %arg2[%dma_wait3A_566, %dma_wait3A_567] : memref<10000x128xf32, #tpu.memory_space<hbm>> -> memref<80x128xf32, #tpu.memory_space<hbm>>
      tpu.wait_dma2 semaphore(%arg19 : memref<!tpu.dma_semaphore, #tpu.memory_space<semaphore_mem>>) src(%dma_wait3A_568 : memref<80x128xf32, #tpu.memory_space<hbm>>) dst(%arg10 : memref<80x128xf32, #tpu.memory_space<vmem>>)
      %dma_wait3A_569 = arith.constant 0 : i32
      %dma_wait3A_570 = arith.constant 0 : i32
      %dma_wait3A_571 = tpu.memref_slice %arg2[%dma_wait3A_569, %dma_wait3A_570] : memref<10000x128xf32, #tpu.memory_space<hbm>> -> memref<80x128xf32, #tpu.memory_space<hbm>>
      %dma_wait3A_572 = arith.constant 0 : i32
      %dma_wait3A_573 = arith.constant 0 : i32
      %dma_wait3A_574 = tpu.memref_slice %arg2[%dma_wait3A_572, %dma_wait3A_573] : memref<10000x128xf32, #tpu.memory_space<hbm>> -> memref<80x128xf32, #tpu.memory_space<hbm>>
      tpu.wait_dma2 semaphore(%arg14 : memref<!tpu.dma_semaphore, #tpu.memory_space<semaphore_mem>>) src(%dma_wait3A_574 : memref<80x128xf32, #tpu.memory_space<hbm>>) dst(%arg9 : memref<80x128xf32, #tpu.memory_space<vmem>>)
      %dma_start3A_575 = arith.constant 0 : i32
      %dma_start3A_576 = tpu.memref_slice %arg7[%dma_start3A_575] : memref<320xi32, #tpu.memory_space<vmem>> -> memref<80xi32, #tpu.memory_space<vmem>>
      %dma_start3A_577 = arith.constant 0 : i32
      %dma_start3A_578 = arith.constant 0 : i32
      %dma_start3A_579 = tpu.memref_slice %arg13[%dma_start3A_577, %dma_start3A_578] : memref<10240x128xf32, #tpu.memory_space<vmem_shared>> -> memref<10240x128xf32, #tpu.memory_space<vmem_shared>>
      tpu.enqueue_indirect_dma source(%arg9 : memref<80x128xf32, #tpu.memory_space<vmem>>) target(%dma_start3A_579 : memref<10240x128xf32, #tpu.memory_space<vmem_shared>>) offsets(%dma_start3A_576 : memref<80xi32, #tpu.memory_space<vmem>>) semaphore(%arg18 : memref<!tpu.dma_semaphore, #tpu.memory_space<semaphore_mem>>) {add = true}
      %dma_start3A_580 = arith.constant 80 : i32
      %dma_start3A_581 = tpu.memref_slice %arg5[%dma_start3A_580] : memref<320xi32, #tpu.memory_space<vmem>> -> memref<80xi32, #tpu.memory_space<vmem>>
      %dma_start3A_582 = arith.constant 0 : i32
      %dma_start3A_583 = arith.constant 0 : i32
      %dma_start3A_584 = tpu.memref_slice %arg2[%dma_start3A_582, %dma_start3A_583] : memref<10000x128xf32, #tpu.memory_space<hbm>> -> memref<10000x128xf32, #tpu.memory_space<hbm>>
      tpu.enqueue_indirect_dma source(%dma_start3A_584 : memref<10000x128xf32, #tpu.memory_space<hbm>>) target(%arg10 : memref<80x128xf32, #tpu.memory_space<vmem>>) offsets(%dma_start3A_581 : memref<80xi32, #tpu.memory_space<vmem>>) semaphore(%arg15 : memref<!tpu.dma_semaphore, #tpu.memory_space<semaphore_mem>>)
      %dma_wait3A_585 = arith.constant 0 : i32
      %dma_wait3A_586 = arith.constant 0 : i32
      %dma_wait3A_587 = tpu.memref_slice %arg2[%dma_wait3A_585, %dma_wait3A_586] : memref<10000x128xf32, #tpu.memory_space<hbm>> -> memref<80x128xf32, #tpu.memory_space<hbm>>
      %dma_wait3A_588 = arith.constant 0 : i32
      %dma_wait3A_589 = arith.constant 0 : i32
      %dma_wait3A_590 = tpu.memref_slice %arg2[%dma_wait3A_588, %dma_wait3A_589] : memref<10000x128xf32, #tpu.memory_space<hbm>> -> memref<80x128xf32, #tpu.memory_space<hbm>>
      tpu.wait_dma2 semaphore(%arg20 : memref<!tpu.dma_semaphore, #tpu.memory_space<semaphore_mem>>) src(%dma_wait3A_590 : memref<80x128xf32, #tpu.memory_space<hbm>>) dst(%arg11 : memref<80x128xf32, #tpu.memory_space<vmem>>)
      %dma_wait3A_591 = arith.constant 0 : i32
      %dma_wait3A_592 = arith.constant 0 : i32
      %dma_wait3A_593 = tpu.memref_slice %arg2[%dma_wait3A_591, %dma_wait3A_592] : memref<10000x128xf32, #tpu.memory_space<hbm>> -> memref<80x128xf32, #tpu.memory_space<hbm>>
      %dma_wait3A_594 = arith.constant 0 : i32
      %dma_wait3A_595 = arith.constant 0 : i32
      %dma_wait3A_596 = tpu.memref_slice %arg2[%dma_wait3A_594, %dma_wait3A_595] : memref<10000x128xf32, #tpu.memory_space<hbm>> -> memref<80x128xf32, #tpu.memory_space<hbm>>
      tpu.wait_dma2 semaphore(%arg15 : memref<!tpu.dma_semaphore, #tpu.memory_space<semaphore_mem>>) src(%dma_wait3A_596 : memref<80x128xf32, #tpu.memory_space<hbm>>) dst(%arg10 : memref<80x128xf32, #tpu.memory_space<vmem>>)
      %dma_start3A_597 = arith.constant 80 : i32
      %dma_start3A_598 = tpu.memref_slice %arg7[%dma_start3A_597] : memref<320xi32, #tpu.memory_space<vmem>> -> memref<80xi32, #tpu.memory_space<vmem>>
      %dma_start3A_599 = arith.constant 0 : i32
      %dma_start3A_600 = arith.constant 0 : i32
      %dma_start3A_601 = tpu.memref_slice %arg13[%dma_start3A_599, %dma_start3A_600] : memref<10240x128xf32, #tpu.memory_space<vmem_shared>> -> memref<10240x128xf32, #tpu.memory_space<vmem_shared>>
      tpu.enqueue_indirect_dma source(%arg10 : memref<80x128xf32, #tpu.memory_space<vmem>>) target(%dma_start3A_601 : memref<10240x128xf32, #tpu.memory_space<vmem_shared>>) offsets(%dma_start3A_598 : memref<80xi32, #tpu.memory_space<vmem>>) semaphore(%arg19 : memref<!tpu.dma_semaphore, #tpu.memory_space<semaphore_mem>>) {add = true}
      %dma_start3A_602 = arith.constant 160 : i32
      %dma_start3A_603 = tpu.memref_slice %arg5[%dma_start3A_602] : memref<320xi32, #tpu.memory_space<vmem>> -> memref<80xi32, #tpu.memory_space<vmem>>
      %dma_start3A_604 = arith.constant 0 : i32
      %dma_start3A_605 = arith.constant 0 : i32
      %dma_start3A_606 = tpu.memref_slice %arg2[%dma_start3A_604, %dma_start3A_605] : memref<10000x128xf32, #tpu.memory_space<hbm>> -> memref<10000x128xf32, #tpu.memory_space<hbm>>
      tpu.enqueue_indirect_dma source(%dma_start3A_606 : memref<10000x128xf32, #tpu.memory_space<hbm>>) target(%arg11 : memref<80x128xf32, #tpu.memory_space<vmem>>) offsets(%dma_start3A_603 : memref<80xi32, #tpu.memory_space<vmem>>) semaphore(%arg16 : memref<!tpu.dma_semaphore, #tpu.memory_space<semaphore_mem>>)
      %dma_wait3A_607 = arith.constant 0 : i32
      %dma_wait3A_608 = arith.constant 0 : i32
      %dma_wait3A_609 = tpu.memref_slice %arg2[%dma_wait3A_607, %dma_wait3A_608] : memref<10000x128xf32, #tpu.memory_space<hbm>> -> memref<80x128xf32, #tpu.memory_space<hbm>>
      %dma_wait3A_610 = arith.constant 0 : i32
      %dma_wait3A_611 = arith.constant 0 : i32
      %dma_wait3A_612 = tpu.memref_slice %arg2[%dma_wait3A_610, %dma_wait3A_611] : memref<10000x128xf32, #tpu.memory_space<hbm>> -> memref<80x128xf32, #tpu.memory_space<hbm>>
      tpu.wait_dma2 semaphore(%arg21 : memref<!tpu.dma_semaphore, #tpu.memory_space<semaphore_mem>>) src(%dma_wait3A_612 : memref<80x128xf32, #tpu.memory_space<hbm>>) dst(%arg12 : memref<80x128xf32, #tpu.memory_space<vmem>>)
      %dma_wait3A_613 = arith.constant 0 : i32
      %dma_wait3A_614 = arith.constant 0 : i32
      %dma_wait3A_615 = tpu.memref_slice %arg2[%dma_wait3A_613, %dma_wait3A_614] : memref<10000x128xf32, #tpu.memory_space<hbm>> -> memref<80x128xf32, #tpu.memory_space<hbm>>
      %dma_wait3A_616 = arith.constant 0 : i32
      %dma_wait3A_617 = arith.constant 0 : i32
      %dma_wait3A_618 = tpu.memref_slice %arg2[%dma_wait3A_616, %dma_wait3A_617] : memref<10000x128xf32, #tpu.memory_space<hbm>> -> memref<80x128xf32, #tpu.memory_space<hbm>>
      tpu.wait_dma2 semaphore(%arg16 : memref<!tpu.dma_semaphore, #tpu.memory_space<semaphore_mem>>) src(%dma_wait3A_618 : memref<80x128xf32, #tpu.memory_space<hbm>>) dst(%arg11 : memref<80x128xf32, #tpu.memory_space<vmem>>)
      %dma_start3A_619 = arith.constant 160 : i32
      %dma_start3A_620 = tpu.memref_slice %arg7[%dma_start3A_619] : memref<320xi32, #tpu.memory_space<vmem>> -> memref<80xi32, #tpu.memory_space<vmem>>
      %dma_start3A_621 = arith.constant 0 : i32
      %dma_start3A_622 = arith.constant 0 : i32
      %dma_start3A_623 = tpu.memref_slice %arg13[%dma_start3A_621, %dma_start3A_622] : memref<10240x128xf32, #tpu.memory_space<vmem_shared>> -> memref<10240x128xf32, #tpu.memory_space<vmem_shared>>
      tpu.enqueue_indirect_dma source(%arg11 : memref<80x128xf32, #tpu.memory_space<vmem>>) target(%dma_start3A_623 : memref<10240x128xf32, #tpu.memory_space<vmem_shared>>) offsets(%dma_start3A_620 : memref<80xi32, #tpu.memory_space<vmem>>) semaphore(%arg20 : memref<!tpu.dma_semaphore, #tpu.memory_space<semaphore_mem>>) {add = true}
      %dma_start3A_624 = arith.constant 240 : i32
      %dma_start3A_625 = tpu.memref_slice %arg5[%dma_start3A_624] : memref<320xi32, #tpu.memory_space<vmem>> -> memref<80xi32, #tpu.memory_space<vmem>>
      %dma_start3A_626 = arith.constant 0 : i32
      %dma_start3A_627 = arith.constant 0 : i32
      %dma_start3A_628 = tpu.memref_slice %arg2[%dma_start3A_626, %dma_start3A_627] : memref<10000x128xf32, #tpu.memory_space<hbm>> -> memref<10000x128xf32, #tpu.memory_space<hbm>>
      tpu.enqueue_indirect_dma source(%dma_start3A_628 : memref<10000x128xf32, #tpu.memory_space<hbm>>) target(%arg12 : memref<80x128xf32, #tpu.memory_space<vmem>>) offsets(%dma_start3A_625 : memref<80xi32, #tpu.memory_space<vmem>>) semaphore(%arg17 : memref<!tpu.dma_semaphore, #tpu.memory_space<semaphore_mem>>)
      %add3A_629 = arith.constant 8 : i32
      %add3A_630 = arith.addi %add3A_442, %add3A_629 : i32
      %dma_wait3A_631 = arith.constant 0 : i32
      %dma_wait3A_632 = arith.constant 0 : i32
      %dma_wait3A_633 = tpu.memref_slice %arg2[%dma_wait3A_631, %dma_wait3A_632] : memref<10000x128xf32, #tpu.memory_space<hbm>> -> memref<80x128xf32, #tpu.memory_space<hbm>>
      %dma_wait3A_634 = arith.constant 0 : i32
      %dma_wait3A_635 = arith.constant 0 : i32
      %dma_wait3A_636 = tpu.memref_slice %arg2[%dma_wait3A_634, %dma_wait3A_635] : memref<10000x128xf32, #tpu.memory_space<hbm>> -> memref<80x128xf32, #tpu.memory_space<hbm>>
      tpu.wait_dma2 semaphore(%arg18 : memref<!tpu.dma_semaphore, #tpu.memory_space<semaphore_mem>>) src(%dma_wait3A_636 : memref<80x128xf32, #tpu.memory_space<hbm>>) dst(%arg9 : memref<80x128xf32, #tpu.memory_space<vmem>>)
      %mul3A_637 = arith.constant 80 : i32
      %mul3A_638 = arith.muli %add3A_630, %mul3A_637 : i32
      %dma_start3A_639 = arith.constant 0 : i32
      %dma_start3A_640 = tpu.memref_slice %arg6[%dma_start3A_639] : memref<320xi32, #tpu.memory_space<vmem>> -> memref<320xi32, #tpu.memory_space<vmem>>
      %dma_start3A_641 = tpu.memref_slice %arg3[%mul3A_638] : memref<640000xi32, #tpu.memory_space<hbm>> -> memref<320xi32, #tpu.memory_space<hbm>>
      %dma_start3A_642 = arith.constant 0 : i32
      %dma_start3A_643 = tpu.memref_slice %arg6[%dma_start3A_642] : memref<320xi32, #tpu.memory_space<vmem>> -> memref<320xi32, #tpu.memory_space<vmem>>
      %dma_start3A_644 = tpu.memref_slice %arg3[%mul3A_638] : memref<640000xi32, #tpu.memory_space<hbm>> -> memref<320xi32, #tpu.memory_space<hbm>>
      tpu.enqueue_dma source(%dma_start3A_644 : memref<320xi32, #tpu.memory_space<hbm>>) target(%dma_start3A_643 : memref<320xi32, #tpu.memory_space<vmem>>) target_semaphore(%arg22 : memref<!tpu.dma_semaphore, #tpu.memory_space<semaphore_mem>>)
      %mul3A_645 = arith.constant 80 : i32
      %mul3A_646 = arith.muli %add3A_630, %mul3A_645 : i32
      %add3A_647 = arith.constant 320000 : i32
      %add3A_648 = arith.addi %add3A_647, %mul3A_646 : i32
      %dma_start3A_649 = arith.constant 0 : i32
      %dma_start3A_650 = tpu.memref_slice %arg8[%dma_start3A_649] : memref<320xi32, #tpu.memory_space<vmem>> -> memref<320xi32, #tpu.memory_space<vmem>>
      %dma_start3A_651 = tpu.memref_slice %arg3[%add3A_648] : memref<640000xi32, #tpu.memory_space<hbm>> -> memref<320xi32, #tpu.memory_space<hbm>>
      %dma_start3A_652 = arith.constant 0 : i32
      %dma_start3A_653 = tpu.memref_slice %arg8[%dma_start3A_652] : memref<320xi32, #tpu.memory_space<vmem>> -> memref<320xi32, #tpu.memory_space<vmem>>
      %dma_start3A_654 = tpu.memref_slice %arg3[%add3A_648] : memref<640000xi32, #tpu.memory_space<hbm>> -> memref<320xi32, #tpu.memory_space<hbm>>
      tpu.enqueue_dma source(%dma_start3A_654 : memref<320xi32, #tpu.memory_space<hbm>>) target(%dma_start3A_653 : memref<320xi32, #tpu.memory_space<vmem>>) target_semaphore(%arg22 : memref<!tpu.dma_semaphore, #tpu.memory_space<semaphore_mem>>)
      %dma_wait3A_655 = arith.constant 0 : i32
      %dma_wait3A_656 = arith.constant 0 : i32
      %dma_wait3A_657 = tpu.memref_slice %arg2[%dma_wait3A_655, %dma_wait3A_656] : memref<10000x128xf32, #tpu.memory_space<hbm>> -> memref<80x128xf32, #tpu.memory_space<hbm>>
      %dma_wait3A_658 = arith.constant 0 : i32
      %dma_wait3A_659 = arith.constant 0 : i32
      %dma_wait3A_660 = tpu.memref_slice %arg2[%dma_wait3A_658, %dma_wait3A_659] : memref<10000x128xf32, #tpu.memory_space<hbm>> -> memref<80x128xf32, #tpu.memory_space<hbm>>
      tpu.wait_dma2 semaphore(%arg17 : memref<!tpu.dma_semaphore, #tpu.memory_space<semaphore_mem>>) src(%dma_wait3A_660 : memref<80x128xf32, #tpu.memory_space<hbm>>) dst(%arg12 : memref<80x128xf32, #tpu.memory_space<vmem>>)
      %dma_start3A_661 = arith.constant 240 : i32
      %dma_start3A_662 = tpu.memref_slice %arg7[%dma_start3A_661] : memref<320xi32, #tpu.memory_space<vmem>> -> memref<80xi32, #tpu.memory_space<vmem>>
      %dma_start3A_663 = arith.constant 0 : i32
      %dma_start3A_664 = arith.constant 0 : i32
      %dma_start3A_665 = tpu.memref_slice %arg13[%dma_start3A_663, %dma_start3A_664] : memref<10240x128xf32, #tpu.memory_space<vmem_shared>> -> memref<10240x128xf32, #tpu.memory_space<vmem_shared>>
      tpu.enqueue_indirect_dma source(%arg12 : memref<80x128xf32, #tpu.memory_space<vmem>>) target(%dma_start3A_665 : memref<10240x128xf32, #tpu.memory_space<vmem_shared>>) offsets(%dma_start3A_662 : memref<80xi32, #tpu.memory_space<vmem>>) semaphore(%arg21 : memref<!tpu.dma_semaphore, #tpu.memory_space<semaphore_mem>>) {add = true}
      %dma_wait3A_666 = arith.constant 0 : i32
      %dma_wait3A_667 = tpu.memref_slice %arg6[%dma_wait3A_666] : memref<320xi32, #tpu.memory_space<vmem>> -> memref<320xi32, #tpu.memory_space<vmem>>
      %dma_wait3A_668 = tpu.memref_slice %arg3[%mul3A_638] : memref<640000xi32, #tpu.memory_space<hbm>> -> memref<320xi32, #tpu.memory_space<hbm>>
      %dma_wait3A_669 = arith.constant 0 : i32
      %dma_wait3A_670 = tpu.memref_slice %arg6[%dma_wait3A_669] : memref<320xi32, #tpu.memory_space<vmem>> -> memref<320xi32, #tpu.memory_space<vmem>>
      %dma_wait3A_671 = tpu.memref_slice %arg3[%mul3A_638] : memref<640000xi32, #tpu.memory_space<hbm>> -> memref<320xi32, #tpu.memory_space<hbm>>
      tpu.wait_dma2 semaphore(%arg22 : memref<!tpu.dma_semaphore, #tpu.memory_space<semaphore_mem>>) src(%dma_wait3A_671 : memref<320xi32, #tpu.memory_space<hbm>>) dst(%dma_wait3A_670 : memref<320xi32, #tpu.memory_space<vmem>>)
      %dma_wait3A_672 = arith.constant 0 : i32
      %dma_wait3A_673 = tpu.memref_slice %arg8[%dma_wait3A_672] : memref<320xi32, #tpu.memory_space<vmem>> -> memref<320xi32, #tpu.memory_space<vmem>>
      %dma_wait3A_674 = tpu.memref_slice %arg3[%add3A_648] : memref<640000xi32, #tpu.memory_space<hbm>> -> memref<320xi32, #tpu.memory_space<hbm>>
      %dma_wait3A_675 = arith.constant 0 : i32
      %dma_wait3A_676 = tpu.memref_slice %arg8[%dma_wait3A_675] : memref<320xi32, #tpu.memory_space<vmem>> -> memref<320xi32, #tpu.memory_space<vmem>>
      %dma_wait3A_677 = tpu.memref_slice %arg3[%add3A_648] : memref<640000xi32, #tpu.memory_space<hbm>> -> memref<320xi32, #tpu.memory_space<hbm>>
      tpu.wait_dma2 semaphore(%arg22 : memref<!tpu.dma_semaphore, #tpu.memory_space<semaphore_mem>>) src(%dma_wait3A_677 : memref<320xi32, #tpu.memory_space<hbm>>) dst(%dma_wait3A_676 : memref<320xi32, #tpu.memory_space<vmem>>)
      %dma_start3A_678 = arith.constant 0 : i32
      %dma_start3A_679 = tpu.memref_slice %arg6[%dma_start3A_678] : memref<320xi32, #tpu.memory_space<vmem>> -> memref<80xi32, #tpu.memory_space<vmem>>
      %dma_start3A_680 = arith.constant 0 : i32
      %dma_start3A_681 = arith.constant 0 : i32
      %dma_start3A_682 = tpu.memref_slice %arg2[%dma_start3A_680, %dma_start3A_681] : memref<10000x128xf32, #tpu.memory_space<hbm>> -> memref<10000x128xf32, #tpu.memory_space<hbm>>
      tpu.enqueue_indirect_dma source(%dma_start3A_682 : memref<10000x128xf32, #tpu.memory_space<hbm>>) target(%arg9 : memref<80x128xf32, #tpu.memory_space<vmem>>) offsets(%dma_start3A_679 : memref<80xi32, #tpu.memory_space<vmem>>) semaphore(%arg14 : memref<!tpu.dma_semaphore, #tpu.memory_space<semaphore_mem>>)
    }
    %scan3A_143 = arith.constant 14 : i32
    %dma_wait3A_144 = arith.constant 0 : i32
    %dma_wait3A_145 = arith.constant 0 : i32
    %dma_wait3A_146 = tpu.memref_slice %arg2[%dma_wait3A_144, %dma_wait3A_145] : memref<10000x128xf32, #tpu.memory_space<hbm>> -> memref<80x128xf32, #tpu.memory_space<hbm>>
    %dma_wait3A_147 = arith.constant 0 : i32
    %dma_wait3A_148 = arith.constant 0 : i32
    %dma_wait3A_149 = tpu.memref_slice %arg2[%dma_wait3A_147, %dma_wait3A_148] : memref<10000x128xf32, #tpu.memory_space<hbm>> -> memref<80x128xf32, #tpu.memory_space<hbm>>
    tpu.wait_dma2 semaphore(%arg19 : memref<!tpu.dma_semaphore, #tpu.memory_space<semaphore_mem>>) src(%dma_wait3A_149 : memref<80x128xf32, #tpu.memory_space<hbm>>) dst(%arg10 : memref<80x128xf32, #tpu.memory_space<vmem>>)
    %dma_wait3A_150 = arith.constant 0 : i32
    %dma_wait3A_151 = arith.constant 0 : i32
    %dma_wait3A_152 = tpu.memref_slice %arg2[%dma_wait3A_150, %dma_wait3A_151] : memref<10000x128xf32, #tpu.memory_space<hbm>> -> memref<80x128xf32, #tpu.memory_space<hbm>>
    %dma_wait3A_153 = arith.constant 0 : i32
    %dma_wait3A_154 = arith.constant 0 : i32
    %dma_wait3A_155 = tpu.memref_slice %arg2[%dma_wait3A_153, %dma_wait3A_154] : memref<10000x128xf32, #tpu.memory_space<hbm>> -> memref<80x128xf32, #tpu.memory_space<hbm>>
    tpu.wait_dma2 semaphore(%arg14 : memref<!tpu.dma_semaphore, #tpu.memory_space<semaphore_mem>>) src(%dma_wait3A_155 : memref<80x128xf32, #tpu.memory_space<hbm>>) dst(%arg9 : memref<80x128xf32, #tpu.memory_space<vmem>>)
    %dma_start3A_156 = arith.constant 0 : i32
    %dma_start3A_157 = tpu.memref_slice %arg8[%dma_start3A_156] : memref<320xi32, #tpu.memory_space<vmem>> -> memref<80xi32, #tpu.memory_space<vmem>>
    %dma_start3A_158 = arith.constant 0 : i32
    %dma_start3A_159 = arith.constant 0 : i32
    %dma_start3A_160 = tpu.memref_slice %arg13[%dma_start3A_158, %dma_start3A_159] : memref<10240x128xf32, #tpu.memory_space<vmem_shared>> -> memref<10240x128xf32, #tpu.memory_space<vmem_shared>>
    tpu.enqueue_indirect_dma source(%arg9 : memref<80x128xf32, #tpu.memory_space<vmem>>) target(%dma_start3A_160 : memref<10240x128xf32, #tpu.memory_space<vmem_shared>>) offsets(%dma_start3A_157 : memref<80xi32, #tpu.memory_space<vmem>>) semaphore(%arg18 : memref<!tpu.dma_semaphore, #tpu.memory_space<semaphore_mem>>) {add = true}
    %dma_start3A_161 = arith.constant 80 : i32
    %dma_start3A_162 = tpu.memref_slice %arg6[%dma_start3A_161] : memref<320xi32, #tpu.memory_space<vmem>> -> memref<80xi32, #tpu.memory_space<vmem>>
    %dma_start3A_163 = arith.constant 0 : i32
    %dma_start3A_164 = arith.constant 0 : i32
    %dma_start3A_165 = tpu.memref_slice %arg2[%dma_start3A_163, %dma_start3A_164] : memref<10000x128xf32, #tpu.memory_space<hbm>> -> memref<10000x128xf32, #tpu.memory_space<hbm>>
    tpu.enqueue_indirect_dma source(%dma_start3A_165 : memref<10000x128xf32, #tpu.memory_space<hbm>>) target(%arg10 : memref<80x128xf32, #tpu.memory_space<vmem>>) offsets(%dma_start3A_162 : memref<80xi32, #tpu.memory_space<vmem>>) semaphore(%arg15 : memref<!tpu.dma_semaphore, #tpu.memory_space<semaphore_mem>>)
    %dma_wait3A_166 = arith.constant 0 : i32
    %dma_wait3A_167 = arith.constant 0 : i32
    %dma_wait3A_168 = tpu.memref_slice %arg2[%dma_wait3A_166, %dma_wait3A_167] : memref<10000x128xf32, #tpu.memory_space<hbm>> -> memref<80x128xf32, #tpu.memory_space<hbm>>
    %dma_wait3A_169 = arith.constant 0 : i32
    %dma_wait3A_170 = arith.constant 0 : i32
    %dma_wait3A_171 = tpu.memref_slice %arg2[%dma_wait3A_169, %dma_wait3A_170] : memref<10000x128xf32, #tpu.memory_space<hbm>> -> memref<80x128xf32, #tpu.memory_space<hbm>>
    tpu.wait_dma2 semaphore(%arg20 : memref<!tpu.dma_semaphore, #tpu.memory_space<semaphore_mem>>) src(%dma_wait3A_171 : memref<80x128xf32, #tpu.memory_space<hbm>>) dst(%arg11 : memref<80x128xf32, #tpu.memory_space<vmem>>)
    %dma_wait3A_172 = arith.constant 0 : i32
    %dma_wait3A_173 = arith.constant 0 : i32
    %dma_wait3A_174 = tpu.memref_slice %arg2[%dma_wait3A_172, %dma_wait3A_173] : memref<10000x128xf32, #tpu.memory_space<hbm>> -> memref<80x128xf32, #tpu.memory_space<hbm>>
    %dma_wait3A_175 = arith.constant 0 : i32
    %dma_wait3A_176 = arith.constant 0 : i32
    %dma_wait3A_177 = tpu.memref_slice %arg2[%dma_wait3A_175, %dma_wait3A_176] : memref<10000x128xf32, #tpu.memory_space<hbm>> -> memref<80x128xf32, #tpu.memory_space<hbm>>
    tpu.wait_dma2 semaphore(%arg15 : memref<!tpu.dma_semaphore, #tpu.memory_space<semaphore_mem>>) src(%dma_wait3A_177 : memref<80x128xf32, #tpu.memory_space<hbm>>) dst(%arg10 : memref<80x128xf32, #tpu.memory_space<vmem>>)
    %dma_start3A_178 = arith.constant 80 : i32
    %dma_start3A_179 = tpu.memref_slice %arg8[%dma_start3A_178] : memref<320xi32, #tpu.memory_space<vmem>> -> memref<80xi32, #tpu.memory_space<vmem>>
    %dma_start3A_180 = arith.constant 0 : i32
    %dma_start3A_181 = arith.constant 0 : i32
    %dma_start3A_182 = tpu.memref_slice %arg13[%dma_start3A_180, %dma_start3A_181] : memref<10240x128xf32, #tpu.memory_space<vmem_shared>> -> memref<10240x128xf32, #tpu.memory_space<vmem_shared>>
    tpu.enqueue_indirect_dma source(%arg10 : memref<80x128xf32, #tpu.memory_space<vmem>>) target(%dma_start3A_182 : memref<10240x128xf32, #tpu.memory_space<vmem_shared>>) offsets(%dma_start3A_179 : memref<80xi32, #tpu.memory_space<vmem>>) semaphore(%arg19 : memref<!tpu.dma_semaphore, #tpu.memory_space<semaphore_mem>>) {add = true}
    %dma_start3A_183 = arith.constant 160 : i32
    %dma_start3A_184 = tpu.memref_slice %arg6[%dma_start3A_183] : memref<320xi32, #tpu.memory_space<vmem>> -> memref<80xi32, #tpu.memory_space<vmem>>
    %dma_start3A_185 = arith.constant 0 : i32
    %dma_start3A_186 = arith.constant 0 : i32
    %dma_start3A_187 = tpu.memref_slice %arg2[%dma_start3A_185, %dma_start3A_186] : memref<10000x128xf32, #tpu.memory_space<hbm>> -> memref<10000x128xf32, #tpu.memory_space<hbm>>
    tpu.enqueue_indirect_dma source(%dma_start3A_187 : memref<10000x128xf32, #tpu.memory_space<hbm>>) target(%arg11 : memref<80x128xf32, #tpu.memory_space<vmem>>) offsets(%dma_start3A_184 : memref<80xi32, #tpu.memory_space<vmem>>) semaphore(%arg16 : memref<!tpu.dma_semaphore, #tpu.memory_space<semaphore_mem>>)
    %dma_wait3A_188 = arith.constant 0 : i32
    %dma_wait3A_189 = arith.constant 0 : i32
    %dma_wait3A_190 = tpu.memref_slice %arg2[%dma_wait3A_188, %dma_wait3A_189] : memref<10000x128xf32, #tpu.memory_space<hbm>> -> memref<80x128xf32, #tpu.memory_space<hbm>>
    %dma_wait3A_191 = arith.constant 0 : i32
    %dma_wait3A_192 = arith.constant 0 : i32
    %dma_wait3A_193 = tpu.memref_slice %arg2[%dma_wait3A_191, %dma_wait3A_192] : memref<10000x128xf32, #tpu.memory_space<hbm>> -> memref<80x128xf32, #tpu.memory_space<hbm>>
    tpu.wait_dma2 semaphore(%arg21 : memref<!tpu.dma_semaphore, #tpu.memory_space<semaphore_mem>>) src(%dma_wait3A_193 : memref<80x128xf32, #tpu.memory_space<hbm>>) dst(%arg12 : memref<80x128xf32, #tpu.memory_space<vmem>>)
    %dma_wait3A_194 = arith.constant 0 : i32
    %dma_wait3A_195 = arith.constant 0 : i32
    %dma_wait3A_196 = tpu.memref_slice %arg2[%dma_wait3A_194, %dma_wait3A_195] : memref<10000x128xf32, #tpu.memory_space<hbm>> -> memref<80x128xf32, #tpu.memory_space<hbm>>
    %dma_wait3A_197 = arith.constant 0 : i32
    %dma_wait3A_198 = arith.constant 0 : i32
    %dma_wait3A_199 = tpu.memref_slice %arg2[%dma_wait3A_197, %dma_wait3A_198] : memref<10000x128xf32, #tpu.memory_space<hbm>> -> memref<80x128xf32, #tpu.memory_space<hbm>>
    tpu.wait_dma2 semaphore(%arg16 : memref<!tpu.dma_semaphore, #tpu.memory_space<semaphore_mem>>) src(%dma_wait3A_199 : memref<80x128xf32, #tpu.memory_space<hbm>>) dst(%arg11 : memref<80x128xf32, #tpu.memory_space<vmem>>)
    %dma_start3A_200 = arith.constant 160 : i32
    %dma_start3A_201 = tpu.memref_slice %arg8[%dma_start3A_200] : memref<320xi32, #tpu.memory_space<vmem>> -> memref<80xi32, #tpu.memory_space<vmem>>
    %dma_start3A_202 = arith.constant 0 : i32
    %dma_start3A_203 = arith.constant 0 : i32
    %dma_start3A_204 = tpu.memref_slice %arg13[%dma_start3A_202, %dma_start3A_203] : memref<10240x128xf32, #tpu.memory_space<vmem_shared>> -> memref<10240x128xf32, #tpu.memory_space<vmem_shared>>
    tpu.enqueue_indirect_dma source(%arg11 : memref<80x128xf32, #tpu.memory_space<vmem>>) target(%dma_start3A_204 : memref<10240x128xf32, #tpu.memory_space<vmem_shared>>) offsets(%dma_start3A_201 : memref<80xi32, #tpu.memory_space<vmem>>) semaphore(%arg20 : memref<!tpu.dma_semaphore, #tpu.memory_space<semaphore_mem>>) {add = true}
    %dma_start3A_205 = arith.constant 240 : i32
    %dma_start3A_206 = tpu.memref_slice %arg6[%dma_start3A_205] : memref<320xi32, #tpu.memory_space<vmem>> -> memref<80xi32, #tpu.memory_space<vmem>>
    %dma_start3A_207 = arith.constant 0 : i32
    %dma_start3A_208 = arith.constant 0 : i32
    %dma_start3A_209 = tpu.memref_slice %arg2[%dma_start3A_207, %dma_start3A_208] : memref<10000x128xf32, #tpu.memory_space<hbm>> -> memref<10000x128xf32, #tpu.memory_space<hbm>>
    tpu.enqueue_indirect_dma source(%dma_start3A_209 : memref<10000x128xf32, #tpu.memory_space<hbm>>) target(%arg12 : memref<80x128xf32, #tpu.memory_space<vmem>>) offsets(%dma_start3A_206 : memref<80xi32, #tpu.memory_space<vmem>>) semaphore(%arg17 : memref<!tpu.dma_semaphore, #tpu.memory_space<semaphore_mem>>)
    %add3A_210 = arith.constant 120 : i32
    %add3A_211 = arith.addi %mul3A_26, %add3A_210 : i32
    %dma_wait3A_212 = arith.constant 0 : i32
    %dma_wait3A_213 = arith.constant 0 : i32
    %dma_wait3A_214 = tpu.memref_slice %arg2[%dma_wait3A_212, %dma_wait3A_213] : memref<10000x128xf32, #tpu.memory_space<hbm>> -> memref<80x128xf32, #tpu.memory_space<hbm>>
    %dma_wait3A_215 = arith.constant 0 : i32
    %dma_wait3A_216 = arith.constant 0 : i32
    %dma_wait3A_217 = tpu.memref_slice %arg2[%dma_wait3A_215, %dma_wait3A_216] : memref<10000x128xf32, #tpu.memory_space<hbm>> -> memref<80x128xf32, #tpu.memory_space<hbm>>
    tpu.wait_dma2 semaphore(%arg18 : memref<!tpu.dma_semaphore, #tpu.memory_space<semaphore_mem>>) src(%dma_wait3A_217 : memref<80x128xf32, #tpu.memory_space<hbm>>) dst(%arg9 : memref<80x128xf32, #tpu.memory_space<vmem>>)
    %mul3A_218 = arith.constant 80 : i32
    %mul3A_219 = arith.muli %add3A_211, %mul3A_218 : i32
    %dma_start3A_220 = arith.constant 0 : i32
    %dma_start3A_221 = tpu.memref_slice %arg5[%dma_start3A_220] : memref<320xi32, #tpu.memory_space<vmem>> -> memref<320xi32, #tpu.memory_space<vmem>>
    %dma_start3A_222 = tpu.memref_slice %arg3[%mul3A_219] : memref<640000xi32, #tpu.memory_space<hbm>> -> memref<320xi32, #tpu.memory_space<hbm>>
    %dma_start3A_223 = arith.constant 0 : i32
    %dma_start3A_224 = tpu.memref_slice %arg5[%dma_start3A_223] : memref<320xi32, #tpu.memory_space<vmem>> -> memref<320xi32, #tpu.memory_space<vmem>>
    %dma_start3A_225 = tpu.memref_slice %arg3[%mul3A_219] : memref<640000xi32, #tpu.memory_space<hbm>> -> memref<320xi32, #tpu.memory_space<hbm>>
    tpu.enqueue_dma source(%dma_start3A_225 : memref<320xi32, #tpu.memory_space<hbm>>) target(%dma_start3A_224 : memref<320xi32, #tpu.memory_space<vmem>>) target_semaphore(%arg22 : memref<!tpu.dma_semaphore, #tpu.memory_space<semaphore_mem>>)
    %mul3A_226 = arith.constant 80 : i32
    %mul3A_227 = arith.muli %add3A_211, %mul3A_226 : i32
    %add3A_228 = arith.constant 320000 : i32
    %add3A_229 = arith.addi %add3A_228, %mul3A_227 : i32
    %dma_start3A_230 = arith.constant 0 : i32
    %dma_start3A_231 = tpu.memref_slice %arg7[%dma_start3A_230] : memref<320xi32, #tpu.memory_space<vmem>> -> memref<320xi32, #tpu.memory_space<vmem>>
    %dma_start3A_232 = tpu.memref_slice %arg3[%add3A_229] : memref<640000xi32, #tpu.memory_space<hbm>> -> memref<320xi32, #tpu.memory_space<hbm>>
    %dma_start3A_233 = arith.constant 0 : i32
    %dma_start3A_234 = tpu.memref_slice %arg7[%dma_start3A_233] : memref<320xi32, #tpu.memory_space<vmem>> -> memref<320xi32, #tpu.memory_space<vmem>>
    %dma_start3A_235 = tpu.memref_slice %arg3[%add3A_229] : memref<640000xi32, #tpu.memory_space<hbm>> -> memref<320xi32, #tpu.memory_space<hbm>>
    tpu.enqueue_dma source(%dma_start3A_235 : memref<320xi32, #tpu.memory_space<hbm>>) target(%dma_start3A_234 : memref<320xi32, #tpu.memory_space<vmem>>) target_semaphore(%arg22 : memref<!tpu.dma_semaphore, #tpu.memory_space<semaphore_mem>>)
    %dma_wait3A_236 = arith.constant 0 : i32
    %dma_wait3A_237 = arith.constant 0 : i32
    %dma_wait3A_238 = tpu.memref_slice %arg2[%dma_wait3A_236, %dma_wait3A_237] : memref<10000x128xf32, #tpu.memory_space<hbm>> -> memref<80x128xf32, #tpu.memory_space<hbm>>
    %dma_wait3A_239 = arith.constant 0 : i32
    %dma_wait3A_240 = arith.constant 0 : i32
    %dma_wait3A_241 = tpu.memref_slice %arg2[%dma_wait3A_239, %dma_wait3A_240] : memref<10000x128xf32, #tpu.memory_space<hbm>> -> memref<80x128xf32, #tpu.memory_space<hbm>>
    tpu.wait_dma2 semaphore(%arg17 : memref<!tpu.dma_semaphore, #tpu.memory_space<semaphore_mem>>) src(%dma_wait3A_241 : memref<80x128xf32, #tpu.memory_space<hbm>>) dst(%arg12 : memref<80x128xf32, #tpu.memory_space<vmem>>)
    %dma_start3A_242 = arith.constant 240 : i32
    %dma_start3A_243 = tpu.memref_slice %arg8[%dma_start3A_242] : memref<320xi32, #tpu.memory_space<vmem>> -> memref<80xi32, #tpu.memory_space<vmem>>
    %dma_start3A_244 = arith.constant 0 : i32
    %dma_start3A_245 = arith.constant 0 : i32
    %dma_start3A_246 = tpu.memref_slice %arg13[%dma_start3A_244, %dma_start3A_245] : memref<10240x128xf32, #tpu.memory_space<vmem_shared>> -> memref<10240x128xf32, #tpu.memory_space<vmem_shared>>
    tpu.enqueue_indirect_dma source(%arg12 : memref<80x128xf32, #tpu.memory_space<vmem>>) target(%dma_start3A_246 : memref<10240x128xf32, #tpu.memory_space<vmem_shared>>) offsets(%dma_start3A_243 : memref<80xi32, #tpu.memory_space<vmem>>) semaphore(%arg21 : memref<!tpu.dma_semaphore, #tpu.memory_space<semaphore_mem>>) {add = true}
    %dma_wait3A_247 = arith.constant 0 : i32
    %dma_wait3A_248 = tpu.memref_slice %arg5[%dma_wait3A_247] : memref<320xi32, #tpu.memory_space<vmem>> -> memref<320xi32, #tpu.memory_space<vmem>>
    %dma_wait3A_249 = tpu.memref_slice %arg3[%mul3A_219] : memref<640000xi32, #tpu.memory_space<hbm>> -> memref<320xi32, #tpu.memory_space<hbm>>
    %dma_wait3A_250 = arith.constant 0 : i32
    %dma_wait3A_251 = tpu.memref_slice %arg5[%dma_wait3A_250] : memref<320xi32, #tpu.memory_space<vmem>> -> memref<320xi32, #tpu.memory_space<vmem>>
    %dma_wait3A_252 = tpu.memref_slice %arg3[%mul3A_219] : memref<640000xi32, #tpu.memory_space<hbm>> -> memref<320xi32, #tpu.memory_space<hbm>>
    tpu.wait_dma2 semaphore(%arg22 : memref<!tpu.dma_semaphore, #tpu.memory_space<semaphore_mem>>) src(%dma_wait3A_252 : memref<320xi32, #tpu.memory_space<hbm>>) dst(%dma_wait3A_251 : memref<320xi32, #tpu.memory_space<vmem>>)
    %dma_wait3A_253 = arith.constant 0 : i32
    %dma_wait3A_254 = tpu.memref_slice %arg7[%dma_wait3A_253] : memref<320xi32, #tpu.memory_space<vmem>> -> memref<320xi32, #tpu.memory_space<vmem>>
    %dma_wait3A_255 = tpu.memref_slice %arg3[%add3A_229] : memref<640000xi32, #tpu.memory_space<hbm>> -> memref<320xi32, #tpu.memory_space<hbm>>
    %dma_wait3A_256 = arith.constant 0 : i32
    %dma_wait3A_257 = tpu.memref_slice %arg7[%dma_wait3A_256] : memref<320xi32, #tpu.memory_space<vmem>> -> memref<320xi32, #tpu.memory_space<vmem>>
    %dma_wait3A_258 = tpu.memref_slice %arg3[%add3A_229] : memref<640000xi32, #tpu.memory_space<hbm>> -> memref<320xi32, #tpu.memory_space<hbm>>
    tpu.wait_dma2 semaphore(%arg22 : memref<!tpu.dma_semaphore, #tpu.memory_space<semaphore_mem>>) src(%dma_wait3A_258 : memref<320xi32, #tpu.memory_space<hbm>>) dst(%dma_wait3A_257 : memref<320xi32, #tpu.memory_space<vmem>>)
    %dma_start3A_259 = arith.constant 0 : i32
    %dma_start3A_260 = tpu.memref_slice %arg5[%dma_start3A_259] : memref<320xi32, #tpu.memory_space<vmem>> -> memref<80xi32, #tpu.memory_space<vmem>>
    %dma_start3A_261 = arith.constant 0 : i32
    %dma_start3A_262 = arith.constant 0 : i32
    %dma_start3A_263 = tpu.memref_slice %arg2[%dma_start3A_261, %dma_start3A_262] : memref<10000x128xf32, #tpu.memory_space<hbm>> -> memref<10000x128xf32, #tpu.memory_space<hbm>>
    tpu.enqueue_indirect_dma source(%dma_start3A_263 : memref<10000x128xf32, #tpu.memory_space<hbm>>) target(%arg9 : memref<80x128xf32, #tpu.memory_space<vmem>>) offsets(%dma_start3A_260 : memref<80xi32, #tpu.memory_space<vmem>>) semaphore(%arg14 : memref<!tpu.dma_semaphore, #tpu.memory_space<semaphore_mem>>)
    %dma_wait3A_264 = arith.constant 0 : i32
    %dma_wait3A_265 = arith.constant 0 : i32
    %dma_wait3A_266 = tpu.memref_slice %arg2[%dma_wait3A_264, %dma_wait3A_265] : memref<10000x128xf32, #tpu.memory_space<hbm>> -> memref<80x128xf32, #tpu.memory_space<hbm>>
    %dma_wait3A_267 = arith.constant 0 : i32
    %dma_wait3A_268 = arith.constant 0 : i32
    %dma_wait3A_269 = tpu.memref_slice %arg2[%dma_wait3A_267, %dma_wait3A_268] : memref<10000x128xf32, #tpu.memory_space<hbm>> -> memref<80x128xf32, #tpu.memory_space<hbm>>
    tpu.wait_dma2 semaphore(%arg19 : memref<!tpu.dma_semaphore, #tpu.memory_space<semaphore_mem>>) src(%dma_wait3A_269 : memref<80x128xf32, #tpu.memory_space<hbm>>) dst(%arg10 : memref<80x128xf32, #tpu.memory_space<vmem>>)
    %dma_wait3A_270 = arith.constant 0 : i32
    %dma_wait3A_271 = arith.constant 0 : i32
    %dma_wait3A_272 = tpu.memref_slice %arg2[%dma_wait3A_270, %dma_wait3A_271] : memref<10000x128xf32, #tpu.memory_space<hbm>> -> memref<80x128xf32, #tpu.memory_space<hbm>>
    %dma_wait3A_273 = arith.constant 0 : i32
    %dma_wait3A_274 = arith.constant 0 : i32
    %dma_wait3A_275 = tpu.memref_slice %arg2[%dma_wait3A_273, %dma_wait3A_274] : memref<10000x128xf32, #tpu.memory_space<hbm>> -> memref<80x128xf32, #tpu.memory_space<hbm>>
    tpu.wait_dma2 semaphore(%arg14 : memref<!tpu.dma_semaphore, #tpu.memory_space<semaphore_mem>>) src(%dma_wait3A_275 : memref<80x128xf32, #tpu.memory_space<hbm>>) dst(%arg9 : memref<80x128xf32, #tpu.memory_space<vmem>>)
    %dma_start3A_276 = arith.constant 0 : i32
    %dma_start3A_277 = tpu.memref_slice %arg7[%dma_start3A_276] : memref<320xi32, #tpu.memory_space<vmem>> -> memref<80xi32, #tpu.memory_space<vmem>>
    %dma_start3A_278 = arith.constant 0 : i32
    %dma_start3A_279 = arith.constant 0 : i32
    %dma_start3A_280 = tpu.memref_slice %arg13[%dma_start3A_278, %dma_start3A_279] : memref<10240x128xf32, #tpu.memory_space<vmem_shared>> -> memref<10240x128xf32, #tpu.memory_space<vmem_shared>>
    tpu.enqueue_indirect_dma source(%arg9 : memref<80x128xf32, #tpu.memory_space<vmem>>) target(%dma_start3A_280 : memref<10240x128xf32, #tpu.memory_space<vmem_shared>>) offsets(%dma_start3A_277 : memref<80xi32, #tpu.memory_space<vmem>>) semaphore(%arg18 : memref<!tpu.dma_semaphore, #tpu.memory_space<semaphore_mem>>) {add = true}
    %dma_start3A_281 = arith.constant 80 : i32
    %dma_start3A_282 = tpu.memref_slice %arg5[%dma_start3A_281] : memref<320xi32, #tpu.memory_space<vmem>> -> memref<80xi32, #tpu.memory_space<vmem>>
    %dma_start3A_283 = arith.constant 0 : i32
    %dma_start3A_284 = arith.constant 0 : i32
    %dma_start3A_285 = tpu.memref_slice %arg2[%dma_start3A_283, %dma_start3A_284] : memref<10000x128xf32, #tpu.memory_space<hbm>> -> memref<10000x128xf32, #tpu.memory_space<hbm>>
    tpu.enqueue_indirect_dma source(%dma_start3A_285 : memref<10000x128xf32, #tpu.memory_space<hbm>>) target(%arg10 : memref<80x128xf32, #tpu.memory_space<vmem>>) offsets(%dma_start3A_282 : memref<80xi32, #tpu.memory_space<vmem>>) semaphore(%arg15 : memref<!tpu.dma_semaphore, #tpu.memory_space<semaphore_mem>>)
    %dma_wait3A_286 = arith.constant 0 : i32
    %dma_wait3A_287 = arith.constant 0 : i32
    %dma_wait3A_288 = tpu.memref_slice %arg2[%dma_wait3A_286, %dma_wait3A_287] : memref<10000x128xf32, #tpu.memory_space<hbm>> -> memref<80x128xf32, #tpu.memory_space<hbm>>
    %dma_wait3A_289 = arith.constant 0 : i32
    %dma_wait3A_290 = arith.constant 0 : i32
    %dma_wait3A_291 = tpu.memref_slice %arg2[%dma_wait3A_289, %dma_wait3A_290] : memref<10000x128xf32, #tpu.memory_space<hbm>> -> memref<80x128xf32, #tpu.memory_space<hbm>>
    tpu.wait_dma2 semaphore(%arg20 : memref<!tpu.dma_semaphore, #tpu.memory_space<semaphore_mem>>) src(%dma_wait3A_291 : memref<80x128xf32, #tpu.memory_space<hbm>>) dst(%arg11 : memref<80x128xf32, #tpu.memory_space<vmem>>)
    %dma_wait3A_292 = arith.constant 0 : i32
    %dma_wait3A_293 = arith.constant 0 : i32
    %dma_wait3A_294 = tpu.memref_slice %arg2[%dma_wait3A_292, %dma_wait3A_293] : memref<10000x128xf32, #tpu.memory_space<hbm>> -> memref<80x128xf32, #tpu.memory_space<hbm>>
    %dma_wait3A_295 = arith.constant 0 : i32
    %dma_wait3A_296 = arith.constant 0 : i32
    %dma_wait3A_297 = tpu.memref_slice %arg2[%dma_wait3A_295, %dma_wait3A_296] : memref<10000x128xf32, #tpu.memory_space<hbm>> -> memref<80x128xf32, #tpu.memory_space<hbm>>
    tpu.wait_dma2 semaphore(%arg15 : memref<!tpu.dma_semaphore, #tpu.memory_space<semaphore_mem>>) src(%dma_wait3A_297 : memref<80x128xf32, #tpu.memory_space<hbm>>) dst(%arg10 : memref<80x128xf32, #tpu.memory_space<vmem>>)
    %dma_start3A_298 = arith.constant 80 : i32
    %dma_start3A_299 = tpu.memref_slice %arg7[%dma_start3A_298] : memref<320xi32, #tpu.memory_space<vmem>> -> memref<80xi32, #tpu.memory_space<vmem>>
    %dma_start3A_300 = arith.constant 0 : i32
    %dma_start3A_301 = arith.constant 0 : i32
    %dma_start3A_302 = tpu.memref_slice %arg13[%dma_start3A_300, %dma_start3A_301] : memref<10240x128xf32, #tpu.memory_space<vmem_shared>> -> memref<10240x128xf32, #tpu.memory_space<vmem_shared>>
    tpu.enqueue_indirect_dma source(%arg10 : memref<80x128xf32, #tpu.memory_space<vmem>>) target(%dma_start3A_302 : memref<10240x128xf32, #tpu.memory_space<vmem_shared>>) offsets(%dma_start3A_299 : memref<80xi32, #tpu.memory_space<vmem>>) semaphore(%arg19 : memref<!tpu.dma_semaphore, #tpu.memory_space<semaphore_mem>>) {add = true}
    %dma_start3A_303 = arith.constant 160 : i32
    %dma_start3A_304 = tpu.memref_slice %arg5[%dma_start3A_303] : memref<320xi32, #tpu.memory_space<vmem>> -> memref<80xi32, #tpu.memory_space<vmem>>
    %dma_start3A_305 = arith.constant 0 : i32
    %dma_start3A_306 = arith.constant 0 : i32
    %dma_start3A_307 = tpu.memref_slice %arg2[%dma_start3A_305, %dma_start3A_306] : memref<10000x128xf32, #tpu.memory_space<hbm>> -> memref<10000x128xf32, #tpu.memory_space<hbm>>
    tpu.enqueue_indirect_dma source(%dma_start3A_307 : memref<10000x128xf32, #tpu.memory_space<hbm>>) target(%arg11 : memref<80x128xf32, #tpu.memory_space<vmem>>) offsets(%dma_start3A_304 : memref<80xi32, #tpu.memory_space<vmem>>) semaphore(%arg16 : memref<!tpu.dma_semaphore, #tpu.memory_space<semaphore_mem>>)
    %dma_wait3A_308 = arith.constant 0 : i32
    %dma_wait3A_309 = arith.constant 0 : i32
    %dma_wait3A_310 = tpu.memref_slice %arg2[%dma_wait3A_308, %dma_wait3A_309] : memref<10000x128xf32, #tpu.memory_space<hbm>> -> memref<80x128xf32, #tpu.memory_space<hbm>>
    %dma_wait3A_311 = arith.constant 0 : i32
    %dma_wait3A_312 = arith.constant 0 : i32
    %dma_wait3A_313 = tpu.memref_slice %arg2[%dma_wait3A_311, %dma_wait3A_312] : memref<10000x128xf32, #tpu.memory_space<hbm>> -> memref<80x128xf32, #tpu.memory_space<hbm>>
    tpu.wait_dma2 semaphore(%arg21 : memref<!tpu.dma_semaphore, #tpu.memory_space<semaphore_mem>>) src(%dma_wait3A_313 : memref<80x128xf32, #tpu.memory_space<hbm>>) dst(%arg12 : memref<80x128xf32, #tpu.memory_space<vmem>>)
    %dma_wait3A_314 = arith.constant 0 : i32
    %dma_wait3A_315 = arith.constant 0 : i32
    %dma_wait3A_316 = tpu.memref_slice %arg2[%dma_wait3A_314, %dma_wait3A_315] : memref<10000x128xf32, #tpu.memory_space<hbm>> -> memref<80x128xf32, #tpu.memory_space<hbm>>
    %dma_wait3A_317 = arith.constant 0 : i32
    %dma_wait3A_318 = arith.constant 0 : i32
    %dma_wait3A_319 = tpu.memref_slice %arg2[%dma_wait3A_317, %dma_wait3A_318] : memref<10000x128xf32, #tpu.memory_space<hbm>> -> memref<80x128xf32, #tpu.memory_space<hbm>>
    tpu.wait_dma2 semaphore(%arg16 : memref<!tpu.dma_semaphore, #tpu.memory_space<semaphore_mem>>) src(%dma_wait3A_319 : memref<80x128xf32, #tpu.memory_space<hbm>>) dst(%arg11 : memref<80x128xf32, #tpu.memory_space<vmem>>)
    %dma_start3A_320 = arith.constant 160 : i32
    %dma_start3A_321 = tpu.memref_slice %arg7[%dma_start3A_320] : memref<320xi32, #tpu.memory_space<vmem>> -> memref<80xi32, #tpu.memory_space<vmem>>
    %dma_start3A_322 = arith.constant 0 : i32
    %dma_start3A_323 = arith.constant 0 : i32
    %dma_start3A_324 = tpu.memref_slice %arg13[%dma_start3A_322, %dma_start3A_323] : memref<10240x128xf32, #tpu.memory_space<vmem_shared>> -> memref<10240x128xf32, #tpu.memory_space<vmem_shared>>
    tpu.enqueue_indirect_dma source(%arg11 : memref<80x128xf32, #tpu.memory_space<vmem>>) target(%dma_start3A_324 : memref<10240x128xf32, #tpu.memory_space<vmem_shared>>) offsets(%dma_start3A_321 : memref<80xi32, #tpu.memory_space<vmem>>) semaphore(%arg20 : memref<!tpu.dma_semaphore, #tpu.memory_space<semaphore_mem>>) {add = true}
    %dma_start3A_325 = arith.constant 240 : i32
    %dma_start3A_326 = tpu.memref_slice %arg5[%dma_start3A_325] : memref<320xi32, #tpu.memory_space<vmem>> -> memref<80xi32, #tpu.memory_space<vmem>>
    %dma_start3A_327 = arith.constant 0 : i32
    %dma_start3A_328 = arith.constant 0 : i32
    %dma_start3A_329 = tpu.memref_slice %arg2[%dma_start3A_327, %dma_start3A_328] : memref<10000x128xf32, #tpu.memory_space<hbm>> -> memref<10000x128xf32, #tpu.memory_space<hbm>>
    tpu.enqueue_indirect_dma source(%dma_start3A_329 : memref<10000x128xf32, #tpu.memory_space<hbm>>) target(%arg12 : memref<80x128xf32, #tpu.memory_space<vmem>>) offsets(%dma_start3A_326 : memref<80xi32, #tpu.memory_space<vmem>>) semaphore(%arg17 : memref<!tpu.dma_semaphore, #tpu.memory_space<semaphore_mem>>)
    %add3A_330 = arith.constant 124 : i32
    %add3A_331 = arith.addi %add3A_330, %mul3A_26 : i32
    %dma_wait3A_332 = arith.constant 0 : i32
    %dma_wait3A_333 = arith.constant 0 : i32
    %dma_wait3A_334 = tpu.memref_slice %arg2[%dma_wait3A_332, %dma_wait3A_333] : memref<10000x128xf32, #tpu.memory_space<hbm>> -> memref<80x128xf32, #tpu.memory_space<hbm>>
    %dma_wait3A_335 = arith.constant 0 : i32
    %dma_wait3A_336 = arith.constant 0 : i32
    %dma_wait3A_337 = tpu.memref_slice %arg2[%dma_wait3A_335, %dma_wait3A_336] : memref<10000x128xf32, #tpu.memory_space<hbm>> -> memref<80x128xf32, #tpu.memory_space<hbm>>
    tpu.wait_dma2 semaphore(%arg18 : memref<!tpu.dma_semaphore, #tpu.memory_space<semaphore_mem>>) src(%dma_wait3A_337 : memref<80x128xf32, #tpu.memory_space<hbm>>) dst(%arg9 : memref<80x128xf32, #tpu.memory_space<vmem>>)
    %mul3A_338 = arith.constant 80 : i32
    %mul3A_339 = arith.muli %add3A_331, %mul3A_338 : i32
    %dma_start3A_340 = arith.constant 0 : i32
    %dma_start3A_341 = tpu.memref_slice %arg6[%dma_start3A_340] : memref<320xi32, #tpu.memory_space<vmem>> -> memref<80xi32, #tpu.memory_space<vmem>>
    %dma_start3A_342 = tpu.memref_slice %arg3[%mul3A_339] : memref<640000xi32, #tpu.memory_space<hbm>> -> memref<80xi32, #tpu.memory_space<hbm>>
    %dma_start3A_343 = arith.constant 0 : i32
    %dma_start3A_344 = tpu.memref_slice %arg6[%dma_start3A_343] : memref<320xi32, #tpu.memory_space<vmem>> -> memref<80xi32, #tpu.memory_space<vmem>>
    %dma_start3A_345 = tpu.memref_slice %arg3[%mul3A_339] : memref<640000xi32, #tpu.memory_space<hbm>> -> memref<80xi32, #tpu.memory_space<hbm>>
    tpu.enqueue_dma source(%dma_start3A_345 : memref<80xi32, #tpu.memory_space<hbm>>) target(%dma_start3A_344 : memref<80xi32, #tpu.memory_space<vmem>>) target_semaphore(%arg22 : memref<!tpu.dma_semaphore, #tpu.memory_space<semaphore_mem>>)
    %mul3A_346 = arith.constant 80 : i32
    %mul3A_347 = arith.muli %add3A_331, %mul3A_346 : i32
    %add3A_348 = arith.constant 320000 : i32
    %add3A_349 = arith.addi %add3A_348, %mul3A_347 : i32
    %dma_start3A_350 = arith.constant 0 : i32
    %dma_start3A_351 = tpu.memref_slice %arg8[%dma_start3A_350] : memref<320xi32, #tpu.memory_space<vmem>> -> memref<80xi32, #tpu.memory_space<vmem>>
    %dma_start3A_352 = tpu.memref_slice %arg3[%add3A_349] : memref<640000xi32, #tpu.memory_space<hbm>> -> memref<80xi32, #tpu.memory_space<hbm>>
    %dma_start3A_353 = arith.constant 0 : i32
    %dma_start3A_354 = tpu.memref_slice %arg8[%dma_start3A_353] : memref<320xi32, #tpu.memory_space<vmem>> -> memref<80xi32, #tpu.memory_space<vmem>>
    %dma_start3A_355 = tpu.memref_slice %arg3[%add3A_349] : memref<640000xi32, #tpu.memory_space<hbm>> -> memref<80xi32, #tpu.memory_space<hbm>>
    tpu.enqueue_dma source(%dma_start3A_355 : memref<80xi32, #tpu.memory_space<hbm>>) target(%dma_start3A_354 : memref<80xi32, #tpu.memory_space<vmem>>) target_semaphore(%arg22 : memref<!tpu.dma_semaphore, #tpu.memory_space<semaphore_mem>>)
    %dma_wait3A_356 = arith.constant 0 : i32
    %dma_wait3A_357 = arith.constant 0 : i32
    %dma_wait3A_358 = tpu.memref_slice %arg2[%dma_wait3A_356, %dma_wait3A_357] : memref<10000x128xf32, #tpu.memory_space<hbm>> -> memref<80x128xf32, #tpu.memory_space<hbm>>
    %dma_wait3A_359 = arith.constant 0 : i32
    %dma_wait3A_360 = arith.constant 0 : i32
    %dma_wait3A_361 = tpu.memref_slice %arg2[%dma_wait3A_359, %dma_wait3A_360] : memref<10000x128xf32, #tpu.memory_space<hbm>> -> memref<80x128xf32, #tpu.memory_space<hbm>>
    tpu.wait_dma2 semaphore(%arg17 : memref<!tpu.dma_semaphore, #tpu.memory_space<semaphore_mem>>) src(%dma_wait3A_361 : memref<80x128xf32, #tpu.memory_space<hbm>>) dst(%arg12 : memref<80x128xf32, #tpu.memory_space<vmem>>)
    %dma_start3A_362 = arith.constant 240 : i32
    %dma_start3A_363 = tpu.memref_slice %arg7[%dma_start3A_362] : memref<320xi32, #tpu.memory_space<vmem>> -> memref<80xi32, #tpu.memory_space<vmem>>
    %dma_start3A_364 = arith.constant 0 : i32
    %dma_start3A_365 = arith.constant 0 : i32
    %dma_start3A_366 = tpu.memref_slice %arg13[%dma_start3A_364, %dma_start3A_365] : memref<10240x128xf32, #tpu.memory_space<vmem_shared>> -> memref<10240x128xf32, #tpu.memory_space<vmem_shared>>
    tpu.enqueue_indirect_dma source(%arg12 : memref<80x128xf32, #tpu.memory_space<vmem>>) target(%dma_start3A_366 : memref<10240x128xf32, #tpu.memory_space<vmem_shared>>) offsets(%dma_start3A_363 : memref<80xi32, #tpu.memory_space<vmem>>) semaphore(%arg21 : memref<!tpu.dma_semaphore, #tpu.memory_space<semaphore_mem>>) {add = true}
    %dma_wait3A_367 = arith.constant 0 : i32
    %dma_wait3A_368 = tpu.memref_slice %arg6[%dma_wait3A_367] : memref<320xi32, #tpu.memory_space<vmem>> -> memref<80xi32, #tpu.memory_space<vmem>>
    %dma_wait3A_369 = tpu.memref_slice %arg3[%mul3A_339] : memref<640000xi32, #tpu.memory_space<hbm>> -> memref<80xi32, #tpu.memory_space<hbm>>
    %dma_wait3A_370 = arith.constant 0 : i32
    %dma_wait3A_371 = tpu.memref_slice %arg6[%dma_wait3A_370] : memref<320xi32, #tpu.memory_space<vmem>> -> memref<80xi32, #tpu.memory_space<vmem>>
    %dma_wait3A_372 = tpu.memref_slice %arg3[%mul3A_339] : memref<640000xi32, #tpu.memory_space<hbm>> -> memref<80xi32, #tpu.memory_space<hbm>>
    tpu.wait_dma2 semaphore(%arg22 : memref<!tpu.dma_semaphore, #tpu.memory_space<semaphore_mem>>) src(%dma_wait3A_372 : memref<80xi32, #tpu.memory_space<hbm>>) dst(%dma_wait3A_371 : memref<80xi32, #tpu.memory_space<vmem>>)
    %dma_wait3A_373 = arith.constant 0 : i32
    %dma_wait3A_374 = tpu.memref_slice %arg8[%dma_wait3A_373] : memref<320xi32, #tpu.memory_space<vmem>> -> memref<80xi32, #tpu.memory_space<vmem>>
    %dma_wait3A_375 = tpu.memref_slice %arg3[%add3A_349] : memref<640000xi32, #tpu.memory_space<hbm>> -> memref<80xi32, #tpu.memory_space<hbm>>
    %dma_wait3A_376 = arith.constant 0 : i32
    %dma_wait3A_377 = tpu.memref_slice %arg8[%dma_wait3A_376] : memref<320xi32, #tpu.memory_space<vmem>> -> memref<80xi32, #tpu.memory_space<vmem>>
    %dma_wait3A_378 = tpu.memref_slice %arg3[%add3A_349] : memref<640000xi32, #tpu.memory_space<hbm>> -> memref<80xi32, #tpu.memory_space<hbm>>
    tpu.wait_dma2 semaphore(%arg22 : memref<!tpu.dma_semaphore, #tpu.memory_space<semaphore_mem>>) src(%dma_wait3A_378 : memref<80xi32, #tpu.memory_space<hbm>>) dst(%dma_wait3A_377 : memref<80xi32, #tpu.memory_space<vmem>>)
    %dma_start3A_379 = arith.constant 0 : i32
    %dma_start3A_380 = tpu.memref_slice %arg6[%dma_start3A_379] : memref<320xi32, #tpu.memory_space<vmem>> -> memref<80xi32, #tpu.memory_space<vmem>>
    %dma_start3A_381 = arith.constant 0 : i32
    %dma_start3A_382 = arith.constant 0 : i32
    %dma_start3A_383 = tpu.memref_slice %arg2[%dma_start3A_381, %dma_start3A_382] : memref<10000x128xf32, #tpu.memory_space<hbm>> -> memref<10000x128xf32, #tpu.memory_space<hbm>>
    tpu.enqueue_indirect_dma source(%dma_start3A_383 : memref<10000x128xf32, #tpu.memory_space<hbm>>) target(%arg9 : memref<80x128xf32, #tpu.memory_space<vmem>>) offsets(%dma_start3A_380 : memref<80xi32, #tpu.memory_space<vmem>>) semaphore(%arg14 : memref<!tpu.dma_semaphore, #tpu.memory_space<semaphore_mem>>)
    %dma_wait3A_384 = arith.constant 0 : i32
    %dma_wait3A_385 = arith.constant 0 : i32
    %dma_wait3A_386 = tpu.memref_slice %arg2[%dma_wait3A_384, %dma_wait3A_385] : memref<10000x128xf32, #tpu.memory_space<hbm>> -> memref<80x128xf32, #tpu.memory_space<hbm>>
    %dma_wait3A_387 = arith.constant 0 : i32
    %dma_wait3A_388 = arith.constant 0 : i32
    %dma_wait3A_389 = tpu.memref_slice %arg2[%dma_wait3A_387, %dma_wait3A_388] : memref<10000x128xf32, #tpu.memory_space<hbm>> -> memref<80x128xf32, #tpu.memory_space<hbm>>
    tpu.wait_dma2 semaphore(%arg19 : memref<!tpu.dma_semaphore, #tpu.memory_space<semaphore_mem>>) src(%dma_wait3A_389 : memref<80x128xf32, #tpu.memory_space<hbm>>) dst(%arg10 : memref<80x128xf32, #tpu.memory_space<vmem>>)
    %dma_wait3A_390 = arith.constant 0 : i32
    %dma_wait3A_391 = arith.constant 0 : i32
    %dma_wait3A_392 = tpu.memref_slice %arg2[%dma_wait3A_390, %dma_wait3A_391] : memref<10000x128xf32, #tpu.memory_space<hbm>> -> memref<80x128xf32, #tpu.memory_space<hbm>>
    %dma_wait3A_393 = arith.constant 0 : i32
    %dma_wait3A_394 = arith.constant 0 : i32
    %dma_wait3A_395 = tpu.memref_slice %arg2[%dma_wait3A_393, %dma_wait3A_394] : memref<10000x128xf32, #tpu.memory_space<hbm>> -> memref<80x128xf32, #tpu.memory_space<hbm>>
    tpu.wait_dma2 semaphore(%arg14 : memref<!tpu.dma_semaphore, #tpu.memory_space<semaphore_mem>>) src(%dma_wait3A_395 : memref<80x128xf32, #tpu.memory_space<hbm>>) dst(%arg9 : memref<80x128xf32, #tpu.memory_space<vmem>>)
    %dma_start3A_396 = arith.constant 0 : i32
    %dma_start3A_397 = tpu.memref_slice %arg8[%dma_start3A_396] : memref<320xi32, #tpu.memory_space<vmem>> -> memref<80xi32, #tpu.memory_space<vmem>>
    %dma_start3A_398 = arith.constant 0 : i32
    %dma_start3A_399 = arith.constant 0 : i32
    %dma_start3A_400 = tpu.memref_slice %arg13[%dma_start3A_398, %dma_start3A_399] : memref<10240x128xf32, #tpu.memory_space<vmem_shared>> -> memref<10240x128xf32, #tpu.memory_space<vmem_shared>>
    tpu.enqueue_indirect_dma source(%arg9 : memref<80x128xf32, #tpu.memory_space<vmem>>) target(%dma_start3A_400 : memref<10240x128xf32, #tpu.memory_space<vmem_shared>>) offsets(%dma_start3A_397 : memref<80xi32, #tpu.memory_space<vmem>>) semaphore(%arg18 : memref<!tpu.dma_semaphore, #tpu.memory_space<semaphore_mem>>) {add = true}
    %dma_start3A_401 = arith.constant 0 : i32
    %dma_start3A_402 = tpu.memref_slice %arg6[%dma_start3A_401] : memref<320xi32, #tpu.memory_space<vmem>> -> memref<80xi32, #tpu.memory_space<vmem>>
    %dma_start3A_403 = arith.constant 0 : i32
    %dma_start3A_404 = arith.constant 0 : i32
    %dma_start3A_405 = tpu.memref_slice %arg2[%dma_start3A_403, %dma_start3A_404] : memref<10000x128xf32, #tpu.memory_space<hbm>> -> memref<10000x128xf32, #tpu.memory_space<hbm>>
    tpu.enqueue_indirect_dma source(%dma_start3A_405 : memref<10000x128xf32, #tpu.memory_space<hbm>>) target(%arg10 : memref<80x128xf32, #tpu.memory_space<vmem>>) offsets(%dma_start3A_402 : memref<80xi32, #tpu.memory_space<vmem>>) semaphore(%arg15 : memref<!tpu.dma_semaphore, #tpu.memory_space<semaphore_mem>>)
    %dma_wait3A_406 = arith.constant 0 : i32
    %dma_wait3A_407 = arith.constant 0 : i32
    %dma_wait3A_408 = tpu.memref_slice %arg2[%dma_wait3A_406, %dma_wait3A_407] : memref<10000x128xf32, #tpu.memory_space<hbm>> -> memref<80x128xf32, #tpu.memory_space<hbm>>
    %dma_wait3A_409 = arith.constant 0 : i32
    %dma_wait3A_410 = arith.constant 0 : i32
    %dma_wait3A_411 = tpu.memref_slice %arg2[%dma_wait3A_409, %dma_wait3A_410] : memref<10000x128xf32, #tpu.memory_space<hbm>> -> memref<80x128xf32, #tpu.memory_space<hbm>>
    tpu.wait_dma2 semaphore(%arg20 : memref<!tpu.dma_semaphore, #tpu.memory_space<semaphore_mem>>) src(%dma_wait3A_411 : memref<80x128xf32, #tpu.memory_space<hbm>>) dst(%arg11 : memref<80x128xf32, #tpu.memory_space<vmem>>)
    %dma_wait3A_412 = arith.constant 0 : i32
    %dma_wait3A_413 = arith.constant 0 : i32
    %dma_wait3A_414 = tpu.memref_slice %arg2[%dma_wait3A_412, %dma_wait3A_413] : memref<10000x128xf32, #tpu.memory_space<hbm>> -> memref<80x128xf32, #tpu.memory_space<hbm>>
    %dma_wait3A_415 = arith.constant 0 : i32
    %dma_wait3A_416 = arith.constant 0 : i32
    %dma_wait3A_417 = tpu.memref_slice %arg2[%dma_wait3A_415, %dma_wait3A_416] : memref<10000x128xf32, #tpu.memory_space<hbm>> -> memref<80x128xf32, #tpu.memory_space<hbm>>
    tpu.wait_dma2 semaphore(%arg21 : memref<!tpu.dma_semaphore, #tpu.memory_space<semaphore_mem>>) src(%dma_wait3A_417 : memref<80x128xf32, #tpu.memory_space<hbm>>) dst(%arg12 : memref<80x128xf32, #tpu.memory_space<vmem>>)
    %dma_wait3A_418 = arith.constant 0 : i32
    %dma_wait3A_419 = arith.constant 0 : i32
    %dma_wait3A_420 = tpu.memref_slice %arg2[%dma_wait3A_418, %dma_wait3A_419] : memref<10000x128xf32, #tpu.memory_space<hbm>> -> memref<80x128xf32, #tpu.memory_space<hbm>>
    %dma_wait3A_421 = arith.constant 0 : i32
    %dma_wait3A_422 = arith.constant 0 : i32
    %dma_wait3A_423 = tpu.memref_slice %arg2[%dma_wait3A_421, %dma_wait3A_422] : memref<10000x128xf32, #tpu.memory_space<hbm>> -> memref<80x128xf32, #tpu.memory_space<hbm>>
    tpu.wait_dma2 semaphore(%arg18 : memref<!tpu.dma_semaphore, #tpu.memory_space<semaphore_mem>>) src(%dma_wait3A_423 : memref<80x128xf32, #tpu.memory_space<hbm>>) dst(%arg9 : memref<80x128xf32, #tpu.memory_space<vmem>>)
    %dma_wait3A_424 = arith.constant 0 : i32
    %dma_wait3A_425 = arith.constant 0 : i32
    %dma_wait3A_426 = tpu.memref_slice %arg2[%dma_wait3A_424, %dma_wait3A_425] : memref<10000x128xf32, #tpu.memory_space<hbm>> -> memref<80x128xf32, #tpu.memory_space<hbm>>
    %dma_wait3A_427 = arith.constant 0 : i32
    %dma_wait3A_428 = arith.constant 0 : i32
    %dma_wait3A_429 = tpu.memref_slice %arg2[%dma_wait3A_427, %dma_wait3A_428] : memref<10000x128xf32, #tpu.memory_space<hbm>> -> memref<80x128xf32, #tpu.memory_space<hbm>>
    tpu.wait_dma2 semaphore(%arg15 : memref<!tpu.dma_semaphore, #tpu.memory_space<semaphore_mem>>) src(%dma_wait3A_429 : memref<80x128xf32, #tpu.memory_space<hbm>>) dst(%arg10 : memref<80x128xf32, #tpu.memory_space<vmem>>)
    %barrier3A_430 = arith.constant 0 : index
    tpu.barrier barrier_id(%barrier3A_430)
    %mul3A_431 = arith.constant 640 : i32
    %mul3A_432 = arith.muli %arg1, %mul3A_431 : i32
    %mul3A_433 = arith.constant 640 : i32
    %mul3A_434 = arith.muli %arg1, %mul3A_433 : i32
    "tpu.region"() ({
      %run_scoped3A = tpu.sem_alloc : memref<!tpu.dma_semaphore, #tpu.memory_space<semaphore_mem>>
      %dma_start3A_435 = arith.constant 0 : i32
      %dma_start3A_436 = tpu.memref_slice %arg4[%arg0, %mul3A_434, %dma_start3A_435] : memref<2x10240x128xf32, #tpu.memory_space<hbm>> -> memref<1x640x128xf32, #tpu.memory_space<hbm>>
      %dma_start3A_437 = tpu.memref_squeeze %dma_start3A_436 : memref<1x640x128xf32, #tpu.memory_space<hbm>> -> memref<640x128xf32, #tpu.memory_space<hbm>>
      %dma_start3A_438 = arith.constant 0 : i32
      %dma_start3A_439 = tpu.memref_slice %arg13[%mul3A_432, %dma_start3A_438] : memref<10240x128xf32, #tpu.memory_space<vmem_shared>> -> memref<640x128xf32, #tpu.memory_space<vmem_shared>>
      tpu.enqueue_dma source(%dma_start3A_439 : memref<640x128xf32, #tpu.memory_space<vmem_shared>>) target(%dma_start3A_437 : memref<640x128xf32, #tpu.memory_space<hbm>>) target_semaphore(%run_scoped3A : memref<!tpu.dma_semaphore, #tpu.memory_space<semaphore_mem>>)
      %dma_wait3A_440 = arith.constant 0 : i32
      %dma_wait3A_441 = tpu.memref_slice %arg4[%arg0, %mul3A_434, %dma_wait3A_440] : memref<2x10240x128xf32, #tpu.memory_space<hbm>> -> memref<1x640x128xf32, #tpu.memory_space<hbm>>
      %dma_wait3A_442 = tpu.memref_squeeze %dma_wait3A_441 : memref<1x640x128xf32, #tpu.memory_space<hbm>> -> memref<640x128xf32, #tpu.memory_space<hbm>>
      %dma_wait3A_443 = arith.constant 0 : i32
      %dma_wait3A_444 = tpu.memref_slice %arg13[%mul3A_432, %dma_wait3A_443] : memref<10240x128xf32, #tpu.memory_space<vmem_shared>> -> memref<640x128xf32, #tpu.memory_space<vmem_shared>>
      tpu.wait_dma2 semaphore(%run_scoped3A : memref<!tpu.dma_semaphore, #tpu.memory_space<semaphore_mem>>) src(%dma_wait3A_444 : memref<640x128xf32, #tpu.memory_space<vmem_shared>>) dst(%dma_wait3A_442 : memref<640x128xf32, #tpu.memory_space<hbm>>)
      tpu.yield
    }) : () -> ()
    return
  }
}

module attributes {stable_mosaic.version = 14 : i64} {
  func.func @_combine_body(%arg0: i32, %arg1: memref<1024x128xf32, #tpu.memory_space<vmem>>, %arg2: memref<2x1024x128xf32, #tpu.memory_space<vmem>>, %arg3: memref<1024x32xf32, #tpu.memory_space<vmem>>, %arg4: memref<128x128xf32, #tpu.memory_space<vmem>>, %arg5: memref<1x128xf32, #tpu.memory_space<vmem>>, %arg6: memref<128x128xf32, #tpu.memory_space<vmem>>, %arg7: memref<1024x128xf32, #tpu.memory_space<vmem>>, %arg8: memref<1024x128xf32, #tpu.memory_space<vmem>>) attributes {dimension_semantics = [#tpu.dimension_semantics<arbitrary>], iteration_bounds = array<i64: 10>, scalar_prefetch = 0 : i64, scratch_operands = 0 : i64, tpu.core_type = #tpu.core_type<tc>, window_params = [{transform_indices = @transform_0, window_bounds = array<i64: 1024, 128>}, {transform_indices = @transform_1, window_bounds = array<i64: 2, 1024, 128>}, {transform_indices = @transform_2, window_bounds = array<i64: 1024, 32>}, {pipeline_mode = #tpu.pipeline_mode<synchronous>, transform_indices = @transform_3, window_bounds = array<i64: 128, 128>}, {pipeline_mode = #tpu.pipeline_mode<synchronous>, transform_indices = @transform_4, window_bounds = array<i64: 1, 128>}, {pipeline_mode = #tpu.pipeline_mode<synchronous>, transform_indices = @transform_5, window_bounds = array<i64: 128, 128>}, {transform_indices = @transform_6, window_bounds = array<i64: 1024, 128>}, {transform_indices = @transform_7, window_bounds = array<i64: 1024, 128>}]} {
    %get3A = arith.constant 0 : index
    %get3A_0 = arith.constant 0 : index
    %get3A_1 = vector.load %arg3[%get3A, %get3A_0] : memref<1024x32xf32, #tpu.memory_space<vmem>>, vector<1024x32xf32>
    %reduce_sum3A = arith.constant dense<0.000000e+00> : vector<1024xf32>
    %reduce_sum3A_2 = vector.multi_reduction <add>, %get3A_1, %reduce_sum3A [1] : vector<1024x32xf32> to vector<1024xf32>
    %broadcast_in_dim3A = vector.shape_cast %reduce_sum3A_2 : vector<1024xf32> to vector<1024x1xf32>
    %max3A = arith.constant 1.000000e+00 : f32
    %max3A_3 = vector.broadcast %max3A : f32 to vector<1024x1xf32>
    %max3A_4 = arith.maximumf %broadcast_in_dim3A, %max3A_3 : vector<1024x1xf32>
    %div3A = arith.constant 1.000000e+00 : f32
    %div3A_5 = vector.broadcast %div3A : f32 to vector<1024x1xf32>
    %div3A_6 = arith.divf %div3A_5, %max3A_4 : vector<1024x1xf32>
    %get3A_7 = arith.constant 0 : index
    %get3A_8 = arith.constant 0 : index
    %get3A_9 = arith.constant 0 : index
    %get3A_10 = vector.load %arg2[%get3A_7, %get3A_8, %get3A_9] : memref<2x1024x128xf32, #tpu.memory_space<vmem>>, vector<1x1024x128xf32>
    %get3A_11 = vector.shape_cast %get3A_10 : vector<1x1024x128xf32> to vector<1024x128xf32>
    %get3A_12 = arith.constant 1 : index
    %get3A_13 = arith.constant 0 : index
    %get3A_14 = arith.constant 0 : index
    %get3A_15 = vector.load %arg2[%get3A_12, %get3A_13, %get3A_14] : memref<2x1024x128xf32, #tpu.memory_space<vmem>>, vector<1x1024x128xf32>
    %get3A_16 = vector.shape_cast %get3A_15 : vector<1x1024x128xf32> to vector<1024x128xf32>
    %add3A = arith.addf %get3A_11, %get3A_16 : vector<1024x128xf32>
    %mul3A = vector.broadcast %div3A_6 : vector<1024x1xf32> to vector<1024x128xf32>
    %mul3A_17 = arith.mulf %add3A, %mul3A : vector<1024x128xf32>
    %get3A_18 = arith.constant 0 : index
    %get3A_19 = arith.constant 0 : index
    %get3A_20 = vector.load %arg1[%get3A_18, %get3A_19] : memref<1024x128xf32, #tpu.memory_space<vmem>>, vector<1024x128xf32>
    %get3A_21 = arith.constant 0 : index
    %get3A_22 = arith.constant 0 : index
    %get3A_23 = vector.load %arg4[%get3A_21, %get3A_22] : memref<128x128xf32, #tpu.memory_space<vmem>>, vector<128x128xf32>
    %dot_general3A = arith.constant dense<0.000000e+00> : vector<1024x128xf32>
    %dot_general3A_24 = tpu.matmul %get3A_20, %get3A_23, %dot_general3A {dimension_numbers = #tpu.dot_dimension_numbers<[1], [0], [0], [1], [0, 0, 1, 1], [], []>, transpose_lhs_hint = false} : vector<1024x128xf32>, vector<128x128xf32>, vector<1024x128xf32> -> vector<1024x128xf32>
    %get3A_25 = arith.constant 0 : index
    %get3A_26 = arith.constant 0 : index
    %get3A_27 = vector.load %arg5[%get3A_25, %get3A_26] : memref<1x128xf32, #tpu.memory_space<vmem>>, vector<1x128xf32>
    %add3A_28 = vector.broadcast %get3A_27 : vector<1x128xf32> to vector<1024x128xf32>
    %add3A_29 = arith.addf %dot_general3A_24, %add3A_28 : vector<1024x128xf32>
    %add3A_30 = arith.addf %add3A_29, %mul3A_17 : vector<1024x128xf32>
    %max3A_31 = arith.constant 0.000000e+00 : f32
    %max3A_32 = vector.broadcast %max3A_31 : f32 to vector<1024x128xf32>
    %max3A_33 = arith.maximumf %add3A_30, %max3A_32 : vector<1024x128xf32>
    %swap3A = arith.constant 0 : index
    %swap3A_34 = arith.constant 0 : index
    %swap3A_35 = vector.load %arg7[%swap3A, %swap3A_34] : memref<1024x128xf32, #tpu.memory_space<vmem>>, vector<1024x128xf32>
    tpu.vector_store %arg7[%swap3A, %swap3A_34], %max3A_33 {strides = array<i32>} : memref<1024x128xf32, #tpu.memory_space<vmem>>, vector<1024x128xf32>,
    %get3A_36 = arith.constant 0 : index
    %get3A_37 = arith.constant 0 : index
    %get3A_38 = vector.load %arg6[%get3A_36, %get3A_37] : memref<128x128xf32, #tpu.memory_space<vmem>>, vector<128x128xf32>
    %dot_general3A_39 = arith.constant dense<0.000000e+00> : vector<1024x128xf32>
    %dot_general3A_40 = tpu.matmul %max3A_33, %get3A_38, %dot_general3A_39 {dimension_numbers = #tpu.dot_dimension_numbers<[1], [0], [0], [1], [0, 0, 1, 1], [], []>, transpose_lhs_hint = false} : vector<1024x128xf32>, vector<128x128xf32>, vector<1024x128xf32> -> vector<1024x128xf32>
    %swap3A_41 = arith.constant 0 : index
    %swap3A_42 = arith.constant 0 : index
    %swap3A_43 = vector.load %arg8[%swap3A_41, %swap3A_42] : memref<1024x128xf32, #tpu.memory_space<vmem>>, vector<1024x128xf32>
    tpu.vector_store %arg8[%swap3A_41, %swap3A_42], %dot_general3A_40 {strides = array<i32>} : memref<1024x128xf32, #tpu.memory_space<vmem>>, vector<1024x128xf32>,
    return
  }
  func.func @transform_0(%arg0: i32) -> (i32, i32) {
    %c0_i32 = arith.constant 0 : i32
    %c0_i32_0 = arith.constant 0 : i32
    return %arg0, %c0_i32 : i32, i32
  }
  func.func @transform_1(%arg0: i32) -> (i32, i32, i32) {
    %c0_i32 = arith.constant 0 : i32
    %c0_i32_0 = arith.constant 0 : i32
    %c0_i32_1 = arith.constant 0 : i32
    return %c0_i32, %arg0, %c0_i32_0 : i32, i32, i32
  }
  func.func @transform_2(%arg0: i32) -> (i32, i32) {
    %c0_i32 = arith.constant 0 : i32
    %c0_i32_0 = arith.constant 0 : i32
    return %arg0, %c0_i32 : i32, i32
  }
  func.func @transform_3(%arg0: i32) -> (i32, i32) {
    %c0_i32 = arith.constant 0 : i32
    %c0_i32_0 = arith.constant 0 : i32
    %c0_i32_1 = arith.constant 0 : i32
    return %c0_i32, %c0_i32_0 : i32, i32
  }
  func.func @transform_4(%arg0: i32) -> (i32, i32) {
    %c0_i32 = arith.constant 0 : i32
    %c0_i32_0 = arith.constant 0 : i32
    %c0_i32_1 = arith.constant 0 : i32
    return %c0_i32, %c0_i32_0 : i32, i32
  }
  func.func @transform_5(%arg0: i32) -> (i32, i32) {
    %c0_i32 = arith.constant 0 : i32
    %c0_i32_0 = arith.constant 0 : i32
    %c0_i32_1 = arith.constant 0 : i32
    return %c0_i32, %c0_i32_0 : i32, i32
  }
  func.func @transform_6(%arg0: i32) -> (i32, i32) {
    %c0_i32 = arith.constant 0 : i32
    %c0_i32_0 = arith.constant 0 : i32
    return %arg0, %c0_i32 : i32, i32
  }
  func.func @transform_7(%arg0: i32) -> (i32, i32) {
    %c0_i32 = arith.constant 0 : i32
    %c0_i32_0 = arith.constant 0 : i32
    return %arg0, %c0_i32 : i32, i32
  }
}

module attributes {stable_mosaic.version = 14 : i64} {
  func.func @_mm_body(%arg0: i32, %arg1: memref<1024x128xf32, #tpu.memory_space<vmem>>, %arg2: memref<128x128xf32, #tpu.memory_space<vmem>>, %arg3: memref<1024x128xf32, #tpu.memory_space<vmem>>) attributes {dimension_semantics = [#tpu.dimension_semantics<arbitrary>], iteration_bounds = array<i64: 10>, scalar_prefetch = 0 : i64, scratch_operands = 0 : i64, tpu.core_type = #tpu.core_type<tc>, window_params = [{transform_indices = @transform_0, window_bounds = array<i64: 1024, 128>}, {pipeline_mode = #tpu.pipeline_mode<synchronous>, transform_indices = @transform_1, window_bounds = array<i64: 128, 128>}, {transform_indices = @transform_2, window_bounds = array<i64: 1024, 128>}]} {
    %get3A = arith.constant 0 : index
    %get3A_0 = arith.constant 0 : index
    %get3A_1 = vector.load %arg1[%get3A, %get3A_0] : memref<1024x128xf32, #tpu.memory_space<vmem>>, vector<1024x128xf32>
    %get3A_2 = arith.constant 0 : index
    %get3A_3 = arith.constant 0 : index
    %get3A_4 = vector.load %arg2[%get3A_2, %get3A_3] : memref<128x128xf32, #tpu.memory_space<vmem>>, vector<128x128xf32>
    %dot_general3A = arith.constant dense<0.000000e+00> : vector<1024x128xf32>
    %dot_general3A_5 = tpu.matmul %get3A_1, %get3A_4, %dot_general3A {dimension_numbers = #tpu.dot_dimension_numbers<[1], [0], [0], [1], [0, 0, 1, 1], [], []>, transpose_lhs_hint = false} : vector<1024x128xf32>, vector<128x128xf32>, vector<1024x128xf32> -> vector<1024x128xf32>
    %swap3A = arith.constant 0 : index
    %swap3A_6 = arith.constant 0 : index
    %swap3A_7 = vector.load %arg3[%swap3A, %swap3A_6] : memref<1024x128xf32, #tpu.memory_space<vmem>>, vector<1024x128xf32>
    tpu.vector_store %arg3[%swap3A, %swap3A_6], %dot_general3A_5 {strides = array<i32>} : memref<1024x128xf32, #tpu.memory_space<vmem>>, vector<1024x128xf32>,
    return
  }
  func.func @transform_0(%arg0: i32) -> (i32, i32) {
    %c0_i32 = arith.constant 0 : i32
    %c0_i32_0 = arith.constant 0 : i32
    return %arg0, %c0_i32 : i32, i32
  }
  func.func @transform_1(%arg0: i32) -> (i32, i32) {
    %c0_i32 = arith.constant 0 : i32
    %c0_i32_0 = arith.constant 0 : i32
    %c0_i32_1 = arith.constant 0 : i32
    return %c0_i32, %c0_i32_0 : i32, i32
  }
  func.func @transform_2(%arg0: i32) -> (i32, i32) {
    %c0_i32 = arith.constant 0 : i32
    %c0_i32_0 = arith.constant 0 : i32
    return %arg0, %c0_i32 : i32, i32
  }
}

module attributes {stable_mosaic.version = 14 : i64} {
  func.func @_final_body(%arg0: i32, %arg1: memref<1024x128xf32, #tpu.memory_space<vmem>>, %arg2: memref<2x1024x128xf32, #tpu.memory_space<vmem>>, %arg3: memref<1024x32xf32, #tpu.memory_space<vmem>>, %arg4: memref<128x128xf32, #tpu.memory_space<vmem>>, %arg5: memref<1x128xf32, #tpu.memory_space<vmem>>, %arg6: memref<1024x128xf32, #tpu.memory_space<vmem>>) attributes {dimension_semantics = [#tpu.dimension_semantics<arbitrary>], iteration_bounds = array<i64: 10>, scalar_prefetch = 0 : i64, scratch_operands = 0 : i64, tpu.core_type = #tpu.core_type<tc>, window_params = [{transform_indices = @transform_0, window_bounds = array<i64: 1024, 128>}, {transform_indices = @transform_1, window_bounds = array<i64: 2, 1024, 128>}, {transform_indices = @transform_2, window_bounds = array<i64: 1024, 32>}, {pipeline_mode = #tpu.pipeline_mode<synchronous>, transform_indices = @transform_3, window_bounds = array<i64: 128, 128>}, {pipeline_mode = #tpu.pipeline_mode<synchronous>, transform_indices = @transform_4, window_bounds = array<i64: 1, 128>}, {transform_indices = @transform_5, window_bounds = array<i64: 1024, 128>}]} {
    %get3A = arith.constant 0 : index
    %get3A_0 = arith.constant 0 : index
    %get3A_1 = vector.load %arg3[%get3A, %get3A_0] : memref<1024x32xf32, #tpu.memory_space<vmem>>, vector<1024x32xf32>
    %reduce_sum3A = arith.constant dense<0.000000e+00> : vector<1024xf32>
    %reduce_sum3A_2 = vector.multi_reduction <add>, %get3A_1, %reduce_sum3A [1] : vector<1024x32xf32> to vector<1024xf32>
    %broadcast_in_dim3A = vector.shape_cast %reduce_sum3A_2 : vector<1024xf32> to vector<1024x1xf32>
    %max3A = arith.constant 1.000000e+00 : f32
    %max3A_3 = vector.broadcast %max3A : f32 to vector<1024x1xf32>
    %max3A_4 = arith.maximumf %broadcast_in_dim3A, %max3A_3 : vector<1024x1xf32>
    %div3A = arith.constant 1.000000e+00 : f32
    %div3A_5 = vector.broadcast %div3A : f32 to vector<1024x1xf32>
    %div3A_6 = arith.divf %div3A_5, %max3A_4 : vector<1024x1xf32>
    %get3A_7 = arith.constant 0 : index
    %get3A_8 = arith.constant 0 : index
    %get3A_9 = arith.constant 0 : index
    %get3A_10 = vector.load %arg2[%get3A_7, %get3A_8, %get3A_9] : memref<2x1024x128xf32, #tpu.memory_space<vmem>>, vector<1x1024x128xf32>
    %get3A_11 = vector.shape_cast %get3A_10 : vector<1x1024x128xf32> to vector<1024x128xf32>
    %get3A_12 = arith.constant 1 : index
    %get3A_13 = arith.constant 0 : index
    %get3A_14 = arith.constant 0 : index
    %get3A_15 = vector.load %arg2[%get3A_12, %get3A_13, %get3A_14] : memref<2x1024x128xf32, #tpu.memory_space<vmem>>, vector<1x1024x128xf32>
    %get3A_16 = vector.shape_cast %get3A_15 : vector<1x1024x128xf32> to vector<1024x128xf32>
    %add3A = arith.addf %get3A_11, %get3A_16 : vector<1024x128xf32>
    %mul3A = vector.broadcast %div3A_6 : vector<1024x1xf32> to vector<1024x128xf32>
    %mul3A_17 = arith.mulf %add3A, %mul3A : vector<1024x128xf32>
    %get3A_18 = arith.constant 0 : index
    %get3A_19 = arith.constant 0 : index
    %get3A_20 = vector.load %arg1[%get3A_18, %get3A_19] : memref<1024x128xf32, #tpu.memory_space<vmem>>, vector<1024x128xf32>
    %get3A_21 = arith.constant 0 : index
    %get3A_22 = arith.constant 0 : index
    %get3A_23 = vector.load %arg4[%get3A_21, %get3A_22] : memref<128x128xf32, #tpu.memory_space<vmem>>, vector<128x128xf32>
    %dot_general3A = arith.constant dense<0.000000e+00> : vector<1024x128xf32>
    %dot_general3A_24 = tpu.matmul %get3A_20, %get3A_23, %dot_general3A {dimension_numbers = #tpu.dot_dimension_numbers<[1], [0], [0], [1], [0, 0, 1, 1], [], []>, transpose_lhs_hint = false} : vector<1024x128xf32>, vector<128x128xf32>, vector<1024x128xf32> -> vector<1024x128xf32>
    %get3A_25 = arith.constant 0 : index
    %get3A_26 = arith.constant 0 : index
    %get3A_27 = vector.load %arg5[%get3A_25, %get3A_26] : memref<1x128xf32, #tpu.memory_space<vmem>>, vector<1x128xf32>
    %add3A_28 = vector.broadcast %get3A_27 : vector<1x128xf32> to vector<1024x128xf32>
    %add3A_29 = arith.addf %dot_general3A_24, %add3A_28 : vector<1024x128xf32>
    %add3A_30 = arith.addf %add3A_29, %mul3A_17 : vector<1024x128xf32>
    %swap3A = arith.constant 0 : index
    %swap3A_31 = arith.constant 0 : index
    %swap3A_32 = vector.load %arg6[%swap3A, %swap3A_31] : memref<1024x128xf32, #tpu.memory_space<vmem>>, vector<1024x128xf32>
    tpu.vector_store %arg6[%swap3A, %swap3A_31], %add3A_30 {strides = array<i32>} : memref<1024x128xf32, #tpu.memory_space<vmem>>, vector<1024x128xf32>,
    return
  }
  func.func @transform_0(%arg0: i32) -> (i32, i32) {
    %c0_i32 = arith.constant 0 : i32
    %c0_i32_0 = arith.constant 0 : i32
    return %arg0, %c0_i32 : i32, i32
  }
  func.func @transform_1(%arg0: i32) -> (i32, i32, i32) {
    %c0_i32 = arith.constant 0 : i32
    %c0_i32_0 = arith.constant 0 : i32
    %c0_i32_1 = arith.constant 0 : i32
    return %c0_i32, %arg0, %c0_i32_0 : i32, i32, i32
  }
  func.func @transform_2(%arg0: i32) -> (i32, i32) {
    %c0_i32 = arith.constant 0 : i32
    %c0_i32_0 = arith.constant 0 : i32
    return %arg0, %c0_i32 : i32, i32
  }
  func.func @transform_3(%arg0: i32) -> (i32, i32) {
    %c0_i32 = arith.constant 0 : i32
    %c0_i32_0 = arith.constant 0 : i32
    %c0_i32_1 = arith.constant 0 : i32
    return %c0_i32, %c0_i32_0 : i32, i32
  }
  func.func @transform_4(%arg0: i32) -> (i32, i32) {
    %c0_i32 = arith.constant 0 : i32
    %c0_i32_0 = arith.constant 0 : i32
    %c0_i32_1 = arith.constant 0 : i32
    return %c0_i32, %c0_i32_0 : i32, i32
  }
  func.func @transform_5(%arg0: i32) -> (i32, i32) {
    %c0_i32 = arith.constant 0 : i32
    %c0_i32_0 = arith.constant 0 : i32
    return %arg0, %c0_i32 : i32, i32
  }
}

</mosaic_0001>

<sc_bundles>
// kernel: kernel.10.cloned.1.call-start
scs
__scs_entry_jumppad:
0x0: {  	(pc) =	sbr.rel $0x88, $3  }
0x1: {  	(tag) =	ssettag $0x0;
	lr =	simm.s32 $0x1  }
0x2: {  	[smem:$0x3F96] =	sst lr;
	_ =	strace $0xD0000000  }
0x3: {  	_ = 	snop  }
0x4: {  	_ = 	snop  }
0x5: {  	_ = 	snop  }
0x6: {  	_ = 	snop  }
0x7: {  	_ = 	snop  }
__scs_overlays_trampoline_lowered:
0x8: {  	[smem:$0x3FA5] =	sst s0  }
0x9: {  	[smem:$0x3FA6] =	sst s1  }
0xa: {  	[smem:$0x3FA7] =	sst s2  }
0xb: {  	[smem:$0x3FA8] =	sst s3  }
0xc: {  	[smem:$0x3FA9] =	sst s4  }
0xd: {  	[smem:$0x3FAA] =	sst s5  }
0xe: {  	[smem:$0x3FAB] =	sst s6  }
0xf: {  	[smem:$0x3FAC] =	sst s7  }
0x10: {  	[smem:$0x3FAD] =	sst s8  }
0x11: {  	[smem:$0x3FAE] =	sst s9;
	s0 =	simm.s32 @!p0 $0x0  }
0x12: {  	s1 =	sld [smem:$0x3F94];
	s0 =	simm.s32 @p0 $0x1  }
0x13: {  	[smem:$0x3FAF] =	sst s0;
	s0 =	simm.s32 @!p1 $0x0  }
0x14: {  	s2 =	sld [smem:$0x3F93];
	s0 =	simm.s32 @p1 $0x1  }
0x15: {  	[smem:$0x3FB0] =	sst s0;
	s0 =	simm.s32 @!p2 $0x0  }
0x16: {  	s3 =	sld [smem:$0x3FDB];
	s0 =	simm.s32 @p2 $0x1  }
0x17: {  	s4 =	simm.s32 $0x1BF5;
	[smem:$0x3FB2] =	sst s0  }
0x18: {  	s0 =	sld [smem:$0x3F95];
	_ =	swait.ge [sflag:s4], $0x0  }
0x19: {  	s7 =	sld [smem:$0x3F96]  }
0x1a: {  	s8 =	sadd.s32 $0xFFFFE003, lr  }
0x1b: {  	s9 =	sadd.s32 $0xFFFFFEF7, lr;
	s5 =	simm.s32 $0xFFFFFFFF;
	p2 =	slt.u32 s8, $0xFFFFF086  }
0x1c: {  	p1 =	slt.u32 s9, $0xF7A;
	s5 =	simm.s32 @!p2 $0x0  }
0x1d: {  	s5 =	simm.s32 @p1 $0x1;
	p0 =	seq.s32 s7, s2  }
0x1e: {  	s7 =	smul.u32 @!p0 $0xF7A, s2;
	p2 =	seq.s32 @!p0 s5, $0x0  }
0x1f: {  	s9 =	smul.u32 $0xF7A, s1;
	s8 =	simm.s32 @!p0 $0x1BF5;
	p2 =	por !p2, p0  }
0x20: {  	[sflag:s8] =	ssyncset.s32 @!p0 $0xFFFFF086;
	s6 =	sadd.s32 @!p0 s3, s7;
	s7 =	simm.s32 @!p0 $0x108  }
0x21: {  	s3 =	sadd.s32 s3, s9;
	s6 =	sadd.s32 @!p0 $0x88, s6;
	s7 =	simm.s32 @p2 $0x1082  }
0x22: {  	[simem:s7], [sflag:s8] =	dma.local @!p0 [hbm:s6], $0xF7A  }
0x23: {  	s9 =	sor.u32 $0xD0000000, s2;
	s6 =	simm.s32 $0x108;
	_ =	swait.ge @!p0 [sflag:s8], $0x0  }
0x24: {  	s3 =	sadd.s32 $0x88, s3;
	s6 =	simm.s32 @!p1 $0x1082;
	[sflag:s4] =	ssyncset.s32 $0xFFFFF086  }
0x25: {  	[simem:s6], [sflag:s4] =	dma.local [hbm:s3], $0xF7A  }
0x26: {  	[smem:$0x3F96] =	sst s1;
	(tag) =	ssettag s2;
	_ =	strace s9  }
0x27: {  	s1 =	sld [smem:$0x3FA6]  }
0x28: {  	s2 =	sld [smem:$0x3FA7]  }
0x29: {  	s4 =	sld [smem:$0x3FA9]  }
0x2a: {  	p0 =	seq.s32 s5, $0x0;
	s5 =	sld [smem:$0x3FAA]  }
0x2b: {  	s6 =	sld [smem:$0x3FAB]  }
0x2c: {  	s7 =	sld [smem:$0x3FAC]  }
0x2d: {  	s3 =	simm.s32 $0x108;
	s8 =	sld [smem:$0x3FAD]  }
0x2e: {  	s3 =	simm.s32 @!p0 $0x1082;
	s9 =	sld [smem:$0x3FAE]  }
0x2f: {  	lr =	sadd.s32 s0, s3;
	s0 =	sld [smem:$0x3FA5]  }
0x30: {  	s3 =	sld [smem:$0x3FA8]  }
0x31: {  	[smem:$0x3FB1] =	sst s10  }
0x32: {  	s10 =	sld [smem:$0x3FAF];
	_ =	sdelay $0x3  }
0x33: {  	p0 =	seq.s32 s10, $0x1;
	s10 =	sld [smem:$0x3FB1];
	_ =	sdelay $0x3  }
0x34: {  	[smem:$0x3FB1] =	sst s10  }
0x35: {  	s10 =	sld [smem:$0x3FB0];
	_ =	sdelay $0x3  }
0x36: {  	p1 =	seq.s32 s10, $0x1;
	s10 =	sld [smem:$0x3FB1];
	_ =	sdelay $0x3  }
0x37: {  	[smem:$0x3FB1] =	sst s10  }
0x38: {  	s10 =	sld [smem:$0x3FB2]  }
0x39: {  	_ = 	snop;
	(pc) =	sbr.ind lr, $3  }
0x3a: {  	_ = 	snop  }
0x3b: {  	_ = 	snop  }
0x3c: {  	p2 =	seq.s32 s10, $0x1;
	s10 =	sld [smem:$0x3FB1]  }
0x3d: {  	_ =	shalt  }
0x3e: {  	_ =	shalt  }
0x3f: {  	_ =	shalt  }
0x40: {  	_ =	shalt  }
0x41: {  	_ =	shalt  }
0x42: {  	_ =	shalt  }
0x43: {  	_ =	shalt  }
0x44: {  	_ =	shalt  }
0x45: {  	_ =	shalt  }
0x46: {  	_ =	shalt  }
0x47: {  	_ =	shalt  }
0x48: {  	_ =	shalt  }
0x49: {  	_ =	shalt  }
0x4a: {  	_ =	shalt  }
0x4b: {  	_ =	shalt  }
0x4c: {  	_ =	shalt  }
0x4d: {  	_ =	shalt  }
0x4e: {  	_ =	shalt  }
0x4f: {  	_ =	shalt  }
0x50: {  	_ =	shalt  }
0x51: {  	_ =	shalt  }
0x52: {  	_ =	shalt  }
0x53: {  	_ =	shalt  }
0x54: {  	_ =	shalt  }
0x55: {  	_ =	shalt  }
0x56: {  	_ =	shalt  }
0x57: {  	_ =	shalt  }
0x58: {  	_ =	shalt  }
0x59: {  	_ =	shalt  }
0x5a: {  	_ =	shalt  }
0x5b: {  	_ =	shalt  }
0x5c: {  	_ =	shalt  }
0x5d: {  	_ =	shalt  }
0x5e: {  	_ =	shalt  }
0x5f: {  	_ =	shalt  }
0x60: {  	_ =	shalt  }
0x61: {  	_ =	shalt  }
0x62: {  	_ =	shalt  }
0x63: {  	_ =	shalt  }
0x64: {  	_ =	shalt  }
0x65: {  	_ =	shalt  }
0x66: {  	_ =	shalt  }
0x67: {  	_ =	shalt  }
0x68: {  	_ =	shalt  }
0x69: {  	_ =	shalt  }
0x6a: {  	_ =	shalt  }
0x6b: {  	_ =	shalt  }
0x6c: {  	_ =	shalt  }
0x6d: {  	_ =	shalt  }
0x6e: {  	_ =	shalt  }
0x6f: {  	_ =	shalt  }
0x70: {  	_ =	shalt  }
0x71: {  	_ =	shalt  }
0x72: {  	_ =	shalt  }
0x73: {  	_ =	shalt  }
0x74: {  	_ =	shalt  }
0x75: {  	_ =	shalt  }
0x76: {  	_ =	shalt  }
0x77: {  	_ =	shalt  }
0x78: {  	_ =	shalt  }
0x79: {  	_ =	shalt  }
0x7a: {  	_ =	shalt  }
0x7b: {  	_ =	shalt  }
0x7c: {  	_ =	shalt  }
0x7d: {  	_ =	shalt  }
0x7e: {  	_ =	shalt  }
0x7f: {  	_ =	shalt  }
0x80: {  	_ =	shalt  }
0x81: {  	_ =	shalt  }
0x82: {  	_ =	shalt  }
0x83: {  	_ =	shalt  }
0x84: {  	_ =	shalt  }
0x85: {  	_ =	shalt  }
0x86: {  	_ =	shalt  }
0x87: {  	_ =	shalt  }
.Lfunc_end0:
.L_simem_size_0:
called_computation_lowered:
.L_overlay_start_0:
0x88: {  	s2 =	sld [smem:$0x3FD9]  }
0x89: {  	s3 =	sld [smem:$0x3FFE];
	_ =	sdelay $0x1  }
0x8a: {  	s1 =	srdreg.scid  }
0x8b: {  	s0 =	sand.u32 $0x1, s1  }
0x8c: {  	s16 =	sshll.u32 s0, $0xA;
	s2 =	sadd.s32 s3, s2  }
0x8d: {  	s2 =	sadd.s32 s2, s16  }
0x8e: {  	[smem:$0x3FBD] =	sst s2  }
0x8f: {  	_ = 	snop  }
0x90: {  	(tm) =	ssettm $0x1  }
0x91: {  	s17 =	sld [smem:$0x3FFB];
	_ =	sdelay $0x3  }
0x92: {  	_ =	strace s17  }
0x93: {  	s2 =	sld [smem:$0x3FFC];
	_ =	sdelay $0x3  }
0x94: {  	_ =	strace s2  }
0x95: {  	s2 =	sld [smem:$0x3FFD];
	_ =	sdelay $0x3  }
0x96: {  	_ =	strace s2  }
0x97: {  	_ =	strace $0x8FFFFFFF  }
0x98: {  	s18 =	sld [smem:$0x3FDB];
	_ =	sdelay $0x1  }
0x99: {  	s19 =	simm.s32 $_scs_section_size  }
0x9a: {  	s4 =	simm.s32 $_size__tile_overlayer_lowered;
	s5 =	simm.s32 $_tile_overlayer_lowered  }
0x9b: {  	s22 =	simm.s32 $0x1BFF;
	s21 =	sshll.u32 s5, $0x1;
	s2 =	sadd.s32 s19, s18  }
0x9c: {  	s6 =	simm.s32 $0x0;
	s20 =	sshll.u32 s4, $0x1;
	s4 =	sadd.s32 s21, s2  }
0x9d: {  	[timem:s6], [sflag:s22] =	dma.local [hbm:s4], s20  }
0x9e: {  	_ =	swait.ge [sflag:s22], s20  }
0x9f: {  	s3 =	ssub.s32 $0x0, s20;
	[sflag:s22] =	ssyncset.done $0x0  }
0xa0: {  	[sflag:s22] =	ssyncadd.s32 s3;
	_ =	sdelay $0x1  }
0xa1: {  	s23 =	simm.s32 $0x1B8B  }
0xa2: {  	_ =	swait.ge [sflag:s23], $0x1  }
0xa3: {  	[sflag:s23] =	ssyncset.done $0x0  }
0xa4: {  	s25 =	simm.s32 $0x1B8E;
	s24 =	sld [smem:$0x3FFE];
	[sflag:s23] =	ssyncadd.s32 $0xFFFFFFFF  }
0xa5: {  	s26 =	simm.s32 $execute0_lowered;
	[smem:$0x3FD2] =	sst s25  }
0xa6: {  	s4 =	sshll.u32 s26, $0x1;
	_ =	strace $0x80000046;
	[dreg:$0x1] =	wrdreg $0xFFFFFFFF  }
0xa7: {  	s28 =	simm.s32 $_size_execute0_lowered;
	s2 =	sadd.s32 s2, s4;
	[dreg:$0x0] =	wrdreg $0x0  }
0xa8: {  	s4 =	sshll.u32 s28, $0x1;
	[dreg:$0x2] =	wrdreg s2  }
0xa9: {  	[dreg:$0x3] =	wrdreg s4  }
0xaa: {  	[dreg:$0x4] =	wrdreg $0xC0  }
0xab: {  	_ =	task [dreg:s6], $0x5FFFF  }
0xac: {  	[dreg:$0x1] =	wrdreg $0xFFFFFFFF  }
0xad: {  	[dreg:$0x0] =	wrdreg $0x60  }
0xae: {  	[dreg:$0x2] =	wrdreg s24  }
0xaf: {  	[dreg:$0x3] =	wrdreg $0x9  }
0xb0: {  	_ =	task.clear_ibuf [dreg:s6], $0x4FFFF;
	_ =	strace $0x90000046  }
0xb1: {  	s29 =	simm.s32 $0x9;
	_ =	strace $0x80000048  }
0xb2: {  	_ =	swait.ge [sflag:s29], $0x1  }
0xb3: {  	[sflag:s29] =	ssyncadd.s32 $0xFFFFFFFF  }
0xb4: {  	_ =	strace $0x90000048  }
0xb5: {  	_ =	sfence  }
0xb6: {  	s30 =	sld [smem:$0x0];
	_ =	sdelay $0x2  }
0xb7: {  	s31 =	sshll.u32 s1, $0xD;
	s1 =	sshrl.u32 s1, $0x2  }
0xb8: {  	s3 =	sand.u32 $0x4000, s31;
	s1 =	sadd.s32 s1, s30  }
0xb9: {  	s0 =	sor.u32 s3, s0;
	s1 =	sshll.u32 s1, $0x11  }
0xba: {  	s0 =	sor.u32 s1, s0  }
0xbb: {  	s0 =	sadd.s32 $0x8F2B, s0  }
0xbc: {  	[sflag:s0] =	ssyncadd.remote.s32 $0x1  }
0xbd: {  	_ =	sfence.sel $0xFFFF  }
0xbe: {  	[dreg:$0x0] =	wrdreg $0xFFFFFFFF;
	(pc) =	sbr.abs _section_cstart, $3  }
0xbf: {  	[dreg:$0x1] =	wrdreg $0xFFFFFFFF  }
0xc0: {  	_ =	task.clear_ibuf [dreg:s6], $0x2FFFF;
	_ =	strace $0x9FFFFFFF  }
0xc1: {  	(tm) =	ssettm $0x7FFFFFFF  }
tec
execute0_lowered:
.L_overlay_start_1:
0x0: {  	(tag) =	ssettag $0x1  }
0x1: {  	s3 =	rddreg [dreg:$0x0]  }
0x2: {  	s0 =	rddreg [dreg:$0x1];
	s2 =	srdreg.scid  }
0x3: {  	s1 =	stileid.u32;
	s8 =	simm.s32 $0x80;
	s9 =	simm.s32 $0x400  }
0x4: {  	s4 =	sand.u32 $0x1, s2;
	s5 =	sshll.u32 s1, $0x1;
	s6 =	sshrl.u32 s1, $0x2  }
0x5: {  	s2 =	simm.s32 $0x0;
	s5 =	sor.u32 s4, s5;
	s6 =	smul.u32 $0x14000, s6  }
0x6: {  	[smem:$0x7FF] =	sst s2;
	s7 =	sshll.u32 s5, $0x7;
	s5 =	smul.u32 $0x2710, s5  }
0x7: {  	s4 =	ssub.s32 $0x2, s4;
	_ =	strace $0x80000047;
	s7 =	sand.u32 $0x380, s7  }
0x8: {  	s31 =	sshrl.u32 s4, $0x1;
	s6 =	sor.u32 s6, s7;
	s5 =	sshrl.u32 s5, $0x3  }
0x9: {  	s7 =	ssub.s32 s4, s31;
	s6 =	sshrl.u32 s6, $0x3;
	s5 =	sadd.s32 s3, s5  }
0xa: {  	s6 =	sadd.s32 s6, s3;
	s3 =	sadd.s32 $0xD240, s5;
	s5 =	smax.u32 s7, $0x1  }
0xb: {  	v0 =	vimm.f32 $0.0e+00;
	v1 =	vimm.f32 $1.000000000e+00;
	s7 =	simm.s32 $0x2780;
	s4 =	sadd.s32 $0x17000, s6;
	s6 =	simm.s32 $0x1  }
.LBB2_1:
0xc: {  	s10 =	simm.s32 $0x40;
	s11 =	simm.s32 $0x0  }
.LBB2_2:
0xd: {  	p0 =	sne.s32 s10, $0x9FC0;
	[tilespmem:s11+$0x2780] =	vst v0;
	s11 =	smov.u32 s10;
	s10 =	sadd.s32 $0x40, s10  }
.Ltmp0:
0xe: {  	(pc) =	sbr.rel @p0 .LBB2_2-.Ltmp0, $2  }
0xf: {  	_ =	sdelay $0x2  }
0x10: {  	s11 =	sshra.s32 s11, $0x2  }
0x11: {  	[tilespmem:s11+$0x2780] =	vst v0;
	s10 =	simm.s32 $0x0  }
0x12: {  	[tilespmem:s10], [sflag:$0x1] =	stream.linear.gather [hbm4b:s3+s10], $0x2710, $0x38;
	[tilespmem:$0x4F80] =	vst v63  }
0x13: {  	_ =	swait.ge [sflag:s6], $0x2710  }
0x14: {  	[sflag:s6] =	ssyncset.done $0x0  }
0x15: {  	s11 =	simm.s32 $0x0;
	s10 =	simm.s32 $0x40;
	[sflag:s6] =	ssyncadd.s32 $0xFFFFD8F0  }
.LBB2_4:
0x16: {  	p0 =	sne.s32 s10, $0x9C00;
	v2 =	vld [tilespmem:s11+$0x0];
	_ =	sdelay $0x3  }
.Ltmp1:
0x17: {  	(pc) =	sbr.rel @p0 .LBB2_4-.Ltmp1, $2  }
0x18: {  	_ =	sdelay $0x2  }
0x19: {  	s11 =	sshra.s32 s10, $0x2;
	s10 =	sadd.s32 $0x40, s10;
	[tilespmem:v2+s7+$0x0] =	vst.idx.add.f32.msk $0xffff, v1  }
0x1a: {  	v2 =	vld [tilespmem:s11+$0x0];
	_ =	sdelay $0x5  }
0x1b: {  	s2 =	sadd.s32 $0x1, s2  }
0x1c: {  	p0 =	sne.s32 s2, s5  }
.Ltmp2:
0x1d: {  	[tilespmem:v2+s7+$0x0] =	vst.idx.add.f32.msk $0xffff, v1;
	(pc) =	sbr.rel @p0 .LBB2_1-.Ltmp2, $4  }
0x1e: {  	[hbm4b:s4+s8] =	stream.strided.scatter [tilespmem:s7], [sflag:$0x1], $0x2800, s9, s8, $0x38;
	[tilespmem:$0x4F80] =	vst v63  }
0x1f: {  	_ =	swait.ge [sflag:s6], $0x2800  }
0x20: {  	[sflag:s6] =	ssyncset.done $0x0  }
0x21: {  	[sflag:s6] =	ssyncadd.s32 $0xFFFFD800  }
0x22: {  	_ =	sfence.sel $0x180000  }
0x23: {  	[bflag:$0x0] =	sbarrier.arrive $0xFFFF  }
0x24: {  	p0 =	sne.s32 s1, $0x0;
	_ =	strace $0x90000047  }
0x25: {  	s0 =	sadd.s32 @!p0 $0x100000, s0;
	[bflag:$0x2] =	sbarrier.arrive $0xFFFF  }
0x26: {  	[sflag:s0] =	ssyncadd.tile.s32 @!p0 $0x1;
	_ =	shalt  }
.Lfunc_end2:
_tile_overlayer_lowered:
.L_overlay_start_2:
0x27: {  	(tag) =	ssettag $0x2  }
0x28: {  	s0 =	rddreg [dreg:$0x0];
	s2 =	stileid.u32  }
0x29: {  	s1 =	rddreg [dreg:$0x1];
	p0 =	sne.s32 s2, $0x0  }
0x2a: {  	s3 =	rddreg [dreg:$0x2];
	[bflag:$0x3] =	sbarrier.arrive $0xFFFF;
	s2 =	simm.s32 @!p0 $0x1C01  }
0x2b: {  	[timem:s3], [sflag:s2] =	dma.local @!p0 [hbm:s0], s1  }
0x2c: {  	s0 =	simm.s32 @!p0 $0x1  }
0x2d: {  	_ =	swait.ge @!p0 [sflag:s0], s1  }
0x2e: {  	s1 =	ssub.s32 @!p0 $0x0, s1;
	[sflag:s0] =	ssyncset.done @!p0 $0x0  }
0x2f: {  	[sflag:s0] =	ssyncadd.s32 @!p0 s1  }
0x30: {  	[bflag:$0x3] =	sbarrier.arrive $0xFFFF  }
0x31: {  	_ =	shalt  }

// kernel: kernel.13.cloned.1.call-start
scs
__scs_entry_jumppad:
0x0: {  	(pc) =	sbr.rel $0x88, $3  }
0x1: {  	(tag) =	ssettag $0x0;
	lr =	simm.s32 $0x1  }
0x2: {  	[smem:$0x3F96] =	sst lr;
	_ =	strace $0xD0000000  }
0x3: {  	_ = 	snop  }
0x4: {  	_ = 	snop  }
0x5: {  	_ = 	snop  }
0x6: {  	_ = 	snop  }
0x7: {  	_ = 	snop  }
__scs_overlays_trampoline_lowered:
0x8: {  	[smem:$0x3FA5] =	sst s0  }
0x9: {  	[smem:$0x3FA6] =	sst s1  }
0xa: {  	[smem:$0x3FA7] =	sst s2  }
0xb: {  	[smem:$0x3FA8] =	sst s3  }
0xc: {  	[smem:$0x3FA9] =	sst s4  }
0xd: {  	[smem:$0x3FAA] =	sst s5  }
0xe: {  	[smem:$0x3FAB] =	sst s6  }
0xf: {  	[smem:$0x3FAC] =	sst s7  }
0x10: {  	[smem:$0x3FAD] =	sst s8  }
0x11: {  	[smem:$0x3FAE] =	sst s9;
	s0 =	simm.s32 @!p0 $0x0  }
0x12: {  	s1 =	sld [smem:$0x3F94];
	s0 =	simm.s32 @p0 $0x1  }
0x13: {  	[smem:$0x3FAF] =	sst s0;
	s0 =	simm.s32 @!p1 $0x0  }
0x14: {  	s2 =	sld [smem:$0x3F93];
	s0 =	simm.s32 @p1 $0x1  }
0x15: {  	[smem:$0x3FB0] =	sst s0;
	s0 =	simm.s32 @!p2 $0x0  }
0x16: {  	s3 =	sld [smem:$0x3FDB];
	s0 =	simm.s32 @p2 $0x1  }
0x17: {  	s4 =	simm.s32 $0x1BF5;
	[smem:$0x3FB2] =	sst s0  }
0x18: {  	s0 =	sld [smem:$0x3F95];
	_ =	swait.ge [sflag:s4], $0x0  }
0x19: {  	s7 =	sld [smem:$0x3F96]  }
0x1a: {  	s8 =	sadd.s32 $0xFFFFE003, lr  }
0x1b: {  	s9 =	sadd.s32 $0xFFFFFEF7, lr;
	s5 =	simm.s32 $0xFFFFFFFF;
	p2 =	slt.u32 s8, $0xFFFFF086  }
0x1c: {  	p1 =	slt.u32 s9, $0xF7A;
	s5 =	simm.s32 @!p2 $0x0  }
0x1d: {  	s5 =	simm.s32 @p1 $0x1;
	p0 =	seq.s32 s7, s2  }
0x1e: {  	s7 =	smul.u32 @!p0 $0xF7A, s2;
	p2 =	seq.s32 @!p0 s5, $0x0  }
0x1f: {  	s9 =	smul.u32 $0xF7A, s1;
	s8 =	simm.s32 @!p0 $0x1BF5;
	p2 =	por !p2, p0  }
0x20: {  	[sflag:s8] =	ssyncset.s32 @!p0 $0xFFFFF086;
	s6 =	sadd.s32 @!p0 s3, s7;
	s7 =	simm.s32 @!p0 $0x108  }
0x21: {  	s3 =	sadd.s32 s3, s9;
	s6 =	sadd.s32 @!p0 $0x88, s6;
	s7 =	simm.s32 @p2 $0x1082  }
0x22: {  	[simem:s7], [sflag:s8] =	dma.local @!p0 [hbm:s6], $0xF7A  }
0x23: {  	s9 =	sor.u32 $0xD0000000, s2;
	s6 =	simm.s32 $0x108;
	_ =	swait.ge @!p0 [sflag:s8], $0x0  }
0x24: {  	s3 =	sadd.s32 $0x88, s3;
	s6 =	simm.s32 @!p1 $0x1082;
	[sflag:s4] =	ssyncset.s32 $0xFFFFF086  }
0x25: {  	[simem:s6], [sflag:s4] =	dma.local [hbm:s3], $0xF7A  }
0x26: {  	[smem:$0x3F96] =	sst s1;
	(tag) =	ssettag s2;
	_ =	strace s9  }
0x27: {  	s1 =	sld [smem:$0x3FA6]  }
0x28: {  	s2 =	sld [smem:$0x3FA7]  }
0x29: {  	s4 =	sld [smem:$0x3FA9]  }
0x2a: {  	p0 =	seq.s32 s5, $0x0;
	s5 =	sld [smem:$0x3FAA]  }
0x2b: {  	s6 =	sld [smem:$0x3FAB]  }
0x2c: {  	s7 =	sld [smem:$0x3FAC]  }
0x2d: {  	s3 =	simm.s32 $0x108;
	s8 =	sld [smem:$0x3FAD]  }
0x2e: {  	s3 =	simm.s32 @!p0 $0x1082;
	s9 =	sld [smem:$0x3FAE]  }
0x2f: {  	lr =	sadd.s32 s0, s3;
	s0 =	sld [smem:$0x3FA5]  }
0x30: {  	s3 =	sld [smem:$0x3FA8]  }
0x31: {  	[smem:$0x3FB1] =	sst s10  }
0x32: {  	s10 =	sld [smem:$0x3FAF];
	_ =	sdelay $0x3  }
0x33: {  	p0 =	seq.s32 s10, $0x1;
	s10 =	sld [smem:$0x3FB1];
	_ =	sdelay $0x3  }
0x34: {  	[smem:$0x3FB1] =	sst s10  }
0x35: {  	s10 =	sld [smem:$0x3FB0];
	_ =	sdelay $0x3  }
0x36: {  	p1 =	seq.s32 s10, $0x1;
	s10 =	sld [smem:$0x3FB1];
	_ =	sdelay $0x3  }
0x37: {  	[smem:$0x3FB1] =	sst s10  }
0x38: {  	s10 =	sld [smem:$0x3FB2]  }
0x39: {  	_ = 	snop;
	(pc) =	sbr.ind lr, $3  }
0x3a: {  	_ = 	snop  }
0x3b: {  	_ = 	snop  }
0x3c: {  	p2 =	seq.s32 s10, $0x1;
	s10 =	sld [smem:$0x3FB1]  }
0x3d: {  	_ =	shalt  }
0x3e: {  	_ =	shalt  }
0x3f: {  	_ =	shalt  }
0x40: {  	_ =	shalt  }
0x41: {  	_ =	shalt  }
0x42: {  	_ =	shalt  }
0x43: {  	_ =	shalt  }
0x44: {  	_ =	shalt  }
0x45: {  	_ =	shalt  }
0x46: {  	_ =	shalt  }
0x47: {  	_ =	shalt  }
0x48: {  	_ =	shalt  }
0x49: {  	_ =	shalt  }
0x4a: {  	_ =	shalt  }
0x4b: {  	_ =	shalt  }
0x4c: {  	_ =	shalt  }
0x4d: {  	_ =	shalt  }
0x4e: {  	_ =	shalt  }
0x4f: {  	_ =	shalt  }
0x50: {  	_ =	shalt  }
0x51: {  	_ =	shalt  }
0x52: {  	_ =	shalt  }
0x53: {  	_ =	shalt  }
0x54: {  	_ =	shalt  }
0x55: {  	_ =	shalt  }
0x56: {  	_ =	shalt  }
0x57: {  	_ =	shalt  }
0x58: {  	_ =	shalt  }
0x59: {  	_ =	shalt  }
0x5a: {  	_ =	shalt  }
0x5b: {  	_ =	shalt  }
0x5c: {  	_ =	shalt  }
0x5d: {  	_ =	shalt  }
0x5e: {  	_ =	shalt  }
0x5f: {  	_ =	shalt  }
0x60: {  	_ =	shalt  }
0x61: {  	_ =	shalt  }
0x62: {  	_ =	shalt  }
0x63: {  	_ =	shalt  }
0x64: {  	_ =	shalt  }
0x65: {  	_ =	shalt  }
0x66: {  	_ =	shalt  }
0x67: {  	_ =	shalt  }
0x68: {  	_ =	shalt  }
0x69: {  	_ =	shalt  }
0x6a: {  	_ =	shalt  }
0x6b: {  	_ =	shalt  }
0x6c: {  	_ =	shalt  }
0x6d: {  	_ =	shalt  }
0x6e: {  	_ =	shalt  }
0x6f: {  	_ =	shalt  }
0x70: {  	_ =	shalt  }
0x71: {  	_ =	shalt  }
0x72: {  	_ =	shalt  }
0x73: {  	_ =	shalt  }
0x74: {  	_ =	shalt  }
0x75: {  	_ =	shalt  }
0x76: {  	_ =	shalt  }
0x77: {  	_ =	shalt  }
0x78: {  	_ =	shalt  }
0x79: {  	_ =	shalt  }
0x7a: {  	_ =	shalt  }
0x7b: {  	_ =	shalt  }
0x7c: {  	_ =	shalt  }
0x7d: {  	_ =	shalt  }
0x7e: {  	_ =	shalt  }
0x7f: {  	_ =	shalt  }
0x80: {  	_ =	shalt  }
0x81: {  	_ =	shalt  }
0x82: {  	_ =	shalt  }
0x83: {  	_ =	shalt  }
0x84: {  	_ =	shalt  }
0x85: {  	_ =	shalt  }
0x86: {  	_ =	shalt  }
0x87: {  	_ =	shalt  }
.Lfunc_end0:
.L_simem_size_0:
called_computation.1_lowered:
.L_overlay_start_0:
0x88: {  	s2 =	sld [smem:$0x3FD9]  }
0x89: {  	s3 =	sld [smem:$0x3FFE];
	_ =	sdelay $0x1  }
0x8a: {  	s1 =	srdreg.scid  }
0x8b: {  	s0 =	sand.u32 $0x1, s1  }
0x8c: {  	s17 =	sshll.u32 s0, $0xA;
	s2 =	sadd.s32 s3, s2  }
0x8d: {  	s2 =	sadd.s32 s2, s17  }
0x8e: {  	[smem:$0x3FBD] =	sst s2  }
0x8f: {  	_ = 	snop  }
0x90: {  	s18 =	sld [smem:$0x3FD0];
	(tm) =	ssettm $0x1  }
0x91: {  	s19 =	sld [smem:$0x3FFB];
	_ =	sdelay $0x3  }
0x92: {  	_ =	strace s19  }
0x93: {  	s2 =	sld [smem:$0x3FFC];
	_ =	sdelay $0x3  }
0x94: {  	_ =	strace s2  }
0x95: {  	s2 =	sld [smem:$0x3FFD];
	_ =	sdelay $0x3  }
0x96: {  	_ =	strace s2  }
0x97: {  	_ =	strace $0x8FFFFFFF  }
0x98: {  	s20 =	sld [smem:$0x3FDB];
	_ =	sdelay $0x1  }
0x99: {  	s4 =	simm.s32 $_scs_section_size  }
0x9a: {  	s5 =	simm.s32 $_size__tile_overlayer_lowered;
	s6 =	simm.s32 $_tile_overlayer_lowered  }
0x9b: {  	s7 =	simm.s32 $0x1BFF;
	s21 =	sshll.u32 s6, $0x1;
	s4 =	sadd.s32 s4, s20  }
0x9c: {  	s22 =	simm.s32 $0x0;
	s5 =	sshll.u32 s5, $0x1;
	s6 =	sadd.s32 s21, s4  }
0x9d: {  	[timem:s22], [sflag:s7] =	dma.local [hbm:s6], s5  }
0x9e: {  	_ =	swait.ge [sflag:s7], s5  }
0x9f: {  	s5 =	ssub.s32 $0x0, s5;
	[sflag:s7] =	ssyncset.done $0x0  }
0xa0: {  	[sflag:s7] =	ssyncadd.s32 s5;
	_ =	sdelay $0x1  }
0xa1: {  	s23 =	simm.s32 $0x1B8B  }
0xa2: {  	_ =	swait.ge [sflag:s23], $0x1  }
0xa3: {  	[sflag:s23] =	ssyncset.done $0x0  }
0xa4: {  	[sflag:s23] =	ssyncadd.s32 $0xFFFFFFFF  }
0xa5: {  	s5 =	sld [smem:$0x0]  }
0xa6: {  	s6 =	sand.u32 $0xFFFFFFFE, s1  }
0xa7: {  	p0 =	sne.s32 s1, s6  }
0xa8: {  	s6 =	sshll.u32 @p0 s6, $0xE  }
0xa9: {  	s6 =	sadd.s32 @p0 $0x11B8D, s6;
	s7 =	sshll.u32 @p0 s5, $0x11  }
0xaa: {  	s6 =	sor.u32 @p0 s7, s6  }
0xab: {  	[sflag:s6] =	ssyncadd.remote.s32 @p0 $0x1;
	_ =	sdelay $0x1  }
0xac: {  	s6 =	simm.s32 @p0 $0x1B8D  }
0xad: {  	_ =	swait.eq @p0 [sflag:s6], $0x1  }
0xae: {  	[sflag:s6] =	ssyncadd.s32 @p0 $0xFFFFFFFF  }
0xaf: {  	s7 =	sshll.u32 @!p0 s1, $0xE  }
0xb0: {  	s7 =	sor.u32 @!p0 $0x4000, s7;
	s6 =	simm.s32 @!p0 $0x1B8D  }
0xb1: {  	s5 =	sshll.u32 @!p0 s5, $0x11;
	s7 =	sadd.s32 @!p0 $0x11B8D, s7;
	_ =	swait.eq @!p0 [sflag:s6], $0x1  }
0xb2: {  	s5 =	sor.u32 @!p0 s5, s7;
	[sflag:s6] =	ssyncadd.s32 @!p0 $0xFFFFFFFF  }
0xb3: {  	s25 =	simm.s32 $0x1B8E;
	s24 =	sld [smem:$0x3FFE];
	[sflag:s5] =	ssyncadd.remote.s32 @!p0 $0x1  }
0xb4: {  	s26 =	simm.s32 $execute0_lowered;
	[smem:$0x3FD2] =	sst s25  }
0xb5: {  	s6 =	sshll.u32 s26, $0x1;
	_ =	strace $0x80000049;
	[dreg:$0x1] =	wrdreg $0xFFFFFFFF  }
0xb6: {  	s28 =	simm.s32 $_size_execute0_lowered;
	s4 =	sadd.s32 s4, s6;
	[dreg:$0x0] =	wrdreg $0x0  }
0xb7: {  	s6 =	sshll.u32 s28, $0x1;
	[dreg:$0x2] =	wrdreg s4  }
0xb8: {  	[dreg:$0x3] =	wrdreg s6  }
0xb9: {  	[dreg:$0x4] =	wrdreg $0xC0  }
0xba: {  	_ =	task [dreg:s22], $0x5FFFF  }
0xbb: {  	[dreg:$0x1] =	wrdreg $0xFFFFFFFF  }
0xbc: {  	[dreg:$0x0] =	wrdreg $0x60  }
0xbd: {  	[dreg:$0x2] =	wrdreg s18  }
0xbe: {  	[dreg:$0x3] =	wrdreg s24  }
0xbf: {  	[dreg:$0x4] =	wrdreg $0xA6000  }
0xc0: {  	[dreg:$0x5] =	wrdreg $0xA  }
0xc1: {  	_ =	task.clear_ibuf [dreg:s22], $0x6FFFF;
	_ =	strace $0x90000049  }
0xc2: {  	s29 =	simm.s32 $0xA;
	_ =	strace $0x8000004B  }
0xc3: {  	_ =	swait.ge [sflag:s29], $0x1  }
0xc4: {  	[sflag:s29] =	ssyncadd.s32 $0xFFFFFFFF  }
0xc5: {  	_ =	strace $0x9000004B  }
0xc6: {  	_ =	sfence  }
0xc7: {  	s30 =	sld [smem:$0x0];
	_ =	sdelay $0x2  }
0xc8: {  	s31 =	sshll.u32 s1, $0xD;
	s1 =	sshrl.u32 s1, $0x2  }
0xc9: {  	s4 =	sand.u32 $0x4000, s31;
	s1 =	sadd.s32 s1, s30  }
0xca: {  	s0 =	sor.u32 s4, s0;
	s1 =	sshll.u32 s1, $0x11  }
0xcb: {  	s0 =	sor.u32 s1, s0  }
0xcc: {  	s0 =	sadd.s32 $0x8F2B, s0  }
0xcd: {  	[sflag:s0] =	ssyncadd.remote.s32 $0x1  }
0xce: {  	_ =	sfence.sel $0xFFFF  }
0xcf: {  	[dreg:$0x0] =	wrdreg $0xFFFFFFFF;
	(pc) =	sbr.abs _section_cstart, $3  }
0xd0: {  	[dreg:$0x1] =	wrdreg $0xFFFFFFFF  }
0xd1: {  	_ =	task.clear_ibuf [dreg:s22], $0x2FFFF;
	_ =	strace $0x9FFFFFFF  }
0xd2: {  	(tm) =	ssettm $0x7FFFFFFF  }
0xd3: {  	_ =	shalt  }
tec
execute0_lowered:
.L_overlay_start_1:
0x0: {  	(tag) =	ssettag $0x1  }
0x1: {  	s1 =	rddreg [dreg:$0x0]  }
0x2: {  	s0 =	srdreg.scid;
	s6 =	rddreg [dreg:$0x1]  }
0x3: {  	s10 =	stileid.u32;
	s3 =	rddreg [dreg:$0x2];
	s4 =	simm.s32 $0x0  }
0x4: {  	s28 =	simm.s32 $0x300;
	s29 =	simm.s32 $0x50;
	s5 =	smul.u32 $0x14000, s10  }
0x5: {  	s30 =	simm.s32 $0x1;
	s31 =	simm.s32 $0x2E00;
	s7 =	smul.u32 $0x50000, s10  }
0x6: {  	s0 =	sand.u32 $0x1, s0;
	[smem:$0x7FF] =	sst s4;
	s24 =	smul.u32 $0x4E20, s10  }
0x7: {  	s8 =	sshll.u32 s10, $0x1;
	s2 =	smul.u32 $0x140000, s0;
	_ =	strace $0x8000004A  }
0x8: {  	s20 =	ssub.s32 $0x2, s0;
	s8 =	sor.u32 s0, s8;
	s0 =	smul.u32 $0x2710, s0  }
0x9: {  	s7 =	sshrl.u32 s7, $0x2;
	s9 =	sshrl.u32 s20, $0x1;
	s21 =	smul.u32 $0x2710, s8  }
0xa: {  	s2 =	sadd.s32 s5, s2;
	s5 =	sadd.s32 $0x3600, s6;
	s11 =	sadd.s32 s7, s3  }
0xb: {  	s0 =	sadd.s32 s0, s24;
	s7 =	sadd.s32 $0x2800, s11;
	[dreg:$0x7] =	wrdreg s11  }
0xc: {  	s2 =	sshrl.u32 s2, $0x3;
	s22 =	sadd.s32 $0x5000, s11;
	[dreg:$0x8] =	wrdreg s7  }
0xd: {  	s23 =	sadd.s32 $0x7800, s11;
	s25 =	sadd.s32 $0xA000, s11;
	[dreg:$0x9] =	wrdreg s22  }
0xe: {  	s26 =	sadd.s32 $0xC800, s11;
	s10 =	sadd.s32 $0xF000, s11;
	[dreg:$0xa] =	wrdreg s23  }
0xf: {  	s13 =	sadd.s32 $0x11800, s11;
	s17 =	sadd.s32 $0x3C0, s0;
	[dreg:$0xb] =	wrdreg s25  }
0x10: {  	s19 =	sadd.s32 $0x4E5C0, s0;
	s2 =	sadd.s32 s2, s6;
	[dreg:$0xc] =	wrdreg s26  }
0x11: {  	s6 =	ssub.s32 s20, s9;
	s7 =	sshrl.u32 s21, $0x3;
	[dreg:$0xd] =	wrdreg s10  }
0x12: {  	[dreg:$0xf] =	wrdreg s13;
	s8 =	sshrl.u32 s19, $0x3;
	s22 =	sadd.s32 $0x4E480, s0  }
0x13: {  	s0 =	sadd.s32 $0x280, s0;
	s13 =	simm.s32 $0xA0;
	s9 =	simm.s32 $0x3  }
0x14: {  	s19 =	simm.s32 $0x9;
	s21 =	sadd.s32 s8, s5;
	[dreg:$0x19] =	wrdreg s0  }
0x15: {  	s10 =	simm.s32 $0x0;
	s12 =	sadd.s32 s5, s7;
	[dreg:$0x5] =	wrdreg s21  }
0x16: {  	s7 =	sshrl.u32 s17, $0x3;
	s2 =	sadd.s32 $0x21000, s2;
	[dreg:$0xe] =	wrdreg s12  }
0x17: {  	s24 =	sshrl.u32 s22, $0x3;
	s6 =	smax.u32 s6, $0x1;
	[dreg:$0x17] =	wrdreg s2  }
0x18: {  	s8 =	simm.s32 $0x5600;
	s14 =	sadd.s32 $0x9C40, s12;
	[dreg:$0x18] =	wrdreg s6  }
0x19: {  	s17 =	simm.s32 $0x4;
	s15 =	sadd.s32 $0x28, s12;
	[dreg:$0x10] =	wrdreg s14  }
0x1a: {  	s0 =	simm.s32 $0x3F0;
	s16 =	sadd.s32 $0x9C68, s12;
	[dreg:$0x11] =	wrdreg s15  }
0x1b: {  	s22 =	simm.s32 $0x7;
	s18 =	sadd.s32 $0x4B0, s12;
	[dreg:$0x12] =	wrdreg s16  }
0x1c: {  	s20 =	sadd.s32 $0xA0F0, s12;
	s7 =	sadd.s32 s7, s5;
	[dreg:$0x13] =	wrdreg s18  }
0x1d: {  	s23 =	sadd.s32 $0x4D8, s12;
	s25 =	sadd.s32 $0xA118, s12;
	[dreg:$0x14] =	wrdreg s20  }
0x1e: {  	s26 =	sadd.s32 s24, s5;
	s2 =	simm.s32 $0x2;
	[dreg:$0x4] =	wrdreg s7  }
0x1f: {  	s21 =	simm.s32 $0x350;
	s6 =	simm.s32 $0x3A0;
	[dreg:$0x15] =	wrdreg s23  }
0x20: {  	s12 =	simm.s32 $0x7E00;
	s24 =	simm.s32 $0x8;
	[dreg:$0x16] =	wrdreg s25  }
0x21: {  	[dreg:$0x6] =	wrdreg s26;
	s25 =	simm.s32 $0x600;
	s18 =	simm.s32 $0xA  }
0x22: {  	s23 =	simm.s32 $0xF0;
	s14 =	simm.s32 $0x5;
	s15 =	simm.s32 $0x180  }
0x23: {  	v0 =	vimm.f32 $0.0e+00;
	s16 =	simm.s32 $0x480;
	s20 =	simm.s32 $0x6;
	s26 =	simm.s32 $0xF0  }
.LBB2_1:
0x24: {  	[dreg:$0x1a] =	wrdreg s10;
	s7 =	simm.s32 $0x0;
	s10 =	simm.s32 $0x200  }
.LBB2_2:
0x25: {  	p0 =	sne.s32 s10, $0x9E00;
	[tilespmem:s7+$0x670] =	vst v0  }
0x26: {  	[tilespmem:s7+$0x600] =	vst v0  }
0x27: {  	[tilespmem:s7+$0x610] =	vst v0  }
.Ltmp0:
0x28: {  	[tilespmem:s7+$0x620] =	vst v0;
	(pc) =	sbr.rel @p0 .LBB2_2-.Ltmp0, $4  }
0x29: {  	[tilespmem:s7+$0x630] =	vst v0  }
0x2a: {  	[tilespmem:s7+$0x640] =	vst v0  }
0x2b: {  	[tilespmem:s7+$0x650] =	vst v0  }
0x2c: {  	[tilespmem:s7+$0x660] =	vst v0;
	s7 =	sshra.s32 s10, $0x2;
	s10 =	sadd.s32 $0x200, s10  }
0x2d: {  	[tilespmem:s7+$0x670] =	vst v0  }
0x2e: {  	[tilespmem:s7+$0x600] =	vst v0  }
0x2f: {  	[tilespmem:s7+$0x610] =	vst v0  }
0x30: {  	[tilespmem:s7+$0x620] =	vst v0  }
0x31: {  	[tilespmem:s7+$0x630] =	vst v0  }
0x32: {  	[tilespmem:s7+$0x640] =	vst v0  }
0x33: {  	[tilespmem:s7+$0x650] =	vst v0  }
0x34: {  	[tilespmem:s7+$0x660] =	vst v0  }
0x35: {  	[spmem:s11] =	stream.linear.scatter [tilespmem:s25], [sflag:$0xA], $0x2800, $0x38;
	[tilespmem:$0x1E600] =	vst v63  }
0x36: {  	_ =	swait.ge [sflag:s18], $0x2800  }
0x37: {  	[sflag:s18] =	ssyncset.done $0x0  }
0x38: {  	s10 =	rddreg [dreg:$0x8];
	[sflag:s18] =	ssyncadd.s32 $0xFFFFD800  }
0x39: {  	[spmem:s10] =	stream.linear.scatter [tilespmem:s25], [sflag:$0xA], $0x2800, $0x38;
	[tilespmem:$0x1E600] =	vst v63  }
0x3a: {  	_ =	swait.ge [sflag:s18], $0x2800  }
0x3b: {  	[sflag:s18] =	ssyncset.done $0x0  }
0x3c: {  	s11 =	rddreg [dreg:$0x9];
	[sflag:s18] =	ssyncadd.s32 $0xFFFFD800  }
0x3d: {  	[spmem:s11] =	stream.linear.scatter [tilespmem:s25], [sflag:$0xA], $0x2800, $0x38;
	[tilespmem:$0x1E600] =	vst v63  }
0x3e: {  	_ =	swait.ge [sflag:s18], $0x2800  }
0x3f: {  	[sflag:s18] =	ssyncset.done $0x0  }
0x40: {  	s10 =	rddreg [dreg:$0xa];
	[sflag:s18] =	ssyncadd.s32 $0xFFFFD800  }
0x41: {  	[spmem:s10] =	stream.linear.scatter [tilespmem:s25], [sflag:$0xA], $0x2800, $0x38;
	[tilespmem:$0x1E600] =	vst v63  }
0x42: {  	_ =	swait.ge [sflag:s18], $0x2800  }
0x43: {  	[sflag:s18] =	ssyncset.done $0x0  }
0x44: {  	s11 =	rddreg [dreg:$0xb];
	[sflag:s18] =	ssyncadd.s32 $0xFFFFD800  }
0x45: {  	[spmem:s11] =	stream.linear.scatter [tilespmem:s25], [sflag:$0xA], $0x2800, $0x38;
	[tilespmem:$0x1E600] =	vst v63  }
0x46: {  	_ =	swait.ge [sflag:s18], $0x2800  }
0x47: {  	[sflag:s18] =	ssyncset.done $0x0  }
0x48: {  	s10 =	rddreg [dreg:$0xc];
	[sflag:s18] =	ssyncadd.s32 $0xFFFFD800  }
0x49: {  	[spmem:s10] =	stream.linear.scatter [tilespmem:s25], [sflag:$0xA], $0x2800, $0x38;
	[tilespmem:$0x1E600] =	vst v63  }
0x4a: {  	_ =	swait.ge [sflag:s18], $0x2800  }
0x4b: {  	[sflag:s18] =	ssyncset.done $0x0  }
0x4c: {  	s11 =	rddreg [dreg:$0xd];
	[sflag:s18] =	ssyncadd.s32 $0xFFFFD800  }
0x4d: {  	[spmem:s11] =	stream.linear.scatter [tilespmem:s25], [sflag:$0xA], $0x2800, $0x38;
	[tilespmem:$0x1E600] =	vst v63  }
0x4e: {  	_ =	swait.ge [sflag:s18], $0x2800  }
0x4f: {  	[sflag:s18] =	ssyncset.done $0x0  }
0x50: {  	s10 =	rddreg [dreg:$0xf];
	[sflag:s18] =	ssyncadd.s32 $0xFFFFD800  }
0x51: {  	[spmem:s10] =	stream.linear.scatter [tilespmem:s25], [sflag:$0xA], $0x2800, $0x38;
	[tilespmem:$0x1E600] =	vst v63  }
0x52: {  	_ =	swait.ge [sflag:s18], $0x2800  }
0x53: {  	[sflag:s18] =	ssyncset.done $0x0  }
0x54: {  	[sflag:s18] =	ssyncadd.s32 $0xFFFFD800  }
0x55: {  	[bflag:$0x0] =	sbarrier.arrive $0xFFFF  }
0x56: {  	s7 =	simm.s32 $0x0;
	s10 =	rddreg [dreg:$0xe]  }
0x57: {  	[tilespmem:s7], [sflag:$0xA] =	stream.linear.gather [hbm4b:s10+s7], $0x140, $0x38;
	[tilespmem:$0x1E600] =	vst v63  }
0x58: {  	_ =	swait.ge [sflag:s18], $0x140  }
0x59: {  	[sflag:s18] =	ssyncset.done $0x0  }
0x5a: {  	s11 =	rddreg [dreg:$0x10];
	[sflag:s18] =	ssyncadd.s32 $0xFFFFFEC0  }
0x5b: {  	[tilespmem:s28], [sflag:$0xA] =	stream.linear.gather [hbm4b:s11+s7], $0x140, $0x38;
	[tilespmem:$0x1E600] =	vst v63  }
0x5c: {  	_ =	swait.ge [sflag:s18], $0x140  }
0x5d: {  	[sflag:s18] =	ssyncset.done $0x0  }
0x5e: {  	[sflag:s18] =	ssyncadd.s32 $0xFFFFFEC0  }
0x5f: {  	[tilespmem:s25], [sflag:$0x1] =	stream.indirect.gather [hbm4b:s1+s29], $0x80, s7, s29, $0xb8;
	[tilespmem:$0x1E600] =	vst v63  }
0x60: {  	_ =	swait.ge [sflag:s30], $0x2800  }
0x61: {  	[sflag:s30] =	ssyncset.done $0x0  }
0x62: {  	[sflag:s30] =	ssyncadd.s32 $0xFFFFD800  }
0x63: {  	[spmem:s3] =	stream.indirect.scatter.add.f32 [tilespmem:s25], [sflag:$0x5], $0x80, s28, s29, $0xb8;
	[tilespmem:$0x1E600] =	vst v63  }
0x64: {  	_ = 	snop  }
0x65: {  	[tilespmem:s31], [sflag:$0x2] =	stream.indirect.gather [hbm4b:s1+s29], $0x80, s29, s29, $0xb8;
	[tilespmem:$0x1E600] =	vst v63  }
0x66: {  	_ =	swait.ge [sflag:s2], $0x2800  }
0x67: {  	[sflag:s2] =	ssyncset.done $0x0  }
0x68: {  	[sflag:s2] =	ssyncadd.s32 $0xFFFFD800  }
0x69: {  	[spmem:s3] =	stream.indirect.scatter.add.f32 [tilespmem:s31], [sflag:$0x6], $0x80, s21, s29, $0xb8;
	[tilespmem:$0x1E600] =	vst v63  }
0x6a: {  	_ = 	snop  }
0x6b: {  	[tilespmem:s8], [sflag:$0x3] =	stream.indirect.gather [hbm4b:s1+s29], $0x80, s13, s29, $0xb8;
	[tilespmem:$0x1E600] =	vst v63  }
0x6c: {  	_ =	swait.ge [sflag:s9], $0x2800  }
0x6d: {  	[sflag:s9] =	ssyncset.done $0x0  }
0x6e: {  	[sflag:s9] =	ssyncadd.s32 $0xFFFFD800  }
0x6f: {  	[spmem:s3] =	stream.indirect.scatter.add.f32 [tilespmem:s8], [sflag:$0x7], $0x80, s6, s29, $0xb8;
	[tilespmem:$0x1E600] =	vst v63  }
0x70: {  	_ = 	snop  }
0x71: {  	[tilespmem:s12], [sflag:$0x4] =	stream.indirect.gather [hbm4b:s1+s29], $0x80, s23, s29, $0xb8;
	[tilespmem:$0x1E600] =	vst v63  }
0x72: {  	_ =	swait.ge [sflag:s14], $0x2800  }
0x73: {  	[sflag:s14] =	ssyncset.done $0x0  }
0x74: {  	s11 =	rddreg [dreg:$0x11];
	[sflag:s14] =	ssyncadd.s32 $0xFFFFD800  }
0x75: {  	[tilespmem:s15], [sflag:$0x9] =	stream.linear.gather [hbm4b:s11+s7], $0x140, $0x38;
	[tilespmem:$0x1E600] =	vst v63  }
0x76: {  	s18 =	rddreg [dreg:$0x12]  }
0x77: {  	[tilespmem:s16], [sflag:$0x9] =	stream.linear.gather [hbm4b:s18+s7], $0x140, $0x38;
	[tilespmem:$0x1E600] =	vst v63  }
0x78: {  	_ =	swait.ge [sflag:s17], $0x2800  }
0x79: {  	[sflag:s17] =	ssyncset.done $0x0  }
0x7a: {  	[sflag:s17] =	ssyncadd.s32 $0xFFFFD800  }
0x7b: {  	[spmem:s3] =	stream.indirect.scatter.add.f32 [tilespmem:s12], [sflag:$0x8], $0x80, s0, s29, $0xb8;
	[tilespmem:$0x1E600] =	vst v63  }
0x7c: {  	_ =	swait.ge [sflag:s19], $0x140  }
0x7d: {  	[sflag:s19] =	ssyncset.done $0x0  }
0x7e: {  	[sflag:s19] =	ssyncadd.s32 $0xFFFFFEC0  }
0x7f: {  	_ =	swait.ge [sflag:s19], $0x140  }
0x80: {  	[sflag:s19] =	ssyncset.done $0x0  }
0x81: {  	[sflag:s19] =	ssyncadd.s32 $0xFFFFFEC0  }
0x82: {  	[tilespmem:s25], [sflag:$0x1] =	stream.indirect.gather [hbm4b:s1+s29], $0x80, s15, s29, $0xb8;
	[tilespmem:$0x1E600] =	vst v63  }
0x83: {  	_ =	swait.ge [sflag:s20], $0x2800  }
0x84: {  	[sflag:s20] =	ssyncset.done $0x0  }
0x85: {  	[sflag:s20] =	ssyncadd.s32 $0xFFFFD800  }
0x86: {  	_ =	swait.ge [sflag:s30], $0x2800  }
0x87: {  	[sflag:s30] =	ssyncset.done $0x0  }
0x88: {  	[sflag:s30] =	ssyncadd.s32 $0xFFFFD800  }
0x89: {  	[spmem:s3] =	stream.indirect.scatter.add.f32 [tilespmem:s25], [sflag:$0x5], $0x80, s16, s29, $0xb8;
	[tilespmem:$0x1E600] =	vst v63  }
0x8a: {  	s18 =	simm.s32 $0x1D0  }
0x8b: {  	[tilespmem:s31], [sflag:$0x2] =	stream.indirect.gather [hbm4b:s1+s29], $0x80, s18, s29, $0xb8;
	[tilespmem:$0x1E600] =	vst v63  }
0x8c: {  	_ =	swait.ge [sflag:s22], $0x2800  }
0x8d: {  	[sflag:s22] =	ssyncset.done $0x0  }
0x8e: {  	[sflag:s22] =	ssyncadd.s32 $0xFFFFD800  }
0x8f: {  	_ =	swait.ge [sflag:s2], $0x2800  }
0x90: {  	[sflag:s2] =	ssyncset.done $0x0  }
0x91: {  	s10 =	simm.s32 $0x4D0;
	[sflag:s2] =	ssyncadd.s32 $0xFFFFD800  }
0x92: {  	[spmem:s3] =	stream.indirect.scatter.add.f32 [tilespmem:s31], [sflag:$0x6], $0x80, s10, s29, $0xb8;
	[tilespmem:$0x1E600] =	vst v63  }
0x93: {  	s11 =	simm.s32 $0x220  }
0x94: {  	[tilespmem:s8], [sflag:$0x3] =	stream.indirect.gather [hbm4b:s1+s29], $0x80, s11, s29, $0xb8;
	[tilespmem:$0x1E600] =	vst v63  }
0x95: {  	_ =	swait.ge [sflag:s24], $0x2800  }
0x96: {  	[sflag:s24] =	ssyncset.done $0x0  }
0x97: {  	[sflag:s24] =	ssyncadd.s32 $0xFFFFD800  }
0x98: {  	_ =	swait.ge [sflag:s9], $0x2800  }
0x99: {  	[sflag:s9] =	ssyncset.done $0x0  }
0x9a: {  	s10 =	simm.s32 $0x520;
	[sflag:s9] =	ssyncadd.s32 $0xFFFFD800  }
0x9b: {  	[spmem:s3] =	stream.indirect.scatter.add.f32 [tilespmem:s8], [sflag:$0x7], $0x80, s10, s29, $0xb8;
	[tilespmem:$0x1E600] =	vst v63  }
0x9c: {  	s11 =	simm.s32 $0x270  }
0x9d: {  	[tilespmem:s12], [sflag:$0x4] =	stream.indirect.gather [hbm4b:s1+s29], $0x80, s11, s29, $0xb8;
	[tilespmem:$0x1E600] =	vst v63  }
0x9e: {  	_ =	swait.ge [sflag:s14], $0x2800  }
0x9f: {  	s11 =	rddreg [dreg:$0x19]  }
0xa0: {  	[sflag:s14] =	ssyncset.done $0x0;
	s7 =	sshrl.u32 s11, $0x3  }
0xa1: {  	s10 =	rddreg [dreg:$0x6];
	[sflag:s14] =	ssyncadd.s32 $0xFFFFD800;
	s7 =	sadd.s32 s5, s7  }
0xa2: {  	[tilespmem:s4], [sflag:$0x9] =	stream.linear.gather [hbm4b:s7+s4], $0x140, $0x38;
	[tilespmem:$0x1E600] =	vst v63  }
0xa3: {  	s10 =	sadd.s32 $0x0, s10  }
0xa4: {  	[tilespmem:s28], [sflag:$0x9] =	stream.linear.gather [hbm4b:s10+s4], $0x140, $0x38;
	[tilespmem:$0x1E600] =	vst v63  }
0xa5: {  	_ =	swait.ge [sflag:s17], $0x2800  }
0xa6: {  	[sflag:s17] =	ssyncset.done $0x0  }
0xa7: {  	s10 =	simm.s32 $0x570;
	[sflag:s17] =	ssyncadd.s32 $0xFFFFD800  }
0xa8: {  	[spmem:s3] =	stream.indirect.scatter.add.f32 [tilespmem:s12], [sflag:$0x8], $0x80, s10, s29, $0xb8;
	[tilespmem:$0x1E600] =	vst v63  }
0xa9: {  	_ =	swait.ge [sflag:s19], $0x140  }
0xaa: {  	[sflag:s19] =	ssyncset.done $0x0  }
0xab: {  	[sflag:s19] =	ssyncadd.s32 $0xFFFFFEC0  }
0xac: {  	_ =	swait.ge [sflag:s19], $0x140  }
0xad: {  	[sflag:s19] =	ssyncset.done $0x0  }
0xae: {  	[sflag:s19] =	ssyncadd.s32 $0xFFFFFEC0  }
0xaf: {  	[tilespmem:s25], [sflag:$0x1] =	stream.indirect.gather [hbm4b:s1+s29], $0x80, s4, s29, $0xb8;
	[tilespmem:$0x1E600] =	vst v63  }
0xb0: {  	_ =	swait.ge [sflag:s20], $0x2800  }
0xb1: {  	[sflag:s20] =	ssyncset.done $0x0  }
0xb2: {  	[sflag:s20] =	ssyncadd.s32 $0xFFFFD800  }
0xb3: {  	_ =	swait.ge [sflag:s30], $0x2800  }
0xb4: {  	[sflag:s30] =	ssyncset.done $0x0  }
0xb5: {  	[sflag:s30] =	ssyncadd.s32 $0xFFFFD800  }
0xb6: {  	[spmem:s3] =	stream.indirect.scatter.add.f32 [tilespmem:s25], [sflag:$0x5], $0x80, s28, s29, $0xb8;
	[tilespmem:$0x1E600] =	vst v63  }
0xb7: {  	_ = 	snop  }
0xb8: {  	[tilespmem:s31], [sflag:$0x2] =	stream.indirect.gather [hbm4b:s1+s29], $0x80, s29, s29, $0xb8;
	[tilespmem:$0x1E600] =	vst v63  }
0xb9: {  	_ =	swait.ge [sflag:s22], $0x2800  }
0xba: {  	[sflag:s22] =	ssyncset.done $0x0  }
0xbb: {  	[sflag:s22] =	ssyncadd.s32 $0xFFFFD800  }
0xbc: {  	_ =	swait.ge [sflag:s2], $0x2800  }
0xbd: {  	[sflag:s2] =	ssyncset.done $0x0  }
0xbe: {  	[sflag:s2] =	ssyncadd.s32 $0xFFFFD800  }
0xbf: {  	[spmem:s3] =	stream.indirect.scatter.add.f32 [tilespmem:s31], [sflag:$0x6], $0x80, s21, s29, $0xb8;
	[tilespmem:$0x1E600] =	vst v63  }
0xc0: {  	_ = 	snop  }
0xc1: {  	[tilespmem:s8], [sflag:$0x3] =	stream.indirect.gather [hbm4b:s1+s29], $0x80, s13, s29, $0xb8;
	[tilespmem:$0x1E600] =	vst v63  }
0xc2: {  	_ =	swait.ge [sflag:s24], $0x2800  }
0xc3: {  	[sflag:s24] =	ssyncset.done $0x0  }
0xc4: {  	[sflag:s24] =	ssyncadd.s32 $0xFFFFD800  }
0xc5: {  	_ =	swait.ge [sflag:s9], $0x2800  }
0xc6: {  	[sflag:s9] =	ssyncset.done $0x0  }
0xc7: {  	[sflag:s9] =	ssyncadd.s32 $0xFFFFD800  }
0xc8: {  	[spmem:s3] =	stream.indirect.scatter.add.f32 [tilespmem:s8], [sflag:$0x7], $0x80, s6, s29, $0xb8;
	[tilespmem:$0x1E600] =	vst v63  }
0xc9: {  	_ = 	snop  }
0xca: {  	[tilespmem:s12], [sflag:$0x4] =	stream.indirect.gather [hbm4b:s1+s29], $0x80, s23, s29, $0xb8;
	[tilespmem:$0x1E600] =	vst v63  }
0xcb: {  	_ =	swait.ge [sflag:s14], $0x2800  }
0xcc: {  	s13 =	rddreg [dreg:$0x4];
	[sflag:s14] =	ssyncset.done $0x0  }
0xcd: {  	s21 =	rddreg [dreg:$0x5];
	[sflag:s14] =	ssyncadd.s32 $0xFFFFD800;
	s7 =	sadd.s32 $0x0, s13  }
0xce: {  	[tilespmem:s15], [sflag:$0x9] =	stream.linear.gather [hbm4b:s7+s4], $0x140, $0x38;
	[tilespmem:$0x1E600] =	vst v63  }
0xcf: {  	s23 =	sadd.s32 $0x0, s21  }
0xd0: {  	[tilespmem:s16], [sflag:$0x9] =	stream.linear.gather [hbm4b:s23+s4], $0x140, $0x38;
	[tilespmem:$0x1E600] =	vst v63  }
0xd1: {  	_ =	swait.ge [sflag:s17], $0x2800  }
0xd2: {  	[sflag:s17] =	ssyncset.done $0x0  }
0xd3: {  	[sflag:s17] =	ssyncadd.s32 $0xFFFFD800  }
0xd4: {  	[spmem:s3] =	stream.indirect.scatter.add.f32 [tilespmem:s12], [sflag:$0x8], $0x80, s0, s29, $0xb8;
	[tilespmem:$0x1E600] =	vst v63  }
0xd5: {  	_ =	swait.ge [sflag:s19], $0x140  }
0xd6: {  	[sflag:s19] =	ssyncset.done $0x0  }
0xd7: {  	[sflag:s19] =	ssyncadd.s32 $0xFFFFFEC0  }
0xd8: {  	s10 =	sadd.s32 $0x280, s11;
	s6 =	simm.s32 $0x3A0;
	_ =	swait.ge [sflag:s19], $0x140  }
0xd9: {  	s13 =	simm.s32 $0xA0;
	s7 =	simm.s32 $0x50;
	[sflag:s19] =	ssyncset.done $0x0  }
0xda: {  	s23 =	simm.s32 $0x350;
	s0 =	simm.s32 $0x3F0;
	[sflag:s19] =	ssyncadd.s32 $0xFFFFFEC0  }
.LBB2_4:
0xdb: {  	[tilespmem:s25], [sflag:$0x1] =	stream.indirect.gather [hbm4b:s1+s29], $0x80, s15, s29, $0xb8;
	[tilespmem:$0x1E600] =	vst v63  }
0xdc: {  	_ =	swait.ge [sflag:s20], $0x2800  }
0xdd: {  	[sflag:s20] =	ssyncset.done $0x0  }
0xde: {  	[sflag:s20] =	ssyncadd.s32 $0xFFFFD800  }
0xdf: {  	_ =	swait.ge [sflag:s30], $0x2800  }
0xe0: {  	[sflag:s30] =	ssyncset.done $0x0  }
0xe1: {  	[sflag:s30] =	ssyncadd.s32 $0xFFFFD800  }
0xe2: {  	[spmem:s3] =	stream.indirect.scatter.add.f32 [tilespmem:s25], [sflag:$0x5], $0x80, s16, s29, $0xb8;
	[tilespmem:$0x1E600] =	vst v63  }
0xe3: {  	_ = 	snop  }
0xe4: {  	[tilespmem:s31], [sflag:$0x2] =	stream.indirect.gather [hbm4b:s1+s29], $0x80, s18, s29, $0xb8;
	[tilespmem:$0x1E600] =	vst v63  }
0xe5: {  	_ =	swait.ge [sflag:s22], $0x2800  }
0xe6: {  	[sflag:s22] =	ssyncset.done $0x0  }
0xe7: {  	[sflag:s22] =	ssyncadd.s32 $0xFFFFD800  }
0xe8: {  	_ =	swait.ge [sflag:s2], $0x2800  }
0xe9: {  	[sflag:s2] =	ssyncset.done $0x0  }
0xea: {  	s21 =	simm.s32 $0x4D0;
	[sflag:s2] =	ssyncadd.s32 $0xFFFFD800  }
0xeb: {  	[spmem:s3] =	stream.indirect.scatter.add.f32 [tilespmem:s31], [sflag:$0x6], $0x80, s21, s29, $0xb8;
	[tilespmem:$0x1E600] =	vst v63  }
0xec: {  	s21 =	simm.s32 $0x220  }
0xed: {  	[tilespmem:s8], [sflag:$0x3] =	stream.indirect.gather [hbm4b:s1+s29], $0x80, s21, s29, $0xb8;
	[tilespmem:$0x1E600] =	vst v63  }
0xee: {  	_ =	swait.ge [sflag:s24], $0x2800  }
0xef: {  	[sflag:s24] =	ssyncset.done $0x0  }
0xf0: {  	[sflag:s24] =	ssyncadd.s32 $0xFFFFD800  }
0xf1: {  	_ =	swait.ge [sflag:s9], $0x2800  }
0xf2: {  	[sflag:s9] =	ssyncset.done $0x0  }
0xf3: {  	s21 =	simm.s32 $0x520;
	[sflag:s9] =	ssyncadd.s32 $0xFFFFD800  }
0xf4: {  	[spmem:s3] =	stream.indirect.scatter.add.f32 [tilespmem:s8], [sflag:$0x7], $0x80, s21, s29, $0xb8;
	[tilespmem:$0x1E600] =	vst v63  }
0xf5: {  	s21 =	simm.s32 $0x270  }
0xf6: {  	[tilespmem:s12], [sflag:$0x4] =	stream.indirect.gather [hbm4b:s1+s29], $0x80, s21, s29, $0xb8;
	[tilespmem:$0x1E600] =	vst v63  }
0xf7: {  	_ =	swait.ge [sflag:s14], $0x2800  }
0xf8: {  	s11 =	smov.u32 s7;
	s18 =	sshrl.u32 s10, $0x3;
	[sflag:s14] =	ssyncset.done $0x0  }
0xf9: {  	s18 =	sadd.s32 s5, s18;
	s21 =	rddreg [dreg:$0x6];
	[sflag:s14] =	ssyncadd.s32 $0xFFFFD800  }
0xfa: {  	[tilespmem:s4], [sflag:$0x9] =	stream.linear.gather [hbm4b:s18+s4], $0x140, $0x38;
	[tilespmem:$0x1E600] =	vst v63  }
0xfb: {  	s21 =	sadd.s32 s11, s21  }
0xfc: {  	[tilespmem:s28], [sflag:$0x9] =	stream.linear.gather [hbm4b:s21+s4], $0x140, $0x38;
	[tilespmem:$0x1E600] =	vst v63  }
0xfd: {  	_ =	swait.ge [sflag:s17], $0x2800  }
0xfe: {  	[sflag:s17] =	ssyncset.done $0x0  }
0xff: {  	s21 =	simm.s32 $0x570;
	[sflag:s17] =	ssyncadd.s32 $0xFFFFD800  }
0x100: {  	[spmem:s3] =	stream.indirect.scatter.add.f32 [tilespmem:s12], [sflag:$0x8], $0x80, s21, s29, $0xb8;
	[tilespmem:$0x1E600] =	vst v63  }
0x101: {  	_ =	swait.ge [sflag:s19], $0x140  }
0x102: {  	[sflag:s19] =	ssyncset.done $0x0  }
0x103: {  	[sflag:s19] =	ssyncadd.s32 $0xFFFFFEC0  }
0x104: {  	_ =	swait.ge [sflag:s19], $0x140  }
0x105: {  	[sflag:s19] =	ssyncset.done $0x0  }
0x106: {  	[sflag:s19] =	ssyncadd.s32 $0xFFFFFEC0  }
0x107: {  	[tilespmem:s25], [sflag:$0x1] =	stream.indirect.gather [hbm4b:s1+s29], $0x80, s4, s29, $0xb8;
	[tilespmem:$0x1E600] =	vst v63  }
0x108: {  	_ =	swait.ge [sflag:s20], $0x2800  }
0x109: {  	[sflag:s20] =	ssyncset.done $0x0  }
0x10a: {  	[sflag:s20] =	ssyncadd.s32 $0xFFFFD800  }
0x10b: {  	_ =	swait.ge [sflag:s30], $0x2800  }
0x10c: {  	[sflag:s30] =	ssyncset.done $0x0  }
0x10d: {  	[sflag:s30] =	ssyncadd.s32 $0xFFFFD800  }
0x10e: {  	[spmem:s3] =	stream.indirect.scatter.add.f32 [tilespmem:s25], [sflag:$0x5], $0x80, s28, s29, $0xb8;
	[tilespmem:$0x1E600] =	vst v63  }
0x10f: {  	_ = 	snop  }
0x110: {  	[tilespmem:s31], [sflag:$0x2] =	stream.indirect.gather [hbm4b:s1+s29], $0x80, s29, s29, $0xb8;
	[tilespmem:$0x1E600] =	vst v63  }
0x111: {  	_ =	swait.ge [sflag:s22], $0x2800  }
0x112: {  	[sflag:s22] =	ssyncset.done $0x0  }
0x113: {  	[sflag:s22] =	ssyncadd.s32 $0xFFFFD800  }
0x114: {  	_ =	swait.ge [sflag:s2], $0x2800  }
0x115: {  	[sflag:s2] =	ssyncset.done $0x0  }
0x116: {  	[sflag:s2] =	ssyncadd.s32 $0xFFFFD800  }
0x117: {  	[spmem:s3] =	stream.indirect.scatter.add.f32 [tilespmem:s31], [sflag:$0x6], $0x80, s23, s29, $0xb8;
	[tilespmem:$0x1E600] =	vst v63  }
0x118: {  	_ = 	snop  }
0x119: {  	[tilespmem:s8], [sflag:$0x3] =	stream.indirect.gather [hbm4b:s1+s29], $0x80, s13, s29, $0xb8;
	[tilespmem:$0x1E600] =	vst v63  }
0x11a: {  	_ =	swait.ge [sflag:s24], $0x2800  }
0x11b: {  	[sflag:s24] =	ssyncset.done $0x0  }
0x11c: {  	[sflag:s24] =	ssyncadd.s32 $0xFFFFD800  }
0x11d: {  	_ =	swait.ge [sflag:s9], $0x2800  }
0x11e: {  	[sflag:s9] =	ssyncset.done $0x0  }
0x11f: {  	[sflag:s9] =	ssyncadd.s32 $0xFFFFD800  }
0x120: {  	[spmem:s3] =	stream.indirect.scatter.add.f32 [tilespmem:s8], [sflag:$0x7], $0x80, s6, s29, $0xb8;
	[tilespmem:$0x1E600] =	vst v63  }
0x121: {  	_ = 	snop  }
0x122: {  	[tilespmem:s12], [sflag:$0x4] =	stream.indirect.gather [hbm4b:s1+s29], $0x80, s26, s29, $0xb8;
	[tilespmem:$0x1E600] =	vst v63  }
0x123: {  	_ =	swait.ge [sflag:s14], $0x2800  }
0x124: {  	s18 =	rddreg [dreg:$0x4];
	[sflag:s14] =	ssyncset.done $0x0  }
0x125: {  	s21 =	rddreg [dreg:$0x5];
	[sflag:s14] =	ssyncadd.s32 $0xFFFFD800;
	s18 =	sadd.s32 s11, s18  }
0x126: {  	[tilespmem:s15], [sflag:$0x9] =	stream.linear.gather [hbm4b:s18+s4], $0x140, $0x38;
	[tilespmem:$0x1E600] =	vst v63  }
0x127: {  	s11 =	sadd.s32 s11, s21  }
0x128: {  	[tilespmem:s16], [sflag:$0x9] =	stream.linear.gather [hbm4b:s11+s4], $0x140, $0x38;
	[tilespmem:$0x1E600] =	vst v63  }
0x129: {  	_ =	swait.ge [sflag:s17], $0x2800  }
0x12a: {  	[sflag:s17] =	ssyncset.done $0x0  }
0x12b: {  	[sflag:s17] =	ssyncadd.s32 $0xFFFFD800  }
0x12c: {  	[spmem:s3] =	stream.indirect.scatter.add.f32 [tilespmem:s12], [sflag:$0x8], $0x80, s0, s29, $0xb8;
	[tilespmem:$0x1E600] =	vst v63  }
0x12d: {  	p0 =	sne.s32 s7, $0x410;
	_ =	swait.ge [sflag:s19], $0x140  }
.Ltmp1:
0x12e: {  	[sflag:s19] =	ssyncset.done $0x0;
	(pc) =	sbr.rel @p0 .LBB2_4-.Ltmp1, $4  }
0x12f: {  	[sflag:s19] =	ssyncadd.s32 $0xFFFFFEC0  }
0x130: {  	_ =	swait.ge [sflag:s19], $0x140  }
0x131: {  	s7 =	sadd.s32 $0x50, s7;
	[sflag:s19] =	ssyncset.done $0x0  }
0x132: {  	s10 =	sadd.s32 $0x280, s10;
	s18 =	simm.s32 $0x1D0;
	[sflag:s19] =	ssyncadd.s32 $0xFFFFFEC0  }
0x133: {  	[tilespmem:s25], [sflag:$0x1] =	stream.indirect.gather [hbm4b:s1+s29], $0x80, s15, s29, $0xb8;
	[tilespmem:$0x1E600] =	vst v63  }
0x134: {  	_ =	swait.ge [sflag:s20], $0x2800  }
0x135: {  	[sflag:s20] =	ssyncset.done $0x0  }
0x136: {  	[sflag:s20] =	ssyncadd.s32 $0xFFFFD800  }
0x137: {  	_ =	swait.ge [sflag:s30], $0x2800  }
0x138: {  	[sflag:s30] =	ssyncset.done $0x0  }
0x139: {  	[sflag:s30] =	ssyncadd.s32 $0xFFFFD800  }
0x13a: {  	[spmem:s3] =	stream.indirect.scatter.add.f32 [tilespmem:s25], [sflag:$0x5], $0x80, s16, s29, $0xb8;
	[tilespmem:$0x1E600] =	vst v63  }
0x13b: {  	_ = 	snop  }
0x13c: {  	[tilespmem:s31], [sflag:$0x2] =	stream.indirect.gather [hbm4b:s1+s29], $0x80, s18, s29, $0xb8;
	[tilespmem:$0x1E600] =	vst v63  }
0x13d: {  	_ =	swait.ge [sflag:s22], $0x2800  }
0x13e: {  	[sflag:s22] =	ssyncset.done $0x0  }
0x13f: {  	[sflag:s22] =	ssyncadd.s32 $0xFFFFD800  }
0x140: {  	_ =	swait.ge [sflag:s2], $0x2800  }
0x141: {  	[sflag:s2] =	ssyncset.done $0x0  }
0x142: {  	s7 =	simm.s32 $0x4D0;
	[sflag:s2] =	ssyncadd.s32 $0xFFFFD800  }
0x143: {  	[spmem:s3] =	stream.indirect.scatter.add.f32 [tilespmem:s31], [sflag:$0x6], $0x80, s7, s29, $0xb8;
	[tilespmem:$0x1E600] =	vst v63  }
0x144: {  	s18 =	simm.s32 $0x220  }
0x145: {  	[tilespmem:s8], [sflag:$0x3] =	stream.indirect.gather [hbm4b:s1+s29], $0x80, s18, s29, $0xb8;
	[tilespmem:$0x1E600] =	vst v63  }
0x146: {  	_ =	swait.ge [sflag:s24], $0x2800  }
0x147: {  	[sflag:s24] =	ssyncset.done $0x0  }
0x148: {  	[sflag:s24] =	ssyncadd.s32 $0xFFFFD800  }
0x149: {  	_ =	swait.ge [sflag:s9], $0x2800  }
0x14a: {  	[sflag:s9] =	ssyncset.done $0x0  }
0x14b: {  	s21 =	simm.s32 $0x520;
	[sflag:s9] =	ssyncadd.s32 $0xFFFFD800  }
0x14c: {  	[spmem:s3] =	stream.indirect.scatter.add.f32 [tilespmem:s8], [sflag:$0x7], $0x80, s21, s29, $0xb8;
	[tilespmem:$0x1E600] =	vst v63  }
0x14d: {  	s10 =	simm.s32 $0x270  }
0x14e: {  	[tilespmem:s12], [sflag:$0x4] =	stream.indirect.gather [hbm4b:s1+s29], $0x80, s10, s29, $0xb8;
	[tilespmem:$0x1E600] =	vst v63  }
0x14f: {  	_ =	swait.ge [sflag:s14], $0x2800  }
0x150: {  	[sflag:s14] =	ssyncset.done $0x0  }
0x151: {  	s11 =	rddreg [dreg:$0x13];
	[sflag:s14] =	ssyncadd.s32 $0xFFFFD800  }
0x152: {  	[tilespmem:s4], [sflag:$0x9] =	stream.linear.gather [hbm4b:s11+s4], $0x140, $0x38;
	[tilespmem:$0x1E600] =	vst v63  }
0x153: {  	s18 =	rddreg [dreg:$0x14]  }
0x154: {  	[tilespmem:s28], [sflag:$0x9] =	stream.linear.gather [hbm4b:s18+s4], $0x140, $0x38;
	[tilespmem:$0x1E600] =	vst v63  }
0x155: {  	_ =	swait.ge [sflag:s17], $0x2800  }
0x156: {  	[sflag:s17] =	ssyncset.done $0x0  }
0x157: {  	s21 =	simm.s32 $0x570;
	[sflag:s17] =	ssyncadd.s32 $0xFFFFD800  }
0x158: {  	[spmem:s3] =	stream.indirect.scatter.add.f32 [tilespmem:s12], [sflag:$0x8], $0x80, s21, s29, $0xb8;
	[tilespmem:$0x1E600] =	vst v63  }
0x159: {  	_ =	swait.ge [sflag:s19], $0x140  }
0x15a: {  	[sflag:s19] =	ssyncset.done $0x0  }
0x15b: {  	[sflag:s19] =	ssyncadd.s32 $0xFFFFFEC0  }
0x15c: {  	_ =	swait.ge [sflag:s19], $0x140  }
0x15d: {  	[sflag:s19] =	ssyncset.done $0x0  }
0x15e: {  	[sflag:s19] =	ssyncadd.s32 $0xFFFFFEC0  }
0x15f: {  	[tilespmem:s25], [sflag:$0x1] =	stream.indirect.gather [hbm4b:s1+s29], $0x80, s4, s29, $0xb8;
	[tilespmem:$0x1E600] =	vst v63  }
0x160: {  	_ =	swait.ge [sflag:s20], $0x2800  }
0x161: {  	[sflag:s20] =	ssyncset.done $0x0  }
0x162: {  	[sflag:s20] =	ssyncadd.s32 $0xFFFFD800  }
0x163: {  	_ =	swait.ge [sflag:s30], $0x2800  }
0x164: {  	[sflag:s30] =	ssyncset.done $0x0  }
0x165: {  	[sflag:s30] =	ssyncadd.s32 $0xFFFFD800  }
0x166: {  	[spmem:s3] =	stream.indirect.scatter.add.f32 [tilespmem:s25], [sflag:$0x5], $0x80, s28, s29, $0xb8;
	[tilespmem:$0x1E600] =	vst v63  }
0x167: {  	_ = 	snop  }
0x168: {  	[tilespmem:s31], [sflag:$0x2] =	stream.indirect.gather [hbm4b:s1+s29], $0x80, s29, s29, $0xb8;
	[tilespmem:$0x1E600] =	vst v63  }
0x169: {  	_ =	swait.ge [sflag:s22], $0x2800  }
0x16a: {  	[sflag:s22] =	ssyncset.done $0x0  }
0x16b: {  	[sflag:s22] =	ssyncadd.s32 $0xFFFFD800  }
0x16c: {  	_ =	swait.ge [sflag:s2], $0x2800  }
0x16d: {  	[sflag:s2] =	ssyncset.done $0x0  }
0x16e: {  	[sflag:s2] =	ssyncadd.s32 $0xFFFFD800  }
0x16f: {  	[spmem:s3] =	stream.indirect.scatter.add.f32 [tilespmem:s31], [sflag:$0x6], $0x80, s23, s29, $0xb8;
	[tilespmem:$0x1E600] =	vst v63  }
0x170: {  	_ = 	snop  }
0x171: {  	[tilespmem:s8], [sflag:$0x3] =	stream.indirect.gather [hbm4b:s1+s29], $0x80, s13, s29, $0xb8;
	[tilespmem:$0x1E600] =	vst v63  }
0x172: {  	_ =	swait.ge [sflag:s24], $0x2800  }
0x173: {  	[sflag:s24] =	ssyncset.done $0x0  }
0x174: {  	[sflag:s24] =	ssyncadd.s32 $0xFFFFD800  }
0x175: {  	_ =	swait.ge [sflag:s9], $0x2800  }
0x176: {  	[sflag:s9] =	ssyncset.done $0x0  }
0x177: {  	[sflag:s9] =	ssyncadd.s32 $0xFFFFD800  }
0x178: {  	[spmem:s3] =	stream.indirect.scatter.add.f32 [tilespmem:s8], [sflag:$0x7], $0x80, s6, s29, $0xb8;
	[tilespmem:$0x1E600] =	vst v63  }
0x179: {  	_ = 	snop  }
0x17a: {  	[tilespmem:s12], [sflag:$0x4] =	stream.indirect.gather [hbm4b:s1+s29], $0x80, s26, s29, $0xb8;
	[tilespmem:$0x1E600] =	vst v63  }
0x17b: {  	_ =	swait.ge [sflag:s14], $0x2800  }
0x17c: {  	[sflag:s14] =	ssyncset.done $0x0  }
0x17d: {  	s6 =	rddreg [dreg:$0x15];
	[sflag:s14] =	ssyncadd.s32 $0xFFFFD800  }
0x17e: {  	[tilespmem:s15], [sflag:$0x9] =	stream.linear.gather [hbm4b:s6+s4], $0x50, $0x38;
	[tilespmem:$0x1E600] =	vst v63  }
0x17f: {  	s10 =	rddreg [dreg:$0x16]  }
0x180: {  	[tilespmem:s16], [sflag:$0x9] =	stream.linear.gather [hbm4b:s10+s4], $0x50, $0x38;
	[tilespmem:$0x1E600] =	vst v63  }
0x181: {  	_ =	swait.ge [sflag:s17], $0x2800  }
0x182: {  	[sflag:s17] =	ssyncset.done $0x0  }
0x183: {  	[sflag:s17] =	ssyncadd.s32 $0xFFFFD800  }
0x184: {  	[spmem:s3] =	stream.indirect.scatter.add.f32 [tilespmem:s12], [sflag:$0x8], $0x80, s0, s29, $0xb8;
	[tilespmem:$0x1E600] =	vst v63  }
0x185: {  	_ =	swait.ge [sflag:s19], $0x50  }
0x186: {  	[sflag:s19] =	ssyncset.done $0x0  }
0x187: {  	[sflag:s19] =	ssyncadd.s32 $0xFFFFFFB0  }
0x188: {  	_ =	swait.ge [sflag:s19], $0x50  }
0x189: {  	[sflag:s19] =	ssyncset.done $0x0  }
0x18a: {  	[sflag:s19] =	ssyncadd.s32 $0xFFFFFFB0  }
0x18b: {  	[tilespmem:s25], [sflag:$0x1] =	stream.indirect.gather [hbm4b:s1+s29], $0x80, s15, s29, $0xb8;
	[tilespmem:$0x1E600] =	vst v63  }
0x18c: {  	_ =	swait.ge [sflag:s20], $0x2800  }
0x18d: {  	[sflag:s20] =	ssyncset.done $0x0  }
0x18e: {  	[sflag:s20] =	ssyncadd.s32 $0xFFFFD800  }
0x18f: {  	_ =	swait.ge [sflag:s30], $0x2800  }
0x190: {  	[sflag:s30] =	ssyncset.done $0x0  }
0x191: {  	[sflag:s30] =	ssyncadd.s32 $0xFFFFD800  }
0x192: {  	[spmem:s3] =	stream.indirect.scatter.add.f32 [tilespmem:s25], [sflag:$0x5], $0x80, s16, s29, $0xb8;
	[tilespmem:$0x1E600] =	vst v63  }
0x193: {  	_ = 	snop  }
0x194: {  	[tilespmem:s31], [sflag:$0x2] =	stream.indirect.gather [hbm4b:s1+s29], $0x80, s15, s29, $0xb8;
	[tilespmem:$0x1E600] =	vst v63  }
0x195: {  	_ =	swait.ge [sflag:s22], $0x2800  }
0x196: {  	[sflag:s22] =	ssyncset.done $0x0  }
0x197: {  	[sflag:s22] =	ssyncadd.s32 $0xFFFFD800  }
0x198: {  	_ =	swait.ge [sflag:s24], $0x2800  }
0x199: {  	[sflag:s24] =	ssyncset.done $0x0  }
0x19a: {  	[sflag:s24] =	ssyncadd.s32 $0xFFFFD800  }
0x19b: {  	_ =	swait.ge [sflag:s14], $0x2800  }
0x19c: {  	[sflag:s14] =	ssyncset.done $0x0  }
0x19d: {  	[sflag:s14] =	ssyncadd.s32 $0xFFFFD800  }
0x19e: {  	_ =	swait.ge [sflag:s2], $0x2800  }
0x19f: {  	[sflag:s2] =	ssyncset.done $0x0  }
0x1a0: {  	s11 =	stileid.u32;
	[sflag:s2] =	ssyncadd.s32 $0xFFFFD800  }
0x1a1: {  	s7 =	sshll.u32 s11, $0x6;
	[bflag:$0x0] =	sbarrier.arrive $0xFFFF  }
0x1a2: {  	s7 =	sor.u32 $0x1C0A, s7;
	s11 =	rddreg [dreg:$0x7]  }
0x1a3: {  	s18 =	simm.s32 $0xA;
	s13 =	rddreg [dreg:$0x17];
	s10 =	sshrl.u32 s11, $0x3  }
0x1a4: {  	[hbm:s13], [sflag:s7] =	dma.local [spmem:s10], $0x2800  }
0x1a5: {  	_ =	swait.ge [sflag:s18], $0x2800  }
0x1a6: {  	s21 =	rddreg [dreg:$0x1a]  }
0x1a7: {  	s23 =	rddreg [dreg:$0x18];
	s10 =	sadd.s32 $0x1, s21  }
0x1a8: {  	p0 =	sne.s32 s10, s23  }
.Ltmp2:
0x1a9: {  	_ = 	snop;
	(pc) =	sbr.rel @p0 .LBB2_1-.Ltmp2, $4  }
0x1aa: {  	_ = 	snop  }
0x1ab: {  	s6 =	simm.s32 $0x3A0  }
0x1ac: {  	s0 =	simm.s32 $0x3F0;
	s13 =	simm.s32 $0xA0;
	[sflag:s18] =	ssyncset.done $0x0  }
0x1ad: {  	[sflag:s18] =	ssyncadd.s32 $0xFFFFD800;
	s21 =	simm.s32 $0x350;
	s23 =	simm.s32 $0xF0  }
0x1ae: {  	_ =	sfence.sel $0x180000  }
0x1af: {  	[bflag:$0x0] =	sbarrier.arrive $0xFFFF  }
0x1b0: {  	_ =	strace $0x9000004A  }
0x1b1: {  	s0 =	stileid.u32;
	[bflag:$0x2] =	sbarrier.arrive $0xFFFF  }
0x1b2: {  	p0 =	sne.s32 s0, $0x0;
	s0 =	rddreg [dreg:$0x3]  }
0x1b3: {  	s0 =	sadd.s32 @!p0 $0x100000, s0  }
0x1b4: {  	[sflag:s0] =	ssyncadd.tile.s32 @!p0 $0x1;
	_ =	shalt  }
.Lfunc_end2:
_tile_overlayer_lowered:
.L_overlay_start_2:
0x1b5: {  	(tag) =	ssettag $0x2  }
0x1b6: {  	s0 =	rddreg [dreg:$0x0];
	s2 =	stileid.u32  }
0x1b7: {  	s1 =	rddreg [dreg:$0x1];
	p0 =	sne.s32 s2, $0x0  }
0x1b8: {  	s3 =	rddreg [dreg:$0x2];
	[bflag:$0x3] =	sbarrier.arrive $0xFFFF;
	s2 =	simm.s32 @!p0 $0x1C0A  }
0x1b9: {  	[timem:s3], [sflag:s2] =	dma.local @!p0 [hbm:s0], s1  }
0x1ba: {  	s0 =	simm.s32 @!p0 $0xA  }
0x1bb: {  	_ =	swait.ge @!p0 [sflag:s0], s1  }
0x1bc: {  	s1 =	ssub.s32 @!p0 $0x0, s1;
	[sflag:s0] =	ssyncset.done @!p0 $0x0  }
0x1bd: {  	[sflag:s0] =	ssyncadd.s32 @!p0 s1  }
0x1be: {  	[bflag:$0x3] =	sbarrier.arrive $0xFFFF  }
0x1bf: {  	_ =	shalt  }

// kernel: kernel.16.cloned.1.call-start
scs
__scs_entry_jumppad:
0x0: {  	(pc) =	sbr.rel $0x88, $3  }
0x1: {  	(tag) =	ssettag $0x0;
	lr =	simm.s32 $0x1  }
0x2: {  	[smem:$0x3F96] =	sst lr;
	_ =	strace $0xD0000000  }
0x3: {  	_ = 	snop  }
0x4: {  	_ = 	snop  }
0x5: {  	_ = 	snop  }
0x6: {  	_ = 	snop  }
0x7: {  	_ = 	snop  }
__scs_overlays_trampoline_lowered:
0x8: {  	[smem:$0x3FA5] =	sst s0  }
0x9: {  	[smem:$0x3FA6] =	sst s1  }
0xa: {  	[smem:$0x3FA7] =	sst s2  }
0xb: {  	[smem:$0x3FA8] =	sst s3  }
0xc: {  	[smem:$0x3FA9] =	sst s4  }
0xd: {  	[smem:$0x3FAA] =	sst s5  }
0xe: {  	[smem:$0x3FAB] =	sst s6  }
0xf: {  	[smem:$0x3FAC] =	sst s7  }
0x10: {  	[smem:$0x3FAD] =	sst s8  }
0x11: {  	[smem:$0x3FAE] =	sst s9;
	s0 =	simm.s32 @!p0 $0x0  }
0x12: {  	s1 =	sld [smem:$0x3F94];
	s0 =	simm.s32 @p0 $0x1  }
0x13: {  	[smem:$0x3FAF] =	sst s0;
	s0 =	simm.s32 @!p1 $0x0  }
0x14: {  	s2 =	sld [smem:$0x3F93];
	s0 =	simm.s32 @p1 $0x1  }
0x15: {  	[smem:$0x3FB0] =	sst s0;
	s0 =	simm.s32 @!p2 $0x0  }
0x16: {  	s3 =	sld [smem:$0x3FDB];
	s0 =	simm.s32 @p2 $0x1  }
0x17: {  	s4 =	simm.s32 $0x1BF5;
	[smem:$0x3FB2] =	sst s0  }
0x18: {  	s0 =	sld [smem:$0x3F95];
	_ =	swait.ge [sflag:s4], $0x0  }
0x19: {  	s7 =	sld [smem:$0x3F96]  }
0x1a: {  	s8 =	sadd.s32 $0xFFFFE003, lr  }
0x1b: {  	s9 =	sadd.s32 $0xFFFFFEF7, lr;
	s5 =	simm.s32 $0xFFFFFFFF;
	p2 =	slt.u32 s8, $0xFFFFF086  }
0x1c: {  	p1 =	slt.u32 s9, $0xF7A;
	s5 =	simm.s32 @!p2 $0x0  }
0x1d: {  	s5 =	simm.s32 @p1 $0x1;
	p0 =	seq.s32 s7, s2  }
0x1e: {  	s7 =	smul.u32 @!p0 $0xF7A, s2;
	p2 =	seq.s32 @!p0 s5, $0x0  }
0x1f: {  	s9 =	smul.u32 $0xF7A, s1;
	s8 =	simm.s32 @!p0 $0x1BF5;
	p2 =	por !p2, p0  }
0x20: {  	[sflag:s8] =	ssyncset.s32 @!p0 $0xFFFFF086;
	s6 =	sadd.s32 @!p0 s3, s7;
	s7 =	simm.s32 @!p0 $0x108  }
0x21: {  	s3 =	sadd.s32 s3, s9;
	s6 =	sadd.s32 @!p0 $0x88, s6;
	s7 =	simm.s32 @p2 $0x1082  }
0x22: {  	[simem:s7], [sflag:s8] =	dma.local @!p0 [hbm:s6], $0xF7A  }
0x23: {  	s9 =	sor.u32 $0xD0000000, s2;
	s6 =	simm.s32 $0x108;
	_ =	swait.ge @!p0 [sflag:s8], $0x0  }
0x24: {  	s3 =	sadd.s32 $0x88, s3;
	s6 =	simm.s32 @!p1 $0x1082;
	[sflag:s4] =	ssyncset.s32 $0xFFFFF086  }
0x25: {  	[simem:s6], [sflag:s4] =	dma.local [hbm:s3], $0xF7A  }
0x26: {  	[smem:$0x3F96] =	sst s1;
	(tag) =	ssettag s2;
	_ =	strace s9  }
0x27: {  	s1 =	sld [smem:$0x3FA6]  }
0x28: {  	s2 =	sld [smem:$0x3FA7]  }
0x29: {  	s4 =	sld [smem:$0x3FA9]  }
0x2a: {  	p0 =	seq.s32 s5, $0x0;
	s5 =	sld [smem:$0x3FAA]  }
0x2b: {  	s6 =	sld [smem:$0x3FAB]  }
0x2c: {  	s7 =	sld [smem:$0x3FAC]  }
0x2d: {  	s3 =	simm.s32 $0x108;
	s8 =	sld [smem:$0x3FAD]  }
0x2e: {  	s3 =	simm.s32 @!p0 $0x1082;
	s9 =	sld [smem:$0x3FAE]  }
0x2f: {  	lr =	sadd.s32 s0, s3;
	s0 =	sld [smem:$0x3FA5]  }
0x30: {  	s3 =	sld [smem:$0x3FA8]  }
0x31: {  	[smem:$0x3FB1] =	sst s10  }
0x32: {  	s10 =	sld [smem:$0x3FAF];
	_ =	sdelay $0x3  }
0x33: {  	p0 =	seq.s32 s10, $0x1;
	s10 =	sld [smem:$0x3FB1];
	_ =	sdelay $0x3  }
0x34: {  	[smem:$0x3FB1] =	sst s10  }
0x35: {  	s10 =	sld [smem:$0x3FB0];
	_ =	sdelay $0x3  }
0x36: {  	p1 =	seq.s32 s10, $0x1;
	s10 =	sld [smem:$0x3FB1];
	_ =	sdelay $0x3  }
0x37: {  	[smem:$0x3FB1] =	sst s10  }
0x38: {  	s10 =	sld [smem:$0x3FB2]  }
0x39: {  	_ = 	snop;
	(pc) =	sbr.ind lr, $3  }
0x3a: {  	_ = 	snop  }
0x3b: {  	_ = 	snop  }
0x3c: {  	p2 =	seq.s32 s10, $0x1;
	s10 =	sld [smem:$0x3FB1]  }
0x3d: {  	_ =	shalt  }
0x3e: {  	_ =	shalt  }
0x3f: {  	_ =	shalt  }
0x40: {  	_ =	shalt  }
0x41: {  	_ =	shalt  }
0x42: {  	_ =	shalt  }
0x43: {  	_ =	shalt  }
0x44: {  	_ =	shalt  }
0x45: {  	_ =	shalt  }
0x46: {  	_ =	shalt  }
0x47: {  	_ =	shalt  }
0x48: {  	_ =	shalt  }
0x49: {  	_ =	shalt  }
0x4a: {  	_ =	shalt  }
0x4b: {  	_ =	shalt  }
0x4c: {  	_ =	shalt  }
0x4d: {  	_ =	shalt  }
0x4e: {  	_ =	shalt  }
0x4f: {  	_ =	shalt  }
0x50: {  	_ =	shalt  }
0x51: {  	_ =	shalt  }
0x52: {  	_ =	shalt  }
0x53: {  	_ =	shalt  }
0x54: {  	_ =	shalt  }
0x55: {  	_ =	shalt  }
0x56: {  	_ =	shalt  }
0x57: {  	_ =	shalt  }
0x58: {  	_ =	shalt  }
0x59: {  	_ =	shalt  }
0x5a: {  	_ =	shalt  }
0x5b: {  	_ =	shalt  }
0x5c: {  	_ =	shalt  }
0x5d: {  	_ =	shalt  }
0x5e: {  	_ =	shalt  }
0x5f: {  	_ =	shalt  }
0x60: {  	_ =	shalt  }
0x61: {  	_ =	shalt  }
0x62: {  	_ =	shalt  }
0x63: {  	_ =	shalt  }
0x64: {  	_ =	shalt  }
0x65: {  	_ =	shalt  }
0x66: {  	_ =	shalt  }
0x67: {  	_ =	shalt  }
0x68: {  	_ =	shalt  }
0x69: {  	_ =	shalt  }
0x6a: {  	_ =	shalt  }
0x6b: {  	_ =	shalt  }
0x6c: {  	_ =	shalt  }
0x6d: {  	_ =	shalt  }
0x6e: {  	_ =	shalt  }
0x6f: {  	_ =	shalt  }
0x70: {  	_ =	shalt  }
0x71: {  	_ =	shalt  }
0x72: {  	_ =	shalt  }
0x73: {  	_ =	shalt  }
0x74: {  	_ =	shalt  }
0x75: {  	_ =	shalt  }
0x76: {  	_ =	shalt  }
0x77: {  	_ =	shalt  }
0x78: {  	_ =	shalt  }
0x79: {  	_ =	shalt  }
0x7a: {  	_ =	shalt  }
0x7b: {  	_ =	shalt  }
0x7c: {  	_ =	shalt  }
0x7d: {  	_ =	shalt  }
0x7e: {  	_ =	shalt  }
0x7f: {  	_ =	shalt  }
0x80: {  	_ =	shalt  }
0x81: {  	_ =	shalt  }
0x82: {  	_ =	shalt  }
0x83: {  	_ =	shalt  }
0x84: {  	_ =	shalt  }
0x85: {  	_ =	shalt  }
0x86: {  	_ =	shalt  }
0x87: {  	_ =	shalt  }
.Lfunc_end0:
.L_simem_size_0:
called_computation.2_lowered:
.L_overlay_start_0:
0x88: {  	s2 =	sld [smem:$0x3FD9]  }
0x89: {  	s3 =	sld [smem:$0x3FFE];
	_ =	sdelay $0x1  }
0x8a: {  	s1 =	srdreg.scid  }
0x8b: {  	s0 =	sand.u32 $0x1, s1  }
0x8c: {  	s17 =	sshll.u32 s0, $0xA;
	s2 =	sadd.s32 s3, s2  }
0x8d: {  	s2 =	sadd.s32 s2, s17  }
0x8e: {  	[smem:$0x3FBD] =	sst s2  }
0x8f: {  	_ = 	snop  }
0x90: {  	s2 =	sld [smem:$0x3FD0];
	(tm) =	ssettm $0x1  }
0x91: {  	s18 =	sld [smem:$0x3FFB];
	_ =	sdelay $0x3  }
0x92: {  	_ =	strace s18  }
0x93: {  	s3 =	sld [smem:$0x3FFC];
	_ =	sdelay $0x3  }
0x94: {  	_ =	strace s3  }
0x95: {  	s3 =	sld [smem:$0x3FFD];
	_ =	sdelay $0x3  }
0x96: {  	_ =	strace s3  }
0x97: {  	_ =	strace $0x8FFFFFFF  }
0x98: {  	s19 =	sld [smem:$0x3FDB];
	_ =	sdelay $0x1  }
0x99: {  	s4 =	simm.s32 $_scs_section_size  }
0x9a: {  	s5 =	simm.s32 $_size__tile_overlayer_lowered;
	s6 =	simm.s32 $_tile_overlayer_lowered  }
0x9b: {  	s22 =	simm.s32 $0x1BFF;
	s21 =	sshll.u32 s6, $0x1;
	s3 =	sadd.s32 s4, s19  }
0x9c: {  	s7 =	simm.s32 $0x0;
	s20 =	sshll.u32 s5, $0x1;
	s5 =	sadd.s32 s21, s3  }
0x9d: {  	[timem:s7], [sflag:s22] =	dma.local [hbm:s5], s20  }
0x9e: {  	_ =	swait.ge [sflag:s22], s20  }
0x9f: {  	s4 =	ssub.s32 $0x0, s20;
	[sflag:s22] =	ssyncset.done $0x0  }
0xa0: {  	[sflag:s22] =	ssyncadd.s32 s4;
	_ =	sdelay $0x1  }
0xa1: {  	s23 =	simm.s32 $0x1B8B  }
0xa2: {  	_ =	swait.ge [sflag:s23], $0x1  }
0xa3: {  	[sflag:s23] =	ssyncset.done $0x0  }
0xa4: {  	s25 =	simm.s32 $0x1B8E;
	s24 =	sld [smem:$0x3FFE];
	[sflag:s23] =	ssyncadd.s32 $0xFFFFFFFF  }
0xa5: {  	s26 =	simm.s32 $execute0_lowered;
	[smem:$0x3FD2] =	sst s25  }
0xa6: {  	s5 =	sshll.u32 s26, $0x1;
	_ =	strace $0x8000004C;
	[dreg:$0x1] =	wrdreg $0xFFFFFFFF  }
0xa7: {  	s28 =	simm.s32 $_size_execute0_lowered;
	s3 =	sadd.s32 s3, s5;
	[dreg:$0x0] =	wrdreg $0x0  }
0xa8: {  	s5 =	sshll.u32 s28, $0x1;
	[dreg:$0x2] =	wrdreg s3  }
0xa9: {  	[dreg:$0x3] =	wrdreg s5  }
0xaa: {  	[dreg:$0x4] =	wrdreg $0xC0  }
0xab: {  	_ =	task [dreg:s7], $0x5FFFF  }
0xac: {  	[dreg:$0x1] =	wrdreg $0xFFFFFFFF  }
0xad: {  	[dreg:$0x0] =	wrdreg $0x60  }
0xae: {  	[dreg:$0x2] =	wrdreg s2  }
0xaf: {  	[dreg:$0x3] =	wrdreg s24  }
0xb0: {  	[dreg:$0x4] =	wrdreg $0xA6000  }
0xb1: {  	[dreg:$0x5] =	wrdreg $0x9  }
0xb2: {  	_ =	task.clear_ibuf [dreg:s7], $0x6FFFF;
	_ =	strace $0x9000004C  }
0xb3: {  	s29 =	simm.s32 $0x9;
	_ =	strace $0x8000004E  }
0xb4: {  	_ =	swait.ge [sflag:s29], $0x1  }
0xb5: {  	[sflag:s29] =	ssyncadd.s32 $0xFFFFFFFF  }
0xb6: {  	_ =	strace $0x9000004E  }
0xb7: {  	_ =	sfence  }
0xb8: {  	s30 =	sld [smem:$0x0];
	_ =	sdelay $0x2  }
0xb9: {  	s31 =	sshll.u32 s1, $0xD;
	s1 =	sshrl.u32 s1, $0x2  }
0xba: {  	s3 =	sand.u32 $0x4000, s31;
	s1 =	sadd.s32 s1, s30  }
0xbb: {  	s0 =	sor.u32 s3, s0;
	s1 =	sshll.u32 s1, $0x11  }
0xbc: {  	s0 =	sor.u32 s1, s0  }
0xbd: {  	s0 =	sadd.s32 $0x8F2B, s0  }
0xbe: {  	[sflag:s0] =	ssyncadd.remote.s32 $0x1  }
0xbf: {  	_ =	sfence.sel $0xFFFF  }
0xc0: {  	[dreg:$0x0] =	wrdreg $0xFFFFFFFF;
	(pc) =	sbr.abs _section_cstart, $3  }
0xc1: {  	[dreg:$0x1] =	wrdreg $0xFFFFFFFF  }
0xc2: {  	_ =	task.clear_ibuf [dreg:s7], $0x2FFFF;
	_ =	strace $0x9FFFFFFF  }
0xc3: {  	(tm) =	ssettm $0x7FFFFFFF  }
tec
execute0_lowered:
.L_overlay_start_1:
0x0: {  	(tag) =	ssettag $0x1  }
0x1: {  	s1 =	rddreg [dreg:$0x0]  }
0x2: {  	s0 =	srdreg.scid;
	s6 =	rddreg [dreg:$0x1]  }
0x3: {  	s10 =	stileid.u32;
	s3 =	rddreg [dreg:$0x2];
	s4 =	simm.s32 $0x0  }
0x4: {  	s28 =	simm.s32 $0x300;
	s29 =	simm.s32 $0x50;
	s5 =	smul.u32 $0x14000, s10  }
0x5: {  	s30 =	simm.s32 $0x1;
	s31 =	simm.s32 $0x2E00;
	s7 =	smul.u32 $0x50000, s10  }
0x6: {  	s0 =	sand.u32 $0x1, s0;
	[smem:$0x7FF] =	sst s4;
	s24 =	smul.u32 $0x4E20, s10  }
0x7: {  	s8 =	sshll.u32 s10, $0x1;
	s2 =	smul.u32 $0x140000, s0;
	_ =	strace $0x8000004D  }
0x8: {  	s20 =	ssub.s32 $0x2, s0;
	s8 =	sor.u32 s0, s8;
	s0 =	smul.u32 $0x2710, s0  }
0x9: {  	s7 =	sshrl.u32 s7, $0x2;
	s9 =	sshrl.u32 s20, $0x1;
	s21 =	smul.u32 $0x2710, s8  }
0xa: {  	s2 =	sadd.s32 s5, s2;
	s5 =	sadd.s32 $0x3600, s6;
	s11 =	sadd.s32 s7, s3  }
0xb: {  	s0 =	sadd.s32 s0, s24;
	s7 =	sadd.s32 $0x2800, s11;
	[dreg:$0x7] =	wrdreg s11  }
0xc: {  	s2 =	sshrl.u32 s2, $0x3;
	s22 =	sadd.s32 $0x5000, s11;
	[dreg:$0x8] =	wrdreg s7  }
0xd: {  	s23 =	sadd.s32 $0x7800, s11;
	s25 =	sadd.s32 $0xA000, s11;
	[dreg:$0x9] =	wrdreg s22  }
0xe: {  	s26 =	sadd.s32 $0xC800, s11;
	s10 =	sadd.s32 $0xF000, s11;
	[dreg:$0xa] =	wrdreg s23  }
0xf: {  	s13 =	sadd.s32 $0x11800, s11;
	s17 =	sadd.s32 $0x3C0, s0;
	[dreg:$0xb] =	wrdreg s25  }
0x10: {  	s19 =	sadd.s32 $0x4E5C0, s0;
	s2 =	sadd.s32 s2, s6;
	[dreg:$0xc] =	wrdreg s26  }
0x11: {  	s6 =	ssub.s32 s20, s9;
	s7 =	sshrl.u32 s21, $0x3;
	[dreg:$0xd] =	wrdreg s10  }
0x12: {  	[dreg:$0xf] =	wrdreg s13;
	s8 =	sshrl.u32 s19, $0x3;
	s22 =	sadd.s32 $0x4E480, s0  }
0x13: {  	s0 =	sadd.s32 $0x280, s0;
	s13 =	simm.s32 $0xA0;
	s9 =	simm.s32 $0x3  }
0x14: {  	s19 =	simm.s32 $0x9;
	s21 =	sadd.s32 s8, s5;
	[dreg:$0x19] =	wrdreg s0  }
0x15: {  	s10 =	simm.s32 $0x0;
	s12 =	sadd.s32 s5, s7;
	[dreg:$0x5] =	wrdreg s21  }
0x16: {  	s7 =	sshrl.u32 s17, $0x3;
	s2 =	sadd.s32 $0x17000, s2;
	[dreg:$0xe] =	wrdreg s12  }
0x17: {  	s24 =	sshrl.u32 s22, $0x3;
	s6 =	smax.u32 s6, $0x1;
	[dreg:$0x17] =	wrdreg s2  }
0x18: {  	s8 =	simm.s32 $0x5600;
	s14 =	sadd.s32 $0x9C40, s12;
	[dreg:$0x18] =	wrdreg s6  }
0x19: {  	s17 =	simm.s32 $0x4;
	s15 =	sadd.s32 $0x28, s12;
	[dreg:$0x10] =	wrdreg s14  }
0x1a: {  	s0 =	simm.s32 $0x3F0;
	s16 =	sadd.s32 $0x9C68, s12;
	[dreg:$0x11] =	wrdreg s15  }
0x1b: {  	s22 =	simm.s32 $0x7;
	s18 =	sadd.s32 $0x4B0, s12;
	[dreg:$0x12] =	wrdreg s16  }
0x1c: {  	s20 =	sadd.s32 $0xA0F0, s12;
	s7 =	sadd.s32 s7, s5;
	[dreg:$0x13] =	wrdreg s18  }
0x1d: {  	s23 =	sadd.s32 $0x4D8, s12;
	s25 =	sadd.s32 $0xA118, s12;
	[dreg:$0x14] =	wrdreg s20  }
0x1e: {  	s26 =	sadd.s32 s24, s5;
	s2 =	simm.s32 $0x2;
	[dreg:$0x4] =	wrdreg s7  }
0x1f: {  	s21 =	simm.s32 $0x350;
	s6 =	simm.s32 $0x3A0;
	[dreg:$0x15] =	wrdreg s23  }
0x20: {  	s12 =	simm.s32 $0x7E00;
	s24 =	simm.s32 $0x8;
	[dreg:$0x16] =	wrdreg s25  }
0x21: {  	[dreg:$0x6] =	wrdreg s26;
	s25 =	simm.s32 $0x600;
	s18 =	simm.s32 $0xA  }
0x22: {  	s23 =	simm.s32 $0xF0;
	s14 =	simm.s32 $0x5;
	s15 =	simm.s32 $0x180  }
0x23: {  	v0 =	vimm.f32 $0.0e+00;
	s16 =	simm.s32 $0x480;
	s20 =	simm.s32 $0x6;
	s26 =	simm.s32 $0xF0  }
.LBB2_1:
0x24: {  	[dreg:$0x1a] =	wrdreg s10;
	s7 =	simm.s32 $0x0;
	s10 =	simm.s32 $0x200  }
.LBB2_2:
0x25: {  	p0 =	sne.s32 s10, $0x9E00;
	[tilespmem:s7+$0x670] =	vst v0  }
0x26: {  	[tilespmem:s7+$0x600] =	vst v0  }
0x27: {  	[tilespmem:s7+$0x610] =	vst v0  }
.Ltmp0:
0x28: {  	[tilespmem:s7+$0x620] =	vst v0;
	(pc) =	sbr.rel @p0 .LBB2_2-.Ltmp0, $4  }
0x29: {  	[tilespmem:s7+$0x630] =	vst v0  }
0x2a: {  	[tilespmem:s7+$0x640] =	vst v0  }
0x2b: {  	[tilespmem:s7+$0x650] =	vst v0  }
0x2c: {  	[tilespmem:s7+$0x660] =	vst v0;
	s7 =	sshra.s32 s10, $0x2;
	s10 =	sadd.s32 $0x200, s10  }
0x2d: {  	[tilespmem:s7+$0x670] =	vst v0  }
0x2e: {  	[tilespmem:s7+$0x600] =	vst v0  }
0x2f: {  	[tilespmem:s7+$0x610] =	vst v0  }
0x30: {  	[tilespmem:s7+$0x620] =	vst v0  }
0x31: {  	[tilespmem:s7+$0x630] =	vst v0  }
0x32: {  	[tilespmem:s7+$0x640] =	vst v0  }
0x33: {  	[tilespmem:s7+$0x650] =	vst v0  }
0x34: {  	[tilespmem:s7+$0x660] =	vst v0  }
0x35: {  	[spmem:s11] =	stream.linear.scatter [tilespmem:s25], [sflag:$0xA], $0x2800, $0x38;
	[tilespmem:$0x1E600] =	vst v63  }
0x36: {  	_ =	swait.ge [sflag:s18], $0x2800  }
0x37: {  	[sflag:s18] =	ssyncset.done $0x0  }
0x38: {  	s10 =	rddreg [dreg:$0x8];
	[sflag:s18] =	ssyncadd.s32 $0xFFFFD800  }
0x39: {  	[spmem:s10] =	stream.linear.scatter [tilespmem:s25], [sflag:$0xA], $0x2800, $0x38;
	[tilespmem:$0x1E600] =	vst v63  }
0x3a: {  	_ =	swait.ge [sflag:s18], $0x2800  }
0x3b: {  	[sflag:s18] =	ssyncset.done $0x0  }
0x3c: {  	s11 =	rddreg [dreg:$0x9];
	[sflag:s18] =	ssyncadd.s32 $0xFFFFD800  }
0x3d: {  	[spmem:s11] =	stream.linear.scatter [tilespmem:s25], [sflag:$0xA], $0x2800, $0x38;
	[tilespmem:$0x1E600] =	vst v63  }
0x3e: {  	_ =	swait.ge [sflag:s18], $0x2800  }
0x3f: {  	[sflag:s18] =	ssyncset.done $0x0  }
0x40: {  	s10 =	rddreg [dreg:$0xa];
	[sflag:s18] =	ssyncadd.s32 $0xFFFFD800  }
0x41: {  	[spmem:s10] =	stream.linear.scatter [tilespmem:s25], [sflag:$0xA], $0x2800, $0x38;
	[tilespmem:$0x1E600] =	vst v63  }
0x42: {  	_ =	swait.ge [sflag:s18], $0x2800  }
0x43: {  	[sflag:s18] =	ssyncset.done $0x0  }
0x44: {  	s11 =	rddreg [dreg:$0xb];
	[sflag:s18] =	ssyncadd.s32 $0xFFFFD800  }
0x45: {  	[spmem:s11] =	stream.linear.scatter [tilespmem:s25], [sflag:$0xA], $0x2800, $0x38;
	[tilespmem:$0x1E600] =	vst v63  }
0x46: {  	_ =	swait.ge [sflag:s18], $0x2800  }
0x47: {  	[sflag:s18] =	ssyncset.done $0x0  }
0x48: {  	s10 =	rddreg [dreg:$0xc];
	[sflag:s18] =	ssyncadd.s32 $0xFFFFD800  }
0x49: {  	[spmem:s10] =	stream.linear.scatter [tilespmem:s25], [sflag:$0xA], $0x2800, $0x38;
	[tilespmem:$0x1E600] =	vst v63  }
0x4a: {  	_ =	swait.ge [sflag:s18], $0x2800  }
0x4b: {  	[sflag:s18] =	ssyncset.done $0x0  }
0x4c: {  	s11 =	rddreg [dreg:$0xd];
	[sflag:s18] =	ssyncadd.s32 $0xFFFFD800  }
0x4d: {  	[spmem:s11] =	stream.linear.scatter [tilespmem:s25], [sflag:$0xA], $0x2800, $0x38;
	[tilespmem:$0x1E600] =	vst v63  }
0x4e: {  	_ =	swait.ge [sflag:s18], $0x2800  }
0x4f: {  	[sflag:s18] =	ssyncset.done $0x0  }
0x50: {  	s10 =	rddreg [dreg:$0xf];
	[sflag:s18] =	ssyncadd.s32 $0xFFFFD800  }
0x51: {  	[spmem:s10] =	stream.linear.scatter [tilespmem:s25], [sflag:$0xA], $0x2800, $0x38;
	[tilespmem:$0x1E600] =	vst v63  }
0x52: {  	_ =	swait.ge [sflag:s18], $0x2800  }
0x53: {  	[sflag:s18] =	ssyncset.done $0x0  }
0x54: {  	[sflag:s18] =	ssyncadd.s32 $0xFFFFD800  }
0x55: {  	[bflag:$0x0] =	sbarrier.arrive $0xFFFF  }
0x56: {  	s7 =	simm.s32 $0x0;
	s10 =	rddreg [dreg:$0xe]  }
0x57: {  	[tilespmem:s7], [sflag:$0xA] =	stream.linear.gather [hbm4b:s10+s7], $0x140, $0x38;
	[tilespmem:$0x1E600] =	vst v63  }
0x58: {  	_ =	swait.ge [sflag:s18], $0x140  }
0x59: {  	[sflag:s18] =	ssyncset.done $0x0  }
0x5a: {  	s11 =	rddreg [dreg:$0x10];
	[sflag:s18] =	ssyncadd.s32 $0xFFFFFEC0  }
0x5b: {  	[tilespmem:s28], [sflag:$0xA] =	stream.linear.gather [hbm4b:s11+s7], $0x140, $0x38;
	[tilespmem:$0x1E600] =	vst v63  }
0x5c: {  	_ =	swait.ge [sflag:s18], $0x140  }
0x5d: {  	[sflag:s18] =	ssyncset.done $0x0  }
0x5e: {  	[sflag:s18] =	ssyncadd.s32 $0xFFFFFEC0  }
0x5f: {  	[tilespmem:s25], [sflag:$0x1] =	stream.indirect.gather [hbm4b:s1+s29], $0x80, s7, s29, $0xb8;
	[tilespmem:$0x1E600] =	vst v63  }
0x60: {  	_ =	swait.ge [sflag:s30], $0x2800  }
0x61: {  	[sflag:s30] =	ssyncset.done $0x0  }
0x62: {  	[sflag:s30] =	ssyncadd.s32 $0xFFFFD800  }
0x63: {  	[spmem:s3] =	stream.indirect.scatter.add.f32 [tilespmem:s25], [sflag:$0x5], $0x80, s28, s29, $0xb8;
	[tilespmem:$0x1E600] =	vst v63  }
0x64: {  	_ = 	snop  }
0x65: {  	[tilespmem:s31], [sflag:$0x2] =	stream.indirect.gather [hbm4b:s1+s29], $0x80, s29, s29, $0xb8;
	[tilespmem:$0x1E600] =	vst v63  }
0x66: {  	_ =	swait.ge [sflag:s2], $0x2800  }
0x67: {  	[sflag:s2] =	ssyncset.done $0x0  }
0x68: {  	[sflag:s2] =	ssyncadd.s32 $0xFFFFD800  }
0x69: {  	[spmem:s3] =	stream.indirect.scatter.add.f32 [tilespmem:s31], [sflag:$0x6], $0x80, s21, s29, $0xb8;
	[tilespmem:$0x1E600] =	vst v63  }
0x6a: {  	_ = 	snop  }
0x6b: {  	[tilespmem:s8], [sflag:$0x3] =	stream.indirect.gather [hbm4b:s1+s29], $0x80, s13, s29, $0xb8;
	[tilespmem:$0x1E600] =	vst v63  }
0x6c: {  	_ =	swait.ge [sflag:s9], $0x2800  }
0x6d: {  	[sflag:s9] =	ssyncset.done $0x0  }
0x6e: {  	[sflag:s9] =	ssyncadd.s32 $0xFFFFD800  }
0x6f: {  	[spmem:s3] =	stream.indirect.scatter.add.f32 [tilespmem:s8], [sflag:$0x7], $0x80, s6, s29, $0xb8;
	[tilespmem:$0x1E600] =	vst v63  }
0x70: {  	_ = 	snop  }
0x71: {  	[tilespmem:s12], [sflag:$0x4] =	stream.indirect.gather [hbm4b:s1+s29], $0x80, s23, s29, $0xb8;
	[tilespmem:$0x1E600] =	vst v63  }
0x72: {  	_ =	swait.ge [sflag:s14], $0x2800  }
0x73: {  	[sflag:s14] =	ssyncset.done $0x0  }
0x74: {  	s11 =	rddreg [dreg:$0x11];
	[sflag:s14] =	ssyncadd.s32 $0xFFFFD800  }
0x75: {  	[tilespmem:s15], [sflag:$0x9] =	stream.linear.gather [hbm4b:s11+s7], $0x140, $0x38;
	[tilespmem:$0x1E600] =	vst v63  }
0x76: {  	s18 =	rddreg [dreg:$0x12]  }
0x77: {  	[tilespmem:s16], [sflag:$0x9] =	stream.linear.gather [hbm4b:s18+s7], $0x140, $0x38;
	[tilespmem:$0x1E600] =	vst v63  }
0x78: {  	_ =	swait.ge [sflag:s17], $0x2800  }
0x79: {  	[sflag:s17] =	ssyncset.done $0x0  }
0x7a: {  	[sflag:s17] =	ssyncadd.s32 $0xFFFFD800  }
0x7b: {  	[spmem:s3] =	stream.indirect.scatter.add.f32 [tilespmem:s12], [sflag:$0x8], $0x80, s0, s29, $0xb8;
	[tilespmem:$0x1E600] =	vst v63  }
0x7c: {  	_ =	swait.ge [sflag:s19], $0x140  }
0x7d: {  	[sflag:s19] =	ssyncset.done $0x0  }
0x7e: {  	[sflag:s19] =	ssyncadd.s32 $0xFFFFFEC0  }
0x7f: {  	_ =	swait.ge [sflag:s19], $0x140  }
0x80: {  	[sflag:s19] =	ssyncset.done $0x0  }
0x81: {  	[sflag:s19] =	ssyncadd.s32 $0xFFFFFEC0  }
0x82: {  	[tilespmem:s25], [sflag:$0x1] =	stream.indirect.gather [hbm4b:s1+s29], $0x80, s15, s29, $0xb8;
	[tilespmem:$0x1E600] =	vst v63  }
0x83: {  	_ =	swait.ge [sflag:s20], $0x2800  }
0x84: {  	[sflag:s20] =	ssyncset.done $0x0  }
0x85: {  	[sflag:s20] =	ssyncadd.s32 $0xFFFFD800  }
0x86: {  	_ =	swait.ge [sflag:s30], $0x2800  }
0x87: {  	[sflag:s30] =	ssyncset.done $0x0  }
0x88: {  	[sflag:s30] =	ssyncadd.s32 $0xFFFFD800  }
0x89: {  	[spmem:s3] =	stream.indirect.scatter.add.f32 [tilespmem:s25], [sflag:$0x5], $0x80, s16, s29, $0xb8;
	[tilespmem:$0x1E600] =	vst v63  }
0x8a: {  	s18 =	simm.s32 $0x1D0  }
0x8b: {  	[tilespmem:s31], [sflag:$0x2] =	stream.indirect.gather [hbm4b:s1+s29], $0x80, s18, s29, $0xb8;
	[tilespmem:$0x1E600] =	vst v63  }
0x8c: {  	_ =	swait.ge [sflag:s22], $0x2800  }
0x8d: {  	[sflag:s22] =	ssyncset.done $0x0  }
0x8e: {  	[sflag:s22] =	ssyncadd.s32 $0xFFFFD800  }
0x8f: {  	_ =	swait.ge [sflag:s2], $0x2800  }
0x90: {  	[sflag:s2] =	ssyncset.done $0x0  }
0x91: {  	s10 =	simm.s32 $0x4D0;
	[sflag:s2] =	ssyncadd.s32 $0xFFFFD800  }
0x92: {  	[spmem:s3] =	stream.indirect.scatter.add.f32 [tilespmem:s31], [sflag:$0x6], $0x80, s10, s29, $0xb8;
	[tilespmem:$0x1E600] =	vst v63  }
0x93: {  	s11 =	simm.s32 $0x220  }
0x94: {  	[tilespmem:s8], [sflag:$0x3] =	stream.indirect.gather [hbm4b:s1+s29], $0x80, s11, s29, $0xb8;
	[tilespmem:$0x1E600] =	vst v63  }
0x95: {  	_ =	swait.ge [sflag:s24], $0x2800  }
0x96: {  	[sflag:s24] =	ssyncset.done $0x0  }
0x97: {  	[sflag:s24] =	ssyncadd.s32 $0xFFFFD800  }
0x98: {  	_ =	swait.ge [sflag:s9], $0x2800  }
0x99: {  	[sflag:s9] =	ssyncset.done $0x0  }
0x9a: {  	s10 =	simm.s32 $0x520;
	[sflag:s9] =	ssyncadd.s32 $0xFFFFD800  }
0x9b: {  	[spmem:s3] =	stream.indirect.scatter.add.f32 [tilespmem:s8], [sflag:$0x7], $0x80, s10, s29, $0xb8;
	[tilespmem:$0x1E600] =	vst v63  }
0x9c: {  	s11 =	simm.s32 $0x270  }
0x9d: {  	[tilespmem:s12], [sflag:$0x4] =	stream.indirect.gather [hbm4b:s1+s29], $0x80, s11, s29, $0xb8;
	[tilespmem:$0x1E600] =	vst v63  }
0x9e: {  	_ =	swait.ge [sflag:s14], $0x2800  }
0x9f: {  	s11 =	rddreg [dreg:$0x19]  }
0xa0: {  	[sflag:s14] =	ssyncset.done $0x0;
	s7 =	sshrl.u32 s11, $0x3  }
0xa1: {  	s10 =	rddreg [dreg:$0x6];
	[sflag:s14] =	ssyncadd.s32 $0xFFFFD800;
	s7 =	sadd.s32 s5, s7  }
0xa2: {  	[tilespmem:s4], [sflag:$0x9] =	stream.linear.gather [hbm4b:s7+s4], $0x140, $0x38;
	[tilespmem:$0x1E600] =	vst v63  }
0xa3: {  	s10 =	sadd.s32 $0x0, s10  }
0xa4: {  	[tilespmem:s28], [sflag:$0x9] =	stream.linear.gather [hbm4b:s10+s4], $0x140, $0x38;
	[tilespmem:$0x1E600] =	vst v63  }
0xa5: {  	_ =	swait.ge [sflag:s17], $0x2800  }
0xa6: {  	[sflag:s17] =	ssyncset.done $0x0  }
0xa7: {  	s10 =	simm.s32 $0x570;
	[sflag:s17] =	ssyncadd.s32 $0xFFFFD800  }
0xa8: {  	[spmem:s3] =	stream.indirect.scatter.add.f32 [tilespmem:s12], [sflag:$0x8], $0x80, s10, s29, $0xb8;
	[tilespmem:$0x1E600] =	vst v63  }
0xa9: {  	_ =	swait.ge [sflag:s19], $0x140  }
0xaa: {  	[sflag:s19] =	ssyncset.done $0x0  }
0xab: {  	[sflag:s19] =	ssyncadd.s32 $0xFFFFFEC0  }
0xac: {  	_ =	swait.ge [sflag:s19], $0x140  }
0xad: {  	[sflag:s19] =	ssyncset.done $0x0  }
0xae: {  	[sflag:s19] =	ssyncadd.s32 $0xFFFFFEC0  }
0xaf: {  	[tilespmem:s25], [sflag:$0x1] =	stream.indirect.gather [hbm4b:s1+s29], $0x80, s4, s29, $0xb8;
	[tilespmem:$0x1E600] =	vst v63  }
0xb0: {  	_ =	swait.ge [sflag:s20], $0x2800  }
0xb1: {  	[sflag:s20] =	ssyncset.done $0x0  }
0xb2: {  	[sflag:s20] =	ssyncadd.s32 $0xFFFFD800  }
0xb3: {  	_ =	swait.ge [sflag:s30], $0x2800  }
0xb4: {  	[sflag:s30] =	ssyncset.done $0x0  }
0xb5: {  	[sflag:s30] =	ssyncadd.s32 $0xFFFFD800  }
0xb6: {  	[spmem:s3] =	stream.indirect.scatter.add.f32 [tilespmem:s25], [sflag:$0x5], $0x80, s28, s29, $0xb8;
	[tilespmem:$0x1E600] =	vst v63  }
0xb7: {  	_ = 	snop  }
0xb8: {  	[tilespmem:s31], [sflag:$0x2] =	stream.indirect.gather [hbm4b:s1+s29], $0x80, s29, s29, $0xb8;
	[tilespmem:$0x1E600] =	vst v63  }
0xb9: {  	_ =	swait.ge [sflag:s22], $0x2800  }
0xba: {  	[sflag:s22] =	ssyncset.done $0x0  }
0xbb: {  	[sflag:s22] =	ssyncadd.s32 $0xFFFFD800  }
0xbc: {  	_ =	swait.ge [sflag:s2], $0x2800  }
0xbd: {  	[sflag:s2] =	ssyncset.done $0x0  }
0xbe: {  	[sflag:s2] =	ssyncadd.s32 $0xFFFFD800  }
0xbf: {  	[spmem:s3] =	stream.indirect.scatter.add.f32 [tilespmem:s31], [sflag:$0x6], $0x80, s21, s29, $0xb8;
	[tilespmem:$0x1E600] =	vst v63  }
0xc0: {  	_ = 	snop  }
0xc1: {  	[tilespmem:s8], [sflag:$0x3] =	stream.indirect.gather [hbm4b:s1+s29], $0x80, s13, s29, $0xb8;
	[tilespmem:$0x1E600] =	vst v63  }
0xc2: {  	_ =	swait.ge [sflag:s24], $0x2800  }
0xc3: {  	[sflag:s24] =	ssyncset.done $0x0  }
0xc4: {  	[sflag:s24] =	ssyncadd.s32 $0xFFFFD800  }
0xc5: {  	_ =	swait.ge [sflag:s9], $0x2800  }
0xc6: {  	[sflag:s9] =	ssyncset.done $0x0  }
0xc7: {  	[sflag:s9] =	ssyncadd.s32 $0xFFFFD800  }
0xc8: {  	[spmem:s3] =	stream.indirect.scatter.add.f32 [tilespmem:s8], [sflag:$0x7], $0x80, s6, s29, $0xb8;
	[tilespmem:$0x1E600] =	vst v63  }
0xc9: {  	_ = 	snop  }
0xca: {  	[tilespmem:s12], [sflag:$0x4] =	stream.indirect.gather [hbm4b:s1+s29], $0x80, s23, s29, $0xb8;
	[tilespmem:$0x1E600] =	vst v63  }
0xcb: {  	_ =	swait.ge [sflag:s14], $0x2800  }
0xcc: {  	s13 =	rddreg [dreg:$0x4];
	[sflag:s14] =	ssyncset.done $0x0  }
0xcd: {  	s21 =	rddreg [dreg:$0x5];
	[sflag:s14] =	ssyncadd.s32 $0xFFFFD800;
	s7 =	sadd.s32 $0x0, s13  }
0xce: {  	[tilespmem:s15], [sflag:$0x9] =	stream.linear.gather [hbm4b:s7+s4], $0x140, $0x38;
	[tilespmem:$0x1E600] =	vst v63  }
0xcf: {  	s23 =	sadd.s32 $0x0, s21  }
0xd0: {  	[tilespmem:s16], [sflag:$0x9] =	stream.linear.gather [hbm4b:s23+s4], $0x140, $0x38;
	[tilespmem:$0x1E600] =	vst v63  }
0xd1: {  	_ =	swait.ge [sflag:s17], $0x2800  }
0xd2: {  	[sflag:s17] =	ssyncset.done $0x0  }
0xd3: {  	[sflag:s17] =	ssyncadd.s32 $0xFFFFD800  }
0xd4: {  	[spmem:s3] =	stream.indirect.scatter.add.f32 [tilespmem:s12], [sflag:$0x8], $0x80, s0, s29, $0xb8;
	[tilespmem:$0x1E600] =	vst v63  }
0xd5: {  	_ =	swait.ge [sflag:s19], $0x140  }
0xd6: {  	[sflag:s19] =	ssyncset.done $0x0  }
0xd7: {  	[sflag:s19] =	ssyncadd.s32 $0xFFFFFEC0  }
0xd8: {  	s10 =	sadd.s32 $0x280, s11;
	s6 =	simm.s32 $0x3A0;
	_ =	swait.ge [sflag:s19], $0x140  }
0xd9: {  	s13 =	simm.s32 $0xA0;
	s7 =	simm.s32 $0x50;
	[sflag:s19] =	ssyncset.done $0x0  }
0xda: {  	s23 =	simm.s32 $0x350;
	s0 =	simm.s32 $0x3F0;
	[sflag:s19] =	ssyncadd.s32 $0xFFFFFEC0  }
.LBB2_4:
0xdb: {  	[tilespmem:s25], [sflag:$0x1] =	stream.indirect.gather [hbm4b:s1+s29], $0x80, s15, s29, $0xb8;
	[tilespmem:$0x1E600] =	vst v63  }
0xdc: {  	_ =	swait.ge [sflag:s20], $0x2800  }
0xdd: {  	[sflag:s20] =	ssyncset.done $0x0  }
0xde: {  	[sflag:s20] =	ssyncadd.s32 $0xFFFFD800  }
0xdf: {  	_ =	swait.ge [sflag:s30], $0x2800  }
0xe0: {  	[sflag:s30] =	ssyncset.done $0x0  }
0xe1: {  	[sflag:s30] =	ssyncadd.s32 $0xFFFFD800  }
0xe2: {  	[spmem:s3] =	stream.indirect.scatter.add.f32 [tilespmem:s25], [sflag:$0x5], $0x80, s16, s29, $0xb8;
	[tilespmem:$0x1E600] =	vst v63  }
0xe3: {  	_ = 	snop  }
0xe4: {  	[tilespmem:s31], [sflag:$0x2] =	stream.indirect.gather [hbm4b:s1+s29], $0x80, s18, s29, $0xb8;
	[tilespmem:$0x1E600] =	vst v63  }
0xe5: {  	_ =	swait.ge [sflag:s22], $0x2800  }
0xe6: {  	[sflag:s22] =	ssyncset.done $0x0  }
0xe7: {  	[sflag:s22] =	ssyncadd.s32 $0xFFFFD800  }
0xe8: {  	_ =	swait.ge [sflag:s2], $0x2800  }
0xe9: {  	[sflag:s2] =	ssyncset.done $0x0  }
0xea: {  	s21 =	simm.s32 $0x4D0;
	[sflag:s2] =	ssyncadd.s32 $0xFFFFD800  }
0xeb: {  	[spmem:s3] =	stream.indirect.scatter.add.f32 [tilespmem:s31], [sflag:$0x6], $0x80, s21, s29, $0xb8;
	[tilespmem:$0x1E600] =	vst v63  }
0xec: {  	s21 =	simm.s32 $0x220  }
0xed: {  	[tilespmem:s8], [sflag:$0x3] =	stream.indirect.gather [hbm4b:s1+s29], $0x80, s21, s29, $0xb8;
	[tilespmem:$0x1E600] =	vst v63  }
0xee: {  	_ =	swait.ge [sflag:s24], $0x2800  }
0xef: {  	[sflag:s24] =	ssyncset.done $0x0  }
0xf0: {  	[sflag:s24] =	ssyncadd.s32 $0xFFFFD800  }
0xf1: {  	_ =	swait.ge [sflag:s9], $0x2800  }
0xf2: {  	[sflag:s9] =	ssyncset.done $0x0  }
0xf3: {  	s21 =	simm.s32 $0x520;
	[sflag:s9] =	ssyncadd.s32 $0xFFFFD800  }
0xf4: {  	[spmem:s3] =	stream.indirect.scatter.add.f32 [tilespmem:s8], [sflag:$0x7], $0x80, s21, s29, $0xb8;
	[tilespmem:$0x1E600] =	vst v63  }
0xf5: {  	s21 =	simm.s32 $0x270  }
0xf6: {  	[tilespmem:s12], [sflag:$0x4] =	stream.indirect.gather [hbm4b:s1+s29], $0x80, s21, s29, $0xb8;
	[tilespmem:$0x1E600] =	vst v63  }
0xf7: {  	_ =	swait.ge [sflag:s14], $0x2800  }
0xf8: {  	s11 =	smov.u32 s7;
	s18 =	sshrl.u32 s10, $0x3;
	[sflag:s14] =	ssyncset.done $0x0  }
0xf9: {  	s18 =	sadd.s32 s5, s18;
	s21 =	rddreg [dreg:$0x6];
	[sflag:s14] =	ssyncadd.s32 $0xFFFFD800  }
0xfa: {  	[tilespmem:s4], [sflag:$0x9] =	stream.linear.gather [hbm4b:s18+s4], $0x140, $0x38;
	[tilespmem:$0x1E600] =	vst v63  }
0xfb: {  	s21 =	sadd.s32 s11, s21  }
0xfc: {  	[tilespmem:s28], [sflag:$0x9] =	stream.linear.gather [hbm4b:s21+s4], $0x140, $0x38;
	[tilespmem:$0x1E600] =	vst v63  }
0xfd: {  	_ =	swait.ge [sflag:s17], $0x2800  }
0xfe: {  	[sflag:s17] =	ssyncset.done $0x0  }
0xff: {  	s21 =	simm.s32 $0x570;
	[sflag:s17] =	ssyncadd.s32 $0xFFFFD800  }
0x100: {  	[spmem:s3] =	stream.indirect.scatter.add.f32 [tilespmem:s12], [sflag:$0x8], $0x80, s21, s29, $0xb8;
	[tilespmem:$0x1E600] =	vst v63  }
0x101: {  	_ =	swait.ge [sflag:s19], $0x140  }
0x102: {  	[sflag:s19] =	ssyncset.done $0x0  }
0x103: {  	[sflag:s19] =	ssyncadd.s32 $0xFFFFFEC0  }
0x104: {  	_ =	swait.ge [sflag:s19], $0x140  }
0x105: {  	[sflag:s19] =	ssyncset.done $0x0  }
0x106: {  	[sflag:s19] =	ssyncadd.s32 $0xFFFFFEC0  }
0x107: {  	[tilespmem:s25], [sflag:$0x1] =	stream.indirect.gather [hbm4b:s1+s29], $0x80, s4, s29, $0xb8;
	[tilespmem:$0x1E600] =	vst v63  }
0x108: {  	_ =	swait.ge [sflag:s20], $0x2800  }
0x109: {  	[sflag:s20] =	ssyncset.done $0x0  }
0x10a: {  	[sflag:s20] =	ssyncadd.s32 $0xFFFFD800  }
0x10b: {  	_ =	swait.ge [sflag:s30], $0x2800  }
0x10c: {  	[sflag:s30] =	ssyncset.done $0x0  }
0x10d: {  	[sflag:s30] =	ssyncadd.s32 $0xFFFFD800  }
0x10e: {  	[spmem:s3] =	stream.indirect.scatter.add.f32 [tilespmem:s25], [sflag:$0x5], $0x80, s28, s29, $0xb8;
	[tilespmem:$0x1E600] =	vst v63  }
0x10f: {  	_ = 	snop  }
0x110: {  	[tilespmem:s31], [sflag:$0x2] =	stream.indirect.gather [hbm4b:s1+s29], $0x80, s29, s29, $0xb8;
	[tilespmem:$0x1E600] =	vst v63  }
0x111: {  	_ =	swait.ge [sflag:s22], $0x2800  }
0x112: {  	[sflag:s22] =	ssyncset.done $0x0  }
0x113: {  	[sflag:s22] =	ssyncadd.s32 $0xFFFFD800  }
0x114: {  	_ =	swait.ge [sflag:s2], $0x2800  }
0x115: {  	[sflag:s2] =	ssyncset.done $0x0  }
0x116: {  	[sflag:s2] =	ssyncadd.s32 $0xFFFFD800  }
0x117: {  	[spmem:s3] =	stream.indirect.scatter.add.f32 [tilespmem:s31], [sflag:$0x6], $0x80, s23, s29, $0xb8;
	[tilespmem:$0x1E600] =	vst v63  }
0x118: {  	_ = 	snop  }
0x119: {  	[tilespmem:s8], [sflag:$0x3] =	stream.indirect.gather [hbm4b:s1+s29], $0x80, s13, s29, $0xb8;
	[tilespmem:$0x1E600] =	vst v63  }
0x11a: {  	_ =	swait.ge [sflag:s24], $0x2800  }
0x11b: {  	[sflag:s24] =	ssyncset.done $0x0  }
0x11c: {  	[sflag:s24] =	ssyncadd.s32 $0xFFFFD800  }
0x11d: {  	_ =	swait.ge [sflag:s9], $0x2800  }
0x11e: {  	[sflag:s9] =	ssyncset.done $0x0  }
0x11f: {  	[sflag:s9] =	ssyncadd.s32 $0xFFFFD800  }
0x120: {  	[spmem:s3] =	stream.indirect.scatter.add.f32 [tilespmem:s8], [sflag:$0x7], $0x80, s6, s29, $0xb8;
	[tilespmem:$0x1E600] =	vst v63  }
0x121: {  	_ = 	snop  }
0x122: {  	[tilespmem:s12], [sflag:$0x4] =	stream.indirect.gather [hbm4b:s1+s29], $0x80, s26, s29, $0xb8;
	[tilespmem:$0x1E600] =	vst v63  }
0x123: {  	_ =	swait.ge [sflag:s14], $0x2800  }
0x124: {  	s18 =	rddreg [dreg:$0x4];
	[sflag:s14] =	ssyncset.done $0x0  }
0x125: {  	s21 =	rddreg [dreg:$0x5];
	[sflag:s14] =	ssyncadd.s32 $0xFFFFD800;
	s18 =	sadd.s32 s11, s18  }
0x126: {  	[tilespmem:s15], [sflag:$0x9] =	stream.linear.gather [hbm4b:s18+s4], $0x140, $0x38;
	[tilespmem:$0x1E600] =	vst v63  }
0x127: {  	s11 =	sadd.s32 s11, s21  }
0x128: {  	[tilespmem:s16], [sflag:$0x9] =	stream.linear.gather [hbm4b:s11+s4], $0x140, $0x38;
	[tilespmem:$0x1E600] =	vst v63  }
0x129: {  	_ =	swait.ge [sflag:s17], $0x2800  }
0x12a: {  	[sflag:s17] =	ssyncset.done $0x0  }
0x12b: {  	[sflag:s17] =	ssyncadd.s32 $0xFFFFD800  }
0x12c: {  	[spmem:s3] =	stream.indirect.scatter.add.f32 [tilespmem:s12], [sflag:$0x8], $0x80, s0, s29, $0xb8;
	[tilespmem:$0x1E600] =	vst v63  }
0x12d: {  	p0 =	sne.s32 s7, $0x410;
	_ =	swait.ge [sflag:s19], $0x140  }
.Ltmp1:
0x12e: {  	[sflag:s19] =	ssyncset.done $0x0;
	(pc) =	sbr.rel @p0 .LBB2_4-.Ltmp1, $4  }
0x12f: {  	[sflag:s19] =	ssyncadd.s32 $0xFFFFFEC0  }
0x130: {  	_ =	swait.ge [sflag:s19], $0x140  }
0x131: {  	s7 =	sadd.s32 $0x50, s7;
	[sflag:s19] =	ssyncset.done $0x0  }
0x132: {  	s10 =	sadd.s32 $0x280, s10;
	s18 =	simm.s32 $0x1D0;
	[sflag:s19] =	ssyncadd.s32 $0xFFFFFEC0  }
0x133: {  	[tilespmem:s25], [sflag:$0x1] =	stream.indirect.gather [hbm4b:s1+s29], $0x80, s15, s29, $0xb8;
	[tilespmem:$0x1E600] =	vst v63  }
0x134: {  	_ =	swait.ge [sflag:s20], $0x2800  }
0x135: {  	[sflag:s20] =	ssyncset.done $0x0  }
0x136: {  	[sflag:s20] =	ssyncadd.s32 $0xFFFFD800  }
0x137: {  	_ =	swait.ge [sflag:s30], $0x2800  }
0x138: {  	[sflag:s30] =	ssyncset.done $0x0  }
0x139: {  	[sflag:s30] =	ssyncadd.s32 $0xFFFFD800  }
0x13a: {  	[spmem:s3] =	stream.indirect.scatter.add.f32 [tilespmem:s25], [sflag:$0x5], $0x80, s16, s29, $0xb8;
	[tilespmem:$0x1E600] =	vst v63  }
0x13b: {  	_ = 	snop  }
0x13c: {  	[tilespmem:s31], [sflag:$0x2] =	stream.indirect.gather [hbm4b:s1+s29], $0x80, s18, s29, $0xb8;
	[tilespmem:$0x1E600] =	vst v63  }
0x13d: {  	_ =	swait.ge [sflag:s22], $0x2800  }
0x13e: {  	[sflag:s22] =	ssyncset.done $0x0  }
0x13f: {  	[sflag:s22] =	ssyncadd.s32 $0xFFFFD800  }
0x140: {  	_ =	swait.ge [sflag:s2], $0x2800  }
0x141: {  	[sflag:s2] =	ssyncset.done $0x0  }
0x142: {  	s7 =	simm.s32 $0x4D0;
	[sflag:s2] =	ssyncadd.s32 $0xFFFFD800  }
0x143: {  	[spmem:s3] =	stream.indirect.scatter.add.f32 [tilespmem:s31], [sflag:$0x6], $0x80, s7, s29, $0xb8;
	[tilespmem:$0x1E600] =	vst v63  }
0x144: {  	s18 =	simm.s32 $0x220  }
0x145: {  	[tilespmem:s8], [sflag:$0x3] =	stream.indirect.gather [hbm4b:s1+s29], $0x80, s18, s29, $0xb8;
	[tilespmem:$0x1E600] =	vst v63  }
0x146: {  	_ =	swait.ge [sflag:s24], $0x2800  }
0x147: {  	[sflag:s24] =	ssyncset.done $0x0  }
0x148: {  	[sflag:s24] =	ssyncadd.s32 $0xFFFFD800  }
0x149: {  	_ =	swait.ge [sflag:s9], $0x2800  }
0x14a: {  	[sflag:s9] =	ssyncset.done $0x0  }
0x14b: {  	s21 =	simm.s32 $0x520;
	[sflag:s9] =	ssyncadd.s32 $0xFFFFD800  }
0x14c: {  	[spmem:s3] =	stream.indirect.scatter.add.f32 [tilespmem:s8], [sflag:$0x7], $0x80, s21, s29, $0xb8;
	[tilespmem:$0x1E600] =	vst v63  }
0x14d: {  	s10 =	simm.s32 $0x270  }
0x14e: {  	[tilespmem:s12], [sflag:$0x4] =	stream.indirect.gather [hbm4b:s1+s29], $0x80, s10, s29, $0xb8;
	[tilespmem:$0x1E600] =	vst v63  }
0x14f: {  	_ =	swait.ge [sflag:s14], $0x2800  }
0x150: {  	[sflag:s14] =	ssyncset.done $0x0  }
0x151: {  	s11 =	rddreg [dreg:$0x13];
	[sflag:s14] =	ssyncadd.s32 $0xFFFFD800  }
0x152: {  	[tilespmem:s4], [sflag:$0x9] =	stream.linear.gather [hbm4b:s11+s4], $0x140, $0x38;
	[tilespmem:$0x1E600] =	vst v63  }
0x153: {  	s18 =	rddreg [dreg:$0x14]  }
0x154: {  	[tilespmem:s28], [sflag:$0x9] =	stream.linear.gather [hbm4b:s18+s4], $0x140, $0x38;
	[tilespmem:$0x1E600] =	vst v63  }
0x155: {  	_ =	swait.ge [sflag:s17], $0x2800  }
0x156: {  	[sflag:s17] =	ssyncset.done $0x0  }
0x157: {  	s21 =	simm.s32 $0x570;
	[sflag:s17] =	ssyncadd.s32 $0xFFFFD800  }
0x158: {  	[spmem:s3] =	stream.indirect.scatter.add.f32 [tilespmem:s12], [sflag:$0x8], $0x80, s21, s29, $0xb8;
	[tilespmem:$0x1E600] =	vst v63  }
0x159: {  	_ =	swait.ge [sflag:s19], $0x140  }
0x15a: {  	[sflag:s19] =	ssyncset.done $0x0  }
0x15b: {  	[sflag:s19] =	ssyncadd.s32 $0xFFFFFEC0  }
0x15c: {  	_ =	swait.ge [sflag:s19], $0x140  }
0x15d: {  	[sflag:s19] =	ssyncset.done $0x0  }
0x15e: {  	[sflag:s19] =	ssyncadd.s32 $0xFFFFFEC0  }
0x15f: {  	[tilespmem:s25], [sflag:$0x1] =	stream.indirect.gather [hbm4b:s1+s29], $0x80, s4, s29, $0xb8;
	[tilespmem:$0x1E600] =	vst v63  }
0x160: {  	_ =	swait.ge [sflag:s20], $0x2800  }
0x161: {  	[sflag:s20] =	ssyncset.done $0x0  }
0x162: {  	[sflag:s20] =	ssyncadd.s32 $0xFFFFD800  }
0x163: {  	_ =	swait.ge [sflag:s30], $0x2800  }
0x164: {  	[sflag:s30] =	ssyncset.done $0x0  }
0x165: {  	[sflag:s30] =	ssyncadd.s32 $0xFFFFD800  }
0x166: {  	[spmem:s3] =	stream.indirect.scatter.add.f32 [tilespmem:s25], [sflag:$0x5], $0x80, s28, s29, $0xb8;
	[tilespmem:$0x1E600] =	vst v63  }
0x167: {  	_ = 	snop  }
0x168: {  	[tilespmem:s31], [sflag:$0x2] =	stream.indirect.gather [hbm4b:s1+s29], $0x80, s29, s29, $0xb8;
	[tilespmem:$0x1E600] =	vst v63  }
0x169: {  	_ =	swait.ge [sflag:s22], $0x2800  }
0x16a: {  	[sflag:s22] =	ssyncset.done $0x0  }
0x16b: {  	[sflag:s22] =	ssyncadd.s32 $0xFFFFD800  }
0x16c: {  	_ =	swait.ge [sflag:s2], $0x2800  }
0x16d: {  	[sflag:s2] =	ssyncset.done $0x0  }
0x16e: {  	[sflag:s2] =	ssyncadd.s32 $0xFFFFD800  }
0x16f: {  	[spmem:s3] =	stream.indirect.scatter.add.f32 [tilespmem:s31], [sflag:$0x6], $0x80, s23, s29, $0xb8;
	[tilespmem:$0x1E600] =	vst v63  }
0x170: {  	_ = 	snop  }
0x171: {  	[tilespmem:s8], [sflag:$0x3] =	stream.indirect.gather [hbm4b:s1+s29], $0x80, s13, s29, $0xb8;
	[tilespmem:$0x1E600] =	vst v63  }
0x172: {  	_ =	swait.ge [sflag:s24], $0x2800  }
0x173: {  	[sflag:s24] =	ssyncset.done $0x0  }
0x174: {  	[sflag:s24] =	ssyncadd.s32 $0xFFFFD800  }
0x175: {  	_ =	swait.ge [sflag:s9], $0x2800  }
0x176: {  	[sflag:s9] =	ssyncset.done $0x0  }
0x177: {  	[sflag:s9] =	ssyncadd.s32 $0xFFFFD800  }
0x178: {  	[spmem:s3] =	stream.indirect.scatter.add.f32 [tilespmem:s8], [sflag:$0x7], $0x80, s6, s29, $0xb8;
	[tilespmem:$0x1E600] =	vst v63  }
0x179: {  	_ = 	snop  }
0x17a: {  	[tilespmem:s12], [sflag:$0x4] =	stream.indirect.gather [hbm4b:s1+s29], $0x80, s26, s29, $0xb8;
	[tilespmem:$0x1E600] =	vst v63  }
0x17b: {  	_ =	swait.ge [sflag:s14], $0x2800  }
0x17c: {  	[sflag:s14] =	ssyncset.done $0x0  }
0x17d: {  	s6 =	rddreg [dreg:$0x15];
	[sflag:s14] =	ssyncadd.s32 $0xFFFFD800  }
0x17e: {  	[tilespmem:s15], [sflag:$0x9] =	stream.linear.gather [hbm4b:s6+s4], $0x50, $0x38;
	[tilespmem:$0x1E600] =	vst v63  }
0x17f: {  	s10 =	rddreg [dreg:$0x16]  }
0x180: {  	[tilespmem:s16], [sflag:$0x9] =	stream.linear.gather [hbm4b:s10+s4], $0x50, $0x38;
	[tilespmem:$0x1E600] =	vst v63  }
0x181: {  	_ =	swait.ge [sflag:s17], $0x2800  }
0x182: {  	[sflag:s17] =	ssyncset.done $0x0  }
0x183: {  	[sflag:s17] =	ssyncadd.s32 $0xFFFFD800  }
0x184: {  	[spmem:s3] =	stream.indirect.scatter.add.f32 [tilespmem:s12], [sflag:$0x8], $0x80, s0, s29, $0xb8;
	[tilespmem:$0x1E600] =	vst v63  }
0x185: {  	_ =	swait.ge [sflag:s19], $0x50  }
0x186: {  	[sflag:s19] =	ssyncset.done $0x0  }
0x187: {  	[sflag:s19] =	ssyncadd.s32 $0xFFFFFFB0  }
0x188: {  	_ =	swait.ge [sflag:s19], $0x50  }
0x189: {  	[sflag:s19] =	ssyncset.done $0x0  }
0x18a: {  	[sflag:s19] =	ssyncadd.s32 $0xFFFFFFB0  }
0x18b: {  	[tilespmem:s25], [sflag:$0x1] =	stream.indirect.gather [hbm4b:s1+s29], $0x80, s15, s29, $0xb8;
	[tilespmem:$0x1E600] =	vst v63  }
0x18c: {  	_ =	swait.ge [sflag:s20], $0x2800  }
0x18d: {  	[sflag:s20] =	ssyncset.done $0x0  }
0x18e: {  	[sflag:s20] =	ssyncadd.s32 $0xFFFFD800  }
0x18f: {  	_ =	swait.ge [sflag:s30], $0x2800  }
0x190: {  	[sflag:s30] =	ssyncset.done $0x0  }
0x191: {  	[sflag:s30] =	ssyncadd.s32 $0xFFFFD800  }
0x192: {  	[spmem:s3] =	stream.indirect.scatter.add.f32 [tilespmem:s25], [sflag:$0x5], $0x80, s16, s29, $0xb8;
	[tilespmem:$0x1E600] =	vst v63  }
0x193: {  	_ = 	snop  }
0x194: {  	[tilespmem:s31], [sflag:$0x2] =	stream.indirect.gather [hbm4b:s1+s29], $0x80, s15, s29, $0xb8;
	[tilespmem:$0x1E600] =	vst v63  }
0x195: {  	_ =	swait.ge [sflag:s22], $0x2800  }
0x196: {  	[sflag:s22] =	ssyncset.done $0x0  }
0x197: {  	[sflag:s22] =	ssyncadd.s32 $0xFFFFD800  }
0x198: {  	_ =	swait.ge [sflag:s24], $0x2800  }
0x199: {  	[sflag:s24] =	ssyncset.done $0x0  }
0x19a: {  	[sflag:s24] =	ssyncadd.s32 $0xFFFFD800  }
0x19b: {  	_ =	swait.ge [sflag:s14], $0x2800  }
0x19c: {  	[sflag:s14] =	ssyncset.done $0x0  }
0x19d: {  	[sflag:s14] =	ssyncadd.s32 $0xFFFFD800  }
0x19e: {  	_ =	swait.ge [sflag:s2], $0x2800  }
0x19f: {  	[sflag:s2] =	ssyncset.done $0x0  }
0x1a0: {  	s11 =	stileid.u32;
	[sflag:s2] =	ssyncadd.s32 $0xFFFFD800  }
0x1a1: {  	s7 =	sshll.u32 s11, $0x6;
	[bflag:$0x0] =	sbarrier.arrive $0xFFFF  }
0x1a2: {  	s7 =	sor.u32 $0x1C0A, s7;
	s11 =	rddreg [dreg:$0x7]  }
0x1a3: {  	s18 =	simm.s32 $0xA;
	s13 =	rddreg [dreg:$0x17];
	s10 =	sshrl.u32 s11, $0x3  }
0x1a4: {  	[hbm:s13], [sflag:s7] =	dma.local [spmem:s10], $0x2800  }
0x1a5: {  	_ =	swait.ge [sflag:s18], $0x2800  }
0x1a6: {  	s21 =	rddreg [dreg:$0x1a]  }
0x1a7: {  	s23 =	rddreg [dreg:$0x18];
	s10 =	sadd.s32 $0x1, s21  }
0x1a8: {  	p0 =	sne.s32 s10, s23  }
.Ltmp2:
0x1a9: {  	_ = 	snop;
	(pc) =	sbr.rel @p0 .LBB2_1-.Ltmp2, $4  }
0x1aa: {  	_ = 	snop  }
0x1ab: {  	s6 =	simm.s32 $0x3A0  }
0x1ac: {  	s0 =	simm.s32 $0x3F0;
	s13 =	simm.s32 $0xA0;
	[sflag:s18] =	ssyncset.done $0x0  }
0x1ad: {  	[sflag:s18] =	ssyncadd.s32 $0xFFFFD800;
	s21 =	simm.s32 $0x350;
	s23 =	simm.s32 $0xF0  }
0x1ae: {  	_ =	sfence.sel $0x180000  }
0x1af: {  	[bflag:$0x0] =	sbarrier.arrive $0xFFFF  }
0x1b0: {  	_ =	strace $0x9000004D  }
0x1b1: {  	s0 =	stileid.u32;
	[bflag:$0x2] =	sbarrier.arrive $0xFFFF  }
0x1b2: {  	p0 =	sne.s32 s0, $0x0;
	s0 =	rddreg [dreg:$0x3]  }
0x1b3: {  	s0 =	sadd.s32 @!p0 $0x100000, s0  }
0x1b4: {  	[sflag:s0] =	ssyncadd.tile.s32 @!p0 $0x1;
	_ =	shalt  }
.Lfunc_end2:
_tile_overlayer_lowered:
.L_overlay_start_2:
0x1b5: {  	(tag) =	ssettag $0x2  }
0x1b6: {  	s0 =	rddreg [dreg:$0x0];
	s2 =	stileid.u32  }
0x1b7: {  	s1 =	rddreg [dreg:$0x1];
	p0 =	sne.s32 s2, $0x0  }
0x1b8: {  	s3 =	rddreg [dreg:$0x2];
	[bflag:$0x3] =	sbarrier.arrive $0xFFFF;
	s2 =	simm.s32 @!p0 $0x1C0A  }
0x1b9: {  	[timem:s3], [sflag:s2] =	dma.local @!p0 [hbm:s0], s1  }
0x1ba: {  	s0 =	simm.s32 @!p0 $0xA  }
0x1bb: {  	_ =	swait.ge @!p0 [sflag:s0], s1  }
0x1bc: {  	s1 =	ssub.s32 @!p0 $0x0, s1;
	[sflag:s0] =	ssyncset.done @!p0 $0x0  }
0x1bd: {  	[sflag:s0] =	ssyncadd.s32 @!p0 s1  }
0x1be: {  	[bflag:$0x3] =	sbarrier.arrive $0xFFFF  }
0x1bf: {  	_ =	shalt  }

// kernel: kernel.19.cloned.1.call-start
scs
__scs_entry_jumppad:
0x0: {  	(pc) =	sbr.rel $0x88, $3  }
0x1: {  	(tag) =	ssettag $0x0;
	lr =	simm.s32 $0x1  }
0x2: {  	[smem:$0x3F96] =	sst lr;
	_ =	strace $0xD0000000  }
0x3: {  	_ = 	snop  }
0x4: {  	_ = 	snop  }
0x5: {  	_ = 	snop  }
0x6: {  	_ = 	snop  }
0x7: {  	_ = 	snop  }
__scs_overlays_trampoline_lowered:
0x8: {  	[smem:$0x3FA5] =	sst s0  }
0x9: {  	[smem:$0x3FA6] =	sst s1  }
0xa: {  	[smem:$0x3FA7] =	sst s2  }
0xb: {  	[smem:$0x3FA8] =	sst s3  }
0xc: {  	[smem:$0x3FA9] =	sst s4  }
0xd: {  	[smem:$0x3FAA] =	sst s5  }
0xe: {  	[smem:$0x3FAB] =	sst s6  }
0xf: {  	[smem:$0x3FAC] =	sst s7  }
0x10: {  	[smem:$0x3FAD] =	sst s8  }
0x11: {  	[smem:$0x3FAE] =	sst s9;
	s0 =	simm.s32 @!p0 $0x0  }
0x12: {  	s1 =	sld [smem:$0x3F94];
	s0 =	simm.s32 @p0 $0x1  }
0x13: {  	[smem:$0x3FAF] =	sst s0;
	s0 =	simm.s32 @!p1 $0x0  }
0x14: {  	s2 =	sld [smem:$0x3F93];
	s0 =	simm.s32 @p1 $0x1  }
0x15: {  	[smem:$0x3FB0] =	sst s0;
	s0 =	simm.s32 @!p2 $0x0  }
0x16: {  	s3 =	sld [smem:$0x3FDB];
	s0 =	simm.s32 @p2 $0x1  }
0x17: {  	s4 =	simm.s32 $0x1BF5;
	[smem:$0x3FB2] =	sst s0  }
0x18: {  	s0 =	sld [smem:$0x3F95];
	_ =	swait.ge [sflag:s4], $0x0  }
0x19: {  	s7 =	sld [smem:$0x3F96]  }
0x1a: {  	s8 =	sadd.s32 $0xFFFFE003, lr  }
0x1b: {  	s9 =	sadd.s32 $0xFFFFFEF7, lr;
	s5 =	simm.s32 $0xFFFFFFFF;
	p2 =	slt.u32 s8, $0xFFFFF086  }
0x1c: {  	p1 =	slt.u32 s9, $0xF7A;
	s5 =	simm.s32 @!p2 $0x0  }
0x1d: {  	s5 =	simm.s32 @p1 $0x1;
	p0 =	seq.s32 s7, s2  }
0x1e: {  	s7 =	smul.u32 @!p0 $0xF7A, s2;
	p2 =	seq.s32 @!p0 s5, $0x0  }
0x1f: {  	s9 =	smul.u32 $0xF7A, s1;
	s8 =	simm.s32 @!p0 $0x1BF5;
	p2 =	por !p2, p0  }
0x20: {  	[sflag:s8] =	ssyncset.s32 @!p0 $0xFFFFF086;
	s6 =	sadd.s32 @!p0 s3, s7;
	s7 =	simm.s32 @!p0 $0x108  }
0x21: {  	s3 =	sadd.s32 s3, s9;
	s6 =	sadd.s32 @!p0 $0x88, s6;
	s7 =	simm.s32 @p2 $0x1082  }
0x22: {  	[simem:s7], [sflag:s8] =	dma.local @!p0 [hbm:s6], $0xF7A  }
0x23: {  	s9 =	sor.u32 $0xD0000000, s2;
	s6 =	simm.s32 $0x108;
	_ =	swait.ge @!p0 [sflag:s8], $0x0  }
0x24: {  	s3 =	sadd.s32 $0x88, s3;
	s6 =	simm.s32 @!p1 $0x1082;
	[sflag:s4] =	ssyncset.s32 $0xFFFFF086  }
0x25: {  	[simem:s6], [sflag:s4] =	dma.local [hbm:s3], $0xF7A  }
0x26: {  	[smem:$0x3F96] =	sst s1;
	(tag) =	ssettag s2;
	_ =	strace s9  }
0x27: {  	s1 =	sld [smem:$0x3FA6]  }
0x28: {  	s2 =	sld [smem:$0x3FA7]  }
0x29: {  	s4 =	sld [smem:$0x3FA9]  }
0x2a: {  	p0 =	seq.s32 s5, $0x0;
	s5 =	sld [smem:$0x3FAA]  }
0x2b: {  	s6 =	sld [smem:$0x3FAB]  }
0x2c: {  	s7 =	sld [smem:$0x3FAC]  }
0x2d: {  	s3 =	simm.s32 $0x108;
	s8 =	sld [smem:$0x3FAD]  }
0x2e: {  	s3 =	simm.s32 @!p0 $0x1082;
	s9 =	sld [smem:$0x3FAE]  }
0x2f: {  	lr =	sadd.s32 s0, s3;
	s0 =	sld [smem:$0x3FA5]  }
0x30: {  	s3 =	sld [smem:$0x3FA8]  }
0x31: {  	[smem:$0x3FB1] =	sst s10  }
0x32: {  	s10 =	sld [smem:$0x3FAF];
	_ =	sdelay $0x3  }
0x33: {  	p0 =	seq.s32 s10, $0x1;
	s10 =	sld [smem:$0x3FB1];
	_ =	sdelay $0x3  }
0x34: {  	[smem:$0x3FB1] =	sst s10  }
0x35: {  	s10 =	sld [smem:$0x3FB0];
	_ =	sdelay $0x3  }
0x36: {  	p1 =	seq.s32 s10, $0x1;
	s10 =	sld [smem:$0x3FB1];
	_ =	sdelay $0x3  }
0x37: {  	[smem:$0x3FB1] =	sst s10  }
0x38: {  	s10 =	sld [smem:$0x3FB2]  }
0x39: {  	_ = 	snop;
	(pc) =	sbr.ind lr, $3  }
0x3a: {  	_ = 	snop  }
0x3b: {  	_ = 	snop  }
0x3c: {  	p2 =	seq.s32 s10, $0x1;
	s10 =	sld [smem:$0x3FB1]  }
0x3d: {  	_ =	shalt  }
0x3e: {  	_ =	shalt  }
0x3f: {  	_ =	shalt  }
0x40: {  	_ =	shalt  }
0x41: {  	_ =	shalt  }
0x42: {  	_ =	shalt  }
0x43: {  	_ =	shalt  }
0x44: {  	_ =	shalt  }
0x45: {  	_ =	shalt  }
0x46: {  	_ =	shalt  }
0x47: {  	_ =	shalt  }
0x48: {  	_ =	shalt  }
0x49: {  	_ =	shalt  }
0x4a: {  	_ =	shalt  }
0x4b: {  	_ =	shalt  }
0x4c: {  	_ =	shalt  }
0x4d: {  	_ =	shalt  }
0x4e: {  	_ =	shalt  }
0x4f: {  	_ =	shalt  }
0x50: {  	_ =	shalt  }
0x51: {  	_ =	shalt  }
0x52: {  	_ =	shalt  }
0x53: {  	_ =	shalt  }
0x54: {  	_ =	shalt  }
0x55: {  	_ =	shalt  }
0x56: {  	_ =	shalt  }
0x57: {  	_ =	shalt  }
0x58: {  	_ =	shalt  }
0x59: {  	_ =	shalt  }
0x5a: {  	_ =	shalt  }
0x5b: {  	_ =	shalt  }
0x5c: {  	_ =	shalt  }
0x5d: {  	_ =	shalt  }
0x5e: {  	_ =	shalt  }
0x5f: {  	_ =	shalt  }
0x60: {  	_ =	shalt  }
0x61: {  	_ =	shalt  }
0x62: {  	_ =	shalt  }
0x63: {  	_ =	shalt  }
0x64: {  	_ =	shalt  }
0x65: {  	_ =	shalt  }
0x66: {  	_ =	shalt  }
0x67: {  	_ =	shalt  }
0x68: {  	_ =	shalt  }
0x69: {  	_ =	shalt  }
0x6a: {  	_ =	shalt  }
0x6b: {  	_ =	shalt  }
0x6c: {  	_ =	shalt  }
0x6d: {  	_ =	shalt  }
0x6e: {  	_ =	shalt  }
0x6f: {  	_ =	shalt  }
0x70: {  	_ =	shalt  }
0x71: {  	_ =	shalt  }
0x72: {  	_ =	shalt  }
0x73: {  	_ =	shalt  }
0x74: {  	_ =	shalt  }
0x75: {  	_ =	shalt  }
0x76: {  	_ =	shalt  }
0x77: {  	_ =	shalt  }
0x78: {  	_ =	shalt  }
0x79: {  	_ =	shalt  }
0x7a: {  	_ =	shalt  }
0x7b: {  	_ =	shalt  }
0x7c: {  	_ =	shalt  }
0x7d: {  	_ =	shalt  }
0x7e: {  	_ =	shalt  }
0x7f: {  	_ =	shalt  }
0x80: {  	_ =	shalt  }
0x81: {  	_ =	shalt  }
0x82: {  	_ =	shalt  }
0x83: {  	_ =	shalt  }
0x84: {  	_ =	shalt  }
0x85: {  	_ =	shalt  }
0x86: {  	_ =	shalt  }
0x87: {  	_ =	shalt  }
.Lfunc_end0:
.L_simem_size_0:
called_computation.3_lowered:
.L_overlay_start_0:
0x88: {  	s2 =	sld [smem:$0x3FD9]  }
0x89: {  	s3 =	sld [smem:$0x3FFE];
	_ =	sdelay $0x1  }
0x8a: {  	s1 =	srdreg.scid  }
0x8b: {  	s0 =	sand.u32 $0x1, s1  }
0x8c: {  	s17 =	sshll.u32 s0, $0xA;
	s2 =	sadd.s32 s3, s2  }
0x8d: {  	s2 =	sadd.s32 s2, s17  }
0x8e: {  	[smem:$0x3FBD] =	sst s2  }
0x8f: {  	_ = 	snop  }
0x90: {  	s2 =	sld [smem:$0x3FD0];
	(tm) =	ssettm $0x1  }
0x91: {  	s18 =	sld [smem:$0x3FFB];
	_ =	sdelay $0x3  }
0x92: {  	_ =	strace s18  }
0x93: {  	s3 =	sld [smem:$0x3FFC];
	_ =	sdelay $0x3  }
0x94: {  	_ =	strace s3  }
0x95: {  	s3 =	sld [smem:$0x3FFD];
	_ =	sdelay $0x3  }
0x96: {  	_ =	strace s3  }
0x97: {  	_ =	strace $0x8FFFFFFF  }
0x98: {  	s19 =	sld [smem:$0x3FDB];
	_ =	sdelay $0x1  }
0x99: {  	s4 =	simm.s32 $_scs_section_size  }
0x9a: {  	s5 =	simm.s32 $_size__tile_overlayer_lowered;
	s6 =	simm.s32 $_tile_overlayer_lowered  }
0x9b: {  	s22 =	simm.s32 $0x1BFF;
	s21 =	sshll.u32 s6, $0x1;
	s3 =	sadd.s32 s4, s19  }
0x9c: {  	s7 =	simm.s32 $0x0;
	s20 =	sshll.u32 s5, $0x1;
	s5 =	sadd.s32 s21, s3  }
0x9d: {  	[timem:s7], [sflag:s22] =	dma.local [hbm:s5], s20  }
0x9e: {  	_ =	swait.ge [sflag:s22], s20  }
0x9f: {  	s4 =	ssub.s32 $0x0, s20;
	[sflag:s22] =	ssyncset.done $0x0  }
0xa0: {  	[sflag:s22] =	ssyncadd.s32 s4;
	_ =	sdelay $0x1  }
0xa1: {  	s23 =	simm.s32 $0x1B8B  }
0xa2: {  	_ =	swait.ge [sflag:s23], $0x1  }
0xa3: {  	[sflag:s23] =	ssyncset.done $0x0  }
0xa4: {  	s25 =	simm.s32 $0x1B8E;
	s24 =	sld [smem:$0x3FFE];
	[sflag:s23] =	ssyncadd.s32 $0xFFFFFFFF  }
0xa5: {  	s26 =	simm.s32 $execute0_lowered;
	[smem:$0x3FD2] =	sst s25  }
0xa6: {  	s5 =	sshll.u32 s26, $0x1;
	_ =	strace $0x8000004F;
	[dreg:$0x1] =	wrdreg $0xFFFFFFFF  }
0xa7: {  	s28 =	simm.s32 $_size_execute0_lowered;
	s3 =	sadd.s32 s3, s5;
	[dreg:$0x0] =	wrdreg $0x0  }
0xa8: {  	s5 =	sshll.u32 s28, $0x1;
	[dreg:$0x2] =	wrdreg s3  }
0xa9: {  	[dreg:$0x3] =	wrdreg s5  }
0xaa: {  	[dreg:$0x4] =	wrdreg $0xC0  }
0xab: {  	_ =	task [dreg:s7], $0x5FFFF  }
0xac: {  	[dreg:$0x1] =	wrdreg $0xFFFFFFFF  }
0xad: {  	[dreg:$0x0] =	wrdreg $0x60  }
0xae: {  	[dreg:$0x2] =	wrdreg s2  }
0xaf: {  	[dreg:$0x3] =	wrdreg s24  }
0xb0: {  	[dreg:$0x4] =	wrdreg $0xA6000  }
0xb1: {  	[dreg:$0x5] =	wrdreg $0x9  }
0xb2: {  	_ =	task.clear_ibuf [dreg:s7], $0x6FFFF;
	_ =	strace $0x9000004F  }
0xb3: {  	s29 =	simm.s32 $0x9;
	_ =	strace $0x80000051  }
0xb4: {  	_ =	swait.ge [sflag:s29], $0x1  }
0xb5: {  	[sflag:s29] =	ssyncadd.s32 $0xFFFFFFFF  }
0xb6: {  	_ =	strace $0x90000051  }
0xb7: {  	_ =	sfence  }
0xb8: {  	s30 =	sld [smem:$0x0];
	_ =	sdelay $0x2  }
0xb9: {  	s31 =	sshll.u32 s1, $0xD;
	s1 =	sshrl.u32 s1, $0x2  }
0xba: {  	s3 =	sand.u32 $0x4000, s31;
	s1 =	sadd.s32 s1, s30  }
0xbb: {  	s0 =	sor.u32 s3, s0;
	s1 =	sshll.u32 s1, $0x11  }
0xbc: {  	s0 =	sor.u32 s1, s0  }
0xbd: {  	s0 =	sadd.s32 $0x8F2B, s0  }
0xbe: {  	[sflag:s0] =	ssyncadd.remote.s32 $0x1  }
0xbf: {  	_ =	sfence.sel $0xFFFF  }
0xc0: {  	[dreg:$0x0] =	wrdreg $0xFFFFFFFF;
	(pc) =	sbr.abs _section_cstart, $3  }
0xc1: {  	[dreg:$0x1] =	wrdreg $0xFFFFFFFF  }
0xc2: {  	_ =	task.clear_ibuf [dreg:s7], $0x2FFFF;
	_ =	strace $0x9FFFFFFF  }
0xc3: {  	(tm) =	ssettm $0x7FFFFFFF  }
tec
execute0_lowered:
.L_overlay_start_1:
0x0: {  	(tag) =	ssettag $0x1  }
0x1: {  	s1 =	rddreg [dreg:$0x0]  }
0x2: {  	s0 =	srdreg.scid;
	s6 =	rddreg [dreg:$0x1]  }
0x3: {  	s10 =	stileid.u32;
	s3 =	rddreg [dreg:$0x2];
	s4 =	simm.s32 $0x0  }
0x4: {  	s28 =	simm.s32 $0x300;
	s29 =	simm.s32 $0x50;
	s5 =	smul.u32 $0x14000, s10  }
0x5: {  	s30 =	simm.s32 $0x1;
	s31 =	simm.s32 $0x2E00;
	s7 =	smul.u32 $0x50000, s10  }
0x6: {  	s0 =	sand.u32 $0x1, s0;
	[smem:$0x7FF] =	sst s4;
	s24 =	smul.u32 $0x4E20, s10  }
0x7: {  	s8 =	sshll.u32 s10, $0x1;
	s2 =	smul.u32 $0x140000, s0;
	_ =	strace $0x80000050  }
0x8: {  	s20 =	ssub.s32 $0x2, s0;
	s8 =	sor.u32 s0, s8;
	s0 =	smul.u32 $0x2710, s0  }
0x9: {  	s7 =	sshrl.u32 s7, $0x2;
	s9 =	sshrl.u32 s20, $0x1;
	s21 =	smul.u32 $0x2710, s8  }
0xa: {  	s2 =	sadd.s32 s5, s2;
	s5 =	sadd.s32 $0x3600, s6;
	s11 =	sadd.s32 s7, s3  }
0xb: {  	s0 =	sadd.s32 s0, s24;
	s7 =	sadd.s32 $0x2800, s11;
	[dreg:$0x7] =	wrdreg s11  }
0xc: {  	s2 =	sshrl.u32 s2, $0x3;
	s22 =	sadd.s32 $0x5000, s11;
	[dreg:$0x8] =	wrdreg s7  }
0xd: {  	s23 =	sadd.s32 $0x7800, s11;
	s25 =	sadd.s32 $0xA000, s11;
	[dreg:$0x9] =	wrdreg s22  }
0xe: {  	s26 =	sadd.s32 $0xC800, s11;
	s10 =	sadd.s32 $0xF000, s11;
	[dreg:$0xa] =	wrdreg s23  }
0xf: {  	s13 =	sadd.s32 $0x11800, s11;
	s17 =	sadd.s32 $0x3C0, s0;
	[dreg:$0xb] =	wrdreg s25  }
0x10: {  	s19 =	sadd.s32 $0x4E5C0, s0;
	s2 =	sadd.s32 s2, s6;
	[dreg:$0xc] =	wrdreg s26  }
0x11: {  	s6 =	ssub.s32 s20, s9;
	s7 =	sshrl.u32 s21, $0x3;
	[dreg:$0xd] =	wrdreg s10  }
0x12: {  	[dreg:$0xf] =	wrdreg s13;
	s8 =	sshrl.u32 s19, $0x3;
	s22 =	sadd.s32 $0x4E480, s0  }
0x13: {  	s0 =	sadd.s32 $0x280, s0;
	s13 =	simm.s32 $0xA0;
	s9 =	simm.s32 $0x3  }
0x14: {  	s19 =	simm.s32 $0x9;
	s21 =	sadd.s32 s8, s5;
	[dreg:$0x19] =	wrdreg s0  }
0x15: {  	s10 =	simm.s32 $0x0;
	s12 =	sadd.s32 s5, s7;
	[dreg:$0x5] =	wrdreg s21  }
0x16: {  	s7 =	sshrl.u32 s17, $0x3;
	s2 =	sadd.s32 $0x17000, s2;
	[dreg:$0xe] =	wrdreg s12  }
0x17: {  	s24 =	sshrl.u32 s22, $0x3;
	s6 =	smax.u32 s6, $0x1;
	[dreg:$0x17] =	wrdreg s2  }
0x18: {  	s8 =	simm.s32 $0x5600;
	s14 =	sadd.s32 $0x9C40, s12;
	[dreg:$0x18] =	wrdreg s6  }
0x19: {  	s17 =	simm.s32 $0x4;
	s15 =	sadd.s32 $0x28, s12;
	[dreg:$0x10] =	wrdreg s14  }
0x1a: {  	s0 =	simm.s32 $0x3F0;
	s16 =	sadd.s32 $0x9C68, s12;
	[dreg:$0x11] =	wrdreg s15  }
0x1b: {  	s22 =	simm.s32 $0x7;
	s18 =	sadd.s32 $0x4B0, s12;
	[dreg:$0x12] =	wrdreg s16  }
0x1c: {  	s20 =	sadd.s32 $0xA0F0, s12;
	s7 =	sadd.s32 s7, s5;
	[dreg:$0x13] =	wrdreg s18  }
0x1d: {  	s23 =	sadd.s32 $0x4D8, s12;
	s25 =	sadd.s32 $0xA118, s12;
	[dreg:$0x14] =	wrdreg s20  }
0x1e: {  	s26 =	sadd.s32 s24, s5;
	s2 =	simm.s32 $0x2;
	[dreg:$0x4] =	wrdreg s7  }
0x1f: {  	s21 =	simm.s32 $0x350;
	s6 =	simm.s32 $0x3A0;
	[dreg:$0x15] =	wrdreg s23  }
0x20: {  	s12 =	simm.s32 $0x7E00;
	s24 =	simm.s32 $0x8;
	[dreg:$0x16] =	wrdreg s25  }
0x21: {  	[dreg:$0x6] =	wrdreg s26;
	s25 =	simm.s32 $0x600;
	s18 =	simm.s32 $0xA  }
0x22: {  	s23 =	simm.s32 $0xF0;
	s14 =	simm.s32 $0x5;
	s15 =	simm.s32 $0x180  }
0x23: {  	v0 =	vimm.f32 $0.0e+00;
	s16 =	simm.s32 $0x480;
	s20 =	simm.s32 $0x6;
	s26 =	simm.s32 $0xF0  }
.LBB2_1:
0x24: {  	[dreg:$0x1a] =	wrdreg s10;
	s7 =	simm.s32 $0x0;
	s10 =	simm.s32 $0x200  }
.LBB2_2:
0x25: {  	p0 =	sne.s32 s10, $0x9E00;
	[tilespmem:s7+$0x670] =	vst v0  }
0x26: {  	[tilespmem:s7+$0x600] =	vst v0  }
0x27: {  	[tilespmem:s7+$0x610] =	vst v0  }
.Ltmp0:
0x28: {  	[tilespmem:s7+$0x620] =	vst v0;
	(pc) =	sbr.rel @p0 .LBB2_2-.Ltmp0, $4  }
0x29: {  	[tilespmem:s7+$0x630] =	vst v0  }
0x2a: {  	[tilespmem:s7+$0x640] =	vst v0  }
0x2b: {  	[tilespmem:s7+$0x650] =	vst v0  }
0x2c: {  	[tilespmem:s7+$0x660] =	vst v0;
	s7 =	sshra.s32 s10, $0x2;
	s10 =	sadd.s32 $0x200, s10  }
0x2d: {  	[tilespmem:s7+$0x670] =	vst v0  }
0x2e: {  	[tilespmem:s7+$0x600] =	vst v0  }
0x2f: {  	[tilespmem:s7+$0x610] =	vst v0  }
0x30: {  	[tilespmem:s7+$0x620] =	vst v0  }
0x31: {  	[tilespmem:s7+$0x630] =	vst v0  }
0x32: {  	[tilespmem:s7+$0x640] =	vst v0  }
0x33: {  	[tilespmem:s7+$0x650] =	vst v0  }
0x34: {  	[tilespmem:s7+$0x660] =	vst v0  }
0x35: {  	[spmem:s11] =	stream.linear.scatter [tilespmem:s25], [sflag:$0xA], $0x2800, $0x38;
	[tilespmem:$0x1E600] =	vst v63  }
0x36: {  	_ =	swait.ge [sflag:s18], $0x2800  }
0x37: {  	[sflag:s18] =	ssyncset.done $0x0  }
0x38: {  	s10 =	rddreg [dreg:$0x8];
	[sflag:s18] =	ssyncadd.s32 $0xFFFFD800  }
0x39: {  	[spmem:s10] =	stream.linear.scatter [tilespmem:s25], [sflag:$0xA], $0x2800, $0x38;
	[tilespmem:$0x1E600] =	vst v63  }
0x3a: {  	_ =	swait.ge [sflag:s18], $0x2800  }
0x3b: {  	[sflag:s18] =	ssyncset.done $0x0  }
0x3c: {  	s11 =	rddreg [dreg:$0x9];
	[sflag:s18] =	ssyncadd.s32 $0xFFFFD800  }
0x3d: {  	[spmem:s11] =	stream.linear.scatter [tilespmem:s25], [sflag:$0xA], $0x2800, $0x38;
	[tilespmem:$0x1E600] =	vst v63  }
0x3e: {  	_ =	swait.ge [sflag:s18], $0x2800  }
0x3f: {  	[sflag:s18] =	ssyncset.done $0x0  }
0x40: {  	s10 =	rddreg [dreg:$0xa];
	[sflag:s18] =	ssyncadd.s32 $0xFFFFD800  }
0x41: {  	[spmem:s10] =	stream.linear.scatter [tilespmem:s25], [sflag:$0xA], $0x2800, $0x38;
	[tilespmem:$0x1E600] =	vst v63  }
0x42: {  	_ =	swait.ge [sflag:s18], $0x2800  }
0x43: {  	[sflag:s18] =	ssyncset.done $0x0  }
0x44: {  	s11 =	rddreg [dreg:$0xb];
	[sflag:s18] =	ssyncadd.s32 $0xFFFFD800  }
0x45: {  	[spmem:s11] =	stream.linear.scatter [tilespmem:s25], [sflag:$0xA], $0x2800, $0x38;
	[tilespmem:$0x1E600] =	vst v63  }
0x46: {  	_ =	swait.ge [sflag:s18], $0x2800  }
0x47: {  	[sflag:s18] =	ssyncset.done $0x0  }
0x48: {  	s10 =	rddreg [dreg:$0xc];
	[sflag:s18] =	ssyncadd.s32 $0xFFFFD800  }
0x49: {  	[spmem:s10] =	stream.linear.scatter [tilespmem:s25], [sflag:$0xA], $0x2800, $0x38;
	[tilespmem:$0x1E600] =	vst v63  }
0x4a: {  	_ =	swait.ge [sflag:s18], $0x2800  }
0x4b: {  	[sflag:s18] =	ssyncset.done $0x0  }
0x4c: {  	s11 =	rddreg [dreg:$0xd];
	[sflag:s18] =	ssyncadd.s32 $0xFFFFD800  }
0x4d: {  	[spmem:s11] =	stream.linear.scatter [tilespmem:s25], [sflag:$0xA], $0x2800, $0x38;
	[tilespmem:$0x1E600] =	vst v63  }
0x4e: {  	_ =	swait.ge [sflag:s18], $0x2800  }
0x4f: {  	[sflag:s18] =	ssyncset.done $0x0  }
0x50: {  	s10 =	rddreg [dreg:$0xf];
	[sflag:s18] =	ssyncadd.s32 $0xFFFFD800  }
0x51: {  	[spmem:s10] =	stream.linear.scatter [tilespmem:s25], [sflag:$0xA], $0x2800, $0x38;
	[tilespmem:$0x1E600] =	vst v63  }
0x52: {  	_ =	swait.ge [sflag:s18], $0x2800  }
0x53: {  	[sflag:s18] =	ssyncset.done $0x0  }
0x54: {  	[sflag:s18] =	ssyncadd.s32 $0xFFFFD800  }
0x55: {  	[bflag:$0x0] =	sbarrier.arrive $0xFFFF  }
0x56: {  	s7 =	simm.s32 $0x0;
	s10 =	rddreg [dreg:$0xe]  }
0x57: {  	[tilespmem:s7], [sflag:$0xA] =	stream.linear.gather [hbm4b:s10+s7], $0x140, $0x38;
	[tilespmem:$0x1E600] =	vst v63  }
0x58: {  	_ =	swait.ge [sflag:s18], $0x140  }
0x59: {  	[sflag:s18] =	ssyncset.done $0x0  }
0x5a: {  	s11 =	rddreg [dreg:$0x10];
	[sflag:s18] =	ssyncadd.s32 $0xFFFFFEC0  }
0x5b: {  	[tilespmem:s28], [sflag:$0xA] =	stream.linear.gather [hbm4b:s11+s7], $0x140, $0x38;
	[tilespmem:$0x1E600] =	vst v63  }
0x5c: {  	_ =	swait.ge [sflag:s18], $0x140  }
0x5d: {  	[sflag:s18] =	ssyncset.done $0x0  }
0x5e: {  	[sflag:s18] =	ssyncadd.s32 $0xFFFFFEC0  }
0x5f: {  	[tilespmem:s25], [sflag:$0x1] =	stream.indirect.gather [hbm4b:s1+s29], $0x80, s7, s29, $0xb8;
	[tilespmem:$0x1E600] =	vst v63  }
0x60: {  	_ =	swait.ge [sflag:s30], $0x2800  }
0x61: {  	[sflag:s30] =	ssyncset.done $0x0  }
0x62: {  	[sflag:s30] =	ssyncadd.s32 $0xFFFFD800  }
0x63: {  	[spmem:s3] =	stream.indirect.scatter.add.f32 [tilespmem:s25], [sflag:$0x5], $0x80, s28, s29, $0xb8;
	[tilespmem:$0x1E600] =	vst v63  }
0x64: {  	_ = 	snop  }
0x65: {  	[tilespmem:s31], [sflag:$0x2] =	stream.indirect.gather [hbm4b:s1+s29], $0x80, s29, s29, $0xb8;
	[tilespmem:$0x1E600] =	vst v63  }
0x66: {  	_ =	swait.ge [sflag:s2], $0x2800  }
0x67: {  	[sflag:s2] =	ssyncset.done $0x0  }
0x68: {  	[sflag:s2] =	ssyncadd.s32 $0xFFFFD800  }
0x69: {  	[spmem:s3] =	stream.indirect.scatter.add.f32 [tilespmem:s31], [sflag:$0x6], $0x80, s21, s29, $0xb8;
	[tilespmem:$0x1E600] =	vst v63  }
0x6a: {  	_ = 	snop  }
0x6b: {  	[tilespmem:s8], [sflag:$0x3] =	stream.indirect.gather [hbm4b:s1+s29], $0x80, s13, s29, $0xb8;
	[tilespmem:$0x1E600] =	vst v63  }
0x6c: {  	_ =	swait.ge [sflag:s9], $0x2800  }
0x6d: {  	[sflag:s9] =	ssyncset.done $0x0  }
0x6e: {  	[sflag:s9] =	ssyncadd.s32 $0xFFFFD800  }
0x6f: {  	[spmem:s3] =	stream.indirect.scatter.add.f32 [tilespmem:s8], [sflag:$0x7], $0x80, s6, s29, $0xb8;
	[tilespmem:$0x1E600] =	vst v63  }
0x70: {  	_ = 	snop  }
0x71: {  	[tilespmem:s12], [sflag:$0x4] =	stream.indirect.gather [hbm4b:s1+s29], $0x80, s23, s29, $0xb8;
	[tilespmem:$0x1E600] =	vst v63  }
0x72: {  	_ =	swait.ge [sflag:s14], $0x2800  }
0x73: {  	[sflag:s14] =	ssyncset.done $0x0  }
0x74: {  	s11 =	rddreg [dreg:$0x11];
	[sflag:s14] =	ssyncadd.s32 $0xFFFFD800  }
0x75: {  	[tilespmem:s15], [sflag:$0x9] =	stream.linear.gather [hbm4b:s11+s7], $0x140, $0x38;
	[tilespmem:$0x1E600] =	vst v63  }
0x76: {  	s18 =	rddreg [dreg:$0x12]  }
0x77: {  	[tilespmem:s16], [sflag:$0x9] =	stream.linear.gather [hbm4b:s18+s7], $0x140, $0x38;
	[tilespmem:$0x1E600] =	vst v63  }
0x78: {  	_ =	swait.ge [sflag:s17], $0x2800  }
0x79: {  	[sflag:s17] =	ssyncset.done $0x0  }
0x7a: {  	[sflag:s17] =	ssyncadd.s32 $0xFFFFD800  }
0x7b: {  	[spmem:s3] =	stream.indirect.scatter.add.f32 [tilespmem:s12], [sflag:$0x8], $0x80, s0, s29, $0xb8;
	[tilespmem:$0x1E600] =	vst v63  }
0x7c: {  	_ =	swait.ge [sflag:s19], $0x140  }
0x7d: {  	[sflag:s19] =	ssyncset.done $0x0  }
0x7e: {  	[sflag:s19] =	ssyncadd.s32 $0xFFFFFEC0  }
0x7f: {  	_ =	swait.ge [sflag:s19], $0x140  }
0x80: {  	[sflag:s19] =	ssyncset.done $0x0  }
0x81: {  	[sflag:s19] =	ssyncadd.s32 $0xFFFFFEC0  }
0x82: {  	[tilespmem:s25], [sflag:$0x1] =	stream.indirect.gather [hbm4b:s1+s29], $0x80, s15, s29, $0xb8;
	[tilespmem:$0x1E600] =	vst v63  }
0x83: {  	_ =	swait.ge [sflag:s20], $0x2800  }
0x84: {  	[sflag:s20] =	ssyncset.done $0x0  }
0x85: {  	[sflag:s20] =	ssyncadd.s32 $0xFFFFD800  }
0x86: {  	_ =	swait.ge [sflag:s30], $0x2800  }
0x87: {  	[sflag:s30] =	ssyncset.done $0x0  }
0x88: {  	[sflag:s30] =	ssyncadd.s32 $0xFFFFD800  }
0x89: {  	[spmem:s3] =	stream.indirect.scatter.add.f32 [tilespmem:s25], [sflag:$0x5], $0x80, s16, s29, $0xb8;
	[tilespmem:$0x1E600] =	vst v63  }
0x8a: {  	s18 =	simm.s32 $0x1D0  }
0x8b: {  	[tilespmem:s31], [sflag:$0x2] =	stream.indirect.gather [hbm4b:s1+s29], $0x80, s18, s29, $0xb8;
	[tilespmem:$0x1E600] =	vst v63  }
0x8c: {  	_ =	swait.ge [sflag:s22], $0x2800  }
0x8d: {  	[sflag:s22] =	ssyncset.done $0x0  }
0x8e: {  	[sflag:s22] =	ssyncadd.s32 $0xFFFFD800  }
0x8f: {  	_ =	swait.ge [sflag:s2], $0x2800  }
0x90: {  	[sflag:s2] =	ssyncset.done $0x0  }
0x91: {  	s10 =	simm.s32 $0x4D0;
	[sflag:s2] =	ssyncadd.s32 $0xFFFFD800  }
0x92: {  	[spmem:s3] =	stream.indirect.scatter.add.f32 [tilespmem:s31], [sflag:$0x6], $0x80, s10, s29, $0xb8;
	[tilespmem:$0x1E600] =	vst v63  }
0x93: {  	s11 =	simm.s32 $0x220  }
0x94: {  	[tilespmem:s8], [sflag:$0x3] =	stream.indirect.gather [hbm4b:s1+s29], $0x80, s11, s29, $0xb8;
	[tilespmem:$0x1E600] =	vst v63  }
0x95: {  	_ =	swait.ge [sflag:s24], $0x2800  }
0x96: {  	[sflag:s24] =	ssyncset.done $0x0  }
0x97: {  	[sflag:s24] =	ssyncadd.s32 $0xFFFFD800  }
0x98: {  	_ =	swait.ge [sflag:s9], $0x2800  }
0x99: {  	[sflag:s9] =	ssyncset.done $0x0  }
0x9a: {  	s10 =	simm.s32 $0x520;
	[sflag:s9] =	ssyncadd.s32 $0xFFFFD800  }
0x9b: {  	[spmem:s3] =	stream.indirect.scatter.add.f32 [tilespmem:s8], [sflag:$0x7], $0x80, s10, s29, $0xb8;
	[tilespmem:$0x1E600] =	vst v63  }
0x9c: {  	s11 =	simm.s32 $0x270  }
0x9d: {  	[tilespmem:s12], [sflag:$0x4] =	stream.indirect.gather [hbm4b:s1+s29], $0x80, s11, s29, $0xb8;
	[tilespmem:$0x1E600] =	vst v63  }
0x9e: {  	_ =	swait.ge [sflag:s14], $0x2800  }
0x9f: {  	s11 =	rddreg [dreg:$0x19]  }
0xa0: {  	[sflag:s14] =	ssyncset.done $0x0;
	s7 =	sshrl.u32 s11, $0x3  }
0xa1: {  	s10 =	rddreg [dreg:$0x6];
	[sflag:s14] =	ssyncadd.s32 $0xFFFFD800;
	s7 =	sadd.s32 s5, s7  }
0xa2: {  	[tilespmem:s4], [sflag:$0x9] =	stream.linear.gather [hbm4b:s7+s4], $0x140, $0x38;
	[tilespmem:$0x1E600] =	vst v63  }
0xa3: {  	s10 =	sadd.s32 $0x0, s10  }
0xa4: {  	[tilespmem:s28], [sflag:$0x9] =	stream.linear.gather [hbm4b:s10+s4], $0x140, $0x38;
	[tilespmem:$0x1E600] =	vst v63  }
0xa5: {  	_ =	swait.ge [sflag:s17], $0x2800  }
0xa6: {  	[sflag:s17] =	ssyncset.done $0x0  }
0xa7: {  	s10 =	simm.s32 $0x570;
	[sflag:s17] =	ssyncadd.s32 $0xFFFFD800  }
0xa8: {  	[spmem:s3] =	stream.indirect.scatter.add.f32 [tilespmem:s12], [sflag:$0x8], $0x80, s10, s29, $0xb8;
	[tilespmem:$0x1E600] =	vst v63  }
0xa9: {  	_ =	swait.ge [sflag:s19], $0x140  }
0xaa: {  	[sflag:s19] =	ssyncset.done $0x0  }
0xab: {  	[sflag:s19] =	ssyncadd.s32 $0xFFFFFEC0  }
0xac: {  	_ =	swait.ge [sflag:s19], $0x140  }
0xad: {  	[sflag:s19] =	ssyncset.done $0x0  }
0xae: {  	[sflag:s19] =	ssyncadd.s32 $0xFFFFFEC0  }
0xaf: {  	[tilespmem:s25], [sflag:$0x1] =	stream.indirect.gather [hbm4b:s1+s29], $0x80, s4, s29, $0xb8;
	[tilespmem:$0x1E600] =	vst v63  }
0xb0: {  	_ =	swait.ge [sflag:s20], $0x2800  }
0xb1: {  	[sflag:s20] =	ssyncset.done $0x0  }
0xb2: {  	[sflag:s20] =	ssyncadd.s32 $0xFFFFD800  }
0xb3: {  	_ =	swait.ge [sflag:s30], $0x2800  }
0xb4: {  	[sflag:s30] =	ssyncset.done $0x0  }
0xb5: {  	[sflag:s30] =	ssyncadd.s32 $0xFFFFD800  }
0xb6: {  	[spmem:s3] =	stream.indirect.scatter.add.f32 [tilespmem:s25], [sflag:$0x5], $0x80, s28, s29, $0xb8;
	[tilespmem:$0x1E600] =	vst v63  }
0xb7: {  	_ = 	snop  }
0xb8: {  	[tilespmem:s31], [sflag:$0x2] =	stream.indirect.gather [hbm4b:s1+s29], $0x80, s29, s29, $0xb8;
	[tilespmem:$0x1E600] =	vst v63  }
0xb9: {  	_ =	swait.ge [sflag:s22], $0x2800  }
0xba: {  	[sflag:s22] =	ssyncset.done $0x0  }
0xbb: {  	[sflag:s22] =	ssyncadd.s32 $0xFFFFD800  }
0xbc: {  	_ =	swait.ge [sflag:s2], $0x2800  }
0xbd: {  	[sflag:s2] =	ssyncset.done $0x0  }
0xbe: {  	[sflag:s2] =	ssyncadd.s32 $0xFFFFD800  }
0xbf: {  	[spmem:s3] =	stream.indirect.scatter.add.f32 [tilespmem:s31], [sflag:$0x6], $0x80, s21, s29, $0xb8;
	[tilespmem:$0x1E600] =	vst v63  }
0xc0: {  	_ = 	snop  }
0xc1: {  	[tilespmem:s8], [sflag:$0x3] =	stream.indirect.gather [hbm4b:s1+s29], $0x80, s13, s29, $0xb8;
	[tilespmem:$0x1E600] =	vst v63  }
0xc2: {  	_ =	swait.ge [sflag:s24], $0x2800  }
0xc3: {  	[sflag:s24] =	ssyncset.done $0x0  }
0xc4: {  	[sflag:s24] =	ssyncadd.s32 $0xFFFFD800  }
0xc5: {  	_ =	swait.ge [sflag:s9], $0x2800  }
0xc6: {  	[sflag:s9] =	ssyncset.done $0x0  }
0xc7: {  	[sflag:s9] =	ssyncadd.s32 $0xFFFFD800  }
0xc8: {  	[spmem:s3] =	stream.indirect.scatter.add.f32 [tilespmem:s8], [sflag:$0x7], $0x80, s6, s29, $0xb8;
	[tilespmem:$0x1E600] =	vst v63  }
0xc9: {  	_ = 	snop  }
0xca: {  	[tilespmem:s12], [sflag:$0x4] =	stream.indirect.gather [hbm4b:s1+s29], $0x80, s23, s29, $0xb8;
	[tilespmem:$0x1E600] =	vst v63  }
0xcb: {  	_ =	swait.ge [sflag:s14], $0x2800  }
0xcc: {  	s13 =	rddreg [dreg:$0x4];
	[sflag:s14] =	ssyncset.done $0x0  }
0xcd: {  	s21 =	rddreg [dreg:$0x5];
	[sflag:s14] =	ssyncadd.s32 $0xFFFFD800;
	s7 =	sadd.s32 $0x0, s13  }
0xce: {  	[tilespmem:s15], [sflag:$0x9] =	stream.linear.gather [hbm4b:s7+s4], $0x140, $0x38;
	[tilespmem:$0x1E600] =	vst v63  }
0xcf: {  	s23 =	sadd.s32 $0x0, s21  }
0xd0: {  	[tilespmem:s16], [sflag:$0x9] =	stream.linear.gather [hbm4b:s23+s4], $0x140, $0x38;
	[tilespmem:$0x1E600] =	vst v63  }
0xd1: {  	_ =	swait.ge [sflag:s17], $0x2800  }
0xd2: {  	[sflag:s17] =	ssyncset.done $0x0  }
0xd3: {  	[sflag:s17] =	ssyncadd.s32 $0xFFFFD800  }
0xd4: {  	[spmem:s3] =	stream.indirect.scatter.add.f32 [tilespmem:s12], [sflag:$0x8], $0x80, s0, s29, $0xb8;
	[tilespmem:$0x1E600] =	vst v63  }
0xd5: {  	_ =	swait.ge [sflag:s19], $0x140  }
0xd6: {  	[sflag:s19] =	ssyncset.done $0x0  }
0xd7: {  	[sflag:s19] =	ssyncadd.s32 $0xFFFFFEC0  }
0xd8: {  	s10 =	sadd.s32 $0x280, s11;
	s6 =	simm.s32 $0x3A0;
	_ =	swait.ge [sflag:s19], $0x140  }
0xd9: {  	s13 =	simm.s32 $0xA0;
	s7 =	simm.s32 $0x50;
	[sflag:s19] =	ssyncset.done $0x0  }
0xda: {  	s23 =	simm.s32 $0x350;
	s0 =	simm.s32 $0x3F0;
	[sflag:s19] =	ssyncadd.s32 $0xFFFFFEC0  }
.LBB2_4:
0xdb: {  	[tilespmem:s25], [sflag:$0x1] =	stream.indirect.gather [hbm4b:s1+s29], $0x80, s15, s29, $0xb8;
	[tilespmem:$0x1E600] =	vst v63  }
0xdc: {  	_ =	swait.ge [sflag:s20], $0x2800  }
0xdd: {  	[sflag:s20] =	ssyncset.done $0x0  }
0xde: {  	[sflag:s20] =	ssyncadd.s32 $0xFFFFD800  }
0xdf: {  	_ =	swait.ge [sflag:s30], $0x2800  }
0xe0: {  	[sflag:s30] =	ssyncset.done $0x0  }
0xe1: {  	[sflag:s30] =	ssyncadd.s32 $0xFFFFD800  }
0xe2: {  	[spmem:s3] =	stream.indirect.scatter.add.f32 [tilespmem:s25], [sflag:$0x5], $0x80, s16, s29, $0xb8;
	[tilespmem:$0x1E600] =	vst v63  }
0xe3: {  	_ = 	snop  }
0xe4: {  	[tilespmem:s31], [sflag:$0x2] =	stream.indirect.gather [hbm4b:s1+s29], $0x80, s18, s29, $0xb8;
	[tilespmem:$0x1E600] =	vst v63  }
0xe5: {  	_ =	swait.ge [sflag:s22], $0x2800  }
0xe6: {  	[sflag:s22] =	ssyncset.done $0x0  }
0xe7: {  	[sflag:s22] =	ssyncadd.s32 $0xFFFFD800  }
0xe8: {  	_ =	swait.ge [sflag:s2], $0x2800  }
0xe9: {  	[sflag:s2] =	ssyncset.done $0x0  }
0xea: {  	s21 =	simm.s32 $0x4D0;
	[sflag:s2] =	ssyncadd.s32 $0xFFFFD800  }
0xeb: {  	[spmem:s3] =	stream.indirect.scatter.add.f32 [tilespmem:s31], [sflag:$0x6], $0x80, s21, s29, $0xb8;
	[tilespmem:$0x1E600] =	vst v63  }
0xec: {  	s21 =	simm.s32 $0x220  }
0xed: {  	[tilespmem:s8], [sflag:$0x3] =	stream.indirect.gather [hbm4b:s1+s29], $0x80, s21, s29, $0xb8;
	[tilespmem:$0x1E600] =	vst v63  }
0xee: {  	_ =	swait.ge [sflag:s24], $0x2800  }
0xef: {  	[sflag:s24] =	ssyncset.done $0x0  }
0xf0: {  	[sflag:s24] =	ssyncadd.s32 $0xFFFFD800  }
0xf1: {  	_ =	swait.ge [sflag:s9], $0x2800  }
0xf2: {  	[sflag:s9] =	ssyncset.done $0x0  }
0xf3: {  	s21 =	simm.s32 $0x520;
	[sflag:s9] =	ssyncadd.s32 $0xFFFFD800  }
0xf4: {  	[spmem:s3] =	stream.indirect.scatter.add.f32 [tilespmem:s8], [sflag:$0x7], $0x80, s21, s29, $0xb8;
	[tilespmem:$0x1E600] =	vst v63  }
0xf5: {  	s21 =	simm.s32 $0x270  }
0xf6: {  	[tilespmem:s12], [sflag:$0x4] =	stream.indirect.gather [hbm4b:s1+s29], $0x80, s21, s29, $0xb8;
	[tilespmem:$0x1E600] =	vst v63  }
0xf7: {  	_ =	swait.ge [sflag:s14], $0x2800  }
0xf8: {  	s11 =	smov.u32 s7;
	s18 =	sshrl.u32 s10, $0x3;
	[sflag:s14] =	ssyncset.done $0x0  }
0xf9: {  	s18 =	sadd.s32 s5, s18;
	s21 =	rddreg [dreg:$0x6];
	[sflag:s14] =	ssyncadd.s32 $0xFFFFD800  }
0xfa: {  	[tilespmem:s4], [sflag:$0x9] =	stream.linear.gather [hbm4b:s18+s4], $0x140, $0x38;
	[tilespmem:$0x1E600] =	vst v63  }
0xfb: {  	s21 =	sadd.s32 s11, s21  }
0xfc: {  	[tilespmem:s28], [sflag:$0x9] =	stream.linear.gather [hbm4b:s21+s4], $0x140, $0x38;
	[tilespmem:$0x1E600] =	vst v63  }
0xfd: {  	_ =	swait.ge [sflag:s17], $0x2800  }
0xfe: {  	[sflag:s17] =	ssyncset.done $0x0  }
0xff: {  	s21 =	simm.s32 $0x570;
	[sflag:s17] =	ssyncadd.s32 $0xFFFFD800  }
0x100: {  	[spmem:s3] =	stream.indirect.scatter.add.f32 [tilespmem:s12], [sflag:$0x8], $0x80, s21, s29, $0xb8;
	[tilespmem:$0x1E600] =	vst v63  }
0x101: {  	_ =	swait.ge [sflag:s19], $0x140  }
0x102: {  	[sflag:s19] =	ssyncset.done $0x0  }
0x103: {  	[sflag:s19] =	ssyncadd.s32 $0xFFFFFEC0  }
0x104: {  	_ =	swait.ge [sflag:s19], $0x140  }
0x105: {  	[sflag:s19] =	ssyncset.done $0x0  }
0x106: {  	[sflag:s19] =	ssyncadd.s32 $0xFFFFFEC0  }
0x107: {  	[tilespmem:s25], [sflag:$0x1] =	stream.indirect.gather [hbm4b:s1+s29], $0x80, s4, s29, $0xb8;
	[tilespmem:$0x1E600] =	vst v63  }
0x108: {  	_ =	swait.ge [sflag:s20], $0x2800  }
0x109: {  	[sflag:s20] =	ssyncset.done $0x0  }
0x10a: {  	[sflag:s20] =	ssyncadd.s32 $0xFFFFD800  }
0x10b: {  	_ =	swait.ge [sflag:s30], $0x2800  }
0x10c: {  	[sflag:s30] =	ssyncset.done $0x0  }
0x10d: {  	[sflag:s30] =	ssyncadd.s32 $0xFFFFD800  }
0x10e: {  	[spmem:s3] =	stream.indirect.scatter.add.f32 [tilespmem:s25], [sflag:$0x5], $0x80, s28, s29, $0xb8;
	[tilespmem:$0x1E600] =	vst v63  }
0x10f: {  	_ = 	snop  }
0x110: {  	[tilespmem:s31], [sflag:$0x2] =	stream.indirect.gather [hbm4b:s1+s29], $0x80, s29, s29, $0xb8;
	[tilespmem:$0x1E600] =	vst v63  }
0x111: {  	_ =	swait.ge [sflag:s22], $0x2800  }
0x112: {  	[sflag:s22] =	ssyncset.done $0x0  }
0x113: {  	[sflag:s22] =	ssyncadd.s32 $0xFFFFD800  }
0x114: {  	_ =	swait.ge [sflag:s2], $0x2800  }
0x115: {  	[sflag:s2] =	ssyncset.done $0x0  }
0x116: {  	[sflag:s2] =	ssyncadd.s32 $0xFFFFD800  }
0x117: {  	[spmem:s3] =	stream.indirect.scatter.add.f32 [tilespmem:s31], [sflag:$0x6], $0x80, s23, s29, $0xb8;
	[tilespmem:$0x1E600] =	vst v63  }
0x118: {  	_ = 	snop  }
0x119: {  	[tilespmem:s8], [sflag:$0x3] =	stream.indirect.gather [hbm4b:s1+s29], $0x80, s13, s29, $0xb8;
	[tilespmem:$0x1E600] =	vst v63  }
0x11a: {  	_ =	swait.ge [sflag:s24], $0x2800  }
0x11b: {  	[sflag:s24] =	ssyncset.done $0x0  }
0x11c: {  	[sflag:s24] =	ssyncadd.s32 $0xFFFFD800  }
0x11d: {  	_ =	swait.ge [sflag:s9], $0x2800  }
0x11e: {  	[sflag:s9] =	ssyncset.done $0x0  }
0x11f: {  	[sflag:s9] =	ssyncadd.s32 $0xFFFFD800  }
0x120: {  	[spmem:s3] =	stream.indirect.scatter.add.f32 [tilespmem:s8], [sflag:$0x7], $0x80, s6, s29, $0xb8;
	[tilespmem:$0x1E600] =	vst v63  }
0x121: {  	_ = 	snop  }
0x122: {  	[tilespmem:s12], [sflag:$0x4] =	stream.indirect.gather [hbm4b:s1+s29], $0x80, s26, s29, $0xb8;
	[tilespmem:$0x1E600] =	vst v63  }
0x123: {  	_ =	swait.ge [sflag:s14], $0x2800  }
0x124: {  	s18 =	rddreg [dreg:$0x4];
	[sflag:s14] =	ssyncset.done $0x0  }
0x125: {  	s21 =	rddreg [dreg:$0x5];
	[sflag:s14] =	ssyncadd.s32 $0xFFFFD800;
	s18 =	sadd.s32 s11, s18  }
0x126: {  	[tilespmem:s15], [sflag:$0x9] =	stream.linear.gather [hbm4b:s18+s4], $0x140, $0x38;
	[tilespmem:$0x1E600] =	vst v63  }
0x127: {  	s11 =	sadd.s32 s11, s21  }
0x128: {  	[tilespmem:s16], [sflag:$0x9] =	stream.linear.gather [hbm4b:s11+s4], $0x140, $0x38;
	[tilespmem:$0x1E600] =	vst v63  }
0x129: {  	_ =	swait.ge [sflag:s17], $0x2800  }
0x12a: {  	[sflag:s17] =	ssyncset.done $0x0  }
0x12b: {  	[sflag:s17] =	ssyncadd.s32 $0xFFFFD800  }
0x12c: {  	[spmem:s3] =	stream.indirect.scatter.add.f32 [tilespmem:s12], [sflag:$0x8], $0x80, s0, s29, $0xb8;
	[tilespmem:$0x1E600] =	vst v63  }
0x12d: {  	p0 =	sne.s32 s7, $0x410;
	_ =	swait.ge [sflag:s19], $0x140  }
.Ltmp1:
0x12e: {  	[sflag:s19] =	ssyncset.done $0x0;
	(pc) =	sbr.rel @p0 .LBB2_4-.Ltmp1, $4  }
0x12f: {  	[sflag:s19] =	ssyncadd.s32 $0xFFFFFEC0  }
0x130: {  	_ =	swait.ge [sflag:s19], $0x140  }
0x131: {  	s7 =	sadd.s32 $0x50, s7;
	[sflag:s19] =	ssyncset.done $0x0  }
0x132: {  	s10 =	sadd.s32 $0x280, s10;
	s18 =	simm.s32 $0x1D0;
	[sflag:s19] =	ssyncadd.s32 $0xFFFFFEC0  }
0x133: {  	[tilespmem:s25], [sflag:$0x1] =	stream.indirect.gather [hbm4b:s1+s29], $0x80, s15, s29, $0xb8;
	[tilespmem:$0x1E600] =	vst v63  }
0x134: {  	_ =	swait.ge [sflag:s20], $0x2800  }
0x135: {  	[sflag:s20] =	ssyncset.done $0x0  }
0x136: {  	[sflag:s20] =	ssyncadd.s32 $0xFFFFD800  }
0x137: {  	_ =	swait.ge [sflag:s30], $0x2800  }
0x138: {  	[sflag:s30] =	ssyncset.done $0x0  }
0x139: {  	[sflag:s30] =	ssyncadd.s32 $0xFFFFD800  }
0x13a: {  	[spmem:s3] =	stream.indirect.scatter.add.f32 [tilespmem:s25], [sflag:$0x5], $0x80, s16, s29, $0xb8;
	[tilespmem:$0x1E600] =	vst v63  }
0x13b: {  	_ = 	snop  }
0x13c: {  	[tilespmem:s31], [sflag:$0x2] =	stream.indirect.gather [hbm4b:s1+s29], $0x80, s18, s29, $0xb8;
	[tilespmem:$0x1E600] =	vst v63  }
0x13d: {  	_ =	swait.ge [sflag:s22], $0x2800  }
0x13e: {  	[sflag:s22] =	ssyncset.done $0x0  }
0x13f: {  	[sflag:s22] =	ssyncadd.s32 $0xFFFFD800  }
0x140: {  	_ =	swait.ge [sflag:s2], $0x2800  }
0x141: {  	[sflag:s2] =	ssyncset.done $0x0  }
0x142: {  	s7 =	simm.s32 $0x4D0;
	[sflag:s2] =	ssyncadd.s32 $0xFFFFD800  }
0x143: {  	[spmem:s3] =	stream.indirect.scatter.add.f32 [tilespmem:s31], [sflag:$0x6], $0x80, s7, s29, $0xb8;
	[tilespmem:$0x1E600] =	vst v63  }
0x144: {  	s18 =	simm.s32 $0x220  }
0x145: {  	[tilespmem:s8], [sflag:$0x3] =	stream.indirect.gather [hbm4b:s1+s29], $0x80, s18, s29, $0xb8;
	[tilespmem:$0x1E600] =	vst v63  }
0x146: {  	_ =	swait.ge [sflag:s24], $0x2800  }
0x147: {  	[sflag:s24] =	ssyncset.done $0x0  }
0x148: {  	[sflag:s24] =	ssyncadd.s32 $0xFFFFD800  }
0x149: {  	_ =	swait.ge [sflag:s9], $0x2800  }
0x14a: {  	[sflag:s9] =	ssyncset.done $0x0  }
0x14b: {  	s21 =	simm.s32 $0x520;
	[sflag:s9] =	ssyncadd.s32 $0xFFFFD800  }
0x14c: {  	[spmem:s3] =	stream.indirect.scatter.add.f32 [tilespmem:s8], [sflag:$0x7], $0x80, s21, s29, $0xb8;
	[tilespmem:$0x1E600] =	vst v63  }
0x14d: {  	s10 =	simm.s32 $0x270  }
0x14e: {  	[tilespmem:s12], [sflag:$0x4] =	stream.indirect.gather [hbm4b:s1+s29], $0x80, s10, s29, $0xb8;
	[tilespmem:$0x1E600] =	vst v63  }
0x14f: {  	_ =	swait.ge [sflag:s14], $0x2800  }
0x150: {  	[sflag:s14] =	ssyncset.done $0x0  }
0x151: {  	s11 =	rddreg [dreg:$0x13];
	[sflag:s14] =	ssyncadd.s32 $0xFFFFD800  }
0x152: {  	[tilespmem:s4], [sflag:$0x9] =	stream.linear.gather [hbm4b:s11+s4], $0x140, $0x38;
	[tilespmem:$0x1E600] =	vst v63  }
0x153: {  	s18 =	rddreg [dreg:$0x14]  }
0x154: {  	[tilespmem:s28], [sflag:$0x9] =	stream.linear.gather [hbm4b:s18+s4], $0x140, $0x38;
	[tilespmem:$0x1E600] =	vst v63  }
0x155: {  	_ =	swait.ge [sflag:s17], $0x2800  }
0x156: {  	[sflag:s17] =	ssyncset.done $0x0  }
0x157: {  	s21 =	simm.s32 $0x570;
	[sflag:s17] =	ssyncadd.s32 $0xFFFFD800  }
0x158: {  	[spmem:s3] =	stream.indirect.scatter.add.f32 [tilespmem:s12], [sflag:$0x8], $0x80, s21, s29, $0xb8;
	[tilespmem:$0x1E600] =	vst v63  }
0x159: {  	_ =	swait.ge [sflag:s19], $0x140  }
0x15a: {  	[sflag:s19] =	ssyncset.done $0x0  }
0x15b: {  	[sflag:s19] =	ssyncadd.s32 $0xFFFFFEC0  }
0x15c: {  	_ =	swait.ge [sflag:s19], $0x140  }
0x15d: {  	[sflag:s19] =	ssyncset.done $0x0  }
0x15e: {  	[sflag:s19] =	ssyncadd.s32 $0xFFFFFEC0  }
0x15f: {  	[tilespmem:s25], [sflag:$0x1] =	stream.indirect.gather [hbm4b:s1+s29], $0x80, s4, s29, $0xb8;
	[tilespmem:$0x1E600] =	vst v63  }
0x160: {  	_ =	swait.ge [sflag:s20], $0x2800  }
0x161: {  	[sflag:s20] =	ssyncset.done $0x0  }
0x162: {  	[sflag:s20] =	ssyncadd.s32 $0xFFFFD800  }
0x163: {  	_ =	swait.ge [sflag:s30], $0x2800  }
0x164: {  	[sflag:s30] =	ssyncset.done $0x0  }
0x165: {  	[sflag:s30] =	ssyncadd.s32 $0xFFFFD800  }
0x166: {  	[spmem:s3] =	stream.indirect.scatter.add.f32 [tilespmem:s25], [sflag:$0x5], $0x80, s28, s29, $0xb8;
	[tilespmem:$0x1E600] =	vst v63  }
0x167: {  	_ = 	snop  }
0x168: {  	[tilespmem:s31], [sflag:$0x2] =	stream.indirect.gather [hbm4b:s1+s29], $0x80, s29, s29, $0xb8;
	[tilespmem:$0x1E600] =	vst v63  }
0x169: {  	_ =	swait.ge [sflag:s22], $0x2800  }
0x16a: {  	[sflag:s22] =	ssyncset.done $0x0  }
0x16b: {  	[sflag:s22] =	ssyncadd.s32 $0xFFFFD800  }
0x16c: {  	_ =	swait.ge [sflag:s2], $0x2800  }
0x16d: {  	[sflag:s2] =	ssyncset.done $0x0  }
0x16e: {  	[sflag:s2] =	ssyncadd.s32 $0xFFFFD800  }
0x16f: {  	[spmem:s3] =	stream.indirect.scatter.add.f32 [tilespmem:s31], [sflag:$0x6], $0x80, s23, s29, $0xb8;
	[tilespmem:$0x1E600] =	vst v63  }
0x170: {  	_ = 	snop  }
0x171: {  	[tilespmem:s8], [sflag:$0x3] =	stream.indirect.gather [hbm4b:s1+s29], $0x80, s13, s29, $0xb8;
	[tilespmem:$0x1E600] =	vst v63  }
0x172: {  	_ =	swait.ge [sflag:s24], $0x2800  }
0x173: {  	[sflag:s24] =	ssyncset.done $0x0  }
0x174: {  	[sflag:s24] =	ssyncadd.s32 $0xFFFFD800  }
0x175: {  	_ =	swait.ge [sflag:s9], $0x2800  }
0x176: {  	[sflag:s9] =	ssyncset.done $0x0  }
0x177: {  	[sflag:s9] =	ssyncadd.s32 $0xFFFFD800  }
0x178: {  	[spmem:s3] =	stream.indirect.scatter.add.f32 [tilespmem:s8], [sflag:$0x7], $0x80, s6, s29, $0xb8;
	[tilespmem:$0x1E600] =	vst v63  }
0x179: {  	_ = 	snop  }
0x17a: {  	[tilespmem:s12], [sflag:$0x4] =	stream.indirect.gather [hbm4b:s1+s29], $0x80, s26, s29, $0xb8;
	[tilespmem:$0x1E600] =	vst v63  }
0x17b: {  	_ =	swait.ge [sflag:s14], $0x2800  }
0x17c: {  	[sflag:s14] =	ssyncset.done $0x0  }
0x17d: {  	s6 =	rddreg [dreg:$0x15];
	[sflag:s14] =	ssyncadd.s32 $0xFFFFD800  }
0x17e: {  	[tilespmem:s15], [sflag:$0x9] =	stream.linear.gather [hbm4b:s6+s4], $0x50, $0x38;
	[tilespmem:$0x1E600] =	vst v63  }
0x17f: {  	s10 =	rddreg [dreg:$0x16]  }
0x180: {  	[tilespmem:s16], [sflag:$0x9] =	stream.linear.gather [hbm4b:s10+s4], $0x50, $0x38;
	[tilespmem:$0x1E600] =	vst v63  }
0x181: {  	_ =	swait.ge [sflag:s17], $0x2800  }
0x182: {  	[sflag:s17] =	ssyncset.done $0x0  }
0x183: {  	[sflag:s17] =	ssyncadd.s32 $0xFFFFD800  }
0x184: {  	[spmem:s3] =	stream.indirect.scatter.add.f32 [tilespmem:s12], [sflag:$0x8], $0x80, s0, s29, $0xb8;
	[tilespmem:$0x1E600] =	vst v63  }
0x185: {  	_ =	swait.ge [sflag:s19], $0x50  }
0x186: {  	[sflag:s19] =	ssyncset.done $0x0  }
0x187: {  	[sflag:s19] =	ssyncadd.s32 $0xFFFFFFB0  }
0x188: {  	_ =	swait.ge [sflag:s19], $0x50  }
0x189: {  	[sflag:s19] =	ssyncset.done $0x0  }
0x18a: {  	[sflag:s19] =	ssyncadd.s32 $0xFFFFFFB0  }
0x18b: {  	[tilespmem:s25], [sflag:$0x1] =	stream.indirect.gather [hbm4b:s1+s29], $0x80, s15, s29, $0xb8;
	[tilespmem:$0x1E600] =	vst v63  }
0x18c: {  	_ =	swait.ge [sflag:s20], $0x2800  }
0x18d: {  	[sflag:s20] =	ssyncset.done $0x0  }
0x18e: {  	[sflag:s20] =	ssyncadd.s32 $0xFFFFD800  }
0x18f: {  	_ =	swait.ge [sflag:s30], $0x2800  }
0x190: {  	[sflag:s30] =	ssyncset.done $0x0  }
0x191: {  	[sflag:s30] =	ssyncadd.s32 $0xFFFFD800  }
0x192: {  	[spmem:s3] =	stream.indirect.scatter.add.f32 [tilespmem:s25], [sflag:$0x5], $0x80, s16, s29, $0xb8;
	[tilespmem:$0x1E600] =	vst v63  }
0x193: {  	_ = 	snop  }
0x194: {  	[tilespmem:s31], [sflag:$0x2] =	stream.indirect.gather [hbm4b:s1+s29], $0x80, s15, s29, $0xb8;
	[tilespmem:$0x1E600] =	vst v63  }
0x195: {  	_ =	swait.ge [sflag:s22], $0x2800  }
0x196: {  	[sflag:s22] =	ssyncset.done $0x0  }
0x197: {  	[sflag:s22] =	ssyncadd.s32 $0xFFFFD800  }
0x198: {  	_ =	swait.ge [sflag:s24], $0x2800  }
0x199: {  	[sflag:s24] =	ssyncset.done $0x0  }
0x19a: {  	[sflag:s24] =	ssyncadd.s32 $0xFFFFD800  }
0x19b: {  	_ =	swait.ge [sflag:s14], $0x2800  }
0x19c: {  	[sflag:s14] =	ssyncset.done $0x0  }
0x19d: {  	[sflag:s14] =	ssyncadd.s32 $0xFFFFD800  }
0x19e: {  	_ =	swait.ge [sflag:s2], $0x2800  }
0x19f: {  	[sflag:s2] =	ssyncset.done $0x0  }
0x1a0: {  	s11 =	stileid.u32;
	[sflag:s2] =	ssyncadd.s32 $0xFFFFD800  }
0x1a1: {  	s7 =	sshll.u32 s11, $0x6;
	[bflag:$0x0] =	sbarrier.arrive $0xFFFF  }
0x1a2: {  	s7 =	sor.u32 $0x1C0A, s7;
	s11 =	rddreg [dreg:$0x7]  }
0x1a3: {  	s18 =	simm.s32 $0xA;
	s13 =	rddreg [dreg:$0x17];
	s10 =	sshrl.u32 s11, $0x3  }
0x1a4: {  	[hbm:s13], [sflag:s7] =	dma.local [spmem:s10], $0x2800  }
0x1a5: {  	_ =	swait.ge [sflag:s18], $0x2800  }
0x1a6: {  	s21 =	rddreg [dreg:$0x1a]  }
0x1a7: {  	s23 =	rddreg [dreg:$0x18];
	s10 =	sadd.s32 $0x1, s21  }
0x1a8: {  	p0 =	sne.s32 s10, s23  }
.Ltmp2:
0x1a9: {  	_ = 	snop;
	(pc) =	sbr.rel @p0 .LBB2_1-.Ltmp2, $4  }
0x1aa: {  	_ = 	snop  }
0x1ab: {  	s6 =	simm.s32 $0x3A0  }
0x1ac: {  	s0 =	simm.s32 $0x3F0;
	s13 =	simm.s32 $0xA0;
	[sflag:s18] =	ssyncset.done $0x0  }
0x1ad: {  	[sflag:s18] =	ssyncadd.s32 $0xFFFFD800;
	s21 =	simm.s32 $0x350;
	s23 =	simm.s32 $0xF0  }
0x1ae: {  	_ =	sfence.sel $0x180000  }
0x1af: {  	[bflag:$0x0] =	sbarrier.arrive $0xFFFF  }
0x1b0: {  	_ =	strace $0x90000050  }
0x1b1: {  	s0 =	stileid.u32;
	[bflag:$0x2] =	sbarrier.arrive $0xFFFF  }
0x1b2: {  	p0 =	sne.s32 s0, $0x0;
	s0 =	rddreg [dreg:$0x3]  }
0x1b3: {  	s0 =	sadd.s32 @!p0 $0x100000, s0  }
0x1b4: {  	[sflag:s0] =	ssyncadd.tile.s32 @!p0 $0x1;
	_ =	shalt  }
.Lfunc_end2:
_tile_overlayer_lowered:
.L_overlay_start_2:
0x1b5: {  	(tag) =	ssettag $0x2  }
0x1b6: {  	s0 =	rddreg [dreg:$0x0];
	s2 =	stileid.u32  }
0x1b7: {  	s1 =	rddreg [dreg:$0x1];
	p0 =	sne.s32 s2, $0x0  }
0x1b8: {  	s3 =	rddreg [dreg:$0x2];
	[bflag:$0x3] =	sbarrier.arrive $0xFFFF;
	s2 =	simm.s32 @!p0 $0x1C0A  }
0x1b9: {  	[timem:s3], [sflag:s2] =	dma.local @!p0 [hbm:s0], s1  }
0x1ba: {  	s0 =	simm.s32 @!p0 $0xA  }
0x1bb: {  	_ =	swait.ge @!p0 [sflag:s0], s1  }
0x1bc: {  	s1 =	ssub.s32 @!p0 $0x0, s1;
	[sflag:s0] =	ssyncset.done @!p0 $0x0  }
0x1bd: {  	[sflag:s0] =	ssyncadd.s32 @!p0 s1  }
0x1be: {  	[bflag:$0x3] =	sbarrier.arrive $0xFFFF  }
0x1bf: {  	_ =	shalt  }

</sc_bundles>
